<compile_context>
chip_gen: v7x
topology: tpu7x:2x2x1
jax: 0.10.2.dev20260603
libtpu: 0.0.44.dev20260713+nightly
codegen_flags: <defaults>
</compile_context>

<pallas_src>
import jax
import jax.numpy as jnp
from jax import lax
from jax.experimental import pallas as pl
from jax.experimental.pallas import tpu as pltpu
from jax.experimental.pallas import tpu_sc as plsc

_B, _T, _V, _NQ = 1024, 50, 22, 2
_K, _D, _H, _C = 8192, 16, 128, 60
_NIDX = _T * _V * _NQ
_NTV = _T * _V

_NC, _NS, _L = 2, 16, 16
_NW = _NC * _NS
_SUB = 2
_NBLK = _NW * _SUB
_NPAIR = _L // 2
_BINW = _K * _NPAIR

_CHUNK = 100
_NCH = _NTV // _CHUNK
_RUN = 4


def _sc_hist_body(y_ref, pk_ref, buf0, buf1, bins, sem0, sem1):
    wid = lax.axis_index("s") * _NC + lax.axis_index("c")
    ct = wid // 4
    g0 = (wid % 4) * 2

    lane = lax.iota(jnp.int32, _L)
    row7 = (lane & (_NPAIR - 1)) * 128
    val = jnp.where(lane < _NPAIR, jnp.int32(1), jnp.int32(65536))
    zrow = jnp.zeros((_L,), jnp.int32)

    bufs = (buf0, buf1)
    sems = (sem0, sem1)

    def slab(c):
        return y_ref.at[pl.ds(c * _CHUNK, _CHUNK), ct, :, :]

    def start_chunk(c):
        pltpu.async_copy(slab(c), bufs[c % 2], sems[c % 2])

    def wait_chunk(c):
        pltpu.make_async_copy(slab(c), bufs[c % 2], sems[c % 2]).wait()

    def memset_bins():
        def zero_body(i, c):
            for u in range(8):
                bins[pl.ds((i * 8 + u) * _L, _L)] = zrow
            return c
        lax.fori_loop(0, _BINW // (_L * 8), zero_body, 0)

    start_chunk(0)
    memset_bins()

    for sub in range(_SUB):
        g = g0 + sub
        goff = g * _L
        cb = ct * 8 + g

        for c in range(_NCH):
            wait_chunk(c)
            if c + 1 < _NCH:
                start_chunk(c + 1)
            buf = bufs[c % 2]

            def add_body(i, cc, buf=buf):
                r = i * _RUN
                for u in range(_RUN):
                    for q in range(_NQ):
                        idx = buf[r + u, q, pl.ds(goff, _L)]
                        addr = ((idx & 0x1F80) << 3) + (idx & 127) + row7
                        plsc.addupdate_scatter(bins, [addr], val)
                return cc
            lax.fori_loop(0, _CHUNK // _RUN, add_body, 0)

        if sub + 1 < _SUB:
            start_chunk(0)
        pltpu.sync_copy(bins, pk_ref.at[cb])
        if sub + 1 < _SUB:
            memset_bins()


def _sc_histogram(y):
    mesh = plsc.VectorSubcoreMesh(core_axis_name="c", subcore_axis_name="s")
    return pl.kernel(
        _sc_hist_body,
        out_type=jax.ShapeDtypeStruct((_NBLK, _BINW), jnp.int32),
        mesh=mesh,
        compiler_params=pltpu.CompilerParams(
            needs_layout_passes=False, use_tc_tiling_on_sc=False),
        scratch_types=[
            pltpu.VMEM((_CHUNK, _NQ, 128), jnp.int32),
            pltpu.VMEM((_CHUNK, _NQ, 128), jnp.int32),
            pltpu.VMEM((_BINW,), jnp.int32),
            pltpu.SemaphoreType.DMA,
            pltpu.SemaphoreType.DMA,
        ],
    )(y)


_BB = 128
_PB = _BB // 2


def _tc_mlp_body(pk_ref, table_ref, wp_ref, bp_ref, w1_ref, b1_ref,
                 w2_ref, b2_ref, out_ref):
    pk = pk_ref[...]
    lo = (pk & jnp.int32(0xFFFF)).astype(jnp.bfloat16)
    hi = (pk >> 16).astype(jnp.bfloat16)
    t = table_ref[...]
    pooled_lo = jnp.dot(lo, t, preferred_element_type=jnp.float32)
    pooled_hi = jnp.dot(hi, t, preferred_element_type=jnp.float32)
    pooled = jnp.concatenate(
        [pooled_lo.reshape(8, 8, _D), pooled_hi.reshape(8, 8, _D)], axis=1
    ).reshape(_BB, _D) * (1.0 / _NIDX)
    feat = jnp.dot(pooled, wp_ref[...],
                   preferred_element_type=jnp.float32) + bp_ref[...]
    h = jnp.maximum(
        jnp.dot(feat, w1_ref[...], preferred_element_type=jnp.float32)
        + b1_ref[...], 0.0)
    out_ref[...] = jnp.dot(h, w2_ref[...],
                           preferred_element_type=jnp.float32) + b2_ref[...]


def _tc_mlp(pk, table, W_proj, b_proj, W1, b1, W2, b2):
    nb = pk.shape[0] // _PB
    full = lambda shape: pl.BlockSpec(shape, lambda i: (0, 0))
    return pl.pallas_call(
        _tc_mlp_body,
        grid=(nb,),
        in_specs=[
            pl.BlockSpec((_PB, _K), lambda i: (i, 0)),
            full((_K, _D)),

            full((_D, _D)),
            full((1, _D)),
            full((_D, _H)),
            full((1, _H)),
            full((_H, _C)),
            full((1, _C)),
        ],
        out_specs=pl.BlockSpec((_BB, _C), lambda i: (i, 0)),
        out_shape=jax.ShapeDtypeStruct((nb * _BB, _C), jnp.float32),
    )(pk, table.astype(jnp.bfloat16), W_proj, b_proj.reshape(1, _D),
      W1, b1.reshape(1, _H), W2, b2.reshape(1, _C))


def kernel(x, table, W_proj, b_proj, W1, b1, W2, b2):
    y = (x.transpose(1, 2, 3, 0)
         .reshape(_NTV, _NQ, 8, 128)
         .transpose(0, 2, 1, 3))
    pk = _sc_histogram(y)
    pk2 = (pk.reshape(_NBLK, _K // 128, _NPAIR, 128)
           .transpose(0, 2, 1, 3)
           .reshape(_NBLK * _NPAIR, _K))
    return _tc_mlp(pk2, table, W_proj, b_proj, W1, b1, W2, b2)

# --- scband reference (transcript-rebuilt; emitter-appended) ---
"""Pipeline reference for scband-motion-classifier-61984968016341 (READ-ONLY COPY).

The authoritative reference and input builder live on the scoring server;
editing this copy changes nothing except your own understanding.
"""

import jax, jax.numpy as jnp
import numpy as np

B, T, V, NQ = 1024, 50, 22, 2
K, D, H, C = 8192, 16, 128, 60

def setup_inputs(seed: int = 0) -> dict:
    key = jax.random.key(seed)
    ks = jax.random.split(key, 8)
    x = jax.random.randint(ks[0], (B, T, V, NQ), 0, K, dtype=jnp.int32)
    table = jax.random.normal(ks[1], (K, D), dtype=jnp.float32)
    W_proj = jax.random.normal(ks[2], (D, D), dtype=jnp.float32) * (1.0 / np.sqrt(D))
    b_proj = jnp.zeros((D,), dtype=jnp.float32)
    W1 = jax.random.normal(ks[3], (D, H), dtype=jnp.float32) * (1.0 / np.sqrt(D))
    b1 = jnp.zeros((H,), dtype=jnp.float32)
    W2 = jax.random.normal(ks[4], (H, C), dtype=jnp.float32) * (1.0 / np.sqrt(H))
    b2 = jnp.zeros((C,), dtype=jnp.float32)
    return {"x": x, "table": table, "W_proj": W_proj, "b_proj": b_proj,
            "W1": W1, "b1": b1, "W2": W2, "b2": b2}

def reference(x, table, W_proj, b_proj, W1, b1, W2, b2):
    # x: precomputed VQ indices [B, T, V, n_q] (vqvae tokenization treated as
    # a frozen, no-grad preprocessing step per the torch module's torch.no_grad block)
    emb = jnp.take(table, x, axis=0)          # [B, T, V, NQ, D]
    emb = emb.mean(axis=-2)                   # mean over n_q -> [B, T, V, D]
    emb = emb.mean(axis=-2)                   # mean over V   -> [B, T, D]
    emb = emb.mean(axis=1)                    # mean over T   -> [B, D]
    feat = emb @ W_proj + b_proj              # proj Linear
    h = jnp.maximum(feat @ W1 + b1, 0.0)      # Linear + ReLU (dropout identity in eval)
    logits = h @ W2 + b2                      # final Linear
    return logits

if __name__ == "__main__":
    import jax
    _d = setup_inputs()
    print(jax.jit(kernel)(*tuple(_d.values())))

</pallas_src>

<mosaic_0001>
#map = affine_map<(d0, d1) -> (0, 0, 0, 0)>
#map1 = affine_map<(d0, d1) -> (0, 0)>
module attributes {stable_mosaic.version = 14 : i64} {
  func.func @_sc_hist_body(%arg0: i32, %arg1: i32, %arg2: memref<1100x8x2x128xi32, #tpu.memory_space<hbm>>, %arg3: memref<64x65536xi32, #tpu.memory_space<hbm>>, %arg4: memref<100x2x128xi32, #tpu.memory_space<vmem>>, %arg5: memref<100x2x128xi32, #tpu.memory_space<vmem>>, %arg6: memref<65536xi32, #tpu.memory_space<vmem>>, %arg7: memref<!tpu.dma_semaphore, #tpu.memory_space<semaphore_mem>>, %arg8: memref<!tpu.dma_semaphore, #tpu.memory_space<semaphore_mem>>) attributes {dimension_semantics = [#tpu.dimension_semantics<core_parallel>, #tpu.dimension_semantics<subcore_parallel>], iteration_bounds = array<i64: 2, 16>, scalar_prefetch = 0 : i64, scratch_operands = 5 : i64, tpu.core_type = #tpu.core_type<sc_vector_subcore>, window_params = [{transform_indices = #map}, {transform_indices = #map1}]} {
    %mul3A = arith.constant 2 : i32
    %mul3A_0 = arith.muli %arg1, %mul3A : i32
    %add3A = arith.addi %mul3A_0, %arg0 : i32
    %jit3A = arith.constant 4 : i32
    %div3A = arith.divsi %add3A, %jit3A : i32
    %sign3A = arith.constant 0 : i32
    %sign3A_1 = arith.cmpi sgt, %add3A, %sign3A : i32
    %sign3A_2 = arith.extui %sign3A_1 : i1 to i32
    %sign3A_3 = arith.constant 0 : i32
    %sign3A_4 = arith.cmpi slt, %add3A, %sign3A_3 : i32
    %sign3A_5 = arith.extui %sign3A_4 : i1 to i32
    %sign3A_6 = arith.subi %sign3A_2, %sign3A_5 : i32
    %sign3A_7 = arith.constant 0 : i32
    %sign3A_8 = arith.cmpi sgt, %jit3A, %sign3A_7 : i32
    %sign3A_9 = arith.extui %sign3A_8 : i1 to i32
    %sign3A_10 = arith.constant 0 : i32
    %sign3A_11 = arith.cmpi slt, %jit3A, %sign3A_10 : i32
    %sign3A_12 = arith.extui %sign3A_11 : i1 to i32
    %sign3A_13 = arith.subi %sign3A_9, %sign3A_12 : i32
    %ne3A = arith.cmpi ne, %sign3A_6, %sign3A_13 : i32
    %rem3A = arith.remsi %add3A, %jit3A : i32
    %ne3A_14 = arith.constant 0 : i32
    %ne3A_15 = arith.cmpi ne, %rem3A, %ne3A_14 : i32
    %and3A = arith.andi %ne3A, %ne3A_15 : i1
    %sub3A = arith.constant 1 : i32
    %sub3A_16 = arith.subi %div3A, %sub3A : i32
    %select_n3A = arith.select %and3A, %sub3A_16, %div3A : i32
    %jit3A_17 = arith.constant 4 : i32
    %eq3A = arith.constant 0 : i32
    %eq3A_18 = arith.cmpi eq, %jit3A_17, %eq3A : i32
    %jit3A_19 = arith.constant 1 : i32
    %select_n3A_20 = arith.select %eq3A_18, %jit3A_19, %jit3A_17 : i32
    %rem3A_21 = arith.remsi %add3A, %select_n3A_20 : i32
    %ne3A_22 = arith.constant 0 : i32
    %ne3A_23 = arith.cmpi ne, %rem3A_21, %ne3A_22 : i32
    %lt3A = arith.constant 0 : i32
    %lt3A_24 = arith.cmpi slt, %rem3A_21, %lt3A : i32
    %lt3A_25 = arith.constant 0 : i32
    %lt3A_26 = arith.cmpi slt, %select_n3A_20, %lt3A_25 : i32
    %ne3A_27 = arith.xori %lt3A_24, %lt3A_26 : i1
    %and3A_28 = arith.andi %ne3A_27, %ne3A_23 : i1
    %add3A_29 = arith.addi %rem3A_21, %select_n3A_20 : i32
    %select_n3A_30 = arith.select %and3A_28, %add3A_29, %rem3A_21 : i32
    %mul3A_31 = arith.constant 2 : i32
    %mul3A_32 = arith.muli %select_n3A_30, %mul3A_31 : i32
    %iota3A = tpu.iota {dimensions = array<i32: 0>} : vector<16xi32>
    %and3A_33 = arith.constant 7 : i32
    %and3A_34 = vector.broadcast %and3A_33 : i32 to vector<16xi32>
    %and3A_35 = arith.andi %iota3A, %and3A_34 : vector<16xi32>
    %mul3A_36 = arith.constant 128 : i32
    %mul3A_37 = vector.broadcast %mul3A_36 : i32 to vector<16xi32>
    %mul3A_38 = arith.muli %and3A_35, %mul3A_37 : vector<16xi32>
    %lt3A_39 = arith.constant 8 : i32
    %lt3A_40 = vector.broadcast %lt3A_39 : i32 to vector<16xi32>
    %lt3A_41 = arith.cmpi slt, %iota3A, %lt3A_40 : vector<16xi32>
    %jit3A_42 = arith.constant 1 : i32
    %jit3A_43 = arith.constant 65536 : i32
    %broadcast_in_dim3A = vector.broadcast %jit3A_42 : i32 to vector<16xi32>
    %broadcast_in_dim3A_44 = vector.broadcast %jit3A_43 : i32 to vector<16xi32>
    %select_n3A_45 = arith.select %lt3A_41, %broadcast_in_dim3A, %broadcast_in_dim3A_44 : vector<16xi1>, vector<16xi32>
    %broadcast_in_dim3A_46 = arith.constant 0 : i32
    %broadcast_in_dim3A_47 = vector.broadcast %broadcast_in_dim3A_46 : i32 to vector<16xi32>
    %dma_start3A = arith.constant 0 : i32
    %dma_start3A_48 = arith.constant 0 : i32
    %dma_start3A_49 = arith.constant 0 : i32
    %dma_start3A_50 = tpu.memref_slice %arg2[%dma_start3A, %select_n3A, %dma_start3A_48, %dma_start3A_49] : memref<1100x8x2x128xi32, #tpu.memory_space<hbm>> -> memref<100x1x2x128xi32, #tpu.memory_space<hbm>>
    %dma_start3A_51 = tpu.memref_squeeze %dma_start3A_50 : memref<100x1x2x128xi32, #tpu.memory_space<hbm>> -> memref<100x2x128xi32, #tpu.memory_space<hbm>>
    %dma_start3A_52 = arith.constant 0 : i32
    %dma_start3A_53 = arith.constant 0 : i32
    %dma_start3A_54 = arith.constant 0 : i32
    %dma_start3A_55 = tpu.memref_slice %arg2[%dma_start3A_52, %select_n3A, %dma_start3A_53, %dma_start3A_54] : memref<1100x8x2x128xi32, #tpu.memory_space<hbm>> -> memref<100x1x2x128xi32, #tpu.memory_space<hbm>>
    %dma_start3A_56 = tpu.memref_squeeze %dma_start3A_55 : memref<100x1x2x128xi32, #tpu.memory_space<hbm>> -> memref<100x2x128xi32, #tpu.memory_space<hbm>>
    tpu.enqueue_dma source(%dma_start3A_56 : memref<100x2x128xi32, #tpu.memory_space<hbm>>) target(%arg4 : memref<100x2x128xi32, #tpu.memory_space<vmem>>) target_semaphore(%arg7 : memref<!tpu.dma_semaphore, #tpu.memory_space<semaphore_mem>>)
    %scan3A = arith.constant 0 : i32
    %scan3A_57 = arith.constant 0 : i32
    %scan3A_58 = arith.constant 512 : i32
    %scan3A_59 = arith.addi %scan3A_57, %scan3A_58 : i32
    %scan3A_60 = arith.constant 1 : i32
    scf.for %scan3A_643 = %scan3A_57 to %scan3A_59 step %scan3A_60  : i32 {
      %mul3A_644 = arith.constant 8 : i32
      %mul3A_645 = arith.muli %scan3A_643, %mul3A_644 : i32
      %add3A_646 = arith.constant 0 : i32
      %add3A_647 = arith.addi %mul3A_645, %add3A_646 : i32
      %mul3A_648 = arith.constant 16 : i32
      %mul3A_649 = arith.muli %add3A_647, %mul3A_648 : i32
      %swap3A = arith.index_cast %mul3A_649 : i32 to index
      %swap3A_650 = tpu.vector_load %arg6[%swap3A] {strides = array<i32>} : memref<65536xi32, #tpu.memory_space<vmem>>, vector<16xi32>,
      tpu.vector_store %arg6[%swap3A], %broadcast_in_dim3A_47 {strides = array<i32>} : memref<65536xi32, #tpu.memory_space<vmem>>, vector<16xi32>,
      %mul3A_651 = arith.constant 8 : i32
      %mul3A_652 = arith.muli %scan3A_643, %mul3A_651 : i32
      %add3A_653 = arith.constant 1 : i32
      %add3A_654 = arith.addi %mul3A_652, %add3A_653 : i32
      %mul3A_655 = arith.constant 16 : i32
      %mul3A_656 = arith.muli %add3A_654, %mul3A_655 : i32
      %swap3A_657 = arith.index_cast %mul3A_656 : i32 to index
      %swap3A_658 = tpu.vector_load %arg6[%swap3A_657] {strides = array<i32>} : memref<65536xi32, #tpu.memory_space<vmem>>, vector<16xi32>,
      tpu.vector_store %arg6[%swap3A_657], %broadcast_in_dim3A_47 {strides = array<i32>} : memref<65536xi32, #tpu.memory_space<vmem>>, vector<16xi32>,
      %mul3A_659 = arith.constant 8 : i32
      %mul3A_660 = arith.muli %scan3A_643, %mul3A_659 : i32
      %add3A_661 = arith.constant 2 : i32
      %add3A_662 = arith.addi %mul3A_660, %add3A_661 : i32
      %mul3A_663 = arith.constant 16 : i32
      %mul3A_664 = arith.muli %add3A_662, %mul3A_663 : i32
      %swap3A_665 = arith.index_cast %mul3A_664 : i32 to index
      %swap3A_666 = tpu.vector_load %arg6[%swap3A_665] {strides = array<i32>} : memref<65536xi32, #tpu.memory_space<vmem>>, vector<16xi32>,
      tpu.vector_store %arg6[%swap3A_665], %broadcast_in_dim3A_47 {strides = array<i32>} : memref<65536xi32, #tpu.memory_space<vmem>>, vector<16xi32>,
      %mul3A_667 = arith.constant 8 : i32
      %mul3A_668 = arith.muli %scan3A_643, %mul3A_667 : i32
      %add3A_669 = arith.constant 3 : i32
      %add3A_670 = arith.addi %mul3A_668, %add3A_669 : i32
      %mul3A_671 = arith.constant 16 : i32
      %mul3A_672 = arith.muli %add3A_670, %mul3A_671 : i32
      %swap3A_673 = arith.index_cast %mul3A_672 : i32 to index
      %swap3A_674 = tpu.vector_load %arg6[%swap3A_673] {strides = array<i32>} : memref<65536xi32, #tpu.memory_space<vmem>>, vector<16xi32>,
      tpu.vector_store %arg6[%swap3A_673], %broadcast_in_dim3A_47 {strides = array<i32>} : memref<65536xi32, #tpu.memory_space<vmem>>, vector<16xi32>,
      %mul3A_675 = arith.constant 8 : i32
      %mul3A_676 = arith.muli %scan3A_643, %mul3A_675 : i32
      %add3A_677 = arith.constant 4 : i32
      %add3A_678 = arith.addi %mul3A_676, %add3A_677 : i32
      %mul3A_679 = arith.constant 16 : i32
      %mul3A_680 = arith.muli %add3A_678, %mul3A_679 : i32
      %swap3A_681 = arith.index_cast %mul3A_680 : i32 to index
      %swap3A_682 = tpu.vector_load %arg6[%swap3A_681] {strides = array<i32>} : memref<65536xi32, #tpu.memory_space<vmem>>, vector<16xi32>,
      tpu.vector_store %arg6[%swap3A_681], %broadcast_in_dim3A_47 {strides = array<i32>} : memref<65536xi32, #tpu.memory_space<vmem>>, vector<16xi32>,
      %mul3A_683 = arith.constant 8 : i32
      %mul3A_684 = arith.muli %scan3A_643, %mul3A_683 : i32
      %add3A_685 = arith.constant 5 : i32
      %add3A_686 = arith.addi %mul3A_684, %add3A_685 : i32
      %mul3A_687 = arith.constant 16 : i32
      %mul3A_688 = arith.muli %add3A_686, %mul3A_687 : i32
      %swap3A_689 = arith.index_cast %mul3A_688 : i32 to index
      %swap3A_690 = tpu.vector_load %arg6[%swap3A_689] {strides = array<i32>} : memref<65536xi32, #tpu.memory_space<vmem>>, vector<16xi32>,
      tpu.vector_store %arg6[%swap3A_689], %broadcast_in_dim3A_47 {strides = array<i32>} : memref<65536xi32, #tpu.memory_space<vmem>>, vector<16xi32>,
      %mul3A_691 = arith.constant 8 : i32
      %mul3A_692 = arith.muli %scan3A_643, %mul3A_691 : i32
      %add3A_693 = arith.constant 6 : i32
      %add3A_694 = arith.addi %mul3A_692, %add3A_693 : i32
      %mul3A_695 = arith.constant 16 : i32
      %mul3A_696 = arith.muli %add3A_694, %mul3A_695 : i32
      %swap3A_697 = arith.index_cast %mul3A_696 : i32 to index
      %swap3A_698 = tpu.vector_load %arg6[%swap3A_697] {strides = array<i32>} : memref<65536xi32, #tpu.memory_space<vmem>>, vector<16xi32>,
      tpu.vector_store %arg6[%swap3A_697], %broadcast_in_dim3A_47 {strides = array<i32>} : memref<65536xi32, #tpu.memory_space<vmem>>, vector<16xi32>,
      %mul3A_699 = arith.constant 8 : i32
      %mul3A_700 = arith.muli %scan3A_643, %mul3A_699 : i32
      %add3A_701 = arith.constant 7 : i32
      %add3A_702 = arith.addi %mul3A_700, %add3A_701 : i32
      %mul3A_703 = arith.constant 16 : i32
      %mul3A_704 = arith.muli %add3A_702, %mul3A_703 : i32
      %swap3A_705 = arith.index_cast %mul3A_704 : i32 to index
      %swap3A_706 = tpu.vector_load %arg6[%swap3A_705] {strides = array<i32>} : memref<65536xi32, #tpu.memory_space<vmem>>, vector<16xi32>,
      tpu.vector_store %arg6[%swap3A_705], %broadcast_in_dim3A_47 {strides = array<i32>} : memref<65536xi32, #tpu.memory_space<vmem>>, vector<16xi32>,
    }
    %scan3A_61 = arith.constant 512 : i32
    %add3A_62 = arith.constant 0 : i32
    %add3A_63 = arith.addi %mul3A_32, %add3A_62 : i32
    %mul3A_64 = arith.constant 16 : i32
    %mul3A_65 = arith.muli %add3A_63, %mul3A_64 : i32
    %mul3A_66 = arith.constant 8 : i32
    %mul3A_67 = arith.muli %select_n3A, %mul3A_66 : i32
    %add3A_68 = arith.addi %mul3A_67, %add3A_63 : i32
    %dma_wait3A = arith.constant 0 : i32
    %dma_wait3A_69 = arith.constant 0 : i32
    %dma_wait3A_70 = arith.constant 0 : i32
    %dma_wait3A_71 = tpu.memref_slice %arg2[%dma_wait3A, %select_n3A, %dma_wait3A_69, %dma_wait3A_70] : memref<1100x8x2x128xi32, #tpu.memory_space<hbm>> -> memref<100x1x2x128xi32, #tpu.memory_space<hbm>>
    %dma_wait3A_72 = tpu.memref_squeeze %dma_wait3A_71 : memref<100x1x2x128xi32, #tpu.memory_space<hbm>> -> memref<100x2x128xi32, #tpu.memory_space<hbm>>
    %dma_wait3A_73 = arith.constant 0 : i32
    %dma_wait3A_74 = arith.constant 0 : i32
    %dma_wait3A_75 = arith.constant 0 : i32
    %dma_wait3A_76 = tpu.memref_slice %arg2[%dma_wait3A_73, %select_n3A, %dma_wait3A_74, %dma_wait3A_75] : memref<1100x8x2x128xi32, #tpu.memory_space<hbm>> -> memref<100x1x2x128xi32, #tpu.memory_space<hbm>>
    %dma_wait3A_77 = tpu.memref_squeeze %dma_wait3A_76 : memref<100x1x2x128xi32, #tpu.memory_space<hbm>> -> memref<100x2x128xi32, #tpu.memory_space<hbm>>
    tpu.wait_dma2 semaphore(%arg7 : memref<!tpu.dma_semaphore, #tpu.memory_space<semaphore_mem>>) src(%dma_wait3A_77 : memref<100x2x128xi32, #tpu.memory_space<hbm>>) dst(%arg4 : memref<100x2x128xi32, #tpu.memory_space<vmem>>)
    %dma_start3A_78 = arith.constant 100 : i32
    %dma_start3A_79 = arith.constant 0 : i32
    %dma_start3A_80 = arith.constant 0 : i32
    %dma_start3A_81 = tpu.memref_slice %arg2[%dma_start3A_78, %select_n3A, %dma_start3A_79, %dma_start3A_80] : memref<1100x8x2x128xi32, #tpu.memory_space<hbm>> -> memref<100x1x2x128xi32, #tpu.memory_space<hbm>>
    %dma_start3A_82 = tpu.memref_squeeze %dma_start3A_81 : memref<100x1x2x128xi32, #tpu.memory_space<hbm>> -> memref<100x2x128xi32, #tpu.memory_space<hbm>>
    %dma_start3A_83 = arith.constant 100 : i32
    %dma_start3A_84 = arith.constant 0 : i32
    %dma_start3A_85 = arith.constant 0 : i32
    %dma_start3A_86 = tpu.memref_slice %arg2[%dma_start3A_83, %select_n3A, %dma_start3A_84, %dma_start3A_85] : memref<1100x8x2x128xi32, #tpu.memory_space<hbm>> -> memref<100x1x2x128xi32, #tpu.memory_space<hbm>>
    %dma_start3A_87 = tpu.memref_squeeze %dma_start3A_86 : memref<100x1x2x128xi32, #tpu.memory_space<hbm>> -> memref<100x2x128xi32, #tpu.memory_space<hbm>>
    tpu.enqueue_dma source(%dma_start3A_87 : memref<100x2x128xi32, #tpu.memory_space<hbm>>) target(%arg5 : memref<100x2x128xi32, #tpu.memory_space<vmem>>) target_semaphore(%arg8 : memref<!tpu.dma_semaphore, #tpu.memory_space<semaphore_mem>>)
    %scan3A_88 = arith.constant 0 : i32
    %scan3A_89 = arith.constant 0 : i32
    %scan3A_90 = arith.constant 25 : i32
    %scan3A_91 = arith.addi %scan3A_89, %scan3A_90 : i32
    %scan3A_92 = arith.constant 1 : i32
    scf.for %scan3A_643 = %scan3A_89 to %scan3A_91 step %scan3A_92  : i32 {
      %mul3A_644 = arith.constant 4 : i32
      %mul3A_645 = arith.muli %scan3A_643, %mul3A_644 : i32
      %add3A_646 = arith.constant 0 : i32
      %add3A_647 = arith.addi %mul3A_645, %add3A_646 : i32
      %get3A = arith.constant 0 : i32
      %get3A_648 = arith.index_cast %add3A_647 : i32 to index
      %get3A_649 = arith.index_cast %get3A : i32 to index
      %get3A_650 = arith.index_cast %mul3A_65 : i32 to index
      %get3A_651 = tpu.vector_load %arg4[%get3A_648, %get3A_649, %get3A_650] {strides = array<i32>} : memref<100x2x128xi32, #tpu.memory_space<vmem>>, vector<16xi32>,
      %and3A_652 = arith.constant 8064 : i32
      %and3A_653 = vector.broadcast %and3A_652 : i32 to vector<16xi32>
      %and3A_654 = arith.andi %get3A_651, %and3A_653 : vector<16xi32>
      %shift_left3A = arith.constant 3 : i32
      %shift_left3A_655 = vector.broadcast %shift_left3A : i32 to vector<16xi32>
      %shift_left3A_656 = arith.shli %and3A_654, %shift_left3A_655 : vector<16xi32>
      %and3A_657 = arith.constant 127 : i32
      %and3A_658 = vector.broadcast %and3A_657 : i32 to vector<16xi32>
      %and3A_659 = arith.andi %get3A_651, %and3A_658 : vector<16xi32>
      %add3A_660 = arith.addi %shift_left3A_656, %and3A_659 : vector<16xi32>
      %add3A_661 = arith.addi %add3A_660, %mul3A_38 : vector<16xi32>
      tpu.vector_store_idx %arg6[%add3A_661], %select_n3A_45 {add = true} : memref<65536xi32, #tpu.memory_space<vmem>>[vector<16xi32>], vector<16xi32>,
      %add3A_662 = arith.constant 0 : i32
      %add3A_663 = arith.addi %mul3A_645, %add3A_662 : i32
      %get3A_664 = arith.constant 1 : i32
      %get3A_665 = arith.index_cast %add3A_663 : i32 to index
      %get3A_666 = arith.index_cast %get3A_664 : i32 to index
      %get3A_667 = arith.index_cast %mul3A_65 : i32 to index
      %get3A_668 = tpu.vector_load %arg4[%get3A_665, %get3A_666, %get3A_667] {strides = array<i32>} : memref<100x2x128xi32, #tpu.memory_space<vmem>>, vector<16xi32>,
      %and3A_669 = arith.constant 8064 : i32
      %and3A_670 = vector.broadcast %and3A_669 : i32 to vector<16xi32>
      %and3A_671 = arith.andi %get3A_668, %and3A_670 : vector<16xi32>
      %shift_left3A_672 = arith.constant 3 : i32
      %shift_left3A_673 = vector.broadcast %shift_left3A_672 : i32 to vector<16xi32>
      %shift_left3A_674 = arith.shli %and3A_671, %shift_left3A_673 : vector<16xi32>
      %and3A_675 = arith.constant 127 : i32
      %and3A_676 = vector.broadcast %and3A_675 : i32 to vector<16xi32>
      %and3A_677 = arith.andi %get3A_668, %and3A_676 : vector<16xi32>
      %add3A_678 = arith.addi %shift_left3A_674, %and3A_677 : vector<16xi32>
      %add3A_679 = arith.addi %add3A_678, %mul3A_38 : vector<16xi32>
      tpu.vector_store_idx %arg6[%add3A_679], %select_n3A_45 {add = true} : memref<65536xi32, #tpu.memory_space<vmem>>[vector<16xi32>], vector<16xi32>,
      %add3A_680 = arith.constant 1 : i32
      %add3A_681 = arith.addi %mul3A_645, %add3A_680 : i32
      %get3A_682 = arith.constant 0 : i32
      %get3A_683 = arith.index_cast %add3A_681 : i32 to index
      %get3A_684 = arith.index_cast %get3A_682 : i32 to index
      %get3A_685 = arith.index_cast %mul3A_65 : i32 to index
      %get3A_686 = tpu.vector_load %arg4[%get3A_683, %get3A_684, %get3A_685] {strides = array<i32>} : memref<100x2x128xi32, #tpu.memory_space<vmem>>, vector<16xi32>,
      %and3A_687 = arith.constant 8064 : i32
      %and3A_688 = vector.broadcast %and3A_687 : i32 to vector<16xi32>
      %and3A_689 = arith.andi %get3A_686, %and3A_688 : vector<16xi32>
      %shift_left3A_690 = arith.constant 3 : i32
      %shift_left3A_691 = vector.broadcast %shift_left3A_690 : i32 to vector<16xi32>
      %shift_left3A_692 = arith.shli %and3A_689, %shift_left3A_691 : vector<16xi32>
      %and3A_693 = arith.constant 127 : i32
      %and3A_694 = vector.broadcast %and3A_693 : i32 to vector<16xi32>
      %and3A_695 = arith.andi %get3A_686, %and3A_694 : vector<16xi32>
      %add3A_696 = arith.addi %shift_left3A_692, %and3A_695 : vector<16xi32>
      %add3A_697 = arith.addi %add3A_696, %mul3A_38 : vector<16xi32>
      tpu.vector_store_idx %arg6[%add3A_697], %select_n3A_45 {add = true} : memref<65536xi32, #tpu.memory_space<vmem>>[vector<16xi32>], vector<16xi32>,
      %add3A_698 = arith.constant 1 : i32
      %add3A_699 = arith.addi %mul3A_645, %add3A_698 : i32
      %get3A_700 = arith.constant 1 : i32
      %get3A_701 = arith.index_cast %add3A_699 : i32 to index
      %get3A_702 = arith.index_cast %get3A_700 : i32 to index
      %get3A_703 = arith.index_cast %mul3A_65 : i32 to index
      %get3A_704 = tpu.vector_load %arg4[%get3A_701, %get3A_702, %get3A_703] {strides = array<i32>} : memref<100x2x128xi32, #tpu.memory_space<vmem>>, vector<16xi32>,
      %and3A_705 = arith.constant 8064 : i32
      %and3A_706 = vector.broadcast %and3A_705 : i32 to vector<16xi32>
      %and3A_707 = arith.andi %get3A_704, %and3A_706 : vector<16xi32>
      %shift_left3A_708 = arith.constant 3 : i32
      %shift_left3A_709 = vector.broadcast %shift_left3A_708 : i32 to vector<16xi32>
      %shift_left3A_710 = arith.shli %and3A_707, %shift_left3A_709 : vector<16xi32>
      %and3A_711 = arith.constant 127 : i32
      %and3A_712 = vector.broadcast %and3A_711 : i32 to vector<16xi32>
      %and3A_713 = arith.andi %get3A_704, %and3A_712 : vector<16xi32>
      %add3A_714 = arith.addi %shift_left3A_710, %and3A_713 : vector<16xi32>
      %add3A_715 = arith.addi %add3A_714, %mul3A_38 : vector<16xi32>
      tpu.vector_store_idx %arg6[%add3A_715], %select_n3A_45 {add = true} : memref<65536xi32, #tpu.memory_space<vmem>>[vector<16xi32>], vector<16xi32>,
      %add3A_716 = arith.constant 2 : i32
      %add3A_717 = arith.addi %mul3A_645, %add3A_716 : i32
      %get3A_718 = arith.constant 0 : i32
      %get3A_719 = arith.index_cast %add3A_717 : i32 to index
      %get3A_720 = arith.index_cast %get3A_718 : i32 to index
      %get3A_721 = arith.index_cast %mul3A_65 : i32 to index
      %get3A_722 = tpu.vector_load %arg4[%get3A_719, %get3A_720, %get3A_721] {strides = array<i32>} : memref<100x2x128xi32, #tpu.memory_space<vmem>>, vector<16xi32>,
      %and3A_723 = arith.constant 8064 : i32
      %and3A_724 = vector.broadcast %and3A_723 : i32 to vector<16xi32>
      %and3A_725 = arith.andi %get3A_722, %and3A_724 : vector<16xi32>
      %shift_left3A_726 = arith.constant 3 : i32
      %shift_left3A_727 = vector.broadcast %shift_left3A_726 : i32 to vector<16xi32>
      %shift_left3A_728 = arith.shli %and3A_725, %shift_left3A_727 : vector<16xi32>
      %and3A_729 = arith.constant 127 : i32
      %and3A_730 = vector.broadcast %and3A_729 : i32 to vector<16xi32>
      %and3A_731 = arith.andi %get3A_722, %and3A_730 : vector<16xi32>
      %add3A_732 = arith.addi %shift_left3A_728, %and3A_731 : vector<16xi32>
      %add3A_733 = arith.addi %add3A_732, %mul3A_38 : vector<16xi32>
      tpu.vector_store_idx %arg6[%add3A_733], %select_n3A_45 {add = true} : memref<65536xi32, #tpu.memory_space<vmem>>[vector<16xi32>], vector<16xi32>,
      %add3A_734 = arith.constant 2 : i32
      %add3A_735 = arith.addi %mul3A_645, %add3A_734 : i32
      %get3A_736 = arith.constant 1 : i32
      %get3A_737 = arith.index_cast %add3A_735 : i32 to index
      %get3A_738 = arith.index_cast %get3A_736 : i32 to index
      %get3A_739 = arith.index_cast %mul3A_65 : i32 to index
      %get3A_740 = tpu.vector_load %arg4[%get3A_737, %get3A_738, %get3A_739] {strides = array<i32>} : memref<100x2x128xi32, #tpu.memory_space<vmem>>, vector<16xi32>,
      %and3A_741 = arith.constant 8064 : i32
      %and3A_742 = vector.broadcast %and3A_741 : i32 to vector<16xi32>
      %and3A_743 = arith.andi %get3A_740, %and3A_742 : vector<16xi32>
      %shift_left3A_744 = arith.constant 3 : i32
      %shift_left3A_745 = vector.broadcast %shift_left3A_744 : i32 to vector<16xi32>
      %shift_left3A_746 = arith.shli %and3A_743, %shift_left3A_745 : vector<16xi32>
      %and3A_747 = arith.constant 127 : i32
      %and3A_748 = vector.broadcast %and3A_747 : i32 to vector<16xi32>
      %and3A_749 = arith.andi %get3A_740, %and3A_748 : vector<16xi32>
      %add3A_750 = arith.addi %shift_left3A_746, %and3A_749 : vector<16xi32>
      %add3A_751 = arith.addi %add3A_750, %mul3A_38 : vector<16xi32>
      tpu.vector_store_idx %arg6[%add3A_751], %select_n3A_45 {add = true} : memref<65536xi32, #tpu.memory_space<vmem>>[vector<16xi32>], vector<16xi32>,
      %add3A_752 = arith.constant 3 : i32
      %add3A_753 = arith.addi %mul3A_645, %add3A_752 : i32
      %get3A_754 = arith.constant 0 : i32
      %get3A_755 = arith.index_cast %add3A_753 : i32 to index
      %get3A_756 = arith.index_cast %get3A_754 : i32 to index
      %get3A_757 = arith.index_cast %mul3A_65 : i32 to index
      %get3A_758 = tpu.vector_load %arg4[%get3A_755, %get3A_756, %get3A_757] {strides = array<i32>} : memref<100x2x128xi32, #tpu.memory_space<vmem>>, vector<16xi32>,
      %and3A_759 = arith.constant 8064 : i32
      %and3A_760 = vector.broadcast %and3A_759 : i32 to vector<16xi32>
      %and3A_761 = arith.andi %get3A_758, %and3A_760 : vector<16xi32>
      %shift_left3A_762 = arith.constant 3 : i32
      %shift_left3A_763 = vector.broadcast %shift_left3A_762 : i32 to vector<16xi32>
      %shift_left3A_764 = arith.shli %and3A_761, %shift_left3A_763 : vector<16xi32>
      %and3A_765 = arith.constant 127 : i32
      %and3A_766 = vector.broadcast %and3A_765 : i32 to vector<16xi32>
      %and3A_767 = arith.andi %get3A_758, %and3A_766 : vector<16xi32>
      %add3A_768 = arith.addi %shift_left3A_764, %and3A_767 : vector<16xi32>
      %add3A_769 = arith.addi %add3A_768, %mul3A_38 : vector<16xi32>
      tpu.vector_store_idx %arg6[%add3A_769], %select_n3A_45 {add = true} : memref<65536xi32, #tpu.memory_space<vmem>>[vector<16xi32>], vector<16xi32>,
      %add3A_770 = arith.constant 3 : i32
      %add3A_771 = arith.addi %mul3A_645, %add3A_770 : i32
      %get3A_772 = arith.constant 1 : i32
      %get3A_773 = arith.index_cast %add3A_771 : i32 to index
      %get3A_774 = arith.index_cast %get3A_772 : i32 to index
      %get3A_775 = arith.index_cast %mul3A_65 : i32 to index
      %get3A_776 = tpu.vector_load %arg4[%get3A_773, %get3A_774, %get3A_775] {strides = array<i32>} : memref<100x2x128xi32, #tpu.memory_space<vmem>>, vector<16xi32>,
      %and3A_777 = arith.constant 8064 : i32
      %and3A_778 = vector.broadcast %and3A_777 : i32 to vector<16xi32>
      %and3A_779 = arith.andi %get3A_776, %and3A_778 : vector<16xi32>
      %shift_left3A_780 = arith.constant 3 : i32
      %shift_left3A_781 = vector.broadcast %shift_left3A_780 : i32 to vector<16xi32>
      %shift_left3A_782 = arith.shli %and3A_779, %shift_left3A_781 : vector<16xi32>
      %and3A_783 = arith.constant 127 : i32
      %and3A_784 = vector.broadcast %and3A_783 : i32 to vector<16xi32>
      %and3A_785 = arith.andi %get3A_776, %and3A_784 : vector<16xi32>
      %add3A_786 = arith.addi %shift_left3A_782, %and3A_785 : vector<16xi32>
      %add3A_787 = arith.addi %add3A_786, %mul3A_38 : vector<16xi32>
      tpu.vector_store_idx %arg6[%add3A_787], %select_n3A_45 {add = true} : memref<65536xi32, #tpu.memory_space<vmem>>[vector<16xi32>], vector<16xi32>,
    }
    %scan3A_93 = arith.constant 25 : i32
    %dma_wait3A_94 = arith.constant 100 : i32
    %dma_wait3A_95 = arith.constant 0 : i32
    %dma_wait3A_96 = arith.constant 0 : i32
    %dma_wait3A_97 = tpu.memref_slice %arg2[%dma_wait3A_94, %select_n3A, %dma_wait3A_95, %dma_wait3A_96] : memref<1100x8x2x128xi32, #tpu.memory_space<hbm>> -> memref<100x1x2x128xi32, #tpu.memory_space<hbm>>
    %dma_wait3A_98 = tpu.memref_squeeze %dma_wait3A_97 : memref<100x1x2x128xi32, #tpu.memory_space<hbm>> -> memref<100x2x128xi32, #tpu.memory_space<hbm>>
    %dma_wait3A_99 = arith.constant 100 : i32
    %dma_wait3A_100 = arith.constant 0 : i32
    %dma_wait3A_101 = arith.constant 0 : i32
    %dma_wait3A_102 = tpu.memref_slice %arg2[%dma_wait3A_99, %select_n3A, %dma_wait3A_100, %dma_wait3A_101] : memref<1100x8x2x128xi32, #tpu.memory_space<hbm>> -> memref<100x1x2x128xi32, #tpu.memory_space<hbm>>
    %dma_wait3A_103 = tpu.memref_squeeze %dma_wait3A_102 : memref<100x1x2x128xi32, #tpu.memory_space<hbm>> -> memref<100x2x128xi32, #tpu.memory_space<hbm>>
    tpu.wait_dma2 semaphore(%arg8 : memref<!tpu.dma_semaphore, #tpu.memory_space<semaphore_mem>>) src(%dma_wait3A_103 : memref<100x2x128xi32, #tpu.memory_space<hbm>>) dst(%arg5 : memref<100x2x128xi32, #tpu.memory_space<vmem>>)
    %dma_start3A_104 = arith.constant 200 : i32
    %dma_start3A_105 = arith.constant 0 : i32
    %dma_start3A_106 = arith.constant 0 : i32
    %dma_start3A_107 = tpu.memref_slice %arg2[%dma_start3A_104, %select_n3A, %dma_start3A_105, %dma_start3A_106] : memref<1100x8x2x128xi32, #tpu.memory_space<hbm>> -> memref<100x1x2x128xi32, #tpu.memory_space<hbm>>
    %dma_start3A_108 = tpu.memref_squeeze %dma_start3A_107 : memref<100x1x2x128xi32, #tpu.memory_space<hbm>> -> memref<100x2x128xi32, #tpu.memory_space<hbm>>
    %dma_start3A_109 = arith.constant 200 : i32
    %dma_start3A_110 = arith.constant 0 : i32
    %dma_start3A_111 = arith.constant 0 : i32
    %dma_start3A_112 = tpu.memref_slice %arg2[%dma_start3A_109, %select_n3A, %dma_start3A_110, %dma_start3A_111] : memref<1100x8x2x128xi32, #tpu.memory_space<hbm>> -> memref<100x1x2x128xi32, #tpu.memory_space<hbm>>
    %dma_start3A_113 = tpu.memref_squeeze %dma_start3A_112 : memref<100x1x2x128xi32, #tpu.memory_space<hbm>> -> memref<100x2x128xi32, #tpu.memory_space<hbm>>
    tpu.enqueue_dma source(%dma_start3A_113 : memref<100x2x128xi32, #tpu.memory_space<hbm>>) target(%arg4 : memref<100x2x128xi32, #tpu.memory_space<vmem>>) target_semaphore(%arg7 : memref<!tpu.dma_semaphore, #tpu.memory_space<semaphore_mem>>)
    %scan3A_114 = arith.constant 0 : i32
    %scan3A_115 = arith.constant 0 : i32
    %scan3A_116 = arith.constant 25 : i32
    %scan3A_117 = arith.addi %scan3A_115, %scan3A_116 : i32
    %scan3A_118 = arith.constant 1 : i32
    scf.for %scan3A_643 = %scan3A_115 to %scan3A_117 step %scan3A_118  : i32 {
      %mul3A_644 = arith.constant 4 : i32
      %mul3A_645 = arith.muli %scan3A_643, %mul3A_644 : i32
      %add3A_646 = arith.constant 0 : i32
      %add3A_647 = arith.addi %mul3A_645, %add3A_646 : i32
      %get3A = arith.constant 0 : i32
      %get3A_648 = arith.index_cast %add3A_647 : i32 to index
      %get3A_649 = arith.index_cast %get3A : i32 to index
      %get3A_650 = arith.index_cast %mul3A_65 : i32 to index
      %get3A_651 = tpu.vector_load %arg5[%get3A_648, %get3A_649, %get3A_650] {strides = array<i32>} : memref<100x2x128xi32, #tpu.memory_space<vmem>>, vector<16xi32>,
      %and3A_652 = arith.constant 8064 : i32
      %and3A_653 = vector.broadcast %and3A_652 : i32 to vector<16xi32>
      %and3A_654 = arith.andi %get3A_651, %and3A_653 : vector<16xi32>
      %shift_left3A = arith.constant 3 : i32
      %shift_left3A_655 = vector.broadcast %shift_left3A : i32 to vector<16xi32>
      %shift_left3A_656 = arith.shli %and3A_654, %shift_left3A_655 : vector<16xi32>
      %and3A_657 = arith.constant 127 : i32
      %and3A_658 = vector.broadcast %and3A_657 : i32 to vector<16xi32>
      %and3A_659 = arith.andi %get3A_651, %and3A_658 : vector<16xi32>
      %add3A_660 = arith.addi %shift_left3A_656, %and3A_659 : vector<16xi32>
      %add3A_661 = arith.addi %add3A_660, %mul3A_38 : vector<16xi32>
      tpu.vector_store_idx %arg6[%add3A_661], %select_n3A_45 {add = true} : memref<65536xi32, #tpu.memory_space<vmem>>[vector<16xi32>], vector<16xi32>,
      %add3A_662 = arith.constant 0 : i32
      %add3A_663 = arith.addi %mul3A_645, %add3A_662 : i32
      %get3A_664 = arith.constant 1 : i32
      %get3A_665 = arith.index_cast %add3A_663 : i32 to index
      %get3A_666 = arith.index_cast %get3A_664 : i32 to index
      %get3A_667 = arith.index_cast %mul3A_65 : i32 to index
      %get3A_668 = tpu.vector_load %arg5[%get3A_665, %get3A_666, %get3A_667] {strides = array<i32>} : memref<100x2x128xi32, #tpu.memory_space<vmem>>, vector<16xi32>,
      %and3A_669 = arith.constant 8064 : i32
      %and3A_670 = vector.broadcast %and3A_669 : i32 to vector<16xi32>
      %and3A_671 = arith.andi %get3A_668, %and3A_670 : vector<16xi32>
      %shift_left3A_672 = arith.constant 3 : i32
      %shift_left3A_673 = vector.broadcast %shift_left3A_672 : i32 to vector<16xi32>
      %shift_left3A_674 = arith.shli %and3A_671, %shift_left3A_673 : vector<16xi32>
      %and3A_675 = arith.constant 127 : i32
      %and3A_676 = vector.broadcast %and3A_675 : i32 to vector<16xi32>
      %and3A_677 = arith.andi %get3A_668, %and3A_676 : vector<16xi32>
      %add3A_678 = arith.addi %shift_left3A_674, %and3A_677 : vector<16xi32>
      %add3A_679 = arith.addi %add3A_678, %mul3A_38 : vector<16xi32>
      tpu.vector_store_idx %arg6[%add3A_679], %select_n3A_45 {add = true} : memref<65536xi32, #tpu.memory_space<vmem>>[vector<16xi32>], vector<16xi32>,
      %add3A_680 = arith.constant 1 : i32
      %add3A_681 = arith.addi %mul3A_645, %add3A_680 : i32
      %get3A_682 = arith.constant 0 : i32
      %get3A_683 = arith.index_cast %add3A_681 : i32 to index
      %get3A_684 = arith.index_cast %get3A_682 : i32 to index
      %get3A_685 = arith.index_cast %mul3A_65 : i32 to index
      %get3A_686 = tpu.vector_load %arg5[%get3A_683, %get3A_684, %get3A_685] {strides = array<i32>} : memref<100x2x128xi32, #tpu.memory_space<vmem>>, vector<16xi32>,
      %and3A_687 = arith.constant 8064 : i32
      %and3A_688 = vector.broadcast %and3A_687 : i32 to vector<16xi32>
      %and3A_689 = arith.andi %get3A_686, %and3A_688 : vector<16xi32>
      %shift_left3A_690 = arith.constant 3 : i32
      %shift_left3A_691 = vector.broadcast %shift_left3A_690 : i32 to vector<16xi32>
      %shift_left3A_692 = arith.shli %and3A_689, %shift_left3A_691 : vector<16xi32>
      %and3A_693 = arith.constant 127 : i32
      %and3A_694 = vector.broadcast %and3A_693 : i32 to vector<16xi32>
      %and3A_695 = arith.andi %get3A_686, %and3A_694 : vector<16xi32>
      %add3A_696 = arith.addi %shift_left3A_692, %and3A_695 : vector<16xi32>
      %add3A_697 = arith.addi %add3A_696, %mul3A_38 : vector<16xi32>
      tpu.vector_store_idx %arg6[%add3A_697], %select_n3A_45 {add = true} : memref<65536xi32, #tpu.memory_space<vmem>>[vector<16xi32>], vector<16xi32>,
      %add3A_698 = arith.constant 1 : i32
      %add3A_699 = arith.addi %mul3A_645, %add3A_698 : i32
      %get3A_700 = arith.constant 1 : i32
      %get3A_701 = arith.index_cast %add3A_699 : i32 to index
      %get3A_702 = arith.index_cast %get3A_700 : i32 to index
      %get3A_703 = arith.index_cast %mul3A_65 : i32 to index
      %get3A_704 = tpu.vector_load %arg5[%get3A_701, %get3A_702, %get3A_703] {strides = array<i32>} : memref<100x2x128xi32, #tpu.memory_space<vmem>>, vector<16xi32>,
      %and3A_705 = arith.constant 8064 : i32
      %and3A_706 = vector.broadcast %and3A_705 : i32 to vector<16xi32>
      %and3A_707 = arith.andi %get3A_704, %and3A_706 : vector<16xi32>
      %shift_left3A_708 = arith.constant 3 : i32
      %shift_left3A_709 = vector.broadcast %shift_left3A_708 : i32 to vector<16xi32>
      %shift_left3A_710 = arith.shli %and3A_707, %shift_left3A_709 : vector<16xi32>
      %and3A_711 = arith.constant 127 : i32
      %and3A_712 = vector.broadcast %and3A_711 : i32 to vector<16xi32>
      %and3A_713 = arith.andi %get3A_704, %and3A_712 : vector<16xi32>
      %add3A_714 = arith.addi %shift_left3A_710, %and3A_713 : vector<16xi32>
      %add3A_715 = arith.addi %add3A_714, %mul3A_38 : vector<16xi32>
      tpu.vector_store_idx %arg6[%add3A_715], %select_n3A_45 {add = true} : memref<65536xi32, #tpu.memory_space<vmem>>[vector<16xi32>], vector<16xi32>,
      %add3A_716 = arith.constant 2 : i32
      %add3A_717 = arith.addi %mul3A_645, %add3A_716 : i32
      %get3A_718 = arith.constant 0 : i32
      %get3A_719 = arith.index_cast %add3A_717 : i32 to index
      %get3A_720 = arith.index_cast %get3A_718 : i32 to index
      %get3A_721 = arith.index_cast %mul3A_65 : i32 to index
      %get3A_722 = tpu.vector_load %arg5[%get3A_719, %get3A_720, %get3A_721] {strides = array<i32>} : memref<100x2x128xi32, #tpu.memory_space<vmem>>, vector<16xi32>,
      %and3A_723 = arith.constant 8064 : i32
      %and3A_724 = vector.broadcast %and3A_723 : i32 to vector<16xi32>
      %and3A_725 = arith.andi %get3A_722, %and3A_724 : vector<16xi32>
      %shift_left3A_726 = arith.constant 3 : i32
      %shift_left3A_727 = vector.broadcast %shift_left3A_726 : i32 to vector<16xi32>
      %shift_left3A_728 = arith.shli %and3A_725, %shift_left3A_727 : vector<16xi32>
      %and3A_729 = arith.constant 127 : i32
      %and3A_730 = vector.broadcast %and3A_729 : i32 to vector<16xi32>
      %and3A_731 = arith.andi %get3A_722, %and3A_730 : vector<16xi32>
      %add3A_732 = arith.addi %shift_left3A_728, %and3A_731 : vector<16xi32>
      %add3A_733 = arith.addi %add3A_732, %mul3A_38 : vector<16xi32>
      tpu.vector_store_idx %arg6[%add3A_733], %select_n3A_45 {add = true} : memref<65536xi32, #tpu.memory_space<vmem>>[vector<16xi32>], vector<16xi32>,
      %add3A_734 = arith.constant 2 : i32
      %add3A_735 = arith.addi %mul3A_645, %add3A_734 : i32
      %get3A_736 = arith.constant 1 : i32
      %get3A_737 = arith.index_cast %add3A_735 : i32 to index
      %get3A_738 = arith.index_cast %get3A_736 : i32 to index
      %get3A_739 = arith.index_cast %mul3A_65 : i32 to index
      %get3A_740 = tpu.vector_load %arg5[%get3A_737, %get3A_738, %get3A_739] {strides = array<i32>} : memref<100x2x128xi32, #tpu.memory_space<vmem>>, vector<16xi32>,
      %and3A_741 = arith.constant 8064 : i32
      %and3A_742 = vector.broadcast %and3A_741 : i32 to vector<16xi32>
      %and3A_743 = arith.andi %get3A_740, %and3A_742 : vector<16xi32>
      %shift_left3A_744 = arith.constant 3 : i32
      %shift_left3A_745 = vector.broadcast %shift_left3A_744 : i32 to vector<16xi32>
      %shift_left3A_746 = arith.shli %and3A_743, %shift_left3A_745 : vector<16xi32>
      %and3A_747 = arith.constant 127 : i32
      %and3A_748 = vector.broadcast %and3A_747 : i32 to vector<16xi32>
      %and3A_749 = arith.andi %get3A_740, %and3A_748 : vector<16xi32>
      %add3A_750 = arith.addi %shift_left3A_746, %and3A_749 : vector<16xi32>
      %add3A_751 = arith.addi %add3A_750, %mul3A_38 : vector<16xi32>
      tpu.vector_store_idx %arg6[%add3A_751], %select_n3A_45 {add = true} : memref<65536xi32, #tpu.memory_space<vmem>>[vector<16xi32>], vector<16xi32>,
      %add3A_752 = arith.constant 3 : i32
      %add3A_753 = arith.addi %mul3A_645, %add3A_752 : i32
      %get3A_754 = arith.constant 0 : i32
      %get3A_755 = arith.index_cast %add3A_753 : i32 to index
      %get3A_756 = arith.index_cast %get3A_754 : i32 to index
      %get3A_757 = arith.index_cast %mul3A_65 : i32 to index
      %get3A_758 = tpu.vector_load %arg5[%get3A_755, %get3A_756, %get3A_757] {strides = array<i32>} : memref<100x2x128xi32, #tpu.memory_space<vmem>>, vector<16xi32>,
      %and3A_759 = arith.constant 8064 : i32
      %and3A_760 = vector.broadcast %and3A_759 : i32 to vector<16xi32>
      %and3A_761 = arith.andi %get3A_758, %and3A_760 : vector<16xi32>
      %shift_left3A_762 = arith.constant 3 : i32
      %shift_left3A_763 = vector.broadcast %shift_left3A_762 : i32 to vector<16xi32>
      %shift_left3A_764 = arith.shli %and3A_761, %shift_left3A_763 : vector<16xi32>
      %and3A_765 = arith.constant 127 : i32
      %and3A_766 = vector.broadcast %and3A_765 : i32 to vector<16xi32>
      %and3A_767 = arith.andi %get3A_758, %and3A_766 : vector<16xi32>
      %add3A_768 = arith.addi %shift_left3A_764, %and3A_767 : vector<16xi32>
      %add3A_769 = arith.addi %add3A_768, %mul3A_38 : vector<16xi32>
      tpu.vector_store_idx %arg6[%add3A_769], %select_n3A_45 {add = true} : memref<65536xi32, #tpu.memory_space<vmem>>[vector<16xi32>], vector<16xi32>,
      %add3A_770 = arith.constant 3 : i32
      %add3A_771 = arith.addi %mul3A_645, %add3A_770 : i32
      %get3A_772 = arith.constant 1 : i32
      %get3A_773 = arith.index_cast %add3A_771 : i32 to index
      %get3A_774 = arith.index_cast %get3A_772 : i32 to index
      %get3A_775 = arith.index_cast %mul3A_65 : i32 to index
      %get3A_776 = tpu.vector_load %arg5[%get3A_773, %get3A_774, %get3A_775] {strides = array<i32>} : memref<100x2x128xi32, #tpu.memory_space<vmem>>, vector<16xi32>,
      %and3A_777 = arith.constant 8064 : i32
      %and3A_778 = vector.broadcast %and3A_777 : i32 to vector<16xi32>
      %and3A_779 = arith.andi %get3A_776, %and3A_778 : vector<16xi32>
      %shift_left3A_780 = arith.constant 3 : i32
      %shift_left3A_781 = vector.broadcast %shift_left3A_780 : i32 to vector<16xi32>
      %shift_left3A_782 = arith.shli %and3A_779, %shift_left3A_781 : vector<16xi32>
      %and3A_783 = arith.constant 127 : i32
      %and3A_784 = vector.broadcast %and3A_783 : i32 to vector<16xi32>
      %and3A_785 = arith.andi %get3A_776, %and3A_784 : vector<16xi32>
      %add3A_786 = arith.addi %shift_left3A_782, %and3A_785 : vector<16xi32>
      %add3A_787 = arith.addi %add3A_786, %mul3A_38 : vector<16xi32>
      tpu.vector_store_idx %arg6[%add3A_787], %select_n3A_45 {add = true} : memref<65536xi32, #tpu.memory_space<vmem>>[vector<16xi32>], vector<16xi32>,
    }
    %scan3A_119 = arith.constant 25 : i32
    %dma_wait3A_120 = arith.constant 200 : i32
    %dma_wait3A_121 = arith.constant 0 : i32
    %dma_wait3A_122 = arith.constant 0 : i32
    %dma_wait3A_123 = tpu.memref_slice %arg2[%dma_wait3A_120, %select_n3A, %dma_wait3A_121, %dma_wait3A_122] : memref<1100x8x2x128xi32, #tpu.memory_space<hbm>> -> memref<100x1x2x128xi32, #tpu.memory_space<hbm>>
    %dma_wait3A_124 = tpu.memref_squeeze %dma_wait3A_123 : memref<100x1x2x128xi32, #tpu.memory_space<hbm>> -> memref<100x2x128xi32, #tpu.memory_space<hbm>>
    %dma_wait3A_125 = arith.constant 200 : i32
    %dma_wait3A_126 = arith.constant 0 : i32
    %dma_wait3A_127 = arith.constant 0 : i32
    %dma_wait3A_128 = tpu.memref_slice %arg2[%dma_wait3A_125, %select_n3A, %dma_wait3A_126, %dma_wait3A_127] : memref<1100x8x2x128xi32, #tpu.memory_space<hbm>> -> memref<100x1x2x128xi32, #tpu.memory_space<hbm>>
    %dma_wait3A_129 = tpu.memref_squeeze %dma_wait3A_128 : memref<100x1x2x128xi32, #tpu.memory_space<hbm>> -> memref<100x2x128xi32, #tpu.memory_space<hbm>>
    tpu.wait_dma2 semaphore(%arg7 : memref<!tpu.dma_semaphore, #tpu.memory_space<semaphore_mem>>) src(%dma_wait3A_129 : memref<100x2x128xi32, #tpu.memory_space<hbm>>) dst(%arg4 : memref<100x2x128xi32, #tpu.memory_space<vmem>>)
    %dma_start3A_130 = arith.constant 300 : i32
    %dma_start3A_131 = arith.constant 0 : i32
    %dma_start3A_132 = arith.constant 0 : i32
    %dma_start3A_133 = tpu.memref_slice %arg2[%dma_start3A_130, %select_n3A, %dma_start3A_131, %dma_start3A_132] : memref<1100x8x2x128xi32, #tpu.memory_space<hbm>> -> memref<100x1x2x128xi32, #tpu.memory_space<hbm>>
    %dma_start3A_134 = tpu.memref_squeeze %dma_start3A_133 : memref<100x1x2x128xi32, #tpu.memory_space<hbm>> -> memref<100x2x128xi32, #tpu.memory_space<hbm>>
    %dma_start3A_135 = arith.constant 300 : i32
    %dma_start3A_136 = arith.constant 0 : i32
    %dma_start3A_137 = arith.constant 0 : i32
    %dma_start3A_138 = tpu.memref_slice %arg2[%dma_start3A_135, %select_n3A, %dma_start3A_136, %dma_start3A_137] : memref<1100x8x2x128xi32, #tpu.memory_space<hbm>> -> memref<100x1x2x128xi32, #tpu.memory_space<hbm>>
    %dma_start3A_139 = tpu.memref_squeeze %dma_start3A_138 : memref<100x1x2x128xi32, #tpu.memory_space<hbm>> -> memref<100x2x128xi32, #tpu.memory_space<hbm>>
    tpu.enqueue_dma source(%dma_start3A_139 : memref<100x2x128xi32, #tpu.memory_space<hbm>>) target(%arg5 : memref<100x2x128xi32, #tpu.memory_space<vmem>>) target_semaphore(%arg8 : memref<!tpu.dma_semaphore, #tpu.memory_space<semaphore_mem>>)
    %scan3A_140 = arith.constant 0 : i32
    %scan3A_141 = arith.constant 0 : i32
    %scan3A_142 = arith.constant 25 : i32
    %scan3A_143 = arith.addi %scan3A_141, %scan3A_142 : i32
    %scan3A_144 = arith.constant 1 : i32
    scf.for %scan3A_643 = %scan3A_141 to %scan3A_143 step %scan3A_144  : i32 {
      %mul3A_644 = arith.constant 4 : i32
      %mul3A_645 = arith.muli %scan3A_643, %mul3A_644 : i32
      %add3A_646 = arith.constant 0 : i32
      %add3A_647 = arith.addi %mul3A_645, %add3A_646 : i32
      %get3A = arith.constant 0 : i32
      %get3A_648 = arith.index_cast %add3A_647 : i32 to index
      %get3A_649 = arith.index_cast %get3A : i32 to index
      %get3A_650 = arith.index_cast %mul3A_65 : i32 to index
      %get3A_651 = tpu.vector_load %arg4[%get3A_648, %get3A_649, %get3A_650] {strides = array<i32>} : memref<100x2x128xi32, #tpu.memory_space<vmem>>, vector<16xi32>,
      %and3A_652 = arith.constant 8064 : i32
      %and3A_653 = vector.broadcast %and3A_652 : i32 to vector<16xi32>
      %and3A_654 = arith.andi %get3A_651, %and3A_653 : vector<16xi32>
      %shift_left3A = arith.constant 3 : i32
      %shift_left3A_655 = vector.broadcast %shift_left3A : i32 to vector<16xi32>
      %shift_left3A_656 = arith.shli %and3A_654, %shift_left3A_655 : vector<16xi32>
      %and3A_657 = arith.constant 127 : i32
      %and3A_658 = vector.broadcast %and3A_657 : i32 to vector<16xi32>
      %and3A_659 = arith.andi %get3A_651, %and3A_658 : vector<16xi32>
      %add3A_660 = arith.addi %shift_left3A_656, %and3A_659 : vector<16xi32>
      %add3A_661 = arith.addi %add3A_660, %mul3A_38 : vector<16xi32>
      tpu.vector_store_idx %arg6[%add3A_661], %select_n3A_45 {add = true} : memref<65536xi32, #tpu.memory_space<vmem>>[vector<16xi32>], vector<16xi32>,
      %add3A_662 = arith.constant 0 : i32
      %add3A_663 = arith.addi %mul3A_645, %add3A_662 : i32
      %get3A_664 = arith.constant 1 : i32
      %get3A_665 = arith.index_cast %add3A_663 : i32 to index
      %get3A_666 = arith.index_cast %get3A_664 : i32 to index
      %get3A_667 = arith.index_cast %mul3A_65 : i32 to index
      %get3A_668 = tpu.vector_load %arg4[%get3A_665, %get3A_666, %get3A_667] {strides = array<i32>} : memref<100x2x128xi32, #tpu.memory_space<vmem>>, vector<16xi32>,
      %and3A_669 = arith.constant 8064 : i32
      %and3A_670 = vector.broadcast %and3A_669 : i32 to vector<16xi32>
      %and3A_671 = arith.andi %get3A_668, %and3A_670 : vector<16xi32>
      %shift_left3A_672 = arith.constant 3 : i32
      %shift_left3A_673 = vector.broadcast %shift_left3A_672 : i32 to vector<16xi32>
      %shift_left3A_674 = arith.shli %and3A_671, %shift_left3A_673 : vector<16xi32>
      %and3A_675 = arith.constant 127 : i32
      %and3A_676 = vector.broadcast %and3A_675 : i32 to vector<16xi32>
      %and3A_677 = arith.andi %get3A_668, %and3A_676 : vector<16xi32>
      %add3A_678 = arith.addi %shift_left3A_674, %and3A_677 : vector<16xi32>
      %add3A_679 = arith.addi %add3A_678, %mul3A_38 : vector<16xi32>
      tpu.vector_store_idx %arg6[%add3A_679], %select_n3A_45 {add = true} : memref<65536xi32, #tpu.memory_space<vmem>>[vector<16xi32>], vector<16xi32>,
      %add3A_680 = arith.constant 1 : i32
      %add3A_681 = arith.addi %mul3A_645, %add3A_680 : i32
      %get3A_682 = arith.constant 0 : i32
      %get3A_683 = arith.index_cast %add3A_681 : i32 to index
      %get3A_684 = arith.index_cast %get3A_682 : i32 to index
      %get3A_685 = arith.index_cast %mul3A_65 : i32 to index
      %get3A_686 = tpu.vector_load %arg4[%get3A_683, %get3A_684, %get3A_685] {strides = array<i32>} : memref<100x2x128xi32, #tpu.memory_space<vmem>>, vector<16xi32>,
      %and3A_687 = arith.constant 8064 : i32
      %and3A_688 = vector.broadcast %and3A_687 : i32 to vector<16xi32>
      %and3A_689 = arith.andi %get3A_686, %and3A_688 : vector<16xi32>
      %shift_left3A_690 = arith.constant 3 : i32
      %shift_left3A_691 = vector.broadcast %shift_left3A_690 : i32 to vector<16xi32>
      %shift_left3A_692 = arith.shli %and3A_689, %shift_left3A_691 : vector<16xi32>
      %and3A_693 = arith.constant 127 : i32
      %and3A_694 = vector.broadcast %and3A_693 : i32 to vector<16xi32>
      %and3A_695 = arith.andi %get3A_686, %and3A_694 : vector<16xi32>
      %add3A_696 = arith.addi %shift_left3A_692, %and3A_695 : vector<16xi32>
      %add3A_697 = arith.addi %add3A_696, %mul3A_38 : vector<16xi32>
      tpu.vector_store_idx %arg6[%add3A_697], %select_n3A_45 {add = true} : memref<65536xi32, #tpu.memory_space<vmem>>[vector<16xi32>], vector<16xi32>,
      %add3A_698 = arith.constant 1 : i32
      %add3A_699 = arith.addi %mul3A_645, %add3A_698 : i32
      %get3A_700 = arith.constant 1 : i32
      %get3A_701 = arith.index_cast %add3A_699 : i32 to index
      %get3A_702 = arith.index_cast %get3A_700 : i32 to index
      %get3A_703 = arith.index_cast %mul3A_65 : i32 to index
      %get3A_704 = tpu.vector_load %arg4[%get3A_701, %get3A_702, %get3A_703] {strides = array<i32>} : memref<100x2x128xi32, #tpu.memory_space<vmem>>, vector<16xi32>,
      %and3A_705 = arith.constant 8064 : i32
      %and3A_706 = vector.broadcast %and3A_705 : i32 to vector<16xi32>
      %and3A_707 = arith.andi %get3A_704, %and3A_706 : vector<16xi32>
      %shift_left3A_708 = arith.constant 3 : i32
      %shift_left3A_709 = vector.broadcast %shift_left3A_708 : i32 to vector<16xi32>
      %shift_left3A_710 = arith.shli %and3A_707, %shift_left3A_709 : vector<16xi32>
      %and3A_711 = arith.constant 127 : i32
      %and3A_712 = vector.broadcast %and3A_711 : i32 to vector<16xi32>
      %and3A_713 = arith.andi %get3A_704, %and3A_712 : vector<16xi32>
      %add3A_714 = arith.addi %shift_left3A_710, %and3A_713 : vector<16xi32>
      %add3A_715 = arith.addi %add3A_714, %mul3A_38 : vector<16xi32>
      tpu.vector_store_idx %arg6[%add3A_715], %select_n3A_45 {add = true} : memref<65536xi32, #tpu.memory_space<vmem>>[vector<16xi32>], vector<16xi32>,
      %add3A_716 = arith.constant 2 : i32
      %add3A_717 = arith.addi %mul3A_645, %add3A_716 : i32
      %get3A_718 = arith.constant 0 : i32
      %get3A_719 = arith.index_cast %add3A_717 : i32 to index
      %get3A_720 = arith.index_cast %get3A_718 : i32 to index
      %get3A_721 = arith.index_cast %mul3A_65 : i32 to index
      %get3A_722 = tpu.vector_load %arg4[%get3A_719, %get3A_720, %get3A_721] {strides = array<i32>} : memref<100x2x128xi32, #tpu.memory_space<vmem>>, vector<16xi32>,
      %and3A_723 = arith.constant 8064 : i32
      %and3A_724 = vector.broadcast %and3A_723 : i32 to vector<16xi32>
      %and3A_725 = arith.andi %get3A_722, %and3A_724 : vector<16xi32>
      %shift_left3A_726 = arith.constant 3 : i32
      %shift_left3A_727 = vector.broadcast %shift_left3A_726 : i32 to vector<16xi32>
      %shift_left3A_728 = arith.shli %and3A_725, %shift_left3A_727 : vector<16xi32>
      %and3A_729 = arith.constant 127 : i32
      %and3A_730 = vector.broadcast %and3A_729 : i32 to vector<16xi32>
      %and3A_731 = arith.andi %get3A_722, %and3A_730 : vector<16xi32>
      %add3A_732 = arith.addi %shift_left3A_728, %and3A_731 : vector<16xi32>
      %add3A_733 = arith.addi %add3A_732, %mul3A_38 : vector<16xi32>
      tpu.vector_store_idx %arg6[%add3A_733], %select_n3A_45 {add = true} : memref<65536xi32, #tpu.memory_space<vmem>>[vector<16xi32>], vector<16xi32>,
      %add3A_734 = arith.constant 2 : i32
      %add3A_735 = arith.addi %mul3A_645, %add3A_734 : i32
      %get3A_736 = arith.constant 1 : i32
      %get3A_737 = arith.index_cast %add3A_735 : i32 to index
      %get3A_738 = arith.index_cast %get3A_736 : i32 to index
      %get3A_739 = arith.index_cast %mul3A_65 : i32 to index
      %get3A_740 = tpu.vector_load %arg4[%get3A_737, %get3A_738, %get3A_739] {strides = array<i32>} : memref<100x2x128xi32, #tpu.memory_space<vmem>>, vector<16xi32>,
      %and3A_741 = arith.constant 8064 : i32
      %and3A_742 = vector.broadcast %and3A_741 : i32 to vector<16xi32>
      %and3A_743 = arith.andi %get3A_740, %and3A_742 : vector<16xi32>
      %shift_left3A_744 = arith.constant 3 : i32
      %shift_left3A_745 = vector.broadcast %shift_left3A_744 : i32 to vector<16xi32>
      %shift_left3A_746 = arith.shli %and3A_743, %shift_left3A_745 : vector<16xi32>
      %and3A_747 = arith.constant 127 : i32
      %and3A_748 = vector.broadcast %and3A_747 : i32 to vector<16xi32>
      %and3A_749 = arith.andi %get3A_740, %and3A_748 : vector<16xi32>
      %add3A_750 = arith.addi %shift_left3A_746, %and3A_749 : vector<16xi32>
      %add3A_751 = arith.addi %add3A_750, %mul3A_38 : vector<16xi32>
      tpu.vector_store_idx %arg6[%add3A_751], %select_n3A_45 {add = true} : memref<65536xi32, #tpu.memory_space<vmem>>[vector<16xi32>], vector<16xi32>,
      %add3A_752 = arith.constant 3 : i32
      %add3A_753 = arith.addi %mul3A_645, %add3A_752 : i32
      %get3A_754 = arith.constant 0 : i32
      %get3A_755 = arith.index_cast %add3A_753 : i32 to index
      %get3A_756 = arith.index_cast %get3A_754 : i32 to index
      %get3A_757 = arith.index_cast %mul3A_65 : i32 to index
      %get3A_758 = tpu.vector_load %arg4[%get3A_755, %get3A_756, %get3A_757] {strides = array<i32>} : memref<100x2x128xi32, #tpu.memory_space<vmem>>, vector<16xi32>,
      %and3A_759 = arith.constant 8064 : i32
      %and3A_760 = vector.broadcast %and3A_759 : i32 to vector<16xi32>
      %and3A_761 = arith.andi %get3A_758, %and3A_760 : vector<16xi32>
      %shift_left3A_762 = arith.constant 3 : i32
      %shift_left3A_763 = vector.broadcast %shift_left3A_762 : i32 to vector<16xi32>
      %shift_left3A_764 = arith.shli %and3A_761, %shift_left3A_763 : vector<16xi32>
      %and3A_765 = arith.constant 127 : i32
      %and3A_766 = vector.broadcast %and3A_765 : i32 to vector<16xi32>
      %and3A_767 = arith.andi %get3A_758, %and3A_766 : vector<16xi32>
      %add3A_768 = arith.addi %shift_left3A_764, %and3A_767 : vector<16xi32>
      %add3A_769 = arith.addi %add3A_768, %mul3A_38 : vector<16xi32>
      tpu.vector_store_idx %arg6[%add3A_769], %select_n3A_45 {add = true} : memref<65536xi32, #tpu.memory_space<vmem>>[vector<16xi32>], vector<16xi32>,
      %add3A_770 = arith.constant 3 : i32
      %add3A_771 = arith.addi %mul3A_645, %add3A_770 : i32
      %get3A_772 = arith.constant 1 : i32
      %get3A_773 = arith.index_cast %add3A_771 : i32 to index
      %get3A_774 = arith.index_cast %get3A_772 : i32 to index
      %get3A_775 = arith.index_cast %mul3A_65 : i32 to index
      %get3A_776 = tpu.vector_load %arg4[%get3A_773, %get3A_774, %get3A_775] {strides = array<i32>} : memref<100x2x128xi32, #tpu.memory_space<vmem>>, vector<16xi32>,
      %and3A_777 = arith.constant 8064 : i32
      %and3A_778 = vector.broadcast %and3A_777 : i32 to vector<16xi32>
      %and3A_779 = arith.andi %get3A_776, %and3A_778 : vector<16xi32>
      %shift_left3A_780 = arith.constant 3 : i32
      %shift_left3A_781 = vector.broadcast %shift_left3A_780 : i32 to vector<16xi32>
      %shift_left3A_782 = arith.shli %and3A_779, %shift_left3A_781 : vector<16xi32>
      %and3A_783 = arith.constant 127 : i32
      %and3A_784 = vector.broadcast %and3A_783 : i32 to vector<16xi32>
      %and3A_785 = arith.andi %get3A_776, %and3A_784 : vector<16xi32>
      %add3A_786 = arith.addi %shift_left3A_782, %and3A_785 : vector<16xi32>
      %add3A_787 = arith.addi %add3A_786, %mul3A_38 : vector<16xi32>
      tpu.vector_store_idx %arg6[%add3A_787], %select_n3A_45 {add = true} : memref<65536xi32, #tpu.memory_space<vmem>>[vector<16xi32>], vector<16xi32>,
    }
    %scan3A_145 = arith.constant 25 : i32
    %dma_wait3A_146 = arith.constant 300 : i32
    %dma_wait3A_147 = arith.constant 0 : i32
    %dma_wait3A_148 = arith.constant 0 : i32
    %dma_wait3A_149 = tpu.memref_slice %arg2[%dma_wait3A_146, %select_n3A, %dma_wait3A_147, %dma_wait3A_148] : memref<1100x8x2x128xi32, #tpu.memory_space<hbm>> -> memref<100x1x2x128xi32, #tpu.memory_space<hbm>>
    %dma_wait3A_150 = tpu.memref_squeeze %dma_wait3A_149 : memref<100x1x2x128xi32, #tpu.memory_space<hbm>> -> memref<100x2x128xi32, #tpu.memory_space<hbm>>
    %dma_wait3A_151 = arith.constant 300 : i32
    %dma_wait3A_152 = arith.constant 0 : i32
    %dma_wait3A_153 = arith.constant 0 : i32
    %dma_wait3A_154 = tpu.memref_slice %arg2[%dma_wait3A_151, %select_n3A, %dma_wait3A_152, %dma_wait3A_153] : memref<1100x8x2x128xi32, #tpu.memory_space<hbm>> -> memref<100x1x2x128xi32, #tpu.memory_space<hbm>>
    %dma_wait3A_155 = tpu.memref_squeeze %dma_wait3A_154 : memref<100x1x2x128xi32, #tpu.memory_space<hbm>> -> memref<100x2x128xi32, #tpu.memory_space<hbm>>
    tpu.wait_dma2 semaphore(%arg8 : memref<!tpu.dma_semaphore, #tpu.memory_space<semaphore_mem>>) src(%dma_wait3A_155 : memref<100x2x128xi32, #tpu.memory_space<hbm>>) dst(%arg5 : memref<100x2x128xi32, #tpu.memory_space<vmem>>)
    %dma_start3A_156 = arith.constant 400 : i32
    %dma_start3A_157 = arith.constant 0 : i32
    %dma_start3A_158 = arith.constant 0 : i32
    %dma_start3A_159 = tpu.memref_slice %arg2[%dma_start3A_156, %select_n3A, %dma_start3A_157, %dma_start3A_158] : memref<1100x8x2x128xi32, #tpu.memory_space<hbm>> -> memref<100x1x2x128xi32, #tpu.memory_space<hbm>>
    %dma_start3A_160 = tpu.memref_squeeze %dma_start3A_159 : memref<100x1x2x128xi32, #tpu.memory_space<hbm>> -> memref<100x2x128xi32, #tpu.memory_space<hbm>>
    %dma_start3A_161 = arith.constant 400 : i32
    %dma_start3A_162 = arith.constant 0 : i32
    %dma_start3A_163 = arith.constant 0 : i32
    %dma_start3A_164 = tpu.memref_slice %arg2[%dma_start3A_161, %select_n3A, %dma_start3A_162, %dma_start3A_163] : memref<1100x8x2x128xi32, #tpu.memory_space<hbm>> -> memref<100x1x2x128xi32, #tpu.memory_space<hbm>>
    %dma_start3A_165 = tpu.memref_squeeze %dma_start3A_164 : memref<100x1x2x128xi32, #tpu.memory_space<hbm>> -> memref<100x2x128xi32, #tpu.memory_space<hbm>>
    tpu.enqueue_dma source(%dma_start3A_165 : memref<100x2x128xi32, #tpu.memory_space<hbm>>) target(%arg4 : memref<100x2x128xi32, #tpu.memory_space<vmem>>) target_semaphore(%arg7 : memref<!tpu.dma_semaphore, #tpu.memory_space<semaphore_mem>>)
    %scan3A_166 = arith.constant 0 : i32
    %scan3A_167 = arith.constant 0 : i32
    %scan3A_168 = arith.constant 25 : i32
    %scan3A_169 = arith.addi %scan3A_167, %scan3A_168 : i32
    %scan3A_170 = arith.constant 1 : i32
    scf.for %scan3A_643 = %scan3A_167 to %scan3A_169 step %scan3A_170  : i32 {
      %mul3A_644 = arith.constant 4 : i32
      %mul3A_645 = arith.muli %scan3A_643, %mul3A_644 : i32
      %add3A_646 = arith.constant 0 : i32
      %add3A_647 = arith.addi %mul3A_645, %add3A_646 : i32
      %get3A = arith.constant 0 : i32
      %get3A_648 = arith.index_cast %add3A_647 : i32 to index
      %get3A_649 = arith.index_cast %get3A : i32 to index
      %get3A_650 = arith.index_cast %mul3A_65 : i32 to index
      %get3A_651 = tpu.vector_load %arg5[%get3A_648, %get3A_649, %get3A_650] {strides = array<i32>} : memref<100x2x128xi32, #tpu.memory_space<vmem>>, vector<16xi32>,
      %and3A_652 = arith.constant 8064 : i32
      %and3A_653 = vector.broadcast %and3A_652 : i32 to vector<16xi32>
      %and3A_654 = arith.andi %get3A_651, %and3A_653 : vector<16xi32>
      %shift_left3A = arith.constant 3 : i32
      %shift_left3A_655 = vector.broadcast %shift_left3A : i32 to vector<16xi32>
      %shift_left3A_656 = arith.shli %and3A_654, %shift_left3A_655 : vector<16xi32>
      %and3A_657 = arith.constant 127 : i32
      %and3A_658 = vector.broadcast %and3A_657 : i32 to vector<16xi32>
      %and3A_659 = arith.andi %get3A_651, %and3A_658 : vector<16xi32>
      %add3A_660 = arith.addi %shift_left3A_656, %and3A_659 : vector<16xi32>
      %add3A_661 = arith.addi %add3A_660, %mul3A_38 : vector<16xi32>
      tpu.vector_store_idx %arg6[%add3A_661], %select_n3A_45 {add = true} : memref<65536xi32, #tpu.memory_space<vmem>>[vector<16xi32>], vector<16xi32>,
      %add3A_662 = arith.constant 0 : i32
      %add3A_663 = arith.addi %mul3A_645, %add3A_662 : i32
      %get3A_664 = arith.constant 1 : i32
      %get3A_665 = arith.index_cast %add3A_663 : i32 to index
      %get3A_666 = arith.index_cast %get3A_664 : i32 to index
      %get3A_667 = arith.index_cast %mul3A_65 : i32 to index
      %get3A_668 = tpu.vector_load %arg5[%get3A_665, %get3A_666, %get3A_667] {strides = array<i32>} : memref<100x2x128xi32, #tpu.memory_space<vmem>>, vector<16xi32>,
      %and3A_669 = arith.constant 8064 : i32
      %and3A_670 = vector.broadcast %and3A_669 : i32 to vector<16xi32>
      %and3A_671 = arith.andi %get3A_668, %and3A_670 : vector<16xi32>
      %shift_left3A_672 = arith.constant 3 : i32
      %shift_left3A_673 = vector.broadcast %shift_left3A_672 : i32 to vector<16xi32>
      %shift_left3A_674 = arith.shli %and3A_671, %shift_left3A_673 : vector<16xi32>
      %and3A_675 = arith.constant 127 : i32
      %and3A_676 = vector.broadcast %and3A_675 : i32 to vector<16xi32>
      %and3A_677 = arith.andi %get3A_668, %and3A_676 : vector<16xi32>
      %add3A_678 = arith.addi %shift_left3A_674, %and3A_677 : vector<16xi32>
      %add3A_679 = arith.addi %add3A_678, %mul3A_38 : vector<16xi32>
      tpu.vector_store_idx %arg6[%add3A_679], %select_n3A_45 {add = true} : memref<65536xi32, #tpu.memory_space<vmem>>[vector<16xi32>], vector<16xi32>,
      %add3A_680 = arith.constant 1 : i32
      %add3A_681 = arith.addi %mul3A_645, %add3A_680 : i32
      %get3A_682 = arith.constant 0 : i32
      %get3A_683 = arith.index_cast %add3A_681 : i32 to index
      %get3A_684 = arith.index_cast %get3A_682 : i32 to index
      %get3A_685 = arith.index_cast %mul3A_65 : i32 to index
      %get3A_686 = tpu.vector_load %arg5[%get3A_683, %get3A_684, %get3A_685] {strides = array<i32>} : memref<100x2x128xi32, #tpu.memory_space<vmem>>, vector<16xi32>,
      %and3A_687 = arith.constant 8064 : i32
      %and3A_688 = vector.broadcast %and3A_687 : i32 to vector<16xi32>
      %and3A_689 = arith.andi %get3A_686, %and3A_688 : vector<16xi32>
      %shift_left3A_690 = arith.constant 3 : i32
      %shift_left3A_691 = vector.broadcast %shift_left3A_690 : i32 to vector<16xi32>
      %shift_left3A_692 = arith.shli %and3A_689, %shift_left3A_691 : vector<16xi32>
      %and3A_693 = arith.constant 127 : i32
      %and3A_694 = vector.broadcast %and3A_693 : i32 to vector<16xi32>
      %and3A_695 = arith.andi %get3A_686, %and3A_694 : vector<16xi32>
      %add3A_696 = arith.addi %shift_left3A_692, %and3A_695 : vector<16xi32>
      %add3A_697 = arith.addi %add3A_696, %mul3A_38 : vector<16xi32>
      tpu.vector_store_idx %arg6[%add3A_697], %select_n3A_45 {add = true} : memref<65536xi32, #tpu.memory_space<vmem>>[vector<16xi32>], vector<16xi32>,
      %add3A_698 = arith.constant 1 : i32
      %add3A_699 = arith.addi %mul3A_645, %add3A_698 : i32
      %get3A_700 = arith.constant 1 : i32
      %get3A_701 = arith.index_cast %add3A_699 : i32 to index
      %get3A_702 = arith.index_cast %get3A_700 : i32 to index
      %get3A_703 = arith.index_cast %mul3A_65 : i32 to index
      %get3A_704 = tpu.vector_load %arg5[%get3A_701, %get3A_702, %get3A_703] {strides = array<i32>} : memref<100x2x128xi32, #tpu.memory_space<vmem>>, vector<16xi32>,
      %and3A_705 = arith.constant 8064 : i32
      %and3A_706 = vector.broadcast %and3A_705 : i32 to vector<16xi32>
      %and3A_707 = arith.andi %get3A_704, %and3A_706 : vector<16xi32>
      %shift_left3A_708 = arith.constant 3 : i32
      %shift_left3A_709 = vector.broadcast %shift_left3A_708 : i32 to vector<16xi32>
      %shift_left3A_710 = arith.shli %and3A_707, %shift_left3A_709 : vector<16xi32>
      %and3A_711 = arith.constant 127 : i32
      %and3A_712 = vector.broadcast %and3A_711 : i32 to vector<16xi32>
      %and3A_713 = arith.andi %get3A_704, %and3A_712 : vector<16xi32>
      %add3A_714 = arith.addi %shift_left3A_710, %and3A_713 : vector<16xi32>
      %add3A_715 = arith.addi %add3A_714, %mul3A_38 : vector<16xi32>
      tpu.vector_store_idx %arg6[%add3A_715], %select_n3A_45 {add = true} : memref<65536xi32, #tpu.memory_space<vmem>>[vector<16xi32>], vector<16xi32>,
      %add3A_716 = arith.constant 2 : i32
      %add3A_717 = arith.addi %mul3A_645, %add3A_716 : i32
      %get3A_718 = arith.constant 0 : i32
      %get3A_719 = arith.index_cast %add3A_717 : i32 to index
      %get3A_720 = arith.index_cast %get3A_718 : i32 to index
      %get3A_721 = arith.index_cast %mul3A_65 : i32 to index
      %get3A_722 = tpu.vector_load %arg5[%get3A_719, %get3A_720, %get3A_721] {strides = array<i32>} : memref<100x2x128xi32, #tpu.memory_space<vmem>>, vector<16xi32>,
      %and3A_723 = arith.constant 8064 : i32
      %and3A_724 = vector.broadcast %and3A_723 : i32 to vector<16xi32>
      %and3A_725 = arith.andi %get3A_722, %and3A_724 : vector<16xi32>
      %shift_left3A_726 = arith.constant 3 : i32
      %shift_left3A_727 = vector.broadcast %shift_left3A_726 : i32 to vector<16xi32>
      %shift_left3A_728 = arith.shli %and3A_725, %shift_left3A_727 : vector<16xi32>
      %and3A_729 = arith.constant 127 : i32
      %and3A_730 = vector.broadcast %and3A_729 : i32 to vector<16xi32>
      %and3A_731 = arith.andi %get3A_722, %and3A_730 : vector<16xi32>
      %add3A_732 = arith.addi %shift_left3A_728, %and3A_731 : vector<16xi32>
      %add3A_733 = arith.addi %add3A_732, %mul3A_38 : vector<16xi32>
      tpu.vector_store_idx %arg6[%add3A_733], %select_n3A_45 {add = true} : memref<65536xi32, #tpu.memory_space<vmem>>[vector<16xi32>], vector<16xi32>,
      %add3A_734 = arith.constant 2 : i32
      %add3A_735 = arith.addi %mul3A_645, %add3A_734 : i32
      %get3A_736 = arith.constant 1 : i32
      %get3A_737 = arith.index_cast %add3A_735 : i32 to index
      %get3A_738 = arith.index_cast %get3A_736 : i32 to index
      %get3A_739 = arith.index_cast %mul3A_65 : i32 to index
      %get3A_740 = tpu.vector_load %arg5[%get3A_737, %get3A_738, %get3A_739] {strides = array<i32>} : memref<100x2x128xi32, #tpu.memory_space<vmem>>, vector<16xi32>,
      %and3A_741 = arith.constant 8064 : i32
      %and3A_742 = vector.broadcast %and3A_741 : i32 to vector<16xi32>
      %and3A_743 = arith.andi %get3A_740, %and3A_742 : vector<16xi32>
      %shift_left3A_744 = arith.constant 3 : i32
      %shift_left3A_745 = vector.broadcast %shift_left3A_744 : i32 to vector<16xi32>
      %shift_left3A_746 = arith.shli %and3A_743, %shift_left3A_745 : vector<16xi32>
      %and3A_747 = arith.constant 127 : i32
      %and3A_748 = vector.broadcast %and3A_747 : i32 to vector<16xi32>
      %and3A_749 = arith.andi %get3A_740, %and3A_748 : vector<16xi32>
      %add3A_750 = arith.addi %shift_left3A_746, %and3A_749 : vector<16xi32>
      %add3A_751 = arith.addi %add3A_750, %mul3A_38 : vector<16xi32>
      tpu.vector_store_idx %arg6[%add3A_751], %select_n3A_45 {add = true} : memref<65536xi32, #tpu.memory_space<vmem>>[vector<16xi32>], vector<16xi32>,
      %add3A_752 = arith.constant 3 : i32
      %add3A_753 = arith.addi %mul3A_645, %add3A_752 : i32
      %get3A_754 = arith.constant 0 : i32
      %get3A_755 = arith.index_cast %add3A_753 : i32 to index
      %get3A_756 = arith.index_cast %get3A_754 : i32 to index
      %get3A_757 = arith.index_cast %mul3A_65 : i32 to index
      %get3A_758 = tpu.vector_load %arg5[%get3A_755, %get3A_756, %get3A_757] {strides = array<i32>} : memref<100x2x128xi32, #tpu.memory_space<vmem>>, vector<16xi32>,
      %and3A_759 = arith.constant 8064 : i32
      %and3A_760 = vector.broadcast %and3A_759 : i32 to vector<16xi32>
      %and3A_761 = arith.andi %get3A_758, %and3A_760 : vector<16xi32>
      %shift_left3A_762 = arith.constant 3 : i32
      %shift_left3A_763 = vector.broadcast %shift_left3A_762 : i32 to vector<16xi32>
      %shift_left3A_764 = arith.shli %and3A_761, %shift_left3A_763 : vector<16xi32>
      %and3A_765 = arith.constant 127 : i32
      %and3A_766 = vector.broadcast %and3A_765 : i32 to vector<16xi32>
      %and3A_767 = arith.andi %get3A_758, %and3A_766 : vector<16xi32>
      %add3A_768 = arith.addi %shift_left3A_764, %and3A_767 : vector<16xi32>
      %add3A_769 = arith.addi %add3A_768, %mul3A_38 : vector<16xi32>
      tpu.vector_store_idx %arg6[%add3A_769], %select_n3A_45 {add = true} : memref<65536xi32, #tpu.memory_space<vmem>>[vector<16xi32>], vector<16xi32>,
      %add3A_770 = arith.constant 3 : i32
      %add3A_771 = arith.addi %mul3A_645, %add3A_770 : i32
      %get3A_772 = arith.constant 1 : i32
      %get3A_773 = arith.index_cast %add3A_771 : i32 to index
      %get3A_774 = arith.index_cast %get3A_772 : i32 to index
      %get3A_775 = arith.index_cast %mul3A_65 : i32 to index
      %get3A_776 = tpu.vector_load %arg5[%get3A_773, %get3A_774, %get3A_775] {strides = array<i32>} : memref<100x2x128xi32, #tpu.memory_space<vmem>>, vector<16xi32>,
      %and3A_777 = arith.constant 8064 : i32
      %and3A_778 = vector.broadcast %and3A_777 : i32 to vector<16xi32>
      %and3A_779 = arith.andi %get3A_776, %and3A_778 : vector<16xi32>
      %shift_left3A_780 = arith.constant 3 : i32
      %shift_left3A_781 = vector.broadcast %shift_left3A_780 : i32 to vector<16xi32>
      %shift_left3A_782 = arith.shli %and3A_779, %shift_left3A_781 : vector<16xi32>
      %and3A_783 = arith.constant 127 : i32
      %and3A_784 = vector.broadcast %and3A_783 : i32 to vector<16xi32>
      %and3A_785 = arith.andi %get3A_776, %and3A_784 : vector<16xi32>
      %add3A_786 = arith.addi %shift_left3A_782, %and3A_785 : vector<16xi32>
      %add3A_787 = arith.addi %add3A_786, %mul3A_38 : vector<16xi32>
      tpu.vector_store_idx %arg6[%add3A_787], %select_n3A_45 {add = true} : memref<65536xi32, #tpu.memory_space<vmem>>[vector<16xi32>], vector<16xi32>,
    }
    %scan3A_171 = arith.constant 25 : i32
    %dma_wait3A_172 = arith.constant 400 : i32
    %dma_wait3A_173 = arith.constant 0 : i32
    %dma_wait3A_174 = arith.constant 0 : i32
    %dma_wait3A_175 = tpu.memref_slice %arg2[%dma_wait3A_172, %select_n3A, %dma_wait3A_173, %dma_wait3A_174] : memref<1100x8x2x128xi32, #tpu.memory_space<hbm>> -> memref<100x1x2x128xi32, #tpu.memory_space<hbm>>
    %dma_wait3A_176 = tpu.memref_squeeze %dma_wait3A_175 : memref<100x1x2x128xi32, #tpu.memory_space<hbm>> -> memref<100x2x128xi32, #tpu.memory_space<hbm>>
    %dma_wait3A_177 = arith.constant 400 : i32
    %dma_wait3A_178 = arith.constant 0 : i32
    %dma_wait3A_179 = arith.constant 0 : i32
    %dma_wait3A_180 = tpu.memref_slice %arg2[%dma_wait3A_177, %select_n3A, %dma_wait3A_178, %dma_wait3A_179] : memref<1100x8x2x128xi32, #tpu.memory_space<hbm>> -> memref<100x1x2x128xi32, #tpu.memory_space<hbm>>
    %dma_wait3A_181 = tpu.memref_squeeze %dma_wait3A_180 : memref<100x1x2x128xi32, #tpu.memory_space<hbm>> -> memref<100x2x128xi32, #tpu.memory_space<hbm>>
    tpu.wait_dma2 semaphore(%arg7 : memref<!tpu.dma_semaphore, #tpu.memory_space<semaphore_mem>>) src(%dma_wait3A_181 : memref<100x2x128xi32, #tpu.memory_space<hbm>>) dst(%arg4 : memref<100x2x128xi32, #tpu.memory_space<vmem>>)
    %dma_start3A_182 = arith.constant 500 : i32
    %dma_start3A_183 = arith.constant 0 : i32
    %dma_start3A_184 = arith.constant 0 : i32
    %dma_start3A_185 = tpu.memref_slice %arg2[%dma_start3A_182, %select_n3A, %dma_start3A_183, %dma_start3A_184] : memref<1100x8x2x128xi32, #tpu.memory_space<hbm>> -> memref<100x1x2x128xi32, #tpu.memory_space<hbm>>
    %dma_start3A_186 = tpu.memref_squeeze %dma_start3A_185 : memref<100x1x2x128xi32, #tpu.memory_space<hbm>> -> memref<100x2x128xi32, #tpu.memory_space<hbm>>
    %dma_start3A_187 = arith.constant 500 : i32
    %dma_start3A_188 = arith.constant 0 : i32
    %dma_start3A_189 = arith.constant 0 : i32
    %dma_start3A_190 = tpu.memref_slice %arg2[%dma_start3A_187, %select_n3A, %dma_start3A_188, %dma_start3A_189] : memref<1100x8x2x128xi32, #tpu.memory_space<hbm>> -> memref<100x1x2x128xi32, #tpu.memory_space<hbm>>
    %dma_start3A_191 = tpu.memref_squeeze %dma_start3A_190 : memref<100x1x2x128xi32, #tpu.memory_space<hbm>> -> memref<100x2x128xi32, #tpu.memory_space<hbm>>
    tpu.enqueue_dma source(%dma_start3A_191 : memref<100x2x128xi32, #tpu.memory_space<hbm>>) target(%arg5 : memref<100x2x128xi32, #tpu.memory_space<vmem>>) target_semaphore(%arg8 : memref<!tpu.dma_semaphore, #tpu.memory_space<semaphore_mem>>)
    %scan3A_192 = arith.constant 0 : i32
    %scan3A_193 = arith.constant 0 : i32
    %scan3A_194 = arith.constant 25 : i32
    %scan3A_195 = arith.addi %scan3A_193, %scan3A_194 : i32
    %scan3A_196 = arith.constant 1 : i32
    scf.for %scan3A_643 = %scan3A_193 to %scan3A_195 step %scan3A_196  : i32 {
      %mul3A_644 = arith.constant 4 : i32
      %mul3A_645 = arith.muli %scan3A_643, %mul3A_644 : i32
      %add3A_646 = arith.constant 0 : i32
      %add3A_647 = arith.addi %mul3A_645, %add3A_646 : i32
      %get3A = arith.constant 0 : i32
      %get3A_648 = arith.index_cast %add3A_647 : i32 to index
      %get3A_649 = arith.index_cast %get3A : i32 to index
      %get3A_650 = arith.index_cast %mul3A_65 : i32 to index
      %get3A_651 = tpu.vector_load %arg4[%get3A_648, %get3A_649, %get3A_650] {strides = array<i32>} : memref<100x2x128xi32, #tpu.memory_space<vmem>>, vector<16xi32>,
      %and3A_652 = arith.constant 8064 : i32
      %and3A_653 = vector.broadcast %and3A_652 : i32 to vector<16xi32>
      %and3A_654 = arith.andi %get3A_651, %and3A_653 : vector<16xi32>
      %shift_left3A = arith.constant 3 : i32
      %shift_left3A_655 = vector.broadcast %shift_left3A : i32 to vector<16xi32>
      %shift_left3A_656 = arith.shli %and3A_654, %shift_left3A_655 : vector<16xi32>
      %and3A_657 = arith.constant 127 : i32
      %and3A_658 = vector.broadcast %and3A_657 : i32 to vector<16xi32>
      %and3A_659 = arith.andi %get3A_651, %and3A_658 : vector<16xi32>
      %add3A_660 = arith.addi %shift_left3A_656, %and3A_659 : vector<16xi32>
      %add3A_661 = arith.addi %add3A_660, %mul3A_38 : vector<16xi32>
      tpu.vector_store_idx %arg6[%add3A_661], %select_n3A_45 {add = true} : memref<65536xi32, #tpu.memory_space<vmem>>[vector<16xi32>], vector<16xi32>,
      %add3A_662 = arith.constant 0 : i32
      %add3A_663 = arith.addi %mul3A_645, %add3A_662 : i32
      %get3A_664 = arith.constant 1 : i32
      %get3A_665 = arith.index_cast %add3A_663 : i32 to index
      %get3A_666 = arith.index_cast %get3A_664 : i32 to index
      %get3A_667 = arith.index_cast %mul3A_65 : i32 to index
      %get3A_668 = tpu.vector_load %arg4[%get3A_665, %get3A_666, %get3A_667] {strides = array<i32>} : memref<100x2x128xi32, #tpu.memory_space<vmem>>, vector<16xi32>,
      %and3A_669 = arith.constant 8064 : i32
      %and3A_670 = vector.broadcast %and3A_669 : i32 to vector<16xi32>
      %and3A_671 = arith.andi %get3A_668, %and3A_670 : vector<16xi32>
      %shift_left3A_672 = arith.constant 3 : i32
      %shift_left3A_673 = vector.broadcast %shift_left3A_672 : i32 to vector<16xi32>
      %shift_left3A_674 = arith.shli %and3A_671, %shift_left3A_673 : vector<16xi32>
      %and3A_675 = arith.constant 127 : i32
      %and3A_676 = vector.broadcast %and3A_675 : i32 to vector<16xi32>
      %and3A_677 = arith.andi %get3A_668, %and3A_676 : vector<16xi32>
      %add3A_678 = arith.addi %shift_left3A_674, %and3A_677 : vector<16xi32>
      %add3A_679 = arith.addi %add3A_678, %mul3A_38 : vector<16xi32>
      tpu.vector_store_idx %arg6[%add3A_679], %select_n3A_45 {add = true} : memref<65536xi32, #tpu.memory_space<vmem>>[vector<16xi32>], vector<16xi32>,
      %add3A_680 = arith.constant 1 : i32
      %add3A_681 = arith.addi %mul3A_645, %add3A_680 : i32
      %get3A_682 = arith.constant 0 : i32
      %get3A_683 = arith.index_cast %add3A_681 : i32 to index
      %get3A_684 = arith.index_cast %get3A_682 : i32 to index
      %get3A_685 = arith.index_cast %mul3A_65 : i32 to index
      %get3A_686 = tpu.vector_load %arg4[%get3A_683, %get3A_684, %get3A_685] {strides = array<i32>} : memref<100x2x128xi32, #tpu.memory_space<vmem>>, vector<16xi32>,
      %and3A_687 = arith.constant 8064 : i32
      %and3A_688 = vector.broadcast %and3A_687 : i32 to vector<16xi32>
      %and3A_689 = arith.andi %get3A_686, %and3A_688 : vector<16xi32>
      %shift_left3A_690 = arith.constant 3 : i32
      %shift_left3A_691 = vector.broadcast %shift_left3A_690 : i32 to vector<16xi32>
      %shift_left3A_692 = arith.shli %and3A_689, %shift_left3A_691 : vector<16xi32>
      %and3A_693 = arith.constant 127 : i32
      %and3A_694 = vector.broadcast %and3A_693 : i32 to vector<16xi32>
      %and3A_695 = arith.andi %get3A_686, %and3A_694 : vector<16xi32>
      %add3A_696 = arith.addi %shift_left3A_692, %and3A_695 : vector<16xi32>
      %add3A_697 = arith.addi %add3A_696, %mul3A_38 : vector<16xi32>
      tpu.vector_store_idx %arg6[%add3A_697], %select_n3A_45 {add = true} : memref<65536xi32, #tpu.memory_space<vmem>>[vector<16xi32>], vector<16xi32>,
      %add3A_698 = arith.constant 1 : i32
      %add3A_699 = arith.addi %mul3A_645, %add3A_698 : i32
      %get3A_700 = arith.constant 1 : i32
      %get3A_701 = arith.index_cast %add3A_699 : i32 to index
      %get3A_702 = arith.index_cast %get3A_700 : i32 to index
      %get3A_703 = arith.index_cast %mul3A_65 : i32 to index
      %get3A_704 = tpu.vector_load %arg4[%get3A_701, %get3A_702, %get3A_703] {strides = array<i32>} : memref<100x2x128xi32, #tpu.memory_space<vmem>>, vector<16xi32>,
      %and3A_705 = arith.constant 8064 : i32
      %and3A_706 = vector.broadcast %and3A_705 : i32 to vector<16xi32>
      %and3A_707 = arith.andi %get3A_704, %and3A_706 : vector<16xi32>
      %shift_left3A_708 = arith.constant 3 : i32
      %shift_left3A_709 = vector.broadcast %shift_left3A_708 : i32 to vector<16xi32>
      %shift_left3A_710 = arith.shli %and3A_707, %shift_left3A_709 : vector<16xi32>
      %and3A_711 = arith.constant 127 : i32
      %and3A_712 = vector.broadcast %and3A_711 : i32 to vector<16xi32>
      %and3A_713 = arith.andi %get3A_704, %and3A_712 : vector<16xi32>
      %add3A_714 = arith.addi %shift_left3A_710, %and3A_713 : vector<16xi32>
      %add3A_715 = arith.addi %add3A_714, %mul3A_38 : vector<16xi32>
      tpu.vector_store_idx %arg6[%add3A_715], %select_n3A_45 {add = true} : memref<65536xi32, #tpu.memory_space<vmem>>[vector<16xi32>], vector<16xi32>,
      %add3A_716 = arith.constant 2 : i32
      %add3A_717 = arith.addi %mul3A_645, %add3A_716 : i32
      %get3A_718 = arith.constant 0 : i32
      %get3A_719 = arith.index_cast %add3A_717 : i32 to index
      %get3A_720 = arith.index_cast %get3A_718 : i32 to index
      %get3A_721 = arith.index_cast %mul3A_65 : i32 to index
      %get3A_722 = tpu.vector_load %arg4[%get3A_719, %get3A_720, %get3A_721] {strides = array<i32>} : memref<100x2x128xi32, #tpu.memory_space<vmem>>, vector<16xi32>,
      %and3A_723 = arith.constant 8064 : i32
      %and3A_724 = vector.broadcast %and3A_723 : i32 to vector<16xi32>
      %and3A_725 = arith.andi %get3A_722, %and3A_724 : vector<16xi32>
      %shift_left3A_726 = arith.constant 3 : i32
      %shift_left3A_727 = vector.broadcast %shift_left3A_726 : i32 to vector<16xi32>
      %shift_left3A_728 = arith.shli %and3A_725, %shift_left3A_727 : vector<16xi32>
      %and3A_729 = arith.constant 127 : i32
      %and3A_730 = vector.broadcast %and3A_729 : i32 to vector<16xi32>
      %and3A_731 = arith.andi %get3A_722, %and3A_730 : vector<16xi32>
      %add3A_732 = arith.addi %shift_left3A_728, %and3A_731 : vector<16xi32>
      %add3A_733 = arith.addi %add3A_732, %mul3A_38 : vector<16xi32>
      tpu.vector_store_idx %arg6[%add3A_733], %select_n3A_45 {add = true} : memref<65536xi32, #tpu.memory_space<vmem>>[vector<16xi32>], vector<16xi32>,
      %add3A_734 = arith.constant 2 : i32
      %add3A_735 = arith.addi %mul3A_645, %add3A_734 : i32
      %get3A_736 = arith.constant 1 : i32
      %get3A_737 = arith.index_cast %add3A_735 : i32 to index
      %get3A_738 = arith.index_cast %get3A_736 : i32 to index
      %get3A_739 = arith.index_cast %mul3A_65 : i32 to index
      %get3A_740 = tpu.vector_load %arg4[%get3A_737, %get3A_738, %get3A_739] {strides = array<i32>} : memref<100x2x128xi32, #tpu.memory_space<vmem>>, vector<16xi32>,
      %and3A_741 = arith.constant 8064 : i32
      %and3A_742 = vector.broadcast %and3A_741 : i32 to vector<16xi32>
      %and3A_743 = arith.andi %get3A_740, %and3A_742 : vector<16xi32>
      %shift_left3A_744 = arith.constant 3 : i32
      %shift_left3A_745 = vector.broadcast %shift_left3A_744 : i32 to vector<16xi32>
      %shift_left3A_746 = arith.shli %and3A_743, %shift_left3A_745 : vector<16xi32>
      %and3A_747 = arith.constant 127 : i32
      %and3A_748 = vector.broadcast %and3A_747 : i32 to vector<16xi32>
      %and3A_749 = arith.andi %get3A_740, %and3A_748 : vector<16xi32>
      %add3A_750 = arith.addi %shift_left3A_746, %and3A_749 : vector<16xi32>
      %add3A_751 = arith.addi %add3A_750, %mul3A_38 : vector<16xi32>
      tpu.vector_store_idx %arg6[%add3A_751], %select_n3A_45 {add = true} : memref<65536xi32, #tpu.memory_space<vmem>>[vector<16xi32>], vector<16xi32>,
      %add3A_752 = arith.constant 3 : i32
      %add3A_753 = arith.addi %mul3A_645, %add3A_752 : i32
      %get3A_754 = arith.constant 0 : i32
      %get3A_755 = arith.index_cast %add3A_753 : i32 to index
      %get3A_756 = arith.index_cast %get3A_754 : i32 to index
      %get3A_757 = arith.index_cast %mul3A_65 : i32 to index
      %get3A_758 = tpu.vector_load %arg4[%get3A_755, %get3A_756, %get3A_757] {strides = array<i32>} : memref<100x2x128xi32, #tpu.memory_space<vmem>>, vector<16xi32>,
      %and3A_759 = arith.constant 8064 : i32
      %and3A_760 = vector.broadcast %and3A_759 : i32 to vector<16xi32>
      %and3A_761 = arith.andi %get3A_758, %and3A_760 : vector<16xi32>
      %shift_left3A_762 = arith.constant 3 : i32
      %shift_left3A_763 = vector.broadcast %shift_left3A_762 : i32 to vector<16xi32>
      %shift_left3A_764 = arith.shli %and3A_761, %shift_left3A_763 : vector<16xi32>
      %and3A_765 = arith.constant 127 : i32
      %and3A_766 = vector.broadcast %and3A_765 : i32 to vector<16xi32>
      %and3A_767 = arith.andi %get3A_758, %and3A_766 : vector<16xi32>
      %add3A_768 = arith.addi %shift_left3A_764, %and3A_767 : vector<16xi32>
      %add3A_769 = arith.addi %add3A_768, %mul3A_38 : vector<16xi32>
      tpu.vector_store_idx %arg6[%add3A_769], %select_n3A_45 {add = true} : memref<65536xi32, #tpu.memory_space<vmem>>[vector<16xi32>], vector<16xi32>,
      %add3A_770 = arith.constant 3 : i32
      %add3A_771 = arith.addi %mul3A_645, %add3A_770 : i32
      %get3A_772 = arith.constant 1 : i32
      %get3A_773 = arith.index_cast %add3A_771 : i32 to index
      %get3A_774 = arith.index_cast %get3A_772 : i32 to index
      %get3A_775 = arith.index_cast %mul3A_65 : i32 to index
      %get3A_776 = tpu.vector_load %arg4[%get3A_773, %get3A_774, %get3A_775] {strides = array<i32>} : memref<100x2x128xi32, #tpu.memory_space<vmem>>, vector<16xi32>,
      %and3A_777 = arith.constant 8064 : i32
      %and3A_778 = vector.broadcast %and3A_777 : i32 to vector<16xi32>
      %and3A_779 = arith.andi %get3A_776, %and3A_778 : vector<16xi32>
      %shift_left3A_780 = arith.constant 3 : i32
      %shift_left3A_781 = vector.broadcast %shift_left3A_780 : i32 to vector<16xi32>
      %shift_left3A_782 = arith.shli %and3A_779, %shift_left3A_781 : vector<16xi32>
      %and3A_783 = arith.constant 127 : i32
      %and3A_784 = vector.broadcast %and3A_783 : i32 to vector<16xi32>
      %and3A_785 = arith.andi %get3A_776, %and3A_784 : vector<16xi32>
      %add3A_786 = arith.addi %shift_left3A_782, %and3A_785 : vector<16xi32>
      %add3A_787 = arith.addi %add3A_786, %mul3A_38 : vector<16xi32>
      tpu.vector_store_idx %arg6[%add3A_787], %select_n3A_45 {add = true} : memref<65536xi32, #tpu.memory_space<vmem>>[vector<16xi32>], vector<16xi32>,
    }
    %scan3A_197 = arith.constant 25 : i32
    %dma_wait3A_198 = arith.constant 500 : i32
    %dma_wait3A_199 = arith.constant 0 : i32
    %dma_wait3A_200 = arith.constant 0 : i32
    %dma_wait3A_201 = tpu.memref_slice %arg2[%dma_wait3A_198, %select_n3A, %dma_wait3A_199, %dma_wait3A_200] : memref<1100x8x2x128xi32, #tpu.memory_space<hbm>> -> memref<100x1x2x128xi32, #tpu.memory_space<hbm>>
    %dma_wait3A_202 = tpu.memref_squeeze %dma_wait3A_201 : memref<100x1x2x128xi32, #tpu.memory_space<hbm>> -> memref<100x2x128xi32, #tpu.memory_space<hbm>>
    %dma_wait3A_203 = arith.constant 500 : i32
    %dma_wait3A_204 = arith.constant 0 : i32
    %dma_wait3A_205 = arith.constant 0 : i32
    %dma_wait3A_206 = tpu.memref_slice %arg2[%dma_wait3A_203, %select_n3A, %dma_wait3A_204, %dma_wait3A_205] : memref<1100x8x2x128xi32, #tpu.memory_space<hbm>> -> memref<100x1x2x128xi32, #tpu.memory_space<hbm>>
    %dma_wait3A_207 = tpu.memref_squeeze %dma_wait3A_206 : memref<100x1x2x128xi32, #tpu.memory_space<hbm>> -> memref<100x2x128xi32, #tpu.memory_space<hbm>>
    tpu.wait_dma2 semaphore(%arg8 : memref<!tpu.dma_semaphore, #tpu.memory_space<semaphore_mem>>) src(%dma_wait3A_207 : memref<100x2x128xi32, #tpu.memory_space<hbm>>) dst(%arg5 : memref<100x2x128xi32, #tpu.memory_space<vmem>>)
    %dma_start3A_208 = arith.constant 600 : i32
    %dma_start3A_209 = arith.constant 0 : i32
    %dma_start3A_210 = arith.constant 0 : i32
    %dma_start3A_211 = tpu.memref_slice %arg2[%dma_start3A_208, %select_n3A, %dma_start3A_209, %dma_start3A_210] : memref<1100x8x2x128xi32, #tpu.memory_space<hbm>> -> memref<100x1x2x128xi32, #tpu.memory_space<hbm>>
    %dma_start3A_212 = tpu.memref_squeeze %dma_start3A_211 : memref<100x1x2x128xi32, #tpu.memory_space<hbm>> -> memref<100x2x128xi32, #tpu.memory_space<hbm>>
    %dma_start3A_213 = arith.constant 600 : i32
    %dma_start3A_214 = arith.constant 0 : i32
    %dma_start3A_215 = arith.constant 0 : i32
    %dma_start3A_216 = tpu.memref_slice %arg2[%dma_start3A_213, %select_n3A, %dma_start3A_214, %dma_start3A_215] : memref<1100x8x2x128xi32, #tpu.memory_space<hbm>> -> memref<100x1x2x128xi32, #tpu.memory_space<hbm>>
    %dma_start3A_217 = tpu.memref_squeeze %dma_start3A_216 : memref<100x1x2x128xi32, #tpu.memory_space<hbm>> -> memref<100x2x128xi32, #tpu.memory_space<hbm>>
    tpu.enqueue_dma source(%dma_start3A_217 : memref<100x2x128xi32, #tpu.memory_space<hbm>>) target(%arg4 : memref<100x2x128xi32, #tpu.memory_space<vmem>>) target_semaphore(%arg7 : memref<!tpu.dma_semaphore, #tpu.memory_space<semaphore_mem>>)
    %scan3A_218 = arith.constant 0 : i32
    %scan3A_219 = arith.constant 0 : i32
    %scan3A_220 = arith.constant 25 : i32
    %scan3A_221 = arith.addi %scan3A_219, %scan3A_220 : i32
    %scan3A_222 = arith.constant 1 : i32
    scf.for %scan3A_643 = %scan3A_219 to %scan3A_221 step %scan3A_222  : i32 {
      %mul3A_644 = arith.constant 4 : i32
      %mul3A_645 = arith.muli %scan3A_643, %mul3A_644 : i32
      %add3A_646 = arith.constant 0 : i32
      %add3A_647 = arith.addi %mul3A_645, %add3A_646 : i32
      %get3A = arith.constant 0 : i32
      %get3A_648 = arith.index_cast %add3A_647 : i32 to index
      %get3A_649 = arith.index_cast %get3A : i32 to index
      %get3A_650 = arith.index_cast %mul3A_65 : i32 to index
      %get3A_651 = tpu.vector_load %arg5[%get3A_648, %get3A_649, %get3A_650] {strides = array<i32>} : memref<100x2x128xi32, #tpu.memory_space<vmem>>, vector<16xi32>,
      %and3A_652 = arith.constant 8064 : i32
      %and3A_653 = vector.broadcast %and3A_652 : i32 to vector<16xi32>
      %and3A_654 = arith.andi %get3A_651, %and3A_653 : vector<16xi32>
      %shift_left3A = arith.constant 3 : i32
      %shift_left3A_655 = vector.broadcast %shift_left3A : i32 to vector<16xi32>
      %shift_left3A_656 = arith.shli %and3A_654, %shift_left3A_655 : vector<16xi32>
      %and3A_657 = arith.constant 127 : i32
      %and3A_658 = vector.broadcast %and3A_657 : i32 to vector<16xi32>
      %and3A_659 = arith.andi %get3A_651, %and3A_658 : vector<16xi32>
      %add3A_660 = arith.addi %shift_left3A_656, %and3A_659 : vector<16xi32>
      %add3A_661 = arith.addi %add3A_660, %mul3A_38 : vector<16xi32>
      tpu.vector_store_idx %arg6[%add3A_661], %select_n3A_45 {add = true} : memref<65536xi32, #tpu.memory_space<vmem>>[vector<16xi32>], vector<16xi32>,
      %add3A_662 = arith.constant 0 : i32
      %add3A_663 = arith.addi %mul3A_645, %add3A_662 : i32
      %get3A_664 = arith.constant 1 : i32
      %get3A_665 = arith.index_cast %add3A_663 : i32 to index
      %get3A_666 = arith.index_cast %get3A_664 : i32 to index
      %get3A_667 = arith.index_cast %mul3A_65 : i32 to index
      %get3A_668 = tpu.vector_load %arg5[%get3A_665, %get3A_666, %get3A_667] {strides = array<i32>} : memref<100x2x128xi32, #tpu.memory_space<vmem>>, vector<16xi32>,
      %and3A_669 = arith.constant 8064 : i32
      %and3A_670 = vector.broadcast %and3A_669 : i32 to vector<16xi32>
      %and3A_671 = arith.andi %get3A_668, %and3A_670 : vector<16xi32>
      %shift_left3A_672 = arith.constant 3 : i32
      %shift_left3A_673 = vector.broadcast %shift_left3A_672 : i32 to vector<16xi32>
      %shift_left3A_674 = arith.shli %and3A_671, %shift_left3A_673 : vector<16xi32>
      %and3A_675 = arith.constant 127 : i32
      %and3A_676 = vector.broadcast %and3A_675 : i32 to vector<16xi32>
      %and3A_677 = arith.andi %get3A_668, %and3A_676 : vector<16xi32>
      %add3A_678 = arith.addi %shift_left3A_674, %and3A_677 : vector<16xi32>
      %add3A_679 = arith.addi %add3A_678, %mul3A_38 : vector<16xi32>
      tpu.vector_store_idx %arg6[%add3A_679], %select_n3A_45 {add = true} : memref<65536xi32, #tpu.memory_space<vmem>>[vector<16xi32>], vector<16xi32>,
      %add3A_680 = arith.constant 1 : i32
      %add3A_681 = arith.addi %mul3A_645, %add3A_680 : i32
      %get3A_682 = arith.constant 0 : i32
      %get3A_683 = arith.index_cast %add3A_681 : i32 to index
      %get3A_684 = arith.index_cast %get3A_682 : i32 to index
      %get3A_685 = arith.index_cast %mul3A_65 : i32 to index
      %get3A_686 = tpu.vector_load %arg5[%get3A_683, %get3A_684, %get3A_685] {strides = array<i32>} : memref<100x2x128xi32, #tpu.memory_space<vmem>>, vector<16xi32>,
      %and3A_687 = arith.constant 8064 : i32
      %and3A_688 = vector.broadcast %and3A_687 : i32 to vector<16xi32>
      %and3A_689 = arith.andi %get3A_686, %and3A_688 : vector<16xi32>
      %shift_left3A_690 = arith.constant 3 : i32
      %shift_left3A_691 = vector.broadcast %shift_left3A_690 : i32 to vector<16xi32>
      %shift_left3A_692 = arith.shli %and3A_689, %shift_left3A_691 : vector<16xi32>
      %and3A_693 = arith.constant 127 : i32
      %and3A_694 = vector.broadcast %and3A_693 : i32 to vector<16xi32>
      %and3A_695 = arith.andi %get3A_686, %and3A_694 : vector<16xi32>
      %add3A_696 = arith.addi %shift_left3A_692, %and3A_695 : vector<16xi32>
      %add3A_697 = arith.addi %add3A_696, %mul3A_38 : vector<16xi32>
      tpu.vector_store_idx %arg6[%add3A_697], %select_n3A_45 {add = true} : memref<65536xi32, #tpu.memory_space<vmem>>[vector<16xi32>], vector<16xi32>,
      %add3A_698 = arith.constant 1 : i32
      %add3A_699 = arith.addi %mul3A_645, %add3A_698 : i32
      %get3A_700 = arith.constant 1 : i32
      %get3A_701 = arith.index_cast %add3A_699 : i32 to index
      %get3A_702 = arith.index_cast %get3A_700 : i32 to index
      %get3A_703 = arith.index_cast %mul3A_65 : i32 to index
      %get3A_704 = tpu.vector_load %arg5[%get3A_701, %get3A_702, %get3A_703] {strides = array<i32>} : memref<100x2x128xi32, #tpu.memory_space<vmem>>, vector<16xi32>,
      %and3A_705 = arith.constant 8064 : i32
      %and3A_706 = vector.broadcast %and3A_705 : i32 to vector<16xi32>
      %and3A_707 = arith.andi %get3A_704, %and3A_706 : vector<16xi32>
      %shift_left3A_708 = arith.constant 3 : i32
      %shift_left3A_709 = vector.broadcast %shift_left3A_708 : i32 to vector<16xi32>
      %shift_left3A_710 = arith.shli %and3A_707, %shift_left3A_709 : vector<16xi32>
      %and3A_711 = arith.constant 127 : i32
      %and3A_712 = vector.broadcast %and3A_711 : i32 to vector<16xi32>
      %and3A_713 = arith.andi %get3A_704, %and3A_712 : vector<16xi32>
      %add3A_714 = arith.addi %shift_left3A_710, %and3A_713 : vector<16xi32>
      %add3A_715 = arith.addi %add3A_714, %mul3A_38 : vector<16xi32>
      tpu.vector_store_idx %arg6[%add3A_715], %select_n3A_45 {add = true} : memref<65536xi32, #tpu.memory_space<vmem>>[vector<16xi32>], vector<16xi32>,
      %add3A_716 = arith.constant 2 : i32
      %add3A_717 = arith.addi %mul3A_645, %add3A_716 : i32
      %get3A_718 = arith.constant 0 : i32
      %get3A_719 = arith.index_cast %add3A_717 : i32 to index
      %get3A_720 = arith.index_cast %get3A_718 : i32 to index
      %get3A_721 = arith.index_cast %mul3A_65 : i32 to index
      %get3A_722 = tpu.vector_load %arg5[%get3A_719, %get3A_720, %get3A_721] {strides = array<i32>} : memref<100x2x128xi32, #tpu.memory_space<vmem>>, vector<16xi32>,
      %and3A_723 = arith.constant 8064 : i32
      %and3A_724 = vector.broadcast %and3A_723 : i32 to vector<16xi32>
      %and3A_725 = arith.andi %get3A_722, %and3A_724 : vector<16xi32>
      %shift_left3A_726 = arith.constant 3 : i32
      %shift_left3A_727 = vector.broadcast %shift_left3A_726 : i32 to vector<16xi32>
      %shift_left3A_728 = arith.shli %and3A_725, %shift_left3A_727 : vector<16xi32>
      %and3A_729 = arith.constant 127 : i32
      %and3A_730 = vector.broadcast %and3A_729 : i32 to vector<16xi32>
      %and3A_731 = arith.andi %get3A_722, %and3A_730 : vector<16xi32>
      %add3A_732 = arith.addi %shift_left3A_728, %and3A_731 : vector<16xi32>
      %add3A_733 = arith.addi %add3A_732, %mul3A_38 : vector<16xi32>
      tpu.vector_store_idx %arg6[%add3A_733], %select_n3A_45 {add = true} : memref<65536xi32, #tpu.memory_space<vmem>>[vector<16xi32>], vector<16xi32>,
      %add3A_734 = arith.constant 2 : i32
      %add3A_735 = arith.addi %mul3A_645, %add3A_734 : i32
      %get3A_736 = arith.constant 1 : i32
      %get3A_737 = arith.index_cast %add3A_735 : i32 to index
      %get3A_738 = arith.index_cast %get3A_736 : i32 to index
      %get3A_739 = arith.index_cast %mul3A_65 : i32 to index
      %get3A_740 = tpu.vector_load %arg5[%get3A_737, %get3A_738, %get3A_739] {strides = array<i32>} : memref<100x2x128xi32, #tpu.memory_space<vmem>>, vector<16xi32>,
      %and3A_741 = arith.constant 8064 : i32
      %and3A_742 = vector.broadcast %and3A_741 : i32 to vector<16xi32>
      %and3A_743 = arith.andi %get3A_740, %and3A_742 : vector<16xi32>
      %shift_left3A_744 = arith.constant 3 : i32
      %shift_left3A_745 = vector.broadcast %shift_left3A_744 : i32 to vector<16xi32>
      %shift_left3A_746 = arith.shli %and3A_743, %shift_left3A_745 : vector<16xi32>
      %and3A_747 = arith.constant 127 : i32
      %and3A_748 = vector.broadcast %and3A_747 : i32 to vector<16xi32>
      %and3A_749 = arith.andi %get3A_740, %and3A_748 : vector<16xi32>
      %add3A_750 = arith.addi %shift_left3A_746, %and3A_749 : vector<16xi32>
      %add3A_751 = arith.addi %add3A_750, %mul3A_38 : vector<16xi32>
      tpu.vector_store_idx %arg6[%add3A_751], %select_n3A_45 {add = true} : memref<65536xi32, #tpu.memory_space<vmem>>[vector<16xi32>], vector<16xi32>,
      %add3A_752 = arith.constant 3 : i32
      %add3A_753 = arith.addi %mul3A_645, %add3A_752 : i32
      %get3A_754 = arith.constant 0 : i32
      %get3A_755 = arith.index_cast %add3A_753 : i32 to index
      %get3A_756 = arith.index_cast %get3A_754 : i32 to index
      %get3A_757 = arith.index_cast %mul3A_65 : i32 to index
      %get3A_758 = tpu.vector_load %arg5[%get3A_755, %get3A_756, %get3A_757] {strides = array<i32>} : memref<100x2x128xi32, #tpu.memory_space<vmem>>, vector<16xi32>,
      %and3A_759 = arith.constant 8064 : i32
      %and3A_760 = vector.broadcast %and3A_759 : i32 to vector<16xi32>
      %and3A_761 = arith.andi %get3A_758, %and3A_760 : vector<16xi32>
      %shift_left3A_762 = arith.constant 3 : i32
      %shift_left3A_763 = vector.broadcast %shift_left3A_762 : i32 to vector<16xi32>
      %shift_left3A_764 = arith.shli %and3A_761, %shift_left3A_763 : vector<16xi32>
      %and3A_765 = arith.constant 127 : i32
      %and3A_766 = vector.broadcast %and3A_765 : i32 to vector<16xi32>
      %and3A_767 = arith.andi %get3A_758, %and3A_766 : vector<16xi32>
      %add3A_768 = arith.addi %shift_left3A_764, %and3A_767 : vector<16xi32>
      %add3A_769 = arith.addi %add3A_768, %mul3A_38 : vector<16xi32>
      tpu.vector_store_idx %arg6[%add3A_769], %select_n3A_45 {add = true} : memref<65536xi32, #tpu.memory_space<vmem>>[vector<16xi32>], vector<16xi32>,
      %add3A_770 = arith.constant 3 : i32
      %add3A_771 = arith.addi %mul3A_645, %add3A_770 : i32
      %get3A_772 = arith.constant 1 : i32
      %get3A_773 = arith.index_cast %add3A_771 : i32 to index
      %get3A_774 = arith.index_cast %get3A_772 : i32 to index
      %get3A_775 = arith.index_cast %mul3A_65 : i32 to index
      %get3A_776 = tpu.vector_load %arg5[%get3A_773, %get3A_774, %get3A_775] {strides = array<i32>} : memref<100x2x128xi32, #tpu.memory_space<vmem>>, vector<16xi32>,
      %and3A_777 = arith.constant 8064 : i32
      %and3A_778 = vector.broadcast %and3A_777 : i32 to vector<16xi32>
      %and3A_779 = arith.andi %get3A_776, %and3A_778 : vector<16xi32>
      %shift_left3A_780 = arith.constant 3 : i32
      %shift_left3A_781 = vector.broadcast %shift_left3A_780 : i32 to vector<16xi32>
      %shift_left3A_782 = arith.shli %and3A_779, %shift_left3A_781 : vector<16xi32>
      %and3A_783 = arith.constant 127 : i32
      %and3A_784 = vector.broadcast %and3A_783 : i32 to vector<16xi32>
      %and3A_785 = arith.andi %get3A_776, %and3A_784 : vector<16xi32>
      %add3A_786 = arith.addi %shift_left3A_782, %and3A_785 : vector<16xi32>
      %add3A_787 = arith.addi %add3A_786, %mul3A_38 : vector<16xi32>
      tpu.vector_store_idx %arg6[%add3A_787], %select_n3A_45 {add = true} : memref<65536xi32, #tpu.memory_space<vmem>>[vector<16xi32>], vector<16xi32>,
    }
    %scan3A_223 = arith.constant 25 : i32
    %dma_wait3A_224 = arith.constant 600 : i32
    %dma_wait3A_225 = arith.constant 0 : i32
    %dma_wait3A_226 = arith.constant 0 : i32
    %dma_wait3A_227 = tpu.memref_slice %arg2[%dma_wait3A_224, %select_n3A, %dma_wait3A_225, %dma_wait3A_226] : memref<1100x8x2x128xi32, #tpu.memory_space<hbm>> -> memref<100x1x2x128xi32, #tpu.memory_space<hbm>>
    %dma_wait3A_228 = tpu.memref_squeeze %dma_wait3A_227 : memref<100x1x2x128xi32, #tpu.memory_space<hbm>> -> memref<100x2x128xi32, #tpu.memory_space<hbm>>
    %dma_wait3A_229 = arith.constant 600 : i32
    %dma_wait3A_230 = arith.constant 0 : i32
    %dma_wait3A_231 = arith.constant 0 : i32
    %dma_wait3A_232 = tpu.memref_slice %arg2[%dma_wait3A_229, %select_n3A, %dma_wait3A_230, %dma_wait3A_231] : memref<1100x8x2x128xi32, #tpu.memory_space<hbm>> -> memref<100x1x2x128xi32, #tpu.memory_space<hbm>>
    %dma_wait3A_233 = tpu.memref_squeeze %dma_wait3A_232 : memref<100x1x2x128xi32, #tpu.memory_space<hbm>> -> memref<100x2x128xi32, #tpu.memory_space<hbm>>
    tpu.wait_dma2 semaphore(%arg7 : memref<!tpu.dma_semaphore, #tpu.memory_space<semaphore_mem>>) src(%dma_wait3A_233 : memref<100x2x128xi32, #tpu.memory_space<hbm>>) dst(%arg4 : memref<100x2x128xi32, #tpu.memory_space<vmem>>)
    %dma_start3A_234 = arith.constant 700 : i32
    %dma_start3A_235 = arith.constant 0 : i32
    %dma_start3A_236 = arith.constant 0 : i32
    %dma_start3A_237 = tpu.memref_slice %arg2[%dma_start3A_234, %select_n3A, %dma_start3A_235, %dma_start3A_236] : memref<1100x8x2x128xi32, #tpu.memory_space<hbm>> -> memref<100x1x2x128xi32, #tpu.memory_space<hbm>>
    %dma_start3A_238 = tpu.memref_squeeze %dma_start3A_237 : memref<100x1x2x128xi32, #tpu.memory_space<hbm>> -> memref<100x2x128xi32, #tpu.memory_space<hbm>>
    %dma_start3A_239 = arith.constant 700 : i32
    %dma_start3A_240 = arith.constant 0 : i32
    %dma_start3A_241 = arith.constant 0 : i32
    %dma_start3A_242 = tpu.memref_slice %arg2[%dma_start3A_239, %select_n3A, %dma_start3A_240, %dma_start3A_241] : memref<1100x8x2x128xi32, #tpu.memory_space<hbm>> -> memref<100x1x2x128xi32, #tpu.memory_space<hbm>>
    %dma_start3A_243 = tpu.memref_squeeze %dma_start3A_242 : memref<100x1x2x128xi32, #tpu.memory_space<hbm>> -> memref<100x2x128xi32, #tpu.memory_space<hbm>>
    tpu.enqueue_dma source(%dma_start3A_243 : memref<100x2x128xi32, #tpu.memory_space<hbm>>) target(%arg5 : memref<100x2x128xi32, #tpu.memory_space<vmem>>) target_semaphore(%arg8 : memref<!tpu.dma_semaphore, #tpu.memory_space<semaphore_mem>>)
    %scan3A_244 = arith.constant 0 : i32
    %scan3A_245 = arith.constant 0 : i32
    %scan3A_246 = arith.constant 25 : i32
    %scan3A_247 = arith.addi %scan3A_245, %scan3A_246 : i32
    %scan3A_248 = arith.constant 1 : i32
    scf.for %scan3A_643 = %scan3A_245 to %scan3A_247 step %scan3A_248  : i32 {
      %mul3A_644 = arith.constant 4 : i32
      %mul3A_645 = arith.muli %scan3A_643, %mul3A_644 : i32
      %add3A_646 = arith.constant 0 : i32
      %add3A_647 = arith.addi %mul3A_645, %add3A_646 : i32
      %get3A = arith.constant 0 : i32
      %get3A_648 = arith.index_cast %add3A_647 : i32 to index
      %get3A_649 = arith.index_cast %get3A : i32 to index
      %get3A_650 = arith.index_cast %mul3A_65 : i32 to index
      %get3A_651 = tpu.vector_load %arg4[%get3A_648, %get3A_649, %get3A_650] {strides = array<i32>} : memref<100x2x128xi32, #tpu.memory_space<vmem>>, vector<16xi32>,
      %and3A_652 = arith.constant 8064 : i32
      %and3A_653 = vector.broadcast %and3A_652 : i32 to vector<16xi32>
      %and3A_654 = arith.andi %get3A_651, %and3A_653 : vector<16xi32>
      %shift_left3A = arith.constant 3 : i32
      %shift_left3A_655 = vector.broadcast %shift_left3A : i32 to vector<16xi32>
      %shift_left3A_656 = arith.shli %and3A_654, %shift_left3A_655 : vector<16xi32>
      %and3A_657 = arith.constant 127 : i32
      %and3A_658 = vector.broadcast %and3A_657 : i32 to vector<16xi32>
      %and3A_659 = arith.andi %get3A_651, %and3A_658 : vector<16xi32>
      %add3A_660 = arith.addi %shift_left3A_656, %and3A_659 : vector<16xi32>
      %add3A_661 = arith.addi %add3A_660, %mul3A_38 : vector<16xi32>
      tpu.vector_store_idx %arg6[%add3A_661], %select_n3A_45 {add = true} : memref<65536xi32, #tpu.memory_space<vmem>>[vector<16xi32>], vector<16xi32>,
      %add3A_662 = arith.constant 0 : i32
      %add3A_663 = arith.addi %mul3A_645, %add3A_662 : i32
      %get3A_664 = arith.constant 1 : i32
      %get3A_665 = arith.index_cast %add3A_663 : i32 to index
      %get3A_666 = arith.index_cast %get3A_664 : i32 to index
      %get3A_667 = arith.index_cast %mul3A_65 : i32 to index
      %get3A_668 = tpu.vector_load %arg4[%get3A_665, %get3A_666, %get3A_667] {strides = array<i32>} : memref<100x2x128xi32, #tpu.memory_space<vmem>>, vector<16xi32>,
      %and3A_669 = arith.constant 8064 : i32
      %and3A_670 = vector.broadcast %and3A_669 : i32 to vector<16xi32>
      %and3A_671 = arith.andi %get3A_668, %and3A_670 : vector<16xi32>
      %shift_left3A_672 = arith.constant 3 : i32
      %shift_left3A_673 = vector.broadcast %shift_left3A_672 : i32 to vector<16xi32>
      %shift_left3A_674 = arith.shli %and3A_671, %shift_left3A_673 : vector<16xi32>
      %and3A_675 = arith.constant 127 : i32
      %and3A_676 = vector.broadcast %and3A_675 : i32 to vector<16xi32>
      %and3A_677 = arith.andi %get3A_668, %and3A_676 : vector<16xi32>
      %add3A_678 = arith.addi %shift_left3A_674, %and3A_677 : vector<16xi32>
      %add3A_679 = arith.addi %add3A_678, %mul3A_38 : vector<16xi32>
      tpu.vector_store_idx %arg6[%add3A_679], %select_n3A_45 {add = true} : memref<65536xi32, #tpu.memory_space<vmem>>[vector<16xi32>], vector<16xi32>,
      %add3A_680 = arith.constant 1 : i32
      %add3A_681 = arith.addi %mul3A_645, %add3A_680 : i32
      %get3A_682 = arith.constant 0 : i32
      %get3A_683 = arith.index_cast %add3A_681 : i32 to index
      %get3A_684 = arith.index_cast %get3A_682 : i32 to index
      %get3A_685 = arith.index_cast %mul3A_65 : i32 to index
      %get3A_686 = tpu.vector_load %arg4[%get3A_683, %get3A_684, %get3A_685] {strides = array<i32>} : memref<100x2x128xi32, #tpu.memory_space<vmem>>, vector<16xi32>,
      %and3A_687 = arith.constant 8064 : i32
      %and3A_688 = vector.broadcast %and3A_687 : i32 to vector<16xi32>
      %and3A_689 = arith.andi %get3A_686, %and3A_688 : vector<16xi32>
      %shift_left3A_690 = arith.constant 3 : i32
      %shift_left3A_691 = vector.broadcast %shift_left3A_690 : i32 to vector<16xi32>
      %shift_left3A_692 = arith.shli %and3A_689, %shift_left3A_691 : vector<16xi32>
      %and3A_693 = arith.constant 127 : i32
      %and3A_694 = vector.broadcast %and3A_693 : i32 to vector<16xi32>
      %and3A_695 = arith.andi %get3A_686, %and3A_694 : vector<16xi32>
      %add3A_696 = arith.addi %shift_left3A_692, %and3A_695 : vector<16xi32>
      %add3A_697 = arith.addi %add3A_696, %mul3A_38 : vector<16xi32>
      tpu.vector_store_idx %arg6[%add3A_697], %select_n3A_45 {add = true} : memref<65536xi32, #tpu.memory_space<vmem>>[vector<16xi32>], vector<16xi32>,
      %add3A_698 = arith.constant 1 : i32
      %add3A_699 = arith.addi %mul3A_645, %add3A_698 : i32
      %get3A_700 = arith.constant 1 : i32
      %get3A_701 = arith.index_cast %add3A_699 : i32 to index
      %get3A_702 = arith.index_cast %get3A_700 : i32 to index
      %get3A_703 = arith.index_cast %mul3A_65 : i32 to index
      %get3A_704 = tpu.vector_load %arg4[%get3A_701, %get3A_702, %get3A_703] {strides = array<i32>} : memref<100x2x128xi32, #tpu.memory_space<vmem>>, vector<16xi32>,
      %and3A_705 = arith.constant 8064 : i32
      %and3A_706 = vector.broadcast %and3A_705 : i32 to vector<16xi32>
      %and3A_707 = arith.andi %get3A_704, %and3A_706 : vector<16xi32>
      %shift_left3A_708 = arith.constant 3 : i32
      %shift_left3A_709 = vector.broadcast %shift_left3A_708 : i32 to vector<16xi32>
      %shift_left3A_710 = arith.shli %and3A_707, %shift_left3A_709 : vector<16xi32>
      %and3A_711 = arith.constant 127 : i32
      %and3A_712 = vector.broadcast %and3A_711 : i32 to vector<16xi32>
      %and3A_713 = arith.andi %get3A_704, %and3A_712 : vector<16xi32>
      %add3A_714 = arith.addi %shift_left3A_710, %and3A_713 : vector<16xi32>
      %add3A_715 = arith.addi %add3A_714, %mul3A_38 : vector<16xi32>
      tpu.vector_store_idx %arg6[%add3A_715], %select_n3A_45 {add = true} : memref<65536xi32, #tpu.memory_space<vmem>>[vector<16xi32>], vector<16xi32>,
      %add3A_716 = arith.constant 2 : i32
      %add3A_717 = arith.addi %mul3A_645, %add3A_716 : i32
      %get3A_718 = arith.constant 0 : i32
      %get3A_719 = arith.index_cast %add3A_717 : i32 to index
      %get3A_720 = arith.index_cast %get3A_718 : i32 to index
      %get3A_721 = arith.index_cast %mul3A_65 : i32 to index
      %get3A_722 = tpu.vector_load %arg4[%get3A_719, %get3A_720, %get3A_721] {strides = array<i32>} : memref<100x2x128xi32, #tpu.memory_space<vmem>>, vector<16xi32>,
      %and3A_723 = arith.constant 8064 : i32
      %and3A_724 = vector.broadcast %and3A_723 : i32 to vector<16xi32>
      %and3A_725 = arith.andi %get3A_722, %and3A_724 : vector<16xi32>
      %shift_left3A_726 = arith.constant 3 : i32
      %shift_left3A_727 = vector.broadcast %shift_left3A_726 : i32 to vector<16xi32>
      %shift_left3A_728 = arith.shli %and3A_725, %shift_left3A_727 : vector<16xi32>
      %and3A_729 = arith.constant 127 : i32
      %and3A_730 = vector.broadcast %and3A_729 : i32 to vector<16xi32>
      %and3A_731 = arith.andi %get3A_722, %and3A_730 : vector<16xi32>
      %add3A_732 = arith.addi %shift_left3A_728, %and3A_731 : vector<16xi32>
      %add3A_733 = arith.addi %add3A_732, %mul3A_38 : vector<16xi32>
      tpu.vector_store_idx %arg6[%add3A_733], %select_n3A_45 {add = true} : memref<65536xi32, #tpu.memory_space<vmem>>[vector<16xi32>], vector<16xi32>,
      %add3A_734 = arith.constant 2 : i32
      %add3A_735 = arith.addi %mul3A_645, %add3A_734 : i32
      %get3A_736 = arith.constant 1 : i32
      %get3A_737 = arith.index_cast %add3A_735 : i32 to index
      %get3A_738 = arith.index_cast %get3A_736 : i32 to index
      %get3A_739 = arith.index_cast %mul3A_65 : i32 to index
      %get3A_740 = tpu.vector_load %arg4[%get3A_737, %get3A_738, %get3A_739] {strides = array<i32>} : memref<100x2x128xi32, #tpu.memory_space<vmem>>, vector<16xi32>,
      %and3A_741 = arith.constant 8064 : i32
      %and3A_742 = vector.broadcast %and3A_741 : i32 to vector<16xi32>
      %and3A_743 = arith.andi %get3A_740, %and3A_742 : vector<16xi32>
      %shift_left3A_744 = arith.constant 3 : i32
      %shift_left3A_745 = vector.broadcast %shift_left3A_744 : i32 to vector<16xi32>
      %shift_left3A_746 = arith.shli %and3A_743, %shift_left3A_745 : vector<16xi32>
      %and3A_747 = arith.constant 127 : i32
      %and3A_748 = vector.broadcast %and3A_747 : i32 to vector<16xi32>
      %and3A_749 = arith.andi %get3A_740, %and3A_748 : vector<16xi32>
      %add3A_750 = arith.addi %shift_left3A_746, %and3A_749 : vector<16xi32>
      %add3A_751 = arith.addi %add3A_750, %mul3A_38 : vector<16xi32>
      tpu.vector_store_idx %arg6[%add3A_751], %select_n3A_45 {add = true} : memref<65536xi32, #tpu.memory_space<vmem>>[vector<16xi32>], vector<16xi32>,
      %add3A_752 = arith.constant 3 : i32
      %add3A_753 = arith.addi %mul3A_645, %add3A_752 : i32
      %get3A_754 = arith.constant 0 : i32
      %get3A_755 = arith.index_cast %add3A_753 : i32 to index
      %get3A_756 = arith.index_cast %get3A_754 : i32 to index
      %get3A_757 = arith.index_cast %mul3A_65 : i32 to index
      %get3A_758 = tpu.vector_load %arg4[%get3A_755, %get3A_756, %get3A_757] {strides = array<i32>} : memref<100x2x128xi32, #tpu.memory_space<vmem>>, vector<16xi32>,
      %and3A_759 = arith.constant 8064 : i32
      %and3A_760 = vector.broadcast %and3A_759 : i32 to vector<16xi32>
      %and3A_761 = arith.andi %get3A_758, %and3A_760 : vector<16xi32>
      %shift_left3A_762 = arith.constant 3 : i32
      %shift_left3A_763 = vector.broadcast %shift_left3A_762 : i32 to vector<16xi32>
      %shift_left3A_764 = arith.shli %and3A_761, %shift_left3A_763 : vector<16xi32>
      %and3A_765 = arith.constant 127 : i32
      %and3A_766 = vector.broadcast %and3A_765 : i32 to vector<16xi32>
      %and3A_767 = arith.andi %get3A_758, %and3A_766 : vector<16xi32>
      %add3A_768 = arith.addi %shift_left3A_764, %and3A_767 : vector<16xi32>
      %add3A_769 = arith.addi %add3A_768, %mul3A_38 : vector<16xi32>
      tpu.vector_store_idx %arg6[%add3A_769], %select_n3A_45 {add = true} : memref<65536xi32, #tpu.memory_space<vmem>>[vector<16xi32>], vector<16xi32>,
      %add3A_770 = arith.constant 3 : i32
      %add3A_771 = arith.addi %mul3A_645, %add3A_770 : i32
      %get3A_772 = arith.constant 1 : i32
      %get3A_773 = arith.index_cast %add3A_771 : i32 to index
      %get3A_774 = arith.index_cast %get3A_772 : i32 to index
      %get3A_775 = arith.index_cast %mul3A_65 : i32 to index
      %get3A_776 = tpu.vector_load %arg4[%get3A_773, %get3A_774, %get3A_775] {strides = array<i32>} : memref<100x2x128xi32, #tpu.memory_space<vmem>>, vector<16xi32>,
      %and3A_777 = arith.constant 8064 : i32
      %and3A_778 = vector.broadcast %and3A_777 : i32 to vector<16xi32>
      %and3A_779 = arith.andi %get3A_776, %and3A_778 : vector<16xi32>
      %shift_left3A_780 = arith.constant 3 : i32
      %shift_left3A_781 = vector.broadcast %shift_left3A_780 : i32 to vector<16xi32>
      %shift_left3A_782 = arith.shli %and3A_779, %shift_left3A_781 : vector<16xi32>
      %and3A_783 = arith.constant 127 : i32
      %and3A_784 = vector.broadcast %and3A_783 : i32 to vector<16xi32>
      %and3A_785 = arith.andi %get3A_776, %and3A_784 : vector<16xi32>
      %add3A_786 = arith.addi %shift_left3A_782, %and3A_785 : vector<16xi32>
      %add3A_787 = arith.addi %add3A_786, %mul3A_38 : vector<16xi32>
      tpu.vector_store_idx %arg6[%add3A_787], %select_n3A_45 {add = true} : memref<65536xi32, #tpu.memory_space<vmem>>[vector<16xi32>], vector<16xi32>,
    }
    %scan3A_249 = arith.constant 25 : i32
    %dma_wait3A_250 = arith.constant 700 : i32
    %dma_wait3A_251 = arith.constant 0 : i32
    %dma_wait3A_252 = arith.constant 0 : i32
    %dma_wait3A_253 = tpu.memref_slice %arg2[%dma_wait3A_250, %select_n3A, %dma_wait3A_251, %dma_wait3A_252] : memref<1100x8x2x128xi32, #tpu.memory_space<hbm>> -> memref<100x1x2x128xi32, #tpu.memory_space<hbm>>
    %dma_wait3A_254 = tpu.memref_squeeze %dma_wait3A_253 : memref<100x1x2x128xi32, #tpu.memory_space<hbm>> -> memref<100x2x128xi32, #tpu.memory_space<hbm>>
    %dma_wait3A_255 = arith.constant 700 : i32
    %dma_wait3A_256 = arith.constant 0 : i32
    %dma_wait3A_257 = arith.constant 0 : i32
    %dma_wait3A_258 = tpu.memref_slice %arg2[%dma_wait3A_255, %select_n3A, %dma_wait3A_256, %dma_wait3A_257] : memref<1100x8x2x128xi32, #tpu.memory_space<hbm>> -> memref<100x1x2x128xi32, #tpu.memory_space<hbm>>
    %dma_wait3A_259 = tpu.memref_squeeze %dma_wait3A_258 : memref<100x1x2x128xi32, #tpu.memory_space<hbm>> -> memref<100x2x128xi32, #tpu.memory_space<hbm>>
    tpu.wait_dma2 semaphore(%arg8 : memref<!tpu.dma_semaphore, #tpu.memory_space<semaphore_mem>>) src(%dma_wait3A_259 : memref<100x2x128xi32, #tpu.memory_space<hbm>>) dst(%arg5 : memref<100x2x128xi32, #tpu.memory_space<vmem>>)
    %dma_start3A_260 = arith.constant 800 : i32
    %dma_start3A_261 = arith.constant 0 : i32
    %dma_start3A_262 = arith.constant 0 : i32
    %dma_start3A_263 = tpu.memref_slice %arg2[%dma_start3A_260, %select_n3A, %dma_start3A_261, %dma_start3A_262] : memref<1100x8x2x128xi32, #tpu.memory_space<hbm>> -> memref<100x1x2x128xi32, #tpu.memory_space<hbm>>
    %dma_start3A_264 = tpu.memref_squeeze %dma_start3A_263 : memref<100x1x2x128xi32, #tpu.memory_space<hbm>> -> memref<100x2x128xi32, #tpu.memory_space<hbm>>
    %dma_start3A_265 = arith.constant 800 : i32
    %dma_start3A_266 = arith.constant 0 : i32
    %dma_start3A_267 = arith.constant 0 : i32
    %dma_start3A_268 = tpu.memref_slice %arg2[%dma_start3A_265, %select_n3A, %dma_start3A_266, %dma_start3A_267] : memref<1100x8x2x128xi32, #tpu.memory_space<hbm>> -> memref<100x1x2x128xi32, #tpu.memory_space<hbm>>
    %dma_start3A_269 = tpu.memref_squeeze %dma_start3A_268 : memref<100x1x2x128xi32, #tpu.memory_space<hbm>> -> memref<100x2x128xi32, #tpu.memory_space<hbm>>
    tpu.enqueue_dma source(%dma_start3A_269 : memref<100x2x128xi32, #tpu.memory_space<hbm>>) target(%arg4 : memref<100x2x128xi32, #tpu.memory_space<vmem>>) target_semaphore(%arg7 : memref<!tpu.dma_semaphore, #tpu.memory_space<semaphore_mem>>)
    %scan3A_270 = arith.constant 0 : i32
    %scan3A_271 = arith.constant 0 : i32
    %scan3A_272 = arith.constant 25 : i32
    %scan3A_273 = arith.addi %scan3A_271, %scan3A_272 : i32
    %scan3A_274 = arith.constant 1 : i32
    scf.for %scan3A_643 = %scan3A_271 to %scan3A_273 step %scan3A_274  : i32 {
      %mul3A_644 = arith.constant 4 : i32
      %mul3A_645 = arith.muli %scan3A_643, %mul3A_644 : i32
      %add3A_646 = arith.constant 0 : i32
      %add3A_647 = arith.addi %mul3A_645, %add3A_646 : i32
      %get3A = arith.constant 0 : i32
      %get3A_648 = arith.index_cast %add3A_647 : i32 to index
      %get3A_649 = arith.index_cast %get3A : i32 to index
      %get3A_650 = arith.index_cast %mul3A_65 : i32 to index
      %get3A_651 = tpu.vector_load %arg5[%get3A_648, %get3A_649, %get3A_650] {strides = array<i32>} : memref<100x2x128xi32, #tpu.memory_space<vmem>>, vector<16xi32>,
      %and3A_652 = arith.constant 8064 : i32
      %and3A_653 = vector.broadcast %and3A_652 : i32 to vector<16xi32>
      %and3A_654 = arith.andi %get3A_651, %and3A_653 : vector<16xi32>
      %shift_left3A = arith.constant 3 : i32
      %shift_left3A_655 = vector.broadcast %shift_left3A : i32 to vector<16xi32>
      %shift_left3A_656 = arith.shli %and3A_654, %shift_left3A_655 : vector<16xi32>
      %and3A_657 = arith.constant 127 : i32
      %and3A_658 = vector.broadcast %and3A_657 : i32 to vector<16xi32>
      %and3A_659 = arith.andi %get3A_651, %and3A_658 : vector<16xi32>
      %add3A_660 = arith.addi %shift_left3A_656, %and3A_659 : vector<16xi32>
      %add3A_661 = arith.addi %add3A_660, %mul3A_38 : vector<16xi32>
      tpu.vector_store_idx %arg6[%add3A_661], %select_n3A_45 {add = true} : memref<65536xi32, #tpu.memory_space<vmem>>[vector<16xi32>], vector<16xi32>,
      %add3A_662 = arith.constant 0 : i32
      %add3A_663 = arith.addi %mul3A_645, %add3A_662 : i32
      %get3A_664 = arith.constant 1 : i32
      %get3A_665 = arith.index_cast %add3A_663 : i32 to index
      %get3A_666 = arith.index_cast %get3A_664 : i32 to index
      %get3A_667 = arith.index_cast %mul3A_65 : i32 to index
      %get3A_668 = tpu.vector_load %arg5[%get3A_665, %get3A_666, %get3A_667] {strides = array<i32>} : memref<100x2x128xi32, #tpu.memory_space<vmem>>, vector<16xi32>,
      %and3A_669 = arith.constant 8064 : i32
      %and3A_670 = vector.broadcast %and3A_669 : i32 to vector<16xi32>
      %and3A_671 = arith.andi %get3A_668, %and3A_670 : vector<16xi32>
      %shift_left3A_672 = arith.constant 3 : i32
      %shift_left3A_673 = vector.broadcast %shift_left3A_672 : i32 to vector<16xi32>
      %shift_left3A_674 = arith.shli %and3A_671, %shift_left3A_673 : vector<16xi32>
      %and3A_675 = arith.constant 127 : i32
      %and3A_676 = vector.broadcast %and3A_675 : i32 to vector<16xi32>
      %and3A_677 = arith.andi %get3A_668, %and3A_676 : vector<16xi32>
      %add3A_678 = arith.addi %shift_left3A_674, %and3A_677 : vector<16xi32>
      %add3A_679 = arith.addi %add3A_678, %mul3A_38 : vector<16xi32>
      tpu.vector_store_idx %arg6[%add3A_679], %select_n3A_45 {add = true} : memref<65536xi32, #tpu.memory_space<vmem>>[vector<16xi32>], vector<16xi32>,
      %add3A_680 = arith.constant 1 : i32
      %add3A_681 = arith.addi %mul3A_645, %add3A_680 : i32
      %get3A_682 = arith.constant 0 : i32
      %get3A_683 = arith.index_cast %add3A_681 : i32 to index
      %get3A_684 = arith.index_cast %get3A_682 : i32 to index
      %get3A_685 = arith.index_cast %mul3A_65 : i32 to index
      %get3A_686 = tpu.vector_load %arg5[%get3A_683, %get3A_684, %get3A_685] {strides = array<i32>} : memref<100x2x128xi32, #tpu.memory_space<vmem>>, vector<16xi32>,
      %and3A_687 = arith.constant 8064 : i32
      %and3A_688 = vector.broadcast %and3A_687 : i32 to vector<16xi32>
      %and3A_689 = arith.andi %get3A_686, %and3A_688 : vector<16xi32>
      %shift_left3A_690 = arith.constant 3 : i32
      %shift_left3A_691 = vector.broadcast %shift_left3A_690 : i32 to vector<16xi32>
      %shift_left3A_692 = arith.shli %and3A_689, %shift_left3A_691 : vector<16xi32>
      %and3A_693 = arith.constant 127 : i32
      %and3A_694 = vector.broadcast %and3A_693 : i32 to vector<16xi32>
      %and3A_695 = arith.andi %get3A_686, %and3A_694 : vector<16xi32>
      %add3A_696 = arith.addi %shift_left3A_692, %and3A_695 : vector<16xi32>
      %add3A_697 = arith.addi %add3A_696, %mul3A_38 : vector<16xi32>
      tpu.vector_store_idx %arg6[%add3A_697], %select_n3A_45 {add = true} : memref<65536xi32, #tpu.memory_space<vmem>>[vector<16xi32>], vector<16xi32>,
      %add3A_698 = arith.constant 1 : i32
      %add3A_699 = arith.addi %mul3A_645, %add3A_698 : i32
      %get3A_700 = arith.constant 1 : i32
      %get3A_701 = arith.index_cast %add3A_699 : i32 to index
      %get3A_702 = arith.index_cast %get3A_700 : i32 to index
      %get3A_703 = arith.index_cast %mul3A_65 : i32 to index
      %get3A_704 = tpu.vector_load %arg5[%get3A_701, %get3A_702, %get3A_703] {strides = array<i32>} : memref<100x2x128xi32, #tpu.memory_space<vmem>>, vector<16xi32>,
      %and3A_705 = arith.constant 8064 : i32
      %and3A_706 = vector.broadcast %and3A_705 : i32 to vector<16xi32>
      %and3A_707 = arith.andi %get3A_704, %and3A_706 : vector<16xi32>
      %shift_left3A_708 = arith.constant 3 : i32
      %shift_left3A_709 = vector.broadcast %shift_left3A_708 : i32 to vector<16xi32>
      %shift_left3A_710 = arith.shli %and3A_707, %shift_left3A_709 : vector<16xi32>
      %and3A_711 = arith.constant 127 : i32
      %and3A_712 = vector.broadcast %and3A_711 : i32 to vector<16xi32>
      %and3A_713 = arith.andi %get3A_704, %and3A_712 : vector<16xi32>
      %add3A_714 = arith.addi %shift_left3A_710, %and3A_713 : vector<16xi32>
      %add3A_715 = arith.addi %add3A_714, %mul3A_38 : vector<16xi32>
      tpu.vector_store_idx %arg6[%add3A_715], %select_n3A_45 {add = true} : memref<65536xi32, #tpu.memory_space<vmem>>[vector<16xi32>], vector<16xi32>,
      %add3A_716 = arith.constant 2 : i32
      %add3A_717 = arith.addi %mul3A_645, %add3A_716 : i32
      %get3A_718 = arith.constant 0 : i32
      %get3A_719 = arith.index_cast %add3A_717 : i32 to index
      %get3A_720 = arith.index_cast %get3A_718 : i32 to index
      %get3A_721 = arith.index_cast %mul3A_65 : i32 to index
      %get3A_722 = tpu.vector_load %arg5[%get3A_719, %get3A_720, %get3A_721] {strides = array<i32>} : memref<100x2x128xi32, #tpu.memory_space<vmem>>, vector<16xi32>,
      %and3A_723 = arith.constant 8064 : i32
      %and3A_724 = vector.broadcast %and3A_723 : i32 to vector<16xi32>
      %and3A_725 = arith.andi %get3A_722, %and3A_724 : vector<16xi32>
      %shift_left3A_726 = arith.constant 3 : i32
      %shift_left3A_727 = vector.broadcast %shift_left3A_726 : i32 to vector<16xi32>
      %shift_left3A_728 = arith.shli %and3A_725, %shift_left3A_727 : vector<16xi32>
      %and3A_729 = arith.constant 127 : i32
      %and3A_730 = vector.broadcast %and3A_729 : i32 to vector<16xi32>
      %and3A_731 = arith.andi %get3A_722, %and3A_730 : vector<16xi32>
      %add3A_732 = arith.addi %shift_left3A_728, %and3A_731 : vector<16xi32>
      %add3A_733 = arith.addi %add3A_732, %mul3A_38 : vector<16xi32>
      tpu.vector_store_idx %arg6[%add3A_733], %select_n3A_45 {add = true} : memref<65536xi32, #tpu.memory_space<vmem>>[vector<16xi32>], vector<16xi32>,
      %add3A_734 = arith.constant 2 : i32
      %add3A_735 = arith.addi %mul3A_645, %add3A_734 : i32
      %get3A_736 = arith.constant 1 : i32
      %get3A_737 = arith.index_cast %add3A_735 : i32 to index
      %get3A_738 = arith.index_cast %get3A_736 : i32 to index
      %get3A_739 = arith.index_cast %mul3A_65 : i32 to index
      %get3A_740 = tpu.vector_load %arg5[%get3A_737, %get3A_738, %get3A_739] {strides = array<i32>} : memref<100x2x128xi32, #tpu.memory_space<vmem>>, vector<16xi32>,
      %and3A_741 = arith.constant 8064 : i32
      %and3A_742 = vector.broadcast %and3A_741 : i32 to vector<16xi32>
      %and3A_743 = arith.andi %get3A_740, %and3A_742 : vector<16xi32>
      %shift_left3A_744 = arith.constant 3 : i32
      %shift_left3A_745 = vector.broadcast %shift_left3A_744 : i32 to vector<16xi32>
      %shift_left3A_746 = arith.shli %and3A_743, %shift_left3A_745 : vector<16xi32>
      %and3A_747 = arith.constant 127 : i32
      %and3A_748 = vector.broadcast %and3A_747 : i32 to vector<16xi32>
      %and3A_749 = arith.andi %get3A_740, %and3A_748 : vector<16xi32>
      %add3A_750 = arith.addi %shift_left3A_746, %and3A_749 : vector<16xi32>
      %add3A_751 = arith.addi %add3A_750, %mul3A_38 : vector<16xi32>
      tpu.vector_store_idx %arg6[%add3A_751], %select_n3A_45 {add = true} : memref<65536xi32, #tpu.memory_space<vmem>>[vector<16xi32>], vector<16xi32>,
      %add3A_752 = arith.constant 3 : i32
      %add3A_753 = arith.addi %mul3A_645, %add3A_752 : i32
      %get3A_754 = arith.constant 0 : i32
      %get3A_755 = arith.index_cast %add3A_753 : i32 to index
      %get3A_756 = arith.index_cast %get3A_754 : i32 to index
      %get3A_757 = arith.index_cast %mul3A_65 : i32 to index
      %get3A_758 = tpu.vector_load %arg5[%get3A_755, %get3A_756, %get3A_757] {strides = array<i32>} : memref<100x2x128xi32, #tpu.memory_space<vmem>>, vector<16xi32>,
      %and3A_759 = arith.constant 8064 : i32
      %and3A_760 = vector.broadcast %and3A_759 : i32 to vector<16xi32>
      %and3A_761 = arith.andi %get3A_758, %and3A_760 : vector<16xi32>
      %shift_left3A_762 = arith.constant 3 : i32
      %shift_left3A_763 = vector.broadcast %shift_left3A_762 : i32 to vector<16xi32>
      %shift_left3A_764 = arith.shli %and3A_761, %shift_left3A_763 : vector<16xi32>
      %and3A_765 = arith.constant 127 : i32
      %and3A_766 = vector.broadcast %and3A_765 : i32 to vector<16xi32>
      %and3A_767 = arith.andi %get3A_758, %and3A_766 : vector<16xi32>
      %add3A_768 = arith.addi %shift_left3A_764, %and3A_767 : vector<16xi32>
      %add3A_769 = arith.addi %add3A_768, %mul3A_38 : vector<16xi32>
      tpu.vector_store_idx %arg6[%add3A_769], %select_n3A_45 {add = true} : memref<65536xi32, #tpu.memory_space<vmem>>[vector<16xi32>], vector<16xi32>,
      %add3A_770 = arith.constant 3 : i32
      %add3A_771 = arith.addi %mul3A_645, %add3A_770 : i32
      %get3A_772 = arith.constant 1 : i32
      %get3A_773 = arith.index_cast %add3A_771 : i32 to index
      %get3A_774 = arith.index_cast %get3A_772 : i32 to index
      %get3A_775 = arith.index_cast %mul3A_65 : i32 to index
      %get3A_776 = tpu.vector_load %arg5[%get3A_773, %get3A_774, %get3A_775] {strides = array<i32>} : memref<100x2x128xi32, #tpu.memory_space<vmem>>, vector<16xi32>,
      %and3A_777 = arith.constant 8064 : i32
      %and3A_778 = vector.broadcast %and3A_777 : i32 to vector<16xi32>
      %and3A_779 = arith.andi %get3A_776, %and3A_778 : vector<16xi32>
      %shift_left3A_780 = arith.constant 3 : i32
      %shift_left3A_781 = vector.broadcast %shift_left3A_780 : i32 to vector<16xi32>
      %shift_left3A_782 = arith.shli %and3A_779, %shift_left3A_781 : vector<16xi32>
      %and3A_783 = arith.constant 127 : i32
      %and3A_784 = vector.broadcast %and3A_783 : i32 to vector<16xi32>
      %and3A_785 = arith.andi %get3A_776, %and3A_784 : vector<16xi32>
      %add3A_786 = arith.addi %shift_left3A_782, %and3A_785 : vector<16xi32>
      %add3A_787 = arith.addi %add3A_786, %mul3A_38 : vector<16xi32>
      tpu.vector_store_idx %arg6[%add3A_787], %select_n3A_45 {add = true} : memref<65536xi32, #tpu.memory_space<vmem>>[vector<16xi32>], vector<16xi32>,
    }
    %scan3A_275 = arith.constant 25 : i32
    %dma_wait3A_276 = arith.constant 800 : i32
    %dma_wait3A_277 = arith.constant 0 : i32
    %dma_wait3A_278 = arith.constant 0 : i32
    %dma_wait3A_279 = tpu.memref_slice %arg2[%dma_wait3A_276, %select_n3A, %dma_wait3A_277, %dma_wait3A_278] : memref<1100x8x2x128xi32, #tpu.memory_space<hbm>> -> memref<100x1x2x128xi32, #tpu.memory_space<hbm>>
    %dma_wait3A_280 = tpu.memref_squeeze %dma_wait3A_279 : memref<100x1x2x128xi32, #tpu.memory_space<hbm>> -> memref<100x2x128xi32, #tpu.memory_space<hbm>>
    %dma_wait3A_281 = arith.constant 800 : i32
    %dma_wait3A_282 = arith.constant 0 : i32
    %dma_wait3A_283 = arith.constant 0 : i32
    %dma_wait3A_284 = tpu.memref_slice %arg2[%dma_wait3A_281, %select_n3A, %dma_wait3A_282, %dma_wait3A_283] : memref<1100x8x2x128xi32, #tpu.memory_space<hbm>> -> memref<100x1x2x128xi32, #tpu.memory_space<hbm>>
    %dma_wait3A_285 = tpu.memref_squeeze %dma_wait3A_284 : memref<100x1x2x128xi32, #tpu.memory_space<hbm>> -> memref<100x2x128xi32, #tpu.memory_space<hbm>>
    tpu.wait_dma2 semaphore(%arg7 : memref<!tpu.dma_semaphore, #tpu.memory_space<semaphore_mem>>) src(%dma_wait3A_285 : memref<100x2x128xi32, #tpu.memory_space<hbm>>) dst(%arg4 : memref<100x2x128xi32, #tpu.memory_space<vmem>>)
    %dma_start3A_286 = arith.constant 900 : i32
    %dma_start3A_287 = arith.constant 0 : i32
    %dma_start3A_288 = arith.constant 0 : i32
    %dma_start3A_289 = tpu.memref_slice %arg2[%dma_start3A_286, %select_n3A, %dma_start3A_287, %dma_start3A_288] : memref<1100x8x2x128xi32, #tpu.memory_space<hbm>> -> memref<100x1x2x128xi32, #tpu.memory_space<hbm>>
    %dma_start3A_290 = tpu.memref_squeeze %dma_start3A_289 : memref<100x1x2x128xi32, #tpu.memory_space<hbm>> -> memref<100x2x128xi32, #tpu.memory_space<hbm>>
    %dma_start3A_291 = arith.constant 900 : i32
    %dma_start3A_292 = arith.constant 0 : i32
    %dma_start3A_293 = arith.constant 0 : i32
    %dma_start3A_294 = tpu.memref_slice %arg2[%dma_start3A_291, %select_n3A, %dma_start3A_292, %dma_start3A_293] : memref<1100x8x2x128xi32, #tpu.memory_space<hbm>> -> memref<100x1x2x128xi32, #tpu.memory_space<hbm>>
    %dma_start3A_295 = tpu.memref_squeeze %dma_start3A_294 : memref<100x1x2x128xi32, #tpu.memory_space<hbm>> -> memref<100x2x128xi32, #tpu.memory_space<hbm>>
    tpu.enqueue_dma source(%dma_start3A_295 : memref<100x2x128xi32, #tpu.memory_space<hbm>>) target(%arg5 : memref<100x2x128xi32, #tpu.memory_space<vmem>>) target_semaphore(%arg8 : memref<!tpu.dma_semaphore, #tpu.memory_space<semaphore_mem>>)
    %scan3A_296 = arith.constant 0 : i32
    %scan3A_297 = arith.constant 0 : i32
    %scan3A_298 = arith.constant 25 : i32
    %scan3A_299 = arith.addi %scan3A_297, %scan3A_298 : i32
    %scan3A_300 = arith.constant 1 : i32
    scf.for %scan3A_643 = %scan3A_297 to %scan3A_299 step %scan3A_300  : i32 {
      %mul3A_644 = arith.constant 4 : i32
      %mul3A_645 = arith.muli %scan3A_643, %mul3A_644 : i32
      %add3A_646 = arith.constant 0 : i32
      %add3A_647 = arith.addi %mul3A_645, %add3A_646 : i32
      %get3A = arith.constant 0 : i32
      %get3A_648 = arith.index_cast %add3A_647 : i32 to index
      %get3A_649 = arith.index_cast %get3A : i32 to index
      %get3A_650 = arith.index_cast %mul3A_65 : i32 to index
      %get3A_651 = tpu.vector_load %arg4[%get3A_648, %get3A_649, %get3A_650] {strides = array<i32>} : memref<100x2x128xi32, #tpu.memory_space<vmem>>, vector<16xi32>,
      %and3A_652 = arith.constant 8064 : i32
      %and3A_653 = vector.broadcast %and3A_652 : i32 to vector<16xi32>
      %and3A_654 = arith.andi %get3A_651, %and3A_653 : vector<16xi32>
      %shift_left3A = arith.constant 3 : i32
      %shift_left3A_655 = vector.broadcast %shift_left3A : i32 to vector<16xi32>
      %shift_left3A_656 = arith.shli %and3A_654, %shift_left3A_655 : vector<16xi32>
      %and3A_657 = arith.constant 127 : i32
      %and3A_658 = vector.broadcast %and3A_657 : i32 to vector<16xi32>
      %and3A_659 = arith.andi %get3A_651, %and3A_658 : vector<16xi32>
      %add3A_660 = arith.addi %shift_left3A_656, %and3A_659 : vector<16xi32>
      %add3A_661 = arith.addi %add3A_660, %mul3A_38 : vector<16xi32>
      tpu.vector_store_idx %arg6[%add3A_661], %select_n3A_45 {add = true} : memref<65536xi32, #tpu.memory_space<vmem>>[vector<16xi32>], vector<16xi32>,
      %add3A_662 = arith.constant 0 : i32
      %add3A_663 = arith.addi %mul3A_645, %add3A_662 : i32
      %get3A_664 = arith.constant 1 : i32
      %get3A_665 = arith.index_cast %add3A_663 : i32 to index
      %get3A_666 = arith.index_cast %get3A_664 : i32 to index
      %get3A_667 = arith.index_cast %mul3A_65 : i32 to index
      %get3A_668 = tpu.vector_load %arg4[%get3A_665, %get3A_666, %get3A_667] {strides = array<i32>} : memref<100x2x128xi32, #tpu.memory_space<vmem>>, vector<16xi32>,
      %and3A_669 = arith.constant 8064 : i32
      %and3A_670 = vector.broadcast %and3A_669 : i32 to vector<16xi32>
      %and3A_671 = arith.andi %get3A_668, %and3A_670 : vector<16xi32>
      %shift_left3A_672 = arith.constant 3 : i32
      %shift_left3A_673 = vector.broadcast %shift_left3A_672 : i32 to vector<16xi32>
      %shift_left3A_674 = arith.shli %and3A_671, %shift_left3A_673 : vector<16xi32>
      %and3A_675 = arith.constant 127 : i32
      %and3A_676 = vector.broadcast %and3A_675 : i32 to vector<16xi32>
      %and3A_677 = arith.andi %get3A_668, %and3A_676 : vector<16xi32>
      %add3A_678 = arith.addi %shift_left3A_674, %and3A_677 : vector<16xi32>
      %add3A_679 = arith.addi %add3A_678, %mul3A_38 : vector<16xi32>
      tpu.vector_store_idx %arg6[%add3A_679], %select_n3A_45 {add = true} : memref<65536xi32, #tpu.memory_space<vmem>>[vector<16xi32>], vector<16xi32>,
      %add3A_680 = arith.constant 1 : i32
      %add3A_681 = arith.addi %mul3A_645, %add3A_680 : i32
      %get3A_682 = arith.constant 0 : i32
      %get3A_683 = arith.index_cast %add3A_681 : i32 to index
      %get3A_684 = arith.index_cast %get3A_682 : i32 to index
      %get3A_685 = arith.index_cast %mul3A_65 : i32 to index
      %get3A_686 = tpu.vector_load %arg4[%get3A_683, %get3A_684, %get3A_685] {strides = array<i32>} : memref<100x2x128xi32, #tpu.memory_space<vmem>>, vector<16xi32>,
      %and3A_687 = arith.constant 8064 : i32
      %and3A_688 = vector.broadcast %and3A_687 : i32 to vector<16xi32>
      %and3A_689 = arith.andi %get3A_686, %and3A_688 : vector<16xi32>
      %shift_left3A_690 = arith.constant 3 : i32
      %shift_left3A_691 = vector.broadcast %shift_left3A_690 : i32 to vector<16xi32>
      %shift_left3A_692 = arith.shli %and3A_689, %shift_left3A_691 : vector<16xi32>
      %and3A_693 = arith.constant 127 : i32
      %and3A_694 = vector.broadcast %and3A_693 : i32 to vector<16xi32>
      %and3A_695 = arith.andi %get3A_686, %and3A_694 : vector<16xi32>
      %add3A_696 = arith.addi %shift_left3A_692, %and3A_695 : vector<16xi32>
      %add3A_697 = arith.addi %add3A_696, %mul3A_38 : vector<16xi32>
      tpu.vector_store_idx %arg6[%add3A_697], %select_n3A_45 {add = true} : memref<65536xi32, #tpu.memory_space<vmem>>[vector<16xi32>], vector<16xi32>,
      %add3A_698 = arith.constant 1 : i32
      %add3A_699 = arith.addi %mul3A_645, %add3A_698 : i32
      %get3A_700 = arith.constant 1 : i32
      %get3A_701 = arith.index_cast %add3A_699 : i32 to index
      %get3A_702 = arith.index_cast %get3A_700 : i32 to index
      %get3A_703 = arith.index_cast %mul3A_65 : i32 to index
      %get3A_704 = tpu.vector_load %arg4[%get3A_701, %get3A_702, %get3A_703] {strides = array<i32>} : memref<100x2x128xi32, #tpu.memory_space<vmem>>, vector<16xi32>,
      %and3A_705 = arith.constant 8064 : i32
      %and3A_706 = vector.broadcast %and3A_705 : i32 to vector<16xi32>
      %and3A_707 = arith.andi %get3A_704, %and3A_706 : vector<16xi32>
      %shift_left3A_708 = arith.constant 3 : i32
      %shift_left3A_709 = vector.broadcast %shift_left3A_708 : i32 to vector<16xi32>
      %shift_left3A_710 = arith.shli %and3A_707, %shift_left3A_709 : vector<16xi32>
      %and3A_711 = arith.constant 127 : i32
      %and3A_712 = vector.broadcast %and3A_711 : i32 to vector<16xi32>
      %and3A_713 = arith.andi %get3A_704, %and3A_712 : vector<16xi32>
      %add3A_714 = arith.addi %shift_left3A_710, %and3A_713 : vector<16xi32>
      %add3A_715 = arith.addi %add3A_714, %mul3A_38 : vector<16xi32>
      tpu.vector_store_idx %arg6[%add3A_715], %select_n3A_45 {add = true} : memref<65536xi32, #tpu.memory_space<vmem>>[vector<16xi32>], vector<16xi32>,
      %add3A_716 = arith.constant 2 : i32
      %add3A_717 = arith.addi %mul3A_645, %add3A_716 : i32
      %get3A_718 = arith.constant 0 : i32
      %get3A_719 = arith.index_cast %add3A_717 : i32 to index
      %get3A_720 = arith.index_cast %get3A_718 : i32 to index
      %get3A_721 = arith.index_cast %mul3A_65 : i32 to index
      %get3A_722 = tpu.vector_load %arg4[%get3A_719, %get3A_720, %get3A_721] {strides = array<i32>} : memref<100x2x128xi32, #tpu.memory_space<vmem>>, vector<16xi32>,
      %and3A_723 = arith.constant 8064 : i32
      %and3A_724 = vector.broadcast %and3A_723 : i32 to vector<16xi32>
      %and3A_725 = arith.andi %get3A_722, %and3A_724 : vector<16xi32>
      %shift_left3A_726 = arith.constant 3 : i32
      %shift_left3A_727 = vector.broadcast %shift_left3A_726 : i32 to vector<16xi32>
      %shift_left3A_728 = arith.shli %and3A_725, %shift_left3A_727 : vector<16xi32>
      %and3A_729 = arith.constant 127 : i32
      %and3A_730 = vector.broadcast %and3A_729 : i32 to vector<16xi32>
      %and3A_731 = arith.andi %get3A_722, %and3A_730 : vector<16xi32>
      %add3A_732 = arith.addi %shift_left3A_728, %and3A_731 : vector<16xi32>
      %add3A_733 = arith.addi %add3A_732, %mul3A_38 : vector<16xi32>
      tpu.vector_store_idx %arg6[%add3A_733], %select_n3A_45 {add = true} : memref<65536xi32, #tpu.memory_space<vmem>>[vector<16xi32>], vector<16xi32>,
      %add3A_734 = arith.constant 2 : i32
      %add3A_735 = arith.addi %mul3A_645, %add3A_734 : i32
      %get3A_736 = arith.constant 1 : i32
      %get3A_737 = arith.index_cast %add3A_735 : i32 to index
      %get3A_738 = arith.index_cast %get3A_736 : i32 to index
      %get3A_739 = arith.index_cast %mul3A_65 : i32 to index
      %get3A_740 = tpu.vector_load %arg4[%get3A_737, %get3A_738, %get3A_739] {strides = array<i32>} : memref<100x2x128xi32, #tpu.memory_space<vmem>>, vector<16xi32>,
      %and3A_741 = arith.constant 8064 : i32
      %and3A_742 = vector.broadcast %and3A_741 : i32 to vector<16xi32>
      %and3A_743 = arith.andi %get3A_740, %and3A_742 : vector<16xi32>
      %shift_left3A_744 = arith.constant 3 : i32
      %shift_left3A_745 = vector.broadcast %shift_left3A_744 : i32 to vector<16xi32>
      %shift_left3A_746 = arith.shli %and3A_743, %shift_left3A_745 : vector<16xi32>
      %and3A_747 = arith.constant 127 : i32
      %and3A_748 = vector.broadcast %and3A_747 : i32 to vector<16xi32>
      %and3A_749 = arith.andi %get3A_740, %and3A_748 : vector<16xi32>
      %add3A_750 = arith.addi %shift_left3A_746, %and3A_749 : vector<16xi32>
      %add3A_751 = arith.addi %add3A_750, %mul3A_38 : vector<16xi32>
      tpu.vector_store_idx %arg6[%add3A_751], %select_n3A_45 {add = true} : memref<65536xi32, #tpu.memory_space<vmem>>[vector<16xi32>], vector<16xi32>,
      %add3A_752 = arith.constant 3 : i32
      %add3A_753 = arith.addi %mul3A_645, %add3A_752 : i32
      %get3A_754 = arith.constant 0 : i32
      %get3A_755 = arith.index_cast %add3A_753 : i32 to index
      %get3A_756 = arith.index_cast %get3A_754 : i32 to index
      %get3A_757 = arith.index_cast %mul3A_65 : i32 to index
      %get3A_758 = tpu.vector_load %arg4[%get3A_755, %get3A_756, %get3A_757] {strides = array<i32>} : memref<100x2x128xi32, #tpu.memory_space<vmem>>, vector<16xi32>,
      %and3A_759 = arith.constant 8064 : i32
      %and3A_760 = vector.broadcast %and3A_759 : i32 to vector<16xi32>
      %and3A_761 = arith.andi %get3A_758, %and3A_760 : vector<16xi32>
      %shift_left3A_762 = arith.constant 3 : i32
      %shift_left3A_763 = vector.broadcast %shift_left3A_762 : i32 to vector<16xi32>
      %shift_left3A_764 = arith.shli %and3A_761, %shift_left3A_763 : vector<16xi32>
      %and3A_765 = arith.constant 127 : i32
      %and3A_766 = vector.broadcast %and3A_765 : i32 to vector<16xi32>
      %and3A_767 = arith.andi %get3A_758, %and3A_766 : vector<16xi32>
      %add3A_768 = arith.addi %shift_left3A_764, %and3A_767 : vector<16xi32>
      %add3A_769 = arith.addi %add3A_768, %mul3A_38 : vector<16xi32>
      tpu.vector_store_idx %arg6[%add3A_769], %select_n3A_45 {add = true} : memref<65536xi32, #tpu.memory_space<vmem>>[vector<16xi32>], vector<16xi32>,
      %add3A_770 = arith.constant 3 : i32
      %add3A_771 = arith.addi %mul3A_645, %add3A_770 : i32
      %get3A_772 = arith.constant 1 : i32
      %get3A_773 = arith.index_cast %add3A_771 : i32 to index
      %get3A_774 = arith.index_cast %get3A_772 : i32 to index
      %get3A_775 = arith.index_cast %mul3A_65 : i32 to index
      %get3A_776 = tpu.vector_load %arg4[%get3A_773, %get3A_774, %get3A_775] {strides = array<i32>} : memref<100x2x128xi32, #tpu.memory_space<vmem>>, vector<16xi32>,
      %and3A_777 = arith.constant 8064 : i32
      %and3A_778 = vector.broadcast %and3A_777 : i32 to vector<16xi32>
      %and3A_779 = arith.andi %get3A_776, %and3A_778 : vector<16xi32>
      %shift_left3A_780 = arith.constant 3 : i32
      %shift_left3A_781 = vector.broadcast %shift_left3A_780 : i32 to vector<16xi32>
      %shift_left3A_782 = arith.shli %and3A_779, %shift_left3A_781 : vector<16xi32>
      %and3A_783 = arith.constant 127 : i32
      %and3A_784 = vector.broadcast %and3A_783 : i32 to vector<16xi32>
      %and3A_785 = arith.andi %get3A_776, %and3A_784 : vector<16xi32>
      %add3A_786 = arith.addi %shift_left3A_782, %and3A_785 : vector<16xi32>
      %add3A_787 = arith.addi %add3A_786, %mul3A_38 : vector<16xi32>
      tpu.vector_store_idx %arg6[%add3A_787], %select_n3A_45 {add = true} : memref<65536xi32, #tpu.memory_space<vmem>>[vector<16xi32>], vector<16xi32>,
    }
    %scan3A_301 = arith.constant 25 : i32
    %dma_wait3A_302 = arith.constant 900 : i32
    %dma_wait3A_303 = arith.constant 0 : i32
    %dma_wait3A_304 = arith.constant 0 : i32
    %dma_wait3A_305 = tpu.memref_slice %arg2[%dma_wait3A_302, %select_n3A, %dma_wait3A_303, %dma_wait3A_304] : memref<1100x8x2x128xi32, #tpu.memory_space<hbm>> -> memref<100x1x2x128xi32, #tpu.memory_space<hbm>>
    %dma_wait3A_306 = tpu.memref_squeeze %dma_wait3A_305 : memref<100x1x2x128xi32, #tpu.memory_space<hbm>> -> memref<100x2x128xi32, #tpu.memory_space<hbm>>
    %dma_wait3A_307 = arith.constant 900 : i32
    %dma_wait3A_308 = arith.constant 0 : i32
    %dma_wait3A_309 = arith.constant 0 : i32
    %dma_wait3A_310 = tpu.memref_slice %arg2[%dma_wait3A_307, %select_n3A, %dma_wait3A_308, %dma_wait3A_309] : memref<1100x8x2x128xi32, #tpu.memory_space<hbm>> -> memref<100x1x2x128xi32, #tpu.memory_space<hbm>>
    %dma_wait3A_311 = tpu.memref_squeeze %dma_wait3A_310 : memref<100x1x2x128xi32, #tpu.memory_space<hbm>> -> memref<100x2x128xi32, #tpu.memory_space<hbm>>
    tpu.wait_dma2 semaphore(%arg8 : memref<!tpu.dma_semaphore, #tpu.memory_space<semaphore_mem>>) src(%dma_wait3A_311 : memref<100x2x128xi32, #tpu.memory_space<hbm>>) dst(%arg5 : memref<100x2x128xi32, #tpu.memory_space<vmem>>)
    %dma_start3A_312 = arith.constant 1000 : i32
    %dma_start3A_313 = arith.constant 0 : i32
    %dma_start3A_314 = arith.constant 0 : i32
    %dma_start3A_315 = tpu.memref_slice %arg2[%dma_start3A_312, %select_n3A, %dma_start3A_313, %dma_start3A_314] : memref<1100x8x2x128xi32, #tpu.memory_space<hbm>> -> memref<100x1x2x128xi32, #tpu.memory_space<hbm>>
    %dma_start3A_316 = tpu.memref_squeeze %dma_start3A_315 : memref<100x1x2x128xi32, #tpu.memory_space<hbm>> -> memref<100x2x128xi32, #tpu.memory_space<hbm>>
    %dma_start3A_317 = arith.constant 1000 : i32
    %dma_start3A_318 = arith.constant 0 : i32
    %dma_start3A_319 = arith.constant 0 : i32
    %dma_start3A_320 = tpu.memref_slice %arg2[%dma_start3A_317, %select_n3A, %dma_start3A_318, %dma_start3A_319] : memref<1100x8x2x128xi32, #tpu.memory_space<hbm>> -> memref<100x1x2x128xi32, #tpu.memory_space<hbm>>
    %dma_start3A_321 = tpu.memref_squeeze %dma_start3A_320 : memref<100x1x2x128xi32, #tpu.memory_space<hbm>> -> memref<100x2x128xi32, #tpu.memory_space<hbm>>
    tpu.enqueue_dma source(%dma_start3A_321 : memref<100x2x128xi32, #tpu.memory_space<hbm>>) target(%arg4 : memref<100x2x128xi32, #tpu.memory_space<vmem>>) target_semaphore(%arg7 : memref<!tpu.dma_semaphore, #tpu.memory_space<semaphore_mem>>)
    %scan3A_322 = arith.constant 0 : i32
    %scan3A_323 = arith.constant 0 : i32
    %scan3A_324 = arith.constant 25 : i32
    %scan3A_325 = arith.addi %scan3A_323, %scan3A_324 : i32
    %scan3A_326 = arith.constant 1 : i32
    scf.for %scan3A_643 = %scan3A_323 to %scan3A_325 step %scan3A_326  : i32 {
      %mul3A_644 = arith.constant 4 : i32
      %mul3A_645 = arith.muli %scan3A_643, %mul3A_644 : i32
      %add3A_646 = arith.constant 0 : i32
      %add3A_647 = arith.addi %mul3A_645, %add3A_646 : i32
      %get3A = arith.constant 0 : i32
      %get3A_648 = arith.index_cast %add3A_647 : i32 to index
      %get3A_649 = arith.index_cast %get3A : i32 to index
      %get3A_650 = arith.index_cast %mul3A_65 : i32 to index
      %get3A_651 = tpu.vector_load %arg5[%get3A_648, %get3A_649, %get3A_650] {strides = array<i32>} : memref<100x2x128xi32, #tpu.memory_space<vmem>>, vector<16xi32>,
      %and3A_652 = arith.constant 8064 : i32
      %and3A_653 = vector.broadcast %and3A_652 : i32 to vector<16xi32>
      %and3A_654 = arith.andi %get3A_651, %and3A_653 : vector<16xi32>
      %shift_left3A = arith.constant 3 : i32
      %shift_left3A_655 = vector.broadcast %shift_left3A : i32 to vector<16xi32>
      %shift_left3A_656 = arith.shli %and3A_654, %shift_left3A_655 : vector<16xi32>
      %and3A_657 = arith.constant 127 : i32
      %and3A_658 = vector.broadcast %and3A_657 : i32 to vector<16xi32>
      %and3A_659 = arith.andi %get3A_651, %and3A_658 : vector<16xi32>
      %add3A_660 = arith.addi %shift_left3A_656, %and3A_659 : vector<16xi32>
      %add3A_661 = arith.addi %add3A_660, %mul3A_38 : vector<16xi32>
      tpu.vector_store_idx %arg6[%add3A_661], %select_n3A_45 {add = true} : memref<65536xi32, #tpu.memory_space<vmem>>[vector<16xi32>], vector<16xi32>,
      %add3A_662 = arith.constant 0 : i32
      %add3A_663 = arith.addi %mul3A_645, %add3A_662 : i32
      %get3A_664 = arith.constant 1 : i32
      %get3A_665 = arith.index_cast %add3A_663 : i32 to index
      %get3A_666 = arith.index_cast %get3A_664 : i32 to index
      %get3A_667 = arith.index_cast %mul3A_65 : i32 to index
      %get3A_668 = tpu.vector_load %arg5[%get3A_665, %get3A_666, %get3A_667] {strides = array<i32>} : memref<100x2x128xi32, #tpu.memory_space<vmem>>, vector<16xi32>,
      %and3A_669 = arith.constant 8064 : i32
      %and3A_670 = vector.broadcast %and3A_669 : i32 to vector<16xi32>
      %and3A_671 = arith.andi %get3A_668, %and3A_670 : vector<16xi32>
      %shift_left3A_672 = arith.constant 3 : i32
      %shift_left3A_673 = vector.broadcast %shift_left3A_672 : i32 to vector<16xi32>
      %shift_left3A_674 = arith.shli %and3A_671, %shift_left3A_673 : vector<16xi32>
      %and3A_675 = arith.constant 127 : i32
      %and3A_676 = vector.broadcast %and3A_675 : i32 to vector<16xi32>
      %and3A_677 = arith.andi %get3A_668, %and3A_676 : vector<16xi32>
      %add3A_678 = arith.addi %shift_left3A_674, %and3A_677 : vector<16xi32>
      %add3A_679 = arith.addi %add3A_678, %mul3A_38 : vector<16xi32>
      tpu.vector_store_idx %arg6[%add3A_679], %select_n3A_45 {add = true} : memref<65536xi32, #tpu.memory_space<vmem>>[vector<16xi32>], vector<16xi32>,
      %add3A_680 = arith.constant 1 : i32
      %add3A_681 = arith.addi %mul3A_645, %add3A_680 : i32
      %get3A_682 = arith.constant 0 : i32
      %get3A_683 = arith.index_cast %add3A_681 : i32 to index
      %get3A_684 = arith.index_cast %get3A_682 : i32 to index
      %get3A_685 = arith.index_cast %mul3A_65 : i32 to index
      %get3A_686 = tpu.vector_load %arg5[%get3A_683, %get3A_684, %get3A_685] {strides = array<i32>} : memref<100x2x128xi32, #tpu.memory_space<vmem>>, vector<16xi32>,
      %and3A_687 = arith.constant 8064 : i32
      %and3A_688 = vector.broadcast %and3A_687 : i32 to vector<16xi32>
      %and3A_689 = arith.andi %get3A_686, %and3A_688 : vector<16xi32>
      %shift_left3A_690 = arith.constant 3 : i32
      %shift_left3A_691 = vector.broadcast %shift_left3A_690 : i32 to vector<16xi32>
      %shift_left3A_692 = arith.shli %and3A_689, %shift_left3A_691 : vector<16xi32>
      %and3A_693 = arith.constant 127 : i32
      %and3A_694 = vector.broadcast %and3A_693 : i32 to vector<16xi32>
      %and3A_695 = arith.andi %get3A_686, %and3A_694 : vector<16xi32>
      %add3A_696 = arith.addi %shift_left3A_692, %and3A_695 : vector<16xi32>
      %add3A_697 = arith.addi %add3A_696, %mul3A_38 : vector<16xi32>
      tpu.vector_store_idx %arg6[%add3A_697], %select_n3A_45 {add = true} : memref<65536xi32, #tpu.memory_space<vmem>>[vector<16xi32>], vector<16xi32>,
      %add3A_698 = arith.constant 1 : i32
      %add3A_699 = arith.addi %mul3A_645, %add3A_698 : i32
      %get3A_700 = arith.constant 1 : i32
      %get3A_701 = arith.index_cast %add3A_699 : i32 to index
      %get3A_702 = arith.index_cast %get3A_700 : i32 to index
      %get3A_703 = arith.index_cast %mul3A_65 : i32 to index
      %get3A_704 = tpu.vector_load %arg5[%get3A_701, %get3A_702, %get3A_703] {strides = array<i32>} : memref<100x2x128xi32, #tpu.memory_space<vmem>>, vector<16xi32>,
      %and3A_705 = arith.constant 8064 : i32
      %and3A_706 = vector.broadcast %and3A_705 : i32 to vector<16xi32>
      %and3A_707 = arith.andi %get3A_704, %and3A_706 : vector<16xi32>
      %shift_left3A_708 = arith.constant 3 : i32
      %shift_left3A_709 = vector.broadcast %shift_left3A_708 : i32 to vector<16xi32>
      %shift_left3A_710 = arith.shli %and3A_707, %shift_left3A_709 : vector<16xi32>
      %and3A_711 = arith.constant 127 : i32
      %and3A_712 = vector.broadcast %and3A_711 : i32 to vector<16xi32>
      %and3A_713 = arith.andi %get3A_704, %and3A_712 : vector<16xi32>
      %add3A_714 = arith.addi %shift_left3A_710, %and3A_713 : vector<16xi32>
      %add3A_715 = arith.addi %add3A_714, %mul3A_38 : vector<16xi32>
      tpu.vector_store_idx %arg6[%add3A_715], %select_n3A_45 {add = true} : memref<65536xi32, #tpu.memory_space<vmem>>[vector<16xi32>], vector<16xi32>,
      %add3A_716 = arith.constant 2 : i32
      %add3A_717 = arith.addi %mul3A_645, %add3A_716 : i32
      %get3A_718 = arith.constant 0 : i32
      %get3A_719 = arith.index_cast %add3A_717 : i32 to index
      %get3A_720 = arith.index_cast %get3A_718 : i32 to index
      %get3A_721 = arith.index_cast %mul3A_65 : i32 to index
      %get3A_722 = tpu.vector_load %arg5[%get3A_719, %get3A_720, %get3A_721] {strides = array<i32>} : memref<100x2x128xi32, #tpu.memory_space<vmem>>, vector<16xi32>,
      %and3A_723 = arith.constant 8064 : i32
      %and3A_724 = vector.broadcast %and3A_723 : i32 to vector<16xi32>
      %and3A_725 = arith.andi %get3A_722, %and3A_724 : vector<16xi32>
      %shift_left3A_726 = arith.constant 3 : i32
      %shift_left3A_727 = vector.broadcast %shift_left3A_726 : i32 to vector<16xi32>
      %shift_left3A_728 = arith.shli %and3A_725, %shift_left3A_727 : vector<16xi32>
      %and3A_729 = arith.constant 127 : i32
      %and3A_730 = vector.broadcast %and3A_729 : i32 to vector<16xi32>
      %and3A_731 = arith.andi %get3A_722, %and3A_730 : vector<16xi32>
      %add3A_732 = arith.addi %shift_left3A_728, %and3A_731 : vector<16xi32>
      %add3A_733 = arith.addi %add3A_732, %mul3A_38 : vector<16xi32>
      tpu.vector_store_idx %arg6[%add3A_733], %select_n3A_45 {add = true} : memref<65536xi32, #tpu.memory_space<vmem>>[vector<16xi32>], vector<16xi32>,
      %add3A_734 = arith.constant 2 : i32
      %add3A_735 = arith.addi %mul3A_645, %add3A_734 : i32
      %get3A_736 = arith.constant 1 : i32
      %get3A_737 = arith.index_cast %add3A_735 : i32 to index
      %get3A_738 = arith.index_cast %get3A_736 : i32 to index
      %get3A_739 = arith.index_cast %mul3A_65 : i32 to index
      %get3A_740 = tpu.vector_load %arg5[%get3A_737, %get3A_738, %get3A_739] {strides = array<i32>} : memref<100x2x128xi32, #tpu.memory_space<vmem>>, vector<16xi32>,
      %and3A_741 = arith.constant 8064 : i32
      %and3A_742 = vector.broadcast %and3A_741 : i32 to vector<16xi32>
      %and3A_743 = arith.andi %get3A_740, %and3A_742 : vector<16xi32>
      %shift_left3A_744 = arith.constant 3 : i32
      %shift_left3A_745 = vector.broadcast %shift_left3A_744 : i32 to vector<16xi32>
      %shift_left3A_746 = arith.shli %and3A_743, %shift_left3A_745 : vector<16xi32>
      %and3A_747 = arith.constant 127 : i32
      %and3A_748 = vector.broadcast %and3A_747 : i32 to vector<16xi32>
      %and3A_749 = arith.andi %get3A_740, %and3A_748 : vector<16xi32>
      %add3A_750 = arith.addi %shift_left3A_746, %and3A_749 : vector<16xi32>
      %add3A_751 = arith.addi %add3A_750, %mul3A_38 : vector<16xi32>
      tpu.vector_store_idx %arg6[%add3A_751], %select_n3A_45 {add = true} : memref<65536xi32, #tpu.memory_space<vmem>>[vector<16xi32>], vector<16xi32>,
      %add3A_752 = arith.constant 3 : i32
      %add3A_753 = arith.addi %mul3A_645, %add3A_752 : i32
      %get3A_754 = arith.constant 0 : i32
      %get3A_755 = arith.index_cast %add3A_753 : i32 to index
      %get3A_756 = arith.index_cast %get3A_754 : i32 to index
      %get3A_757 = arith.index_cast %mul3A_65 : i32 to index
      %get3A_758 = tpu.vector_load %arg5[%get3A_755, %get3A_756, %get3A_757] {strides = array<i32>} : memref<100x2x128xi32, #tpu.memory_space<vmem>>, vector<16xi32>,
      %and3A_759 = arith.constant 8064 : i32
      %and3A_760 = vector.broadcast %and3A_759 : i32 to vector<16xi32>
      %and3A_761 = arith.andi %get3A_758, %and3A_760 : vector<16xi32>
      %shift_left3A_762 = arith.constant 3 : i32
      %shift_left3A_763 = vector.broadcast %shift_left3A_762 : i32 to vector<16xi32>
      %shift_left3A_764 = arith.shli %and3A_761, %shift_left3A_763 : vector<16xi32>
      %and3A_765 = arith.constant 127 : i32
      %and3A_766 = vector.broadcast %and3A_765 : i32 to vector<16xi32>
      %and3A_767 = arith.andi %get3A_758, %and3A_766 : vector<16xi32>
      %add3A_768 = arith.addi %shift_left3A_764, %and3A_767 : vector<16xi32>
      %add3A_769 = arith.addi %add3A_768, %mul3A_38 : vector<16xi32>
      tpu.vector_store_idx %arg6[%add3A_769], %select_n3A_45 {add = true} : memref<65536xi32, #tpu.memory_space<vmem>>[vector<16xi32>], vector<16xi32>,
      %add3A_770 = arith.constant 3 : i32
      %add3A_771 = arith.addi %mul3A_645, %add3A_770 : i32
      %get3A_772 = arith.constant 1 : i32
      %get3A_773 = arith.index_cast %add3A_771 : i32 to index
      %get3A_774 = arith.index_cast %get3A_772 : i32 to index
      %get3A_775 = arith.index_cast %mul3A_65 : i32 to index
      %get3A_776 = tpu.vector_load %arg5[%get3A_773, %get3A_774, %get3A_775] {strides = array<i32>} : memref<100x2x128xi32, #tpu.memory_space<vmem>>, vector<16xi32>,
      %and3A_777 = arith.constant 8064 : i32
      %and3A_778 = vector.broadcast %and3A_777 : i32 to vector<16xi32>
      %and3A_779 = arith.andi %get3A_776, %and3A_778 : vector<16xi32>
      %shift_left3A_780 = arith.constant 3 : i32
      %shift_left3A_781 = vector.broadcast %shift_left3A_780 : i32 to vector<16xi32>
      %shift_left3A_782 = arith.shli %and3A_779, %shift_left3A_781 : vector<16xi32>
      %and3A_783 = arith.constant 127 : i32
      %and3A_784 = vector.broadcast %and3A_783 : i32 to vector<16xi32>
      %and3A_785 = arith.andi %get3A_776, %and3A_784 : vector<16xi32>
      %add3A_786 = arith.addi %shift_left3A_782, %and3A_785 : vector<16xi32>
      %add3A_787 = arith.addi %add3A_786, %mul3A_38 : vector<16xi32>
      tpu.vector_store_idx %arg6[%add3A_787], %select_n3A_45 {add = true} : memref<65536xi32, #tpu.memory_space<vmem>>[vector<16xi32>], vector<16xi32>,
    }
    %scan3A_327 = arith.constant 25 : i32
    %dma_wait3A_328 = arith.constant 1000 : i32
    %dma_wait3A_329 = arith.constant 0 : i32
    %dma_wait3A_330 = arith.constant 0 : i32
    %dma_wait3A_331 = tpu.memref_slice %arg2[%dma_wait3A_328, %select_n3A, %dma_wait3A_329, %dma_wait3A_330] : memref<1100x8x2x128xi32, #tpu.memory_space<hbm>> -> memref<100x1x2x128xi32, #tpu.memory_space<hbm>>
    %dma_wait3A_332 = tpu.memref_squeeze %dma_wait3A_331 : memref<100x1x2x128xi32, #tpu.memory_space<hbm>> -> memref<100x2x128xi32, #tpu.memory_space<hbm>>
    %dma_wait3A_333 = arith.constant 1000 : i32
    %dma_wait3A_334 = arith.constant 0 : i32
    %dma_wait3A_335 = arith.constant 0 : i32
    %dma_wait3A_336 = tpu.memref_slice %arg2[%dma_wait3A_333, %select_n3A, %dma_wait3A_334, %dma_wait3A_335] : memref<1100x8x2x128xi32, #tpu.memory_space<hbm>> -> memref<100x1x2x128xi32, #tpu.memory_space<hbm>>
    %dma_wait3A_337 = tpu.memref_squeeze %dma_wait3A_336 : memref<100x1x2x128xi32, #tpu.memory_space<hbm>> -> memref<100x2x128xi32, #tpu.memory_space<hbm>>
    tpu.wait_dma2 semaphore(%arg7 : memref<!tpu.dma_semaphore, #tpu.memory_space<semaphore_mem>>) src(%dma_wait3A_337 : memref<100x2x128xi32, #tpu.memory_space<hbm>>) dst(%arg4 : memref<100x2x128xi32, #tpu.memory_space<vmem>>)
    %scan3A_338 = arith.constant 0 : i32
    %scan3A_339 = arith.constant 0 : i32
    %scan3A_340 = arith.constant 25 : i32
    %scan3A_341 = arith.addi %scan3A_339, %scan3A_340 : i32
    %scan3A_342 = arith.constant 1 : i32
    scf.for %scan3A_643 = %scan3A_339 to %scan3A_341 step %scan3A_342  : i32 {
      %mul3A_644 = arith.constant 4 : i32
      %mul3A_645 = arith.muli %scan3A_643, %mul3A_644 : i32
      %add3A_646 = arith.constant 0 : i32
      %add3A_647 = arith.addi %mul3A_645, %add3A_646 : i32
      %get3A = arith.constant 0 : i32
      %get3A_648 = arith.index_cast %add3A_647 : i32 to index
      %get3A_649 = arith.index_cast %get3A : i32 to index
      %get3A_650 = arith.index_cast %mul3A_65 : i32 to index
      %get3A_651 = tpu.vector_load %arg4[%get3A_648, %get3A_649, %get3A_650] {strides = array<i32>} : memref<100x2x128xi32, #tpu.memory_space<vmem>>, vector<16xi32>,
      %and3A_652 = arith.constant 8064 : i32
      %and3A_653 = vector.broadcast %and3A_652 : i32 to vector<16xi32>
      %and3A_654 = arith.andi %get3A_651, %and3A_653 : vector<16xi32>
      %shift_left3A = arith.constant 3 : i32
      %shift_left3A_655 = vector.broadcast %shift_left3A : i32 to vector<16xi32>
      %shift_left3A_656 = arith.shli %and3A_654, %shift_left3A_655 : vector<16xi32>
      %and3A_657 = arith.constant 127 : i32
      %and3A_658 = vector.broadcast %and3A_657 : i32 to vector<16xi32>
      %and3A_659 = arith.andi %get3A_651, %and3A_658 : vector<16xi32>
      %add3A_660 = arith.addi %shift_left3A_656, %and3A_659 : vector<16xi32>
      %add3A_661 = arith.addi %add3A_660, %mul3A_38 : vector<16xi32>
      tpu.vector_store_idx %arg6[%add3A_661], %select_n3A_45 {add = true} : memref<65536xi32, #tpu.memory_space<vmem>>[vector<16xi32>], vector<16xi32>,
      %add3A_662 = arith.constant 0 : i32
      %add3A_663 = arith.addi %mul3A_645, %add3A_662 : i32
      %get3A_664 = arith.constant 1 : i32
      %get3A_665 = arith.index_cast %add3A_663 : i32 to index
      %get3A_666 = arith.index_cast %get3A_664 : i32 to index
      %get3A_667 = arith.index_cast %mul3A_65 : i32 to index
      %get3A_668 = tpu.vector_load %arg4[%get3A_665, %get3A_666, %get3A_667] {strides = array<i32>} : memref<100x2x128xi32, #tpu.memory_space<vmem>>, vector<16xi32>,
      %and3A_669 = arith.constant 8064 : i32
      %and3A_670 = vector.broadcast %and3A_669 : i32 to vector<16xi32>
      %and3A_671 = arith.andi %get3A_668, %and3A_670 : vector<16xi32>
      %shift_left3A_672 = arith.constant 3 : i32
      %shift_left3A_673 = vector.broadcast %shift_left3A_672 : i32 to vector<16xi32>
      %shift_left3A_674 = arith.shli %and3A_671, %shift_left3A_673 : vector<16xi32>
      %and3A_675 = arith.constant 127 : i32
      %and3A_676 = vector.broadcast %and3A_675 : i32 to vector<16xi32>
      %and3A_677 = arith.andi %get3A_668, %and3A_676 : vector<16xi32>
      %add3A_678 = arith.addi %shift_left3A_674, %and3A_677 : vector<16xi32>
      %add3A_679 = arith.addi %add3A_678, %mul3A_38 : vector<16xi32>
      tpu.vector_store_idx %arg6[%add3A_679], %select_n3A_45 {add = true} : memref<65536xi32, #tpu.memory_space<vmem>>[vector<16xi32>], vector<16xi32>,
      %add3A_680 = arith.constant 1 : i32
      %add3A_681 = arith.addi %mul3A_645, %add3A_680 : i32
      %get3A_682 = arith.constant 0 : i32
      %get3A_683 = arith.index_cast %add3A_681 : i32 to index
      %get3A_684 = arith.index_cast %get3A_682 : i32 to index
      %get3A_685 = arith.index_cast %mul3A_65 : i32 to index
      %get3A_686 = tpu.vector_load %arg4[%get3A_683, %get3A_684, %get3A_685] {strides = array<i32>} : memref<100x2x128xi32, #tpu.memory_space<vmem>>, vector<16xi32>,
      %and3A_687 = arith.constant 8064 : i32
      %and3A_688 = vector.broadcast %and3A_687 : i32 to vector<16xi32>
      %and3A_689 = arith.andi %get3A_686, %and3A_688 : vector<16xi32>
      %shift_left3A_690 = arith.constant 3 : i32
      %shift_left3A_691 = vector.broadcast %shift_left3A_690 : i32 to vector<16xi32>
      %shift_left3A_692 = arith.shli %and3A_689, %shift_left3A_691 : vector<16xi32>
      %and3A_693 = arith.constant 127 : i32
      %and3A_694 = vector.broadcast %and3A_693 : i32 to vector<16xi32>
      %and3A_695 = arith.andi %get3A_686, %and3A_694 : vector<16xi32>
      %add3A_696 = arith.addi %shift_left3A_692, %and3A_695 : vector<16xi32>
      %add3A_697 = arith.addi %add3A_696, %mul3A_38 : vector<16xi32>
      tpu.vector_store_idx %arg6[%add3A_697], %select_n3A_45 {add = true} : memref<65536xi32, #tpu.memory_space<vmem>>[vector<16xi32>], vector<16xi32>,
      %add3A_698 = arith.constant 1 : i32
      %add3A_699 = arith.addi %mul3A_645, %add3A_698 : i32
      %get3A_700 = arith.constant 1 : i32
      %get3A_701 = arith.index_cast %add3A_699 : i32 to index
      %get3A_702 = arith.index_cast %get3A_700 : i32 to index
      %get3A_703 = arith.index_cast %mul3A_65 : i32 to index
      %get3A_704 = tpu.vector_load %arg4[%get3A_701, %get3A_702, %get3A_703] {strides = array<i32>} : memref<100x2x128xi32, #tpu.memory_space<vmem>>, vector<16xi32>,
      %and3A_705 = arith.constant 8064 : i32
      %and3A_706 = vector.broadcast %and3A_705 : i32 to vector<16xi32>
      %and3A_707 = arith.andi %get3A_704, %and3A_706 : vector<16xi32>
      %shift_left3A_708 = arith.constant 3 : i32
      %shift_left3A_709 = vector.broadcast %shift_left3A_708 : i32 to vector<16xi32>
      %shift_left3A_710 = arith.shli %and3A_707, %shift_left3A_709 : vector<16xi32>
      %and3A_711 = arith.constant 127 : i32
      %and3A_712 = vector.broadcast %and3A_711 : i32 to vector<16xi32>
      %and3A_713 = arith.andi %get3A_704, %and3A_712 : vector<16xi32>
      %add3A_714 = arith.addi %shift_left3A_710, %and3A_713 : vector<16xi32>
      %add3A_715 = arith.addi %add3A_714, %mul3A_38 : vector<16xi32>
      tpu.vector_store_idx %arg6[%add3A_715], %select_n3A_45 {add = true} : memref<65536xi32, #tpu.memory_space<vmem>>[vector<16xi32>], vector<16xi32>,
      %add3A_716 = arith.constant 2 : i32
      %add3A_717 = arith.addi %mul3A_645, %add3A_716 : i32
      %get3A_718 = arith.constant 0 : i32
      %get3A_719 = arith.index_cast %add3A_717 : i32 to index
      %get3A_720 = arith.index_cast %get3A_718 : i32 to index
      %get3A_721 = arith.index_cast %mul3A_65 : i32 to index
      %get3A_722 = tpu.vector_load %arg4[%get3A_719, %get3A_720, %get3A_721] {strides = array<i32>} : memref<100x2x128xi32, #tpu.memory_space<vmem>>, vector<16xi32>,
      %and3A_723 = arith.constant 8064 : i32
      %and3A_724 = vector.broadcast %and3A_723 : i32 to vector<16xi32>
      %and3A_725 = arith.andi %get3A_722, %and3A_724 : vector<16xi32>
      %shift_left3A_726 = arith.constant 3 : i32
      %shift_left3A_727 = vector.broadcast %shift_left3A_726 : i32 to vector<16xi32>
      %shift_left3A_728 = arith.shli %and3A_725, %shift_left3A_727 : vector<16xi32>
      %and3A_729 = arith.constant 127 : i32
      %and3A_730 = vector.broadcast %and3A_729 : i32 to vector<16xi32>
      %and3A_731 = arith.andi %get3A_722, %and3A_730 : vector<16xi32>
      %add3A_732 = arith.addi %shift_left3A_728, %and3A_731 : vector<16xi32>
      %add3A_733 = arith.addi %add3A_732, %mul3A_38 : vector<16xi32>
      tpu.vector_store_idx %arg6[%add3A_733], %select_n3A_45 {add = true} : memref<65536xi32, #tpu.memory_space<vmem>>[vector<16xi32>], vector<16xi32>,
      %add3A_734 = arith.constant 2 : i32
      %add3A_735 = arith.addi %mul3A_645, %add3A_734 : i32
      %get3A_736 = arith.constant 1 : i32
      %get3A_737 = arith.index_cast %add3A_735 : i32 to index
      %get3A_738 = arith.index_cast %get3A_736 : i32 to index
      %get3A_739 = arith.index_cast %mul3A_65 : i32 to index
      %get3A_740 = tpu.vector_load %arg4[%get3A_737, %get3A_738, %get3A_739] {strides = array<i32>} : memref<100x2x128xi32, #tpu.memory_space<vmem>>, vector<16xi32>,
      %and3A_741 = arith.constant 8064 : i32
      %and3A_742 = vector.broadcast %and3A_741 : i32 to vector<16xi32>
      %and3A_743 = arith.andi %get3A_740, %and3A_742 : vector<16xi32>
      %shift_left3A_744 = arith.constant 3 : i32
      %shift_left3A_745 = vector.broadcast %shift_left3A_744 : i32 to vector<16xi32>
      %shift_left3A_746 = arith.shli %and3A_743, %shift_left3A_745 : vector<16xi32>
      %and3A_747 = arith.constant 127 : i32
      %and3A_748 = vector.broadcast %and3A_747 : i32 to vector<16xi32>
      %and3A_749 = arith.andi %get3A_740, %and3A_748 : vector<16xi32>
      %add3A_750 = arith.addi %shift_left3A_746, %and3A_749 : vector<16xi32>
      %add3A_751 = arith.addi %add3A_750, %mul3A_38 : vector<16xi32>
      tpu.vector_store_idx %arg6[%add3A_751], %select_n3A_45 {add = true} : memref<65536xi32, #tpu.memory_space<vmem>>[vector<16xi32>], vector<16xi32>,
      %add3A_752 = arith.constant 3 : i32
      %add3A_753 = arith.addi %mul3A_645, %add3A_752 : i32
      %get3A_754 = arith.constant 0 : i32
      %get3A_755 = arith.index_cast %add3A_753 : i32 to index
      %get3A_756 = arith.index_cast %get3A_754 : i32 to index
      %get3A_757 = arith.index_cast %mul3A_65 : i32 to index
      %get3A_758 = tpu.vector_load %arg4[%get3A_755, %get3A_756, %get3A_757] {strides = array<i32>} : memref<100x2x128xi32, #tpu.memory_space<vmem>>, vector<16xi32>,
      %and3A_759 = arith.constant 8064 : i32
      %and3A_760 = vector.broadcast %and3A_759 : i32 to vector<16xi32>
      %and3A_761 = arith.andi %get3A_758, %and3A_760 : vector<16xi32>
      %shift_left3A_762 = arith.constant 3 : i32
      %shift_left3A_763 = vector.broadcast %shift_left3A_762 : i32 to vector<16xi32>
      %shift_left3A_764 = arith.shli %and3A_761, %shift_left3A_763 : vector<16xi32>
      %and3A_765 = arith.constant 127 : i32
      %and3A_766 = vector.broadcast %and3A_765 : i32 to vector<16xi32>
      %and3A_767 = arith.andi %get3A_758, %and3A_766 : vector<16xi32>
      %add3A_768 = arith.addi %shift_left3A_764, %and3A_767 : vector<16xi32>
      %add3A_769 = arith.addi %add3A_768, %mul3A_38 : vector<16xi32>
      tpu.vector_store_idx %arg6[%add3A_769], %select_n3A_45 {add = true} : memref<65536xi32, #tpu.memory_space<vmem>>[vector<16xi32>], vector<16xi32>,
      %add3A_770 = arith.constant 3 : i32
      %add3A_771 = arith.addi %mul3A_645, %add3A_770 : i32
      %get3A_772 = arith.constant 1 : i32
      %get3A_773 = arith.index_cast %add3A_771 : i32 to index
      %get3A_774 = arith.index_cast %get3A_772 : i32 to index
      %get3A_775 = arith.index_cast %mul3A_65 : i32 to index
      %get3A_776 = tpu.vector_load %arg4[%get3A_773, %get3A_774, %get3A_775] {strides = array<i32>} : memref<100x2x128xi32, #tpu.memory_space<vmem>>, vector<16xi32>,
      %and3A_777 = arith.constant 8064 : i32
      %and3A_778 = vector.broadcast %and3A_777 : i32 to vector<16xi32>
      %and3A_779 = arith.andi %get3A_776, %and3A_778 : vector<16xi32>
      %shift_left3A_780 = arith.constant 3 : i32
      %shift_left3A_781 = vector.broadcast %shift_left3A_780 : i32 to vector<16xi32>
      %shift_left3A_782 = arith.shli %and3A_779, %shift_left3A_781 : vector<16xi32>
      %and3A_783 = arith.constant 127 : i32
      %and3A_784 = vector.broadcast %and3A_783 : i32 to vector<16xi32>
      %and3A_785 = arith.andi %get3A_776, %and3A_784 : vector<16xi32>
      %add3A_786 = arith.addi %shift_left3A_782, %and3A_785 : vector<16xi32>
      %add3A_787 = arith.addi %add3A_786, %mul3A_38 : vector<16xi32>
      tpu.vector_store_idx %arg6[%add3A_787], %select_n3A_45 {add = true} : memref<65536xi32, #tpu.memory_space<vmem>>[vector<16xi32>], vector<16xi32>,
    }
    %scan3A_343 = arith.constant 25 : i32
    %dma_start3A_344 = arith.constant 0 : i32
    %dma_start3A_345 = arith.constant 0 : i32
    %dma_start3A_346 = arith.constant 0 : i32
    %dma_start3A_347 = tpu.memref_slice %arg2[%dma_start3A_344, %select_n3A, %dma_start3A_345, %dma_start3A_346] : memref<1100x8x2x128xi32, #tpu.memory_space<hbm>> -> memref<100x1x2x128xi32, #tpu.memory_space<hbm>>
    %dma_start3A_348 = tpu.memref_squeeze %dma_start3A_347 : memref<100x1x2x128xi32, #tpu.memory_space<hbm>> -> memref<100x2x128xi32, #tpu.memory_space<hbm>>
    %dma_start3A_349 = arith.constant 0 : i32
    %dma_start3A_350 = arith.constant 0 : i32
    %dma_start3A_351 = arith.constant 0 : i32
    %dma_start3A_352 = tpu.memref_slice %arg2[%dma_start3A_349, %select_n3A, %dma_start3A_350, %dma_start3A_351] : memref<1100x8x2x128xi32, #tpu.memory_space<hbm>> -> memref<100x1x2x128xi32, #tpu.memory_space<hbm>>
    %dma_start3A_353 = tpu.memref_squeeze %dma_start3A_352 : memref<100x1x2x128xi32, #tpu.memory_space<hbm>> -> memref<100x2x128xi32, #tpu.memory_space<hbm>>
    tpu.enqueue_dma source(%dma_start3A_353 : memref<100x2x128xi32, #tpu.memory_space<hbm>>) target(%arg4 : memref<100x2x128xi32, #tpu.memory_space<vmem>>) target_semaphore(%arg7 : memref<!tpu.dma_semaphore, #tpu.memory_space<semaphore_mem>>)
    "tpu.region"() ({
      %run_scoped3A = tpu.sem_alloc : memref<!tpu.dma_semaphore, #tpu.memory_space<semaphore_mem>>
      %dma_start3A_643 = arith.constant 0 : i32
      %dma_start3A_644 = tpu.memref_slice %arg3[%add3A_68, %dma_start3A_643] : memref<64x65536xi32, #tpu.memory_space<hbm>> -> memref<1x65536xi32, #tpu.memory_space<hbm>>
      %dma_start3A_645 = tpu.memref_squeeze %dma_start3A_644 : memref<1x65536xi32, #tpu.memory_space<hbm>> -> memref<65536xi32, #tpu.memory_space<hbm>>
      %dma_start3A_646 = arith.constant 0 : i32
      %dma_start3A_647 = tpu.memref_slice %arg3[%add3A_68, %dma_start3A_646] : memref<64x65536xi32, #tpu.memory_space<hbm>> -> memref<1x65536xi32, #tpu.memory_space<hbm>>
      %dma_start3A_648 = tpu.memref_squeeze %dma_start3A_647 : memref<1x65536xi32, #tpu.memory_space<hbm>> -> memref<65536xi32, #tpu.memory_space<hbm>>
      tpu.enqueue_dma source(%arg6 : memref<65536xi32, #tpu.memory_space<vmem>>) target(%dma_start3A_648 : memref<65536xi32, #tpu.memory_space<hbm>>) target_semaphore(%run_scoped3A : memref<!tpu.dma_semaphore, #tpu.memory_space<semaphore_mem>>)
      %dma_wait3A_649 = arith.constant 0 : i32
      %dma_wait3A_650 = tpu.memref_slice %arg3[%add3A_68, %dma_wait3A_649] : memref<64x65536xi32, #tpu.memory_space<hbm>> -> memref<1x65536xi32, #tpu.memory_space<hbm>>
      %dma_wait3A_651 = tpu.memref_squeeze %dma_wait3A_650 : memref<1x65536xi32, #tpu.memory_space<hbm>> -> memref<65536xi32, #tpu.memory_space<hbm>>
      %dma_wait3A_652 = arith.constant 0 : i32
      %dma_wait3A_653 = tpu.memref_slice %arg3[%add3A_68, %dma_wait3A_652] : memref<64x65536xi32, #tpu.memory_space<hbm>> -> memref<1x65536xi32, #tpu.memory_space<hbm>>
      %dma_wait3A_654 = tpu.memref_squeeze %dma_wait3A_653 : memref<1x65536xi32, #tpu.memory_space<hbm>> -> memref<65536xi32, #tpu.memory_space<hbm>>
      tpu.wait_dma2 semaphore(%run_scoped3A : memref<!tpu.dma_semaphore, #tpu.memory_space<semaphore_mem>>) src(%arg6 : memref<65536xi32, #tpu.memory_space<vmem>>) dst(%dma_wait3A_654 : memref<65536xi32, #tpu.memory_space<hbm>>)
      tpu.yield
    }) : () -> ()
    %scan3A_354 = arith.constant 0 : i32
    %scan3A_355 = arith.constant 0 : i32
    %scan3A_356 = arith.constant 512 : i32
    %scan3A_357 = arith.addi %scan3A_355, %scan3A_356 : i32
    %scan3A_358 = arith.constant 1 : i32
    scf.for %scan3A_643 = %scan3A_355 to %scan3A_357 step %scan3A_358  : i32 {
      %mul3A_644 = arith.constant 8 : i32
      %mul3A_645 = arith.muli %scan3A_643, %mul3A_644 : i32
      %add3A_646 = arith.constant 0 : i32
      %add3A_647 = arith.addi %mul3A_645, %add3A_646 : i32
      %mul3A_648 = arith.constant 16 : i32
      %mul3A_649 = arith.muli %add3A_647, %mul3A_648 : i32
      %swap3A = arith.index_cast %mul3A_649 : i32 to index
      %swap3A_650 = tpu.vector_load %arg6[%swap3A] {strides = array<i32>} : memref<65536xi32, #tpu.memory_space<vmem>>, vector<16xi32>,
      tpu.vector_store %arg6[%swap3A], %broadcast_in_dim3A_47 {strides = array<i32>} : memref<65536xi32, #tpu.memory_space<vmem>>, vector<16xi32>,
      %mul3A_651 = arith.constant 8 : i32
      %mul3A_652 = arith.muli %scan3A_643, %mul3A_651 : i32
      %add3A_653 = arith.constant 1 : i32
      %add3A_654 = arith.addi %mul3A_652, %add3A_653 : i32
      %mul3A_655 = arith.constant 16 : i32
      %mul3A_656 = arith.muli %add3A_654, %mul3A_655 : i32
      %swap3A_657 = arith.index_cast %mul3A_656 : i32 to index
      %swap3A_658 = tpu.vector_load %arg6[%swap3A_657] {strides = array<i32>} : memref<65536xi32, #tpu.memory_space<vmem>>, vector<16xi32>,
      tpu.vector_store %arg6[%swap3A_657], %broadcast_in_dim3A_47 {strides = array<i32>} : memref<65536xi32, #tpu.memory_space<vmem>>, vector<16xi32>,
      %mul3A_659 = arith.constant 8 : i32
      %mul3A_660 = arith.muli %scan3A_643, %mul3A_659 : i32
      %add3A_661 = arith.constant 2 : i32
      %add3A_662 = arith.addi %mul3A_660, %add3A_661 : i32
      %mul3A_663 = arith.constant 16 : i32
      %mul3A_664 = arith.muli %add3A_662, %mul3A_663 : i32
      %swap3A_665 = arith.index_cast %mul3A_664 : i32 to index
      %swap3A_666 = tpu.vector_load %arg6[%swap3A_665] {strides = array<i32>} : memref<65536xi32, #tpu.memory_space<vmem>>, vector<16xi32>,
      tpu.vector_store %arg6[%swap3A_665], %broadcast_in_dim3A_47 {strides = array<i32>} : memref<65536xi32, #tpu.memory_space<vmem>>, vector<16xi32>,
      %mul3A_667 = arith.constant 8 : i32
      %mul3A_668 = arith.muli %scan3A_643, %mul3A_667 : i32
      %add3A_669 = arith.constant 3 : i32
      %add3A_670 = arith.addi %mul3A_668, %add3A_669 : i32
      %mul3A_671 = arith.constant 16 : i32
      %mul3A_672 = arith.muli %add3A_670, %mul3A_671 : i32
      %swap3A_673 = arith.index_cast %mul3A_672 : i32 to index
      %swap3A_674 = tpu.vector_load %arg6[%swap3A_673] {strides = array<i32>} : memref<65536xi32, #tpu.memory_space<vmem>>, vector<16xi32>,
      tpu.vector_store %arg6[%swap3A_673], %broadcast_in_dim3A_47 {strides = array<i32>} : memref<65536xi32, #tpu.memory_space<vmem>>, vector<16xi32>,
      %mul3A_675 = arith.constant 8 : i32
      %mul3A_676 = arith.muli %scan3A_643, %mul3A_675 : i32
      %add3A_677 = arith.constant 4 : i32
      %add3A_678 = arith.addi %mul3A_676, %add3A_677 : i32
      %mul3A_679 = arith.constant 16 : i32
      %mul3A_680 = arith.muli %add3A_678, %mul3A_679 : i32
      %swap3A_681 = arith.index_cast %mul3A_680 : i32 to index
      %swap3A_682 = tpu.vector_load %arg6[%swap3A_681] {strides = array<i32>} : memref<65536xi32, #tpu.memory_space<vmem>>, vector<16xi32>,
      tpu.vector_store %arg6[%swap3A_681], %broadcast_in_dim3A_47 {strides = array<i32>} : memref<65536xi32, #tpu.memory_space<vmem>>, vector<16xi32>,
      %mul3A_683 = arith.constant 8 : i32
      %mul3A_684 = arith.muli %scan3A_643, %mul3A_683 : i32
      %add3A_685 = arith.constant 5 : i32
      %add3A_686 = arith.addi %mul3A_684, %add3A_685 : i32
      %mul3A_687 = arith.constant 16 : i32
      %mul3A_688 = arith.muli %add3A_686, %mul3A_687 : i32
      %swap3A_689 = arith.index_cast %mul3A_688 : i32 to index
      %swap3A_690 = tpu.vector_load %arg6[%swap3A_689] {strides = array<i32>} : memref<65536xi32, #tpu.memory_space<vmem>>, vector<16xi32>,
      tpu.vector_store %arg6[%swap3A_689], %broadcast_in_dim3A_47 {strides = array<i32>} : memref<65536xi32, #tpu.memory_space<vmem>>, vector<16xi32>,
      %mul3A_691 = arith.constant 8 : i32
      %mul3A_692 = arith.muli %scan3A_643, %mul3A_691 : i32
      %add3A_693 = arith.constant 6 : i32
      %add3A_694 = arith.addi %mul3A_692, %add3A_693 : i32
      %mul3A_695 = arith.constant 16 : i32
      %mul3A_696 = arith.muli %add3A_694, %mul3A_695 : i32
      %swap3A_697 = arith.index_cast %mul3A_696 : i32 to index
      %swap3A_698 = tpu.vector_load %arg6[%swap3A_697] {strides = array<i32>} : memref<65536xi32, #tpu.memory_space<vmem>>, vector<16xi32>,
      tpu.vector_store %arg6[%swap3A_697], %broadcast_in_dim3A_47 {strides = array<i32>} : memref<65536xi32, #tpu.memory_space<vmem>>, vector<16xi32>,
      %mul3A_699 = arith.constant 8 : i32
      %mul3A_700 = arith.muli %scan3A_643, %mul3A_699 : i32
      %add3A_701 = arith.constant 7 : i32
      %add3A_702 = arith.addi %mul3A_700, %add3A_701 : i32
      %mul3A_703 = arith.constant 16 : i32
      %mul3A_704 = arith.muli %add3A_702, %mul3A_703 : i32
      %swap3A_705 = arith.index_cast %mul3A_704 : i32 to index
      %swap3A_706 = tpu.vector_load %arg6[%swap3A_705] {strides = array<i32>} : memref<65536xi32, #tpu.memory_space<vmem>>, vector<16xi32>,
      tpu.vector_store %arg6[%swap3A_705], %broadcast_in_dim3A_47 {strides = array<i32>} : memref<65536xi32, #tpu.memory_space<vmem>>, vector<16xi32>,
    }
    %scan3A_359 = arith.constant 512 : i32
    %add3A_360 = arith.constant 1 : i32
    %add3A_361 = arith.addi %mul3A_32, %add3A_360 : i32
    %mul3A_362 = arith.constant 16 : i32
    %mul3A_363 = arith.muli %add3A_361, %mul3A_362 : i32
    %mul3A_364 = arith.constant 8 : i32
    %mul3A_365 = arith.muli %select_n3A, %mul3A_364 : i32
    %add3A_366 = arith.addi %mul3A_365, %add3A_361 : i32
    %dma_wait3A_367 = arith.constant 0 : i32
    %dma_wait3A_368 = arith.constant 0 : i32
    %dma_wait3A_369 = arith.constant 0 : i32
    %dma_wait3A_370 = tpu.memref_slice %arg2[%dma_wait3A_367, %select_n3A, %dma_wait3A_368, %dma_wait3A_369] : memref<1100x8x2x128xi32, #tpu.memory_space<hbm>> -> memref<100x1x2x128xi32, #tpu.memory_space<hbm>>
    %dma_wait3A_371 = tpu.memref_squeeze %dma_wait3A_370 : memref<100x1x2x128xi32, #tpu.memory_space<hbm>> -> memref<100x2x128xi32, #tpu.memory_space<hbm>>
    %dma_wait3A_372 = arith.constant 0 : i32
    %dma_wait3A_373 = arith.constant 0 : i32
    %dma_wait3A_374 = arith.constant 0 : i32
    %dma_wait3A_375 = tpu.memref_slice %arg2[%dma_wait3A_372, %select_n3A, %dma_wait3A_373, %dma_wait3A_374] : memref<1100x8x2x128xi32, #tpu.memory_space<hbm>> -> memref<100x1x2x128xi32, #tpu.memory_space<hbm>>
    %dma_wait3A_376 = tpu.memref_squeeze %dma_wait3A_375 : memref<100x1x2x128xi32, #tpu.memory_space<hbm>> -> memref<100x2x128xi32, #tpu.memory_space<hbm>>
    tpu.wait_dma2 semaphore(%arg7 : memref<!tpu.dma_semaphore, #tpu.memory_space<semaphore_mem>>) src(%dma_wait3A_376 : memref<100x2x128xi32, #tpu.memory_space<hbm>>) dst(%arg4 : memref<100x2x128xi32, #tpu.memory_space<vmem>>)
    %dma_start3A_377 = arith.constant 100 : i32
    %dma_start3A_378 = arith.constant 0 : i32
    %dma_start3A_379 = arith.constant 0 : i32
    %dma_start3A_380 = tpu.memref_slice %arg2[%dma_start3A_377, %select_n3A, %dma_start3A_378, %dma_start3A_379] : memref<1100x8x2x128xi32, #tpu.memory_space<hbm>> -> memref<100x1x2x128xi32, #tpu.memory_space<hbm>>
    %dma_start3A_381 = tpu.memref_squeeze %dma_start3A_380 : memref<100x1x2x128xi32, #tpu.memory_space<hbm>> -> memref<100x2x128xi32, #tpu.memory_space<hbm>>
    %dma_start3A_382 = arith.constant 100 : i32
    %dma_start3A_383 = arith.constant 0 : i32
    %dma_start3A_384 = arith.constant 0 : i32
    %dma_start3A_385 = tpu.memref_slice %arg2[%dma_start3A_382, %select_n3A, %dma_start3A_383, %dma_start3A_384] : memref<1100x8x2x128xi32, #tpu.memory_space<hbm>> -> memref<100x1x2x128xi32, #tpu.memory_space<hbm>>
    %dma_start3A_386 = tpu.memref_squeeze %dma_start3A_385 : memref<100x1x2x128xi32, #tpu.memory_space<hbm>> -> memref<100x2x128xi32, #tpu.memory_space<hbm>>
    tpu.enqueue_dma source(%dma_start3A_386 : memref<100x2x128xi32, #tpu.memory_space<hbm>>) target(%arg5 : memref<100x2x128xi32, #tpu.memory_space<vmem>>) target_semaphore(%arg8 : memref<!tpu.dma_semaphore, #tpu.memory_space<semaphore_mem>>)
    %scan3A_387 = arith.constant 0 : i32
    %scan3A_388 = arith.constant 0 : i32
    %scan3A_389 = arith.constant 25 : i32
    %scan3A_390 = arith.addi %scan3A_388, %scan3A_389 : i32
    %scan3A_391 = arith.constant 1 : i32
    scf.for %scan3A_643 = %scan3A_388 to %scan3A_390 step %scan3A_391  : i32 {
      %mul3A_644 = arith.constant 4 : i32
      %mul3A_645 = arith.muli %scan3A_643, %mul3A_644 : i32
      %add3A_646 = arith.constant 0 : i32
      %add3A_647 = arith.addi %mul3A_645, %add3A_646 : i32
      %get3A = arith.constant 0 : i32
      %get3A_648 = arith.index_cast %add3A_647 : i32 to index
      %get3A_649 = arith.index_cast %get3A : i32 to index
      %get3A_650 = arith.index_cast %mul3A_363 : i32 to index
      %get3A_651 = tpu.vector_load %arg4[%get3A_648, %get3A_649, %get3A_650] {strides = array<i32>} : memref<100x2x128xi32, #tpu.memory_space<vmem>>, vector<16xi32>,
      %and3A_652 = arith.constant 8064 : i32
      %and3A_653 = vector.broadcast %and3A_652 : i32 to vector<16xi32>
      %and3A_654 = arith.andi %get3A_651, %and3A_653 : vector<16xi32>
      %shift_left3A = arith.constant 3 : i32
      %shift_left3A_655 = vector.broadcast %shift_left3A : i32 to vector<16xi32>
      %shift_left3A_656 = arith.shli %and3A_654, %shift_left3A_655 : vector<16xi32>
      %and3A_657 = arith.constant 127 : i32
      %and3A_658 = vector.broadcast %and3A_657 : i32 to vector<16xi32>
      %and3A_659 = arith.andi %get3A_651, %and3A_658 : vector<16xi32>
      %add3A_660 = arith.addi %shift_left3A_656, %and3A_659 : vector<16xi32>
      %add3A_661 = arith.addi %add3A_660, %mul3A_38 : vector<16xi32>
      tpu.vector_store_idx %arg6[%add3A_661], %select_n3A_45 {add = true} : memref<65536xi32, #tpu.memory_space<vmem>>[vector<16xi32>], vector<16xi32>,
      %add3A_662 = arith.constant 0 : i32
      %add3A_663 = arith.addi %mul3A_645, %add3A_662 : i32
      %get3A_664 = arith.constant 1 : i32
      %get3A_665 = arith.index_cast %add3A_663 : i32 to index
      %get3A_666 = arith.index_cast %get3A_664 : i32 to index
      %get3A_667 = arith.index_cast %mul3A_363 : i32 to index
      %get3A_668 = tpu.vector_load %arg4[%get3A_665, %get3A_666, %get3A_667] {strides = array<i32>} : memref<100x2x128xi32, #tpu.memory_space<vmem>>, vector<16xi32>,
      %and3A_669 = arith.constant 8064 : i32
      %and3A_670 = vector.broadcast %and3A_669 : i32 to vector<16xi32>
      %and3A_671 = arith.andi %get3A_668, %and3A_670 : vector<16xi32>
      %shift_left3A_672 = arith.constant 3 : i32
      %shift_left3A_673 = vector.broadcast %shift_left3A_672 : i32 to vector<16xi32>
      %shift_left3A_674 = arith.shli %and3A_671, %shift_left3A_673 : vector<16xi32>
      %and3A_675 = arith.constant 127 : i32
      %and3A_676 = vector.broadcast %and3A_675 : i32 to vector<16xi32>
      %and3A_677 = arith.andi %get3A_668, %and3A_676 : vector<16xi32>
      %add3A_678 = arith.addi %shift_left3A_674, %and3A_677 : vector<16xi32>
      %add3A_679 = arith.addi %add3A_678, %mul3A_38 : vector<16xi32>
      tpu.vector_store_idx %arg6[%add3A_679], %select_n3A_45 {add = true} : memref<65536xi32, #tpu.memory_space<vmem>>[vector<16xi32>], vector<16xi32>,
      %add3A_680 = arith.constant 1 : i32
      %add3A_681 = arith.addi %mul3A_645, %add3A_680 : i32
      %get3A_682 = arith.constant 0 : i32
      %get3A_683 = arith.index_cast %add3A_681 : i32 to index
      %get3A_684 = arith.index_cast %get3A_682 : i32 to index
      %get3A_685 = arith.index_cast %mul3A_363 : i32 to index
      %get3A_686 = tpu.vector_load %arg4[%get3A_683, %get3A_684, %get3A_685] {strides = array<i32>} : memref<100x2x128xi32, #tpu.memory_space<vmem>>, vector<16xi32>,
      %and3A_687 = arith.constant 8064 : i32
      %and3A_688 = vector.broadcast %and3A_687 : i32 to vector<16xi32>
      %and3A_689 = arith.andi %get3A_686, %and3A_688 : vector<16xi32>
      %shift_left3A_690 = arith.constant 3 : i32
      %shift_left3A_691 = vector.broadcast %shift_left3A_690 : i32 to vector<16xi32>
      %shift_left3A_692 = arith.shli %and3A_689, %shift_left3A_691 : vector<16xi32>
      %and3A_693 = arith.constant 127 : i32
      %and3A_694 = vector.broadcast %and3A_693 : i32 to vector<16xi32>
      %and3A_695 = arith.andi %get3A_686, %and3A_694 : vector<16xi32>
      %add3A_696 = arith.addi %shift_left3A_692, %and3A_695 : vector<16xi32>
      %add3A_697 = arith.addi %add3A_696, %mul3A_38 : vector<16xi32>
      tpu.vector_store_idx %arg6[%add3A_697], %select_n3A_45 {add = true} : memref<65536xi32, #tpu.memory_space<vmem>>[vector<16xi32>], vector<16xi32>,
      %add3A_698 = arith.constant 1 : i32
      %add3A_699 = arith.addi %mul3A_645, %add3A_698 : i32
      %get3A_700 = arith.constant 1 : i32
      %get3A_701 = arith.index_cast %add3A_699 : i32 to index
      %get3A_702 = arith.index_cast %get3A_700 : i32 to index
      %get3A_703 = arith.index_cast %mul3A_363 : i32 to index
      %get3A_704 = tpu.vector_load %arg4[%get3A_701, %get3A_702, %get3A_703] {strides = array<i32>} : memref<100x2x128xi32, #tpu.memory_space<vmem>>, vector<16xi32>,
      %and3A_705 = arith.constant 8064 : i32
      %and3A_706 = vector.broadcast %and3A_705 : i32 to vector<16xi32>
      %and3A_707 = arith.andi %get3A_704, %and3A_706 : vector<16xi32>
      %shift_left3A_708 = arith.constant 3 : i32
      %shift_left3A_709 = vector.broadcast %shift_left3A_708 : i32 to vector<16xi32>
      %shift_left3A_710 = arith.shli %and3A_707, %shift_left3A_709 : vector<16xi32>
      %and3A_711 = arith.constant 127 : i32
      %and3A_712 = vector.broadcast %and3A_711 : i32 to vector<16xi32>
      %and3A_713 = arith.andi %get3A_704, %and3A_712 : vector<16xi32>
      %add3A_714 = arith.addi %shift_left3A_710, %and3A_713 : vector<16xi32>
      %add3A_715 = arith.addi %add3A_714, %mul3A_38 : vector<16xi32>
      tpu.vector_store_idx %arg6[%add3A_715], %select_n3A_45 {add = true} : memref<65536xi32, #tpu.memory_space<vmem>>[vector<16xi32>], vector<16xi32>,
      %add3A_716 = arith.constant 2 : i32
      %add3A_717 = arith.addi %mul3A_645, %add3A_716 : i32
      %get3A_718 = arith.constant 0 : i32
      %get3A_719 = arith.index_cast %add3A_717 : i32 to index
      %get3A_720 = arith.index_cast %get3A_718 : i32 to index
      %get3A_721 = arith.index_cast %mul3A_363 : i32 to index
      %get3A_722 = tpu.vector_load %arg4[%get3A_719, %get3A_720, %get3A_721] {strides = array<i32>} : memref<100x2x128xi32, #tpu.memory_space<vmem>>, vector<16xi32>,
      %and3A_723 = arith.constant 8064 : i32
      %and3A_724 = vector.broadcast %and3A_723 : i32 to vector<16xi32>
      %and3A_725 = arith.andi %get3A_722, %and3A_724 : vector<16xi32>
      %shift_left3A_726 = arith.constant 3 : i32
      %shift_left3A_727 = vector.broadcast %shift_left3A_726 : i32 to vector<16xi32>
      %shift_left3A_728 = arith.shli %and3A_725, %shift_left3A_727 : vector<16xi32>
      %and3A_729 = arith.constant 127 : i32
      %and3A_730 = vector.broadcast %and3A_729 : i32 to vector<16xi32>
      %and3A_731 = arith.andi %get3A_722, %and3A_730 : vector<16xi32>
      %add3A_732 = arith.addi %shift_left3A_728, %and3A_731 : vector<16xi32>
      %add3A_733 = arith.addi %add3A_732, %mul3A_38 : vector<16xi32>
      tpu.vector_store_idx %arg6[%add3A_733], %select_n3A_45 {add = true} : memref<65536xi32, #tpu.memory_space<vmem>>[vector<16xi32>], vector<16xi32>,
      %add3A_734 = arith.constant 2 : i32
      %add3A_735 = arith.addi %mul3A_645, %add3A_734 : i32
      %get3A_736 = arith.constant 1 : i32
      %get3A_737 = arith.index_cast %add3A_735 : i32 to index
      %get3A_738 = arith.index_cast %get3A_736 : i32 to index
      %get3A_739 = arith.index_cast %mul3A_363 : i32 to index
      %get3A_740 = tpu.vector_load %arg4[%get3A_737, %get3A_738, %get3A_739] {strides = array<i32>} : memref<100x2x128xi32, #tpu.memory_space<vmem>>, vector<16xi32>,
      %and3A_741 = arith.constant 8064 : i32
      %and3A_742 = vector.broadcast %and3A_741 : i32 to vector<16xi32>
      %and3A_743 = arith.andi %get3A_740, %and3A_742 : vector<16xi32>
      %shift_left3A_744 = arith.constant 3 : i32
      %shift_left3A_745 = vector.broadcast %shift_left3A_744 : i32 to vector<16xi32>
      %shift_left3A_746 = arith.shli %and3A_743, %shift_left3A_745 : vector<16xi32>
      %and3A_747 = arith.constant 127 : i32
      %and3A_748 = vector.broadcast %and3A_747 : i32 to vector<16xi32>
      %and3A_749 = arith.andi %get3A_740, %and3A_748 : vector<16xi32>
      %add3A_750 = arith.addi %shift_left3A_746, %and3A_749 : vector<16xi32>
      %add3A_751 = arith.addi %add3A_750, %mul3A_38 : vector<16xi32>
      tpu.vector_store_idx %arg6[%add3A_751], %select_n3A_45 {add = true} : memref<65536xi32, #tpu.memory_space<vmem>>[vector<16xi32>], vector<16xi32>,
      %add3A_752 = arith.constant 3 : i32
      %add3A_753 = arith.addi %mul3A_645, %add3A_752 : i32
      %get3A_754 = arith.constant 0 : i32
      %get3A_755 = arith.index_cast %add3A_753 : i32 to index
      %get3A_756 = arith.index_cast %get3A_754 : i32 to index
      %get3A_757 = arith.index_cast %mul3A_363 : i32 to index
      %get3A_758 = tpu.vector_load %arg4[%get3A_755, %get3A_756, %get3A_757] {strides = array<i32>} : memref<100x2x128xi32, #tpu.memory_space<vmem>>, vector<16xi32>,
      %and3A_759 = arith.constant 8064 : i32
      %and3A_760 = vector.broadcast %and3A_759 : i32 to vector<16xi32>
      %and3A_761 = arith.andi %get3A_758, %and3A_760 : vector<16xi32>
      %shift_left3A_762 = arith.constant 3 : i32
      %shift_left3A_763 = vector.broadcast %shift_left3A_762 : i32 to vector<16xi32>
      %shift_left3A_764 = arith.shli %and3A_761, %shift_left3A_763 : vector<16xi32>
      %and3A_765 = arith.constant 127 : i32
      %and3A_766 = vector.broadcast %and3A_765 : i32 to vector<16xi32>
      %and3A_767 = arith.andi %get3A_758, %and3A_766 : vector<16xi32>
      %add3A_768 = arith.addi %shift_left3A_764, %and3A_767 : vector<16xi32>
      %add3A_769 = arith.addi %add3A_768, %mul3A_38 : vector<16xi32>
      tpu.vector_store_idx %arg6[%add3A_769], %select_n3A_45 {add = true} : memref<65536xi32, #tpu.memory_space<vmem>>[vector<16xi32>], vector<16xi32>,
      %add3A_770 = arith.constant 3 : i32
      %add3A_771 = arith.addi %mul3A_645, %add3A_770 : i32
      %get3A_772 = arith.constant 1 : i32
      %get3A_773 = arith.index_cast %add3A_771 : i32 to index
      %get3A_774 = arith.index_cast %get3A_772 : i32 to index
      %get3A_775 = arith.index_cast %mul3A_363 : i32 to index
      %get3A_776 = tpu.vector_load %arg4[%get3A_773, %get3A_774, %get3A_775] {strides = array<i32>} : memref<100x2x128xi32, #tpu.memory_space<vmem>>, vector<16xi32>,
      %and3A_777 = arith.constant 8064 : i32
      %and3A_778 = vector.broadcast %and3A_777 : i32 to vector<16xi32>
      %and3A_779 = arith.andi %get3A_776, %and3A_778 : vector<16xi32>
      %shift_left3A_780 = arith.constant 3 : i32
      %shift_left3A_781 = vector.broadcast %shift_left3A_780 : i32 to vector<16xi32>
      %shift_left3A_782 = arith.shli %and3A_779, %shift_left3A_781 : vector<16xi32>
      %and3A_783 = arith.constant 127 : i32
      %and3A_784 = vector.broadcast %and3A_783 : i32 to vector<16xi32>
      %and3A_785 = arith.andi %get3A_776, %and3A_784 : vector<16xi32>
      %add3A_786 = arith.addi %shift_left3A_782, %and3A_785 : vector<16xi32>
      %add3A_787 = arith.addi %add3A_786, %mul3A_38 : vector<16xi32>
      tpu.vector_store_idx %arg6[%add3A_787], %select_n3A_45 {add = true} : memref<65536xi32, #tpu.memory_space<vmem>>[vector<16xi32>], vector<16xi32>,
    }
    %scan3A_392 = arith.constant 25 : i32
    %dma_wait3A_393 = arith.constant 100 : i32
    %dma_wait3A_394 = arith.constant 0 : i32
    %dma_wait3A_395 = arith.constant 0 : i32
    %dma_wait3A_396 = tpu.memref_slice %arg2[%dma_wait3A_393, %select_n3A, %dma_wait3A_394, %dma_wait3A_395] : memref<1100x8x2x128xi32, #tpu.memory_space<hbm>> -> memref<100x1x2x128xi32, #tpu.memory_space<hbm>>
    %dma_wait3A_397 = tpu.memref_squeeze %dma_wait3A_396 : memref<100x1x2x128xi32, #tpu.memory_space<hbm>> -> memref<100x2x128xi32, #tpu.memory_space<hbm>>
    %dma_wait3A_398 = arith.constant 100 : i32
    %dma_wait3A_399 = arith.constant 0 : i32
    %dma_wait3A_400 = arith.constant 0 : i32
    %dma_wait3A_401 = tpu.memref_slice %arg2[%dma_wait3A_398, %select_n3A, %dma_wait3A_399, %dma_wait3A_400] : memref<1100x8x2x128xi32, #tpu.memory_space<hbm>> -> memref<100x1x2x128xi32, #tpu.memory_space<hbm>>
    %dma_wait3A_402 = tpu.memref_squeeze %dma_wait3A_401 : memref<100x1x2x128xi32, #tpu.memory_space<hbm>> -> memref<100x2x128xi32, #tpu.memory_space<hbm>>
    tpu.wait_dma2 semaphore(%arg8 : memref<!tpu.dma_semaphore, #tpu.memory_space<semaphore_mem>>) src(%dma_wait3A_402 : memref<100x2x128xi32, #tpu.memory_space<hbm>>) dst(%arg5 : memref<100x2x128xi32, #tpu.memory_space<vmem>>)
    %dma_start3A_403 = arith.constant 200 : i32
    %dma_start3A_404 = arith.constant 0 : i32
    %dma_start3A_405 = arith.constant 0 : i32
    %dma_start3A_406 = tpu.memref_slice %arg2[%dma_start3A_403, %select_n3A, %dma_start3A_404, %dma_start3A_405] : memref<1100x8x2x128xi32, #tpu.memory_space<hbm>> -> memref<100x1x2x128xi32, #tpu.memory_space<hbm>>
    %dma_start3A_407 = tpu.memref_squeeze %dma_start3A_406 : memref<100x1x2x128xi32, #tpu.memory_space<hbm>> -> memref<100x2x128xi32, #tpu.memory_space<hbm>>
    %dma_start3A_408 = arith.constant 200 : i32
    %dma_start3A_409 = arith.constant 0 : i32
    %dma_start3A_410 = arith.constant 0 : i32
    %dma_start3A_411 = tpu.memref_slice %arg2[%dma_start3A_408, %select_n3A, %dma_start3A_409, %dma_start3A_410] : memref<1100x8x2x128xi32, #tpu.memory_space<hbm>> -> memref<100x1x2x128xi32, #tpu.memory_space<hbm>>
    %dma_start3A_412 = tpu.memref_squeeze %dma_start3A_411 : memref<100x1x2x128xi32, #tpu.memory_space<hbm>> -> memref<100x2x128xi32, #tpu.memory_space<hbm>>
    tpu.enqueue_dma source(%dma_start3A_412 : memref<100x2x128xi32, #tpu.memory_space<hbm>>) target(%arg4 : memref<100x2x128xi32, #tpu.memory_space<vmem>>) target_semaphore(%arg7 : memref<!tpu.dma_semaphore, #tpu.memory_space<semaphore_mem>>)
    %scan3A_413 = arith.constant 0 : i32
    %scan3A_414 = arith.constant 0 : i32
    %scan3A_415 = arith.constant 25 : i32
    %scan3A_416 = arith.addi %scan3A_414, %scan3A_415 : i32
    %scan3A_417 = arith.constant 1 : i32
    scf.for %scan3A_643 = %scan3A_414 to %scan3A_416 step %scan3A_417  : i32 {
      %mul3A_644 = arith.constant 4 : i32
      %mul3A_645 = arith.muli %scan3A_643, %mul3A_644 : i32
      %add3A_646 = arith.constant 0 : i32
      %add3A_647 = arith.addi %mul3A_645, %add3A_646 : i32
      %get3A = arith.constant 0 : i32
      %get3A_648 = arith.index_cast %add3A_647 : i32 to index
      %get3A_649 = arith.index_cast %get3A : i32 to index
      %get3A_650 = arith.index_cast %mul3A_363 : i32 to index
      %get3A_651 = tpu.vector_load %arg5[%get3A_648, %get3A_649, %get3A_650] {strides = array<i32>} : memref<100x2x128xi32, #tpu.memory_space<vmem>>, vector<16xi32>,
      %and3A_652 = arith.constant 8064 : i32
      %and3A_653 = vector.broadcast %and3A_652 : i32 to vector<16xi32>
      %and3A_654 = arith.andi %get3A_651, %and3A_653 : vector<16xi32>
      %shift_left3A = arith.constant 3 : i32
      %shift_left3A_655 = vector.broadcast %shift_left3A : i32 to vector<16xi32>
      %shift_left3A_656 = arith.shli %and3A_654, %shift_left3A_655 : vector<16xi32>
      %and3A_657 = arith.constant 127 : i32
      %and3A_658 = vector.broadcast %and3A_657 : i32 to vector<16xi32>
      %and3A_659 = arith.andi %get3A_651, %and3A_658 : vector<16xi32>
      %add3A_660 = arith.addi %shift_left3A_656, %and3A_659 : vector<16xi32>
      %add3A_661 = arith.addi %add3A_660, %mul3A_38 : vector<16xi32>
      tpu.vector_store_idx %arg6[%add3A_661], %select_n3A_45 {add = true} : memref<65536xi32, #tpu.memory_space<vmem>>[vector<16xi32>], vector<16xi32>,
      %add3A_662 = arith.constant 0 : i32
      %add3A_663 = arith.addi %mul3A_645, %add3A_662 : i32
      %get3A_664 = arith.constant 1 : i32
      %get3A_665 = arith.index_cast %add3A_663 : i32 to index
      %get3A_666 = arith.index_cast %get3A_664 : i32 to index
      %get3A_667 = arith.index_cast %mul3A_363 : i32 to index
      %get3A_668 = tpu.vector_load %arg5[%get3A_665, %get3A_666, %get3A_667] {strides = array<i32>} : memref<100x2x128xi32, #tpu.memory_space<vmem>>, vector<16xi32>,
      %and3A_669 = arith.constant 8064 : i32
      %and3A_670 = vector.broadcast %and3A_669 : i32 to vector<16xi32>
      %and3A_671 = arith.andi %get3A_668, %and3A_670 : vector<16xi32>
      %shift_left3A_672 = arith.constant 3 : i32
      %shift_left3A_673 = vector.broadcast %shift_left3A_672 : i32 to vector<16xi32>
      %shift_left3A_674 = arith.shli %and3A_671, %shift_left3A_673 : vector<16xi32>
      %and3A_675 = arith.constant 127 : i32
      %and3A_676 = vector.broadcast %and3A_675 : i32 to vector<16xi32>
      %and3A_677 = arith.andi %get3A_668, %and3A_676 : vector<16xi32>
      %add3A_678 = arith.addi %shift_left3A_674, %and3A_677 : vector<16xi32>
      %add3A_679 = arith.addi %add3A_678, %mul3A_38 : vector<16xi32>
      tpu.vector_store_idx %arg6[%add3A_679], %select_n3A_45 {add = true} : memref<65536xi32, #tpu.memory_space<vmem>>[vector<16xi32>], vector<16xi32>,
      %add3A_680 = arith.constant 1 : i32
      %add3A_681 = arith.addi %mul3A_645, %add3A_680 : i32
      %get3A_682 = arith.constant 0 : i32
      %get3A_683 = arith.index_cast %add3A_681 : i32 to index
      %get3A_684 = arith.index_cast %get3A_682 : i32 to index
      %get3A_685 = arith.index_cast %mul3A_363 : i32 to index
      %get3A_686 = tpu.vector_load %arg5[%get3A_683, %get3A_684, %get3A_685] {strides = array<i32>} : memref<100x2x128xi32, #tpu.memory_space<vmem>>, vector<16xi32>,
      %and3A_687 = arith.constant 8064 : i32
      %and3A_688 = vector.broadcast %and3A_687 : i32 to vector<16xi32>
      %and3A_689 = arith.andi %get3A_686, %and3A_688 : vector<16xi32>
      %shift_left3A_690 = arith.constant 3 : i32
      %shift_left3A_691 = vector.broadcast %shift_left3A_690 : i32 to vector<16xi32>
      %shift_left3A_692 = arith.shli %and3A_689, %shift_left3A_691 : vector<16xi32>
      %and3A_693 = arith.constant 127 : i32
      %and3A_694 = vector.broadcast %and3A_693 : i32 to vector<16xi32>
      %and3A_695 = arith.andi %get3A_686, %and3A_694 : vector<16xi32>
      %add3A_696 = arith.addi %shift_left3A_692, %and3A_695 : vector<16xi32>
      %add3A_697 = arith.addi %add3A_696, %mul3A_38 : vector<16xi32>
      tpu.vector_store_idx %arg6[%add3A_697], %select_n3A_45 {add = true} : memref<65536xi32, #tpu.memory_space<vmem>>[vector<16xi32>], vector<16xi32>,
      %add3A_698 = arith.constant 1 : i32
      %add3A_699 = arith.addi %mul3A_645, %add3A_698 : i32
      %get3A_700 = arith.constant 1 : i32
      %get3A_701 = arith.index_cast %add3A_699 : i32 to index
      %get3A_702 = arith.index_cast %get3A_700 : i32 to index
      %get3A_703 = arith.index_cast %mul3A_363 : i32 to index
      %get3A_704 = tpu.vector_load %arg5[%get3A_701, %get3A_702, %get3A_703] {strides = array<i32>} : memref<100x2x128xi32, #tpu.memory_space<vmem>>, vector<16xi32>,
      %and3A_705 = arith.constant 8064 : i32
      %and3A_706 = vector.broadcast %and3A_705 : i32 to vector<16xi32>
      %and3A_707 = arith.andi %get3A_704, %and3A_706 : vector<16xi32>
      %shift_left3A_708 = arith.constant 3 : i32
      %shift_left3A_709 = vector.broadcast %shift_left3A_708 : i32 to vector<16xi32>
      %shift_left3A_710 = arith.shli %and3A_707, %shift_left3A_709 : vector<16xi32>
      %and3A_711 = arith.constant 127 : i32
      %and3A_712 = vector.broadcast %and3A_711 : i32 to vector<16xi32>
      %and3A_713 = arith.andi %get3A_704, %and3A_712 : vector<16xi32>
      %add3A_714 = arith.addi %shift_left3A_710, %and3A_713 : vector<16xi32>
      %add3A_715 = arith.addi %add3A_714, %mul3A_38 : vector<16xi32>
      tpu.vector_store_idx %arg6[%add3A_715], %select_n3A_45 {add = true} : memref<65536xi32, #tpu.memory_space<vmem>>[vector<16xi32>], vector<16xi32>,
      %add3A_716 = arith.constant 2 : i32
      %add3A_717 = arith.addi %mul3A_645, %add3A_716 : i32
      %get3A_718 = arith.constant 0 : i32
      %get3A_719 = arith.index_cast %add3A_717 : i32 to index
      %get3A_720 = arith.index_cast %get3A_718 : i32 to index
      %get3A_721 = arith.index_cast %mul3A_363 : i32 to index
      %get3A_722 = tpu.vector_load %arg5[%get3A_719, %get3A_720, %get3A_721] {strides = array<i32>} : memref<100x2x128xi32, #tpu.memory_space<vmem>>, vector<16xi32>,
      %and3A_723 = arith.constant 8064 : i32
      %and3A_724 = vector.broadcast %and3A_723 : i32 to vector<16xi32>
      %and3A_725 = arith.andi %get3A_722, %and3A_724 : vector<16xi32>
      %shift_left3A_726 = arith.constant 3 : i32
      %shift_left3A_727 = vector.broadcast %shift_left3A_726 : i32 to vector<16xi32>
      %shift_left3A_728 = arith.shli %and3A_725, %shift_left3A_727 : vector<16xi32>
      %and3A_729 = arith.constant 127 : i32
      %and3A_730 = vector.broadcast %and3A_729 : i32 to vector<16xi32>
      %and3A_731 = arith.andi %get3A_722, %and3A_730 : vector<16xi32>
      %add3A_732 = arith.addi %shift_left3A_728, %and3A_731 : vector<16xi32>
      %add3A_733 = arith.addi %add3A_732, %mul3A_38 : vector<16xi32>
      tpu.vector_store_idx %arg6[%add3A_733], %select_n3A_45 {add = true} : memref<65536xi32, #tpu.memory_space<vmem>>[vector<16xi32>], vector<16xi32>,
      %add3A_734 = arith.constant 2 : i32
      %add3A_735 = arith.addi %mul3A_645, %add3A_734 : i32
      %get3A_736 = arith.constant 1 : i32
      %get3A_737 = arith.index_cast %add3A_735 : i32 to index
      %get3A_738 = arith.index_cast %get3A_736 : i32 to index
      %get3A_739 = arith.index_cast %mul3A_363 : i32 to index
      %get3A_740 = tpu.vector_load %arg5[%get3A_737, %get3A_738, %get3A_739] {strides = array<i32>} : memref<100x2x128xi32, #tpu.memory_space<vmem>>, vector<16xi32>,
      %and3A_741 = arith.constant 8064 : i32
      %and3A_742 = vector.broadcast %and3A_741 : i32 to vector<16xi32>
      %and3A_743 = arith.andi %get3A_740, %and3A_742 : vector<16xi32>
      %shift_left3A_744 = arith.constant 3 : i32
      %shift_left3A_745 = vector.broadcast %shift_left3A_744 : i32 to vector<16xi32>
      %shift_left3A_746 = arith.shli %and3A_743, %shift_left3A_745 : vector<16xi32>
      %and3A_747 = arith.constant 127 : i32
      %and3A_748 = vector.broadcast %and3A_747 : i32 to vector<16xi32>
      %and3A_749 = arith.andi %get3A_740, %and3A_748 : vector<16xi32>
      %add3A_750 = arith.addi %shift_left3A_746, %and3A_749 : vector<16xi32>
      %add3A_751 = arith.addi %add3A_750, %mul3A_38 : vector<16xi32>
      tpu.vector_store_idx %arg6[%add3A_751], %select_n3A_45 {add = true} : memref<65536xi32, #tpu.memory_space<vmem>>[vector<16xi32>], vector<16xi32>,
      %add3A_752 = arith.constant 3 : i32
      %add3A_753 = arith.addi %mul3A_645, %add3A_752 : i32
      %get3A_754 = arith.constant 0 : i32
      %get3A_755 = arith.index_cast %add3A_753 : i32 to index
      %get3A_756 = arith.index_cast %get3A_754 : i32 to index
      %get3A_757 = arith.index_cast %mul3A_363 : i32 to index
      %get3A_758 = tpu.vector_load %arg5[%get3A_755, %get3A_756, %get3A_757] {strides = array<i32>} : memref<100x2x128xi32, #tpu.memory_space<vmem>>, vector<16xi32>,
      %and3A_759 = arith.constant 8064 : i32
      %and3A_760 = vector.broadcast %and3A_759 : i32 to vector<16xi32>
      %and3A_761 = arith.andi %get3A_758, %and3A_760 : vector<16xi32>
      %shift_left3A_762 = arith.constant 3 : i32
      %shift_left3A_763 = vector.broadcast %shift_left3A_762 : i32 to vector<16xi32>
      %shift_left3A_764 = arith.shli %and3A_761, %shift_left3A_763 : vector<16xi32>
      %and3A_765 = arith.constant 127 : i32
      %and3A_766 = vector.broadcast %and3A_765 : i32 to vector<16xi32>
      %and3A_767 = arith.andi %get3A_758, %and3A_766 : vector<16xi32>
      %add3A_768 = arith.addi %shift_left3A_764, %and3A_767 : vector<16xi32>
      %add3A_769 = arith.addi %add3A_768, %mul3A_38 : vector<16xi32>
      tpu.vector_store_idx %arg6[%add3A_769], %select_n3A_45 {add = true} : memref<65536xi32, #tpu.memory_space<vmem>>[vector<16xi32>], vector<16xi32>,
      %add3A_770 = arith.constant 3 : i32
      %add3A_771 = arith.addi %mul3A_645, %add3A_770 : i32
      %get3A_772 = arith.constant 1 : i32
      %get3A_773 = arith.index_cast %add3A_771 : i32 to index
      %get3A_774 = arith.index_cast %get3A_772 : i32 to index
      %get3A_775 = arith.index_cast %mul3A_363 : i32 to index
      %get3A_776 = tpu.vector_load %arg5[%get3A_773, %get3A_774, %get3A_775] {strides = array<i32>} : memref<100x2x128xi32, #tpu.memory_space<vmem>>, vector<16xi32>,
      %and3A_777 = arith.constant 8064 : i32
      %and3A_778 = vector.broadcast %and3A_777 : i32 to vector<16xi32>
      %and3A_779 = arith.andi %get3A_776, %and3A_778 : vector<16xi32>
      %shift_left3A_780 = arith.constant 3 : i32
      %shift_left3A_781 = vector.broadcast %shift_left3A_780 : i32 to vector<16xi32>
      %shift_left3A_782 = arith.shli %and3A_779, %shift_left3A_781 : vector<16xi32>
      %and3A_783 = arith.constant 127 : i32
      %and3A_784 = vector.broadcast %and3A_783 : i32 to vector<16xi32>
      %and3A_785 = arith.andi %get3A_776, %and3A_784 : vector<16xi32>
      %add3A_786 = arith.addi %shift_left3A_782, %and3A_785 : vector<16xi32>
      %add3A_787 = arith.addi %add3A_786, %mul3A_38 : vector<16xi32>
      tpu.vector_store_idx %arg6[%add3A_787], %select_n3A_45 {add = true} : memref<65536xi32, #tpu.memory_space<vmem>>[vector<16xi32>], vector<16xi32>,
    }
    %scan3A_418 = arith.constant 25 : i32
    %dma_wait3A_419 = arith.constant 200 : i32
    %dma_wait3A_420 = arith.constant 0 : i32
    %dma_wait3A_421 = arith.constant 0 : i32
    %dma_wait3A_422 = tpu.memref_slice %arg2[%dma_wait3A_419, %select_n3A, %dma_wait3A_420, %dma_wait3A_421] : memref<1100x8x2x128xi32, #tpu.memory_space<hbm>> -> memref<100x1x2x128xi32, #tpu.memory_space<hbm>>
    %dma_wait3A_423 = tpu.memref_squeeze %dma_wait3A_422 : memref<100x1x2x128xi32, #tpu.memory_space<hbm>> -> memref<100x2x128xi32, #tpu.memory_space<hbm>>
    %dma_wait3A_424 = arith.constant 200 : i32
    %dma_wait3A_425 = arith.constant 0 : i32
    %dma_wait3A_426 = arith.constant 0 : i32
    %dma_wait3A_427 = tpu.memref_slice %arg2[%dma_wait3A_424, %select_n3A, %dma_wait3A_425, %dma_wait3A_426] : memref<1100x8x2x128xi32, #tpu.memory_space<hbm>> -> memref<100x1x2x128xi32, #tpu.memory_space<hbm>>
    %dma_wait3A_428 = tpu.memref_squeeze %dma_wait3A_427 : memref<100x1x2x128xi32, #tpu.memory_space<hbm>> -> memref<100x2x128xi32, #tpu.memory_space<hbm>>
    tpu.wait_dma2 semaphore(%arg7 : memref<!tpu.dma_semaphore, #tpu.memory_space<semaphore_mem>>) src(%dma_wait3A_428 : memref<100x2x128xi32, #tpu.memory_space<hbm>>) dst(%arg4 : memref<100x2x128xi32, #tpu.memory_space<vmem>>)
    %dma_start3A_429 = arith.constant 300 : i32
    %dma_start3A_430 = arith.constant 0 : i32
    %dma_start3A_431 = arith.constant 0 : i32
    %dma_start3A_432 = tpu.memref_slice %arg2[%dma_start3A_429, %select_n3A, %dma_start3A_430, %dma_start3A_431] : memref<1100x8x2x128xi32, #tpu.memory_space<hbm>> -> memref<100x1x2x128xi32, #tpu.memory_space<hbm>>
    %dma_start3A_433 = tpu.memref_squeeze %dma_start3A_432 : memref<100x1x2x128xi32, #tpu.memory_space<hbm>> -> memref<100x2x128xi32, #tpu.memory_space<hbm>>
    %dma_start3A_434 = arith.constant 300 : i32
    %dma_start3A_435 = arith.constant 0 : i32
    %dma_start3A_436 = arith.constant 0 : i32
    %dma_start3A_437 = tpu.memref_slice %arg2[%dma_start3A_434, %select_n3A, %dma_start3A_435, %dma_start3A_436] : memref<1100x8x2x128xi32, #tpu.memory_space<hbm>> -> memref<100x1x2x128xi32, #tpu.memory_space<hbm>>
    %dma_start3A_438 = tpu.memref_squeeze %dma_start3A_437 : memref<100x1x2x128xi32, #tpu.memory_space<hbm>> -> memref<100x2x128xi32, #tpu.memory_space<hbm>>
    tpu.enqueue_dma source(%dma_start3A_438 : memref<100x2x128xi32, #tpu.memory_space<hbm>>) target(%arg5 : memref<100x2x128xi32, #tpu.memory_space<vmem>>) target_semaphore(%arg8 : memref<!tpu.dma_semaphore, #tpu.memory_space<semaphore_mem>>)
    %scan3A_439 = arith.constant 0 : i32
    %scan3A_440 = arith.constant 0 : i32
    %scan3A_441 = arith.constant 25 : i32
    %scan3A_442 = arith.addi %scan3A_440, %scan3A_441 : i32
    %scan3A_443 = arith.constant 1 : i32
    scf.for %scan3A_643 = %scan3A_440 to %scan3A_442 step %scan3A_443  : i32 {
      %mul3A_644 = arith.constant 4 : i32
      %mul3A_645 = arith.muli %scan3A_643, %mul3A_644 : i32
      %add3A_646 = arith.constant 0 : i32
      %add3A_647 = arith.addi %mul3A_645, %add3A_646 : i32
      %get3A = arith.constant 0 : i32
      %get3A_648 = arith.index_cast %add3A_647 : i32 to index
      %get3A_649 = arith.index_cast %get3A : i32 to index
      %get3A_650 = arith.index_cast %mul3A_363 : i32 to index
      %get3A_651 = tpu.vector_load %arg4[%get3A_648, %get3A_649, %get3A_650] {strides = array<i32>} : memref<100x2x128xi32, #tpu.memory_space<vmem>>, vector<16xi32>,
      %and3A_652 = arith.constant 8064 : i32
      %and3A_653 = vector.broadcast %and3A_652 : i32 to vector<16xi32>
      %and3A_654 = arith.andi %get3A_651, %and3A_653 : vector<16xi32>
      %shift_left3A = arith.constant 3 : i32
      %shift_left3A_655 = vector.broadcast %shift_left3A : i32 to vector<16xi32>
      %shift_left3A_656 = arith.shli %and3A_654, %shift_left3A_655 : vector<16xi32>
      %and3A_657 = arith.constant 127 : i32
      %and3A_658 = vector.broadcast %and3A_657 : i32 to vector<16xi32>
      %and3A_659 = arith.andi %get3A_651, %and3A_658 : vector<16xi32>
      %add3A_660 = arith.addi %shift_left3A_656, %and3A_659 : vector<16xi32>
      %add3A_661 = arith.addi %add3A_660, %mul3A_38 : vector<16xi32>
      tpu.vector_store_idx %arg6[%add3A_661], %select_n3A_45 {add = true} : memref<65536xi32, #tpu.memory_space<vmem>>[vector<16xi32>], vector<16xi32>,
      %add3A_662 = arith.constant 0 : i32
      %add3A_663 = arith.addi %mul3A_645, %add3A_662 : i32
      %get3A_664 = arith.constant 1 : i32
      %get3A_665 = arith.index_cast %add3A_663 : i32 to index
      %get3A_666 = arith.index_cast %get3A_664 : i32 to index
      %get3A_667 = arith.index_cast %mul3A_363 : i32 to index
      %get3A_668 = tpu.vector_load %arg4[%get3A_665, %get3A_666, %get3A_667] {strides = array<i32>} : memref<100x2x128xi32, #tpu.memory_space<vmem>>, vector<16xi32>,
      %and3A_669 = arith.constant 8064 : i32
      %and3A_670 = vector.broadcast %and3A_669 : i32 to vector<16xi32>
      %and3A_671 = arith.andi %get3A_668, %and3A_670 : vector<16xi32>
      %shift_left3A_672 = arith.constant 3 : i32
      %shift_left3A_673 = vector.broadcast %shift_left3A_672 : i32 to vector<16xi32>
      %shift_left3A_674 = arith.shli %and3A_671, %shift_left3A_673 : vector<16xi32>
      %and3A_675 = arith.constant 127 : i32
      %and3A_676 = vector.broadcast %and3A_675 : i32 to vector<16xi32>
      %and3A_677 = arith.andi %get3A_668, %and3A_676 : vector<16xi32>
      %add3A_678 = arith.addi %shift_left3A_674, %and3A_677 : vector<16xi32>
      %add3A_679 = arith.addi %add3A_678, %mul3A_38 : vector<16xi32>
      tpu.vector_store_idx %arg6[%add3A_679], %select_n3A_45 {add = true} : memref<65536xi32, #tpu.memory_space<vmem>>[vector<16xi32>], vector<16xi32>,
      %add3A_680 = arith.constant 1 : i32
      %add3A_681 = arith.addi %mul3A_645, %add3A_680 : i32
      %get3A_682 = arith.constant 0 : i32
      %get3A_683 = arith.index_cast %add3A_681 : i32 to index
      %get3A_684 = arith.index_cast %get3A_682 : i32 to index
      %get3A_685 = arith.index_cast %mul3A_363 : i32 to index
      %get3A_686 = tpu.vector_load %arg4[%get3A_683, %get3A_684, %get3A_685] {strides = array<i32>} : memref<100x2x128xi32, #tpu.memory_space<vmem>>, vector<16xi32>,
      %and3A_687 = arith.constant 8064 : i32
      %and3A_688 = vector.broadcast %and3A_687 : i32 to vector<16xi32>
      %and3A_689 = arith.andi %get3A_686, %and3A_688 : vector<16xi32>
      %shift_left3A_690 = arith.constant 3 : i32
      %shift_left3A_691 = vector.broadcast %shift_left3A_690 : i32 to vector<16xi32>
      %shift_left3A_692 = arith.shli %and3A_689, %shift_left3A_691 : vector<16xi32>
      %and3A_693 = arith.constant 127 : i32
      %and3A_694 = vector.broadcast %and3A_693 : i32 to vector<16xi32>
      %and3A_695 = arith.andi %get3A_686, %and3A_694 : vector<16xi32>
      %add3A_696 = arith.addi %shift_left3A_692, %and3A_695 : vector<16xi32>
      %add3A_697 = arith.addi %add3A_696, %mul3A_38 : vector<16xi32>
      tpu.vector_store_idx %arg6[%add3A_697], %select_n3A_45 {add = true} : memref<65536xi32, #tpu.memory_space<vmem>>[vector<16xi32>], vector<16xi32>,
      %add3A_698 = arith.constant 1 : i32
      %add3A_699 = arith.addi %mul3A_645, %add3A_698 : i32
      %get3A_700 = arith.constant 1 : i32
      %get3A_701 = arith.index_cast %add3A_699 : i32 to index
      %get3A_702 = arith.index_cast %get3A_700 : i32 to index
      %get3A_703 = arith.index_cast %mul3A_363 : i32 to index
      %get3A_704 = tpu.vector_load %arg4[%get3A_701, %get3A_702, %get3A_703] {strides = array<i32>} : memref<100x2x128xi32, #tpu.memory_space<vmem>>, vector<16xi32>,
      %and3A_705 = arith.constant 8064 : i32
      %and3A_706 = vector.broadcast %and3A_705 : i32 to vector<16xi32>
      %and3A_707 = arith.andi %get3A_704, %and3A_706 : vector<16xi32>
      %shift_left3A_708 = arith.constant 3 : i32
      %shift_left3A_709 = vector.broadcast %shift_left3A_708 : i32 to vector<16xi32>
      %shift_left3A_710 = arith.shli %and3A_707, %shift_left3A_709 : vector<16xi32>
      %and3A_711 = arith.constant 127 : i32
      %and3A_712 = vector.broadcast %and3A_711 : i32 to vector<16xi32>
      %and3A_713 = arith.andi %get3A_704, %and3A_712 : vector<16xi32>
      %add3A_714 = arith.addi %shift_left3A_710, %and3A_713 : vector<16xi32>
      %add3A_715 = arith.addi %add3A_714, %mul3A_38 : vector<16xi32>
      tpu.vector_store_idx %arg6[%add3A_715], %select_n3A_45 {add = true} : memref<65536xi32, #tpu.memory_space<vmem>>[vector<16xi32>], vector<16xi32>,
      %add3A_716 = arith.constant 2 : i32
      %add3A_717 = arith.addi %mul3A_645, %add3A_716 : i32
      %get3A_718 = arith.constant 0 : i32
      %get3A_719 = arith.index_cast %add3A_717 : i32 to index
      %get3A_720 = arith.index_cast %get3A_718 : i32 to index
      %get3A_721 = arith.index_cast %mul3A_363 : i32 to index
      %get3A_722 = tpu.vector_load %arg4[%get3A_719, %get3A_720, %get3A_721] {strides = array<i32>} : memref<100x2x128xi32, #tpu.memory_space<vmem>>, vector<16xi32>,
      %and3A_723 = arith.constant 8064 : i32
      %and3A_724 = vector.broadcast %and3A_723 : i32 to vector<16xi32>
      %and3A_725 = arith.andi %get3A_722, %and3A_724 : vector<16xi32>
      %shift_left3A_726 = arith.constant 3 : i32
      %shift_left3A_727 = vector.broadcast %shift_left3A_726 : i32 to vector<16xi32>
      %shift_left3A_728 = arith.shli %and3A_725, %shift_left3A_727 : vector<16xi32>
      %and3A_729 = arith.constant 127 : i32
      %and3A_730 = vector.broadcast %and3A_729 : i32 to vector<16xi32>
      %and3A_731 = arith.andi %get3A_722, %and3A_730 : vector<16xi32>
      %add3A_732 = arith.addi %shift_left3A_728, %and3A_731 : vector<16xi32>
      %add3A_733 = arith.addi %add3A_732, %mul3A_38 : vector<16xi32>
      tpu.vector_store_idx %arg6[%add3A_733], %select_n3A_45 {add = true} : memref<65536xi32, #tpu.memory_space<vmem>>[vector<16xi32>], vector<16xi32>,
      %add3A_734 = arith.constant 2 : i32
      %add3A_735 = arith.addi %mul3A_645, %add3A_734 : i32
      %get3A_736 = arith.constant 1 : i32
      %get3A_737 = arith.index_cast %add3A_735 : i32 to index
      %get3A_738 = arith.index_cast %get3A_736 : i32 to index
      %get3A_739 = arith.index_cast %mul3A_363 : i32 to index
      %get3A_740 = tpu.vector_load %arg4[%get3A_737, %get3A_738, %get3A_739] {strides = array<i32>} : memref<100x2x128xi32, #tpu.memory_space<vmem>>, vector<16xi32>,
      %and3A_741 = arith.constant 8064 : i32
      %and3A_742 = vector.broadcast %and3A_741 : i32 to vector<16xi32>
      %and3A_743 = arith.andi %get3A_740, %and3A_742 : vector<16xi32>
      %shift_left3A_744 = arith.constant 3 : i32
      %shift_left3A_745 = vector.broadcast %shift_left3A_744 : i32 to vector<16xi32>
      %shift_left3A_746 = arith.shli %and3A_743, %shift_left3A_745 : vector<16xi32>
      %and3A_747 = arith.constant 127 : i32
      %and3A_748 = vector.broadcast %and3A_747 : i32 to vector<16xi32>
      %and3A_749 = arith.andi %get3A_740, %and3A_748 : vector<16xi32>
      %add3A_750 = arith.addi %shift_left3A_746, %and3A_749 : vector<16xi32>
      %add3A_751 = arith.addi %add3A_750, %mul3A_38 : vector<16xi32>
      tpu.vector_store_idx %arg6[%add3A_751], %select_n3A_45 {add = true} : memref<65536xi32, #tpu.memory_space<vmem>>[vector<16xi32>], vector<16xi32>,
      %add3A_752 = arith.constant 3 : i32
      %add3A_753 = arith.addi %mul3A_645, %add3A_752 : i32
      %get3A_754 = arith.constant 0 : i32
      %get3A_755 = arith.index_cast %add3A_753 : i32 to index
      %get3A_756 = arith.index_cast %get3A_754 : i32 to index
      %get3A_757 = arith.index_cast %mul3A_363 : i32 to index
      %get3A_758 = tpu.vector_load %arg4[%get3A_755, %get3A_756, %get3A_757] {strides = array<i32>} : memref<100x2x128xi32, #tpu.memory_space<vmem>>, vector<16xi32>,
      %and3A_759 = arith.constant 8064 : i32
      %and3A_760 = vector.broadcast %and3A_759 : i32 to vector<16xi32>
      %and3A_761 = arith.andi %get3A_758, %and3A_760 : vector<16xi32>
      %shift_left3A_762 = arith.constant 3 : i32
      %shift_left3A_763 = vector.broadcast %shift_left3A_762 : i32 to vector<16xi32>
      %shift_left3A_764 = arith.shli %and3A_761, %shift_left3A_763 : vector<16xi32>
      %and3A_765 = arith.constant 127 : i32
      %and3A_766 = vector.broadcast %and3A_765 : i32 to vector<16xi32>
      %and3A_767 = arith.andi %get3A_758, %and3A_766 : vector<16xi32>
      %add3A_768 = arith.addi %shift_left3A_764, %and3A_767 : vector<16xi32>
      %add3A_769 = arith.addi %add3A_768, %mul3A_38 : vector<16xi32>
      tpu.vector_store_idx %arg6[%add3A_769], %select_n3A_45 {add = true} : memref<65536xi32, #tpu.memory_space<vmem>>[vector<16xi32>], vector<16xi32>,
      %add3A_770 = arith.constant 3 : i32
      %add3A_771 = arith.addi %mul3A_645, %add3A_770 : i32
      %get3A_772 = arith.constant 1 : i32
      %get3A_773 = arith.index_cast %add3A_771 : i32 to index
      %get3A_774 = arith.index_cast %get3A_772 : i32 to index
      %get3A_775 = arith.index_cast %mul3A_363 : i32 to index
      %get3A_776 = tpu.vector_load %arg4[%get3A_773, %get3A_774, %get3A_775] {strides = array<i32>} : memref<100x2x128xi32, #tpu.memory_space<vmem>>, vector<16xi32>,
      %and3A_777 = arith.constant 8064 : i32
      %and3A_778 = vector.broadcast %and3A_777 : i32 to vector<16xi32>
      %and3A_779 = arith.andi %get3A_776, %and3A_778 : vector<16xi32>
      %shift_left3A_780 = arith.constant 3 : i32
      %shift_left3A_781 = vector.broadcast %shift_left3A_780 : i32 to vector<16xi32>
      %shift_left3A_782 = arith.shli %and3A_779, %shift_left3A_781 : vector<16xi32>
      %and3A_783 = arith.constant 127 : i32
      %and3A_784 = vector.broadcast %and3A_783 : i32 to vector<16xi32>
      %and3A_785 = arith.andi %get3A_776, %and3A_784 : vector<16xi32>
      %add3A_786 = arith.addi %shift_left3A_782, %and3A_785 : vector<16xi32>
      %add3A_787 = arith.addi %add3A_786, %mul3A_38 : vector<16xi32>
      tpu.vector_store_idx %arg6[%add3A_787], %select_n3A_45 {add = true} : memref<65536xi32, #tpu.memory_space<vmem>>[vector<16xi32>], vector<16xi32>,
    }
    %scan3A_444 = arith.constant 25 : i32
    %dma_wait3A_445 = arith.constant 300 : i32
    %dma_wait3A_446 = arith.constant 0 : i32
    %dma_wait3A_447 = arith.constant 0 : i32
    %dma_wait3A_448 = tpu.memref_slice %arg2[%dma_wait3A_445, %select_n3A, %dma_wait3A_446, %dma_wait3A_447] : memref<1100x8x2x128xi32, #tpu.memory_space<hbm>> -> memref<100x1x2x128xi32, #tpu.memory_space<hbm>>
    %dma_wait3A_449 = tpu.memref_squeeze %dma_wait3A_448 : memref<100x1x2x128xi32, #tpu.memory_space<hbm>> -> memref<100x2x128xi32, #tpu.memory_space<hbm>>
    %dma_wait3A_450 = arith.constant 300 : i32
    %dma_wait3A_451 = arith.constant 0 : i32
    %dma_wait3A_452 = arith.constant 0 : i32
    %dma_wait3A_453 = tpu.memref_slice %arg2[%dma_wait3A_450, %select_n3A, %dma_wait3A_451, %dma_wait3A_452] : memref<1100x8x2x128xi32, #tpu.memory_space<hbm>> -> memref<100x1x2x128xi32, #tpu.memory_space<hbm>>
    %dma_wait3A_454 = tpu.memref_squeeze %dma_wait3A_453 : memref<100x1x2x128xi32, #tpu.memory_space<hbm>> -> memref<100x2x128xi32, #tpu.memory_space<hbm>>
    tpu.wait_dma2 semaphore(%arg8 : memref<!tpu.dma_semaphore, #tpu.memory_space<semaphore_mem>>) src(%dma_wait3A_454 : memref<100x2x128xi32, #tpu.memory_space<hbm>>) dst(%arg5 : memref<100x2x128xi32, #tpu.memory_space<vmem>>)
    %dma_start3A_455 = arith.constant 400 : i32
    %dma_start3A_456 = arith.constant 0 : i32
    %dma_start3A_457 = arith.constant 0 : i32
    %dma_start3A_458 = tpu.memref_slice %arg2[%dma_start3A_455, %select_n3A, %dma_start3A_456, %dma_start3A_457] : memref<1100x8x2x128xi32, #tpu.memory_space<hbm>> -> memref<100x1x2x128xi32, #tpu.memory_space<hbm>>
    %dma_start3A_459 = tpu.memref_squeeze %dma_start3A_458 : memref<100x1x2x128xi32, #tpu.memory_space<hbm>> -> memref<100x2x128xi32, #tpu.memory_space<hbm>>
    %dma_start3A_460 = arith.constant 400 : i32
    %dma_start3A_461 = arith.constant 0 : i32
    %dma_start3A_462 = arith.constant 0 : i32
    %dma_start3A_463 = tpu.memref_slice %arg2[%dma_start3A_460, %select_n3A, %dma_start3A_461, %dma_start3A_462] : memref<1100x8x2x128xi32, #tpu.memory_space<hbm>> -> memref<100x1x2x128xi32, #tpu.memory_space<hbm>>
    %dma_start3A_464 = tpu.memref_squeeze %dma_start3A_463 : memref<100x1x2x128xi32, #tpu.memory_space<hbm>> -> memref<100x2x128xi32, #tpu.memory_space<hbm>>
    tpu.enqueue_dma source(%dma_start3A_464 : memref<100x2x128xi32, #tpu.memory_space<hbm>>) target(%arg4 : memref<100x2x128xi32, #tpu.memory_space<vmem>>) target_semaphore(%arg7 : memref<!tpu.dma_semaphore, #tpu.memory_space<semaphore_mem>>)
    %scan3A_465 = arith.constant 0 : i32
    %scan3A_466 = arith.constant 0 : i32
    %scan3A_467 = arith.constant 25 : i32
    %scan3A_468 = arith.addi %scan3A_466, %scan3A_467 : i32
    %scan3A_469 = arith.constant 1 : i32
    scf.for %scan3A_643 = %scan3A_466 to %scan3A_468 step %scan3A_469  : i32 {
      %mul3A_644 = arith.constant 4 : i32
      %mul3A_645 = arith.muli %scan3A_643, %mul3A_644 : i32
      %add3A_646 = arith.constant 0 : i32
      %add3A_647 = arith.addi %mul3A_645, %add3A_646 : i32
      %get3A = arith.constant 0 : i32
      %get3A_648 = arith.index_cast %add3A_647 : i32 to index
      %get3A_649 = arith.index_cast %get3A : i32 to index
      %get3A_650 = arith.index_cast %mul3A_363 : i32 to index
      %get3A_651 = tpu.vector_load %arg5[%get3A_648, %get3A_649, %get3A_650] {strides = array<i32>} : memref<100x2x128xi32, #tpu.memory_space<vmem>>, vector<16xi32>,
      %and3A_652 = arith.constant 8064 : i32
      %and3A_653 = vector.broadcast %and3A_652 : i32 to vector<16xi32>
      %and3A_654 = arith.andi %get3A_651, %and3A_653 : vector<16xi32>
      %shift_left3A = arith.constant 3 : i32
      %shift_left3A_655 = vector.broadcast %shift_left3A : i32 to vector<16xi32>
      %shift_left3A_656 = arith.shli %and3A_654, %shift_left3A_655 : vector<16xi32>
      %and3A_657 = arith.constant 127 : i32
      %and3A_658 = vector.broadcast %and3A_657 : i32 to vector<16xi32>
      %and3A_659 = arith.andi %get3A_651, %and3A_658 : vector<16xi32>
      %add3A_660 = arith.addi %shift_left3A_656, %and3A_659 : vector<16xi32>
      %add3A_661 = arith.addi %add3A_660, %mul3A_38 : vector<16xi32>
      tpu.vector_store_idx %arg6[%add3A_661], %select_n3A_45 {add = true} : memref<65536xi32, #tpu.memory_space<vmem>>[vector<16xi32>], vector<16xi32>,
      %add3A_662 = arith.constant 0 : i32
      %add3A_663 = arith.addi %mul3A_645, %add3A_662 : i32
      %get3A_664 = arith.constant 1 : i32
      %get3A_665 = arith.index_cast %add3A_663 : i32 to index
      %get3A_666 = arith.index_cast %get3A_664 : i32 to index
      %get3A_667 = arith.index_cast %mul3A_363 : i32 to index
      %get3A_668 = tpu.vector_load %arg5[%get3A_665, %get3A_666, %get3A_667] {strides = array<i32>} : memref<100x2x128xi32, #tpu.memory_space<vmem>>, vector<16xi32>,
      %and3A_669 = arith.constant 8064 : i32
      %and3A_670 = vector.broadcast %and3A_669 : i32 to vector<16xi32>
      %and3A_671 = arith.andi %get3A_668, %and3A_670 : vector<16xi32>
      %shift_left3A_672 = arith.constant 3 : i32
      %shift_left3A_673 = vector.broadcast %shift_left3A_672 : i32 to vector<16xi32>
      %shift_left3A_674 = arith.shli %and3A_671, %shift_left3A_673 : vector<16xi32>
      %and3A_675 = arith.constant 127 : i32
      %and3A_676 = vector.broadcast %and3A_675 : i32 to vector<16xi32>
      %and3A_677 = arith.andi %get3A_668, %and3A_676 : vector<16xi32>
      %add3A_678 = arith.addi %shift_left3A_674, %and3A_677 : vector<16xi32>
      %add3A_679 = arith.addi %add3A_678, %mul3A_38 : vector<16xi32>
      tpu.vector_store_idx %arg6[%add3A_679], %select_n3A_45 {add = true} : memref<65536xi32, #tpu.memory_space<vmem>>[vector<16xi32>], vector<16xi32>,
      %add3A_680 = arith.constant 1 : i32
      %add3A_681 = arith.addi %mul3A_645, %add3A_680 : i32
      %get3A_682 = arith.constant 0 : i32
      %get3A_683 = arith.index_cast %add3A_681 : i32 to index
      %get3A_684 = arith.index_cast %get3A_682 : i32 to index
      %get3A_685 = arith.index_cast %mul3A_363 : i32 to index
      %get3A_686 = tpu.vector_load %arg5[%get3A_683, %get3A_684, %get3A_685] {strides = array<i32>} : memref<100x2x128xi32, #tpu.memory_space<vmem>>, vector<16xi32>,
      %and3A_687 = arith.constant 8064 : i32
      %and3A_688 = vector.broadcast %and3A_687 : i32 to vector<16xi32>
      %and3A_689 = arith.andi %get3A_686, %and3A_688 : vector<16xi32>
      %shift_left3A_690 = arith.constant 3 : i32
      %shift_left3A_691 = vector.broadcast %shift_left3A_690 : i32 to vector<16xi32>
      %shift_left3A_692 = arith.shli %and3A_689, %shift_left3A_691 : vector<16xi32>
      %and3A_693 = arith.constant 127 : i32
      %and3A_694 = vector.broadcast %and3A_693 : i32 to vector<16xi32>
      %and3A_695 = arith.andi %get3A_686, %and3A_694 : vector<16xi32>
      %add3A_696 = arith.addi %shift_left3A_692, %and3A_695 : vector<16xi32>
      %add3A_697 = arith.addi %add3A_696, %mul3A_38 : vector<16xi32>
      tpu.vector_store_idx %arg6[%add3A_697], %select_n3A_45 {add = true} : memref<65536xi32, #tpu.memory_space<vmem>>[vector<16xi32>], vector<16xi32>,
      %add3A_698 = arith.constant 1 : i32
      %add3A_699 = arith.addi %mul3A_645, %add3A_698 : i32
      %get3A_700 = arith.constant 1 : i32
      %get3A_701 = arith.index_cast %add3A_699 : i32 to index
      %get3A_702 = arith.index_cast %get3A_700 : i32 to index
      %get3A_703 = arith.index_cast %mul3A_363 : i32 to index
      %get3A_704 = tpu.vector_load %arg5[%get3A_701, %get3A_702, %get3A_703] {strides = array<i32>} : memref<100x2x128xi32, #tpu.memory_space<vmem>>, vector<16xi32>,
      %and3A_705 = arith.constant 8064 : i32
      %and3A_706 = vector.broadcast %and3A_705 : i32 to vector<16xi32>
      %and3A_707 = arith.andi %get3A_704, %and3A_706 : vector<16xi32>
      %shift_left3A_708 = arith.constant 3 : i32
      %shift_left3A_709 = vector.broadcast %shift_left3A_708 : i32 to vector<16xi32>
      %shift_left3A_710 = arith.shli %and3A_707, %shift_left3A_709 : vector<16xi32>
      %and3A_711 = arith.constant 127 : i32
      %and3A_712 = vector.broadcast %and3A_711 : i32 to vector<16xi32>
      %and3A_713 = arith.andi %get3A_704, %and3A_712 : vector<16xi32>
      %add3A_714 = arith.addi %shift_left3A_710, %and3A_713 : vector<16xi32>
      %add3A_715 = arith.addi %add3A_714, %mul3A_38 : vector<16xi32>
      tpu.vector_store_idx %arg6[%add3A_715], %select_n3A_45 {add = true} : memref<65536xi32, #tpu.memory_space<vmem>>[vector<16xi32>], vector<16xi32>,
      %add3A_716 = arith.constant 2 : i32
      %add3A_717 = arith.addi %mul3A_645, %add3A_716 : i32
      %get3A_718 = arith.constant 0 : i32
      %get3A_719 = arith.index_cast %add3A_717 : i32 to index
      %get3A_720 = arith.index_cast %get3A_718 : i32 to index
      %get3A_721 = arith.index_cast %mul3A_363 : i32 to index
      %get3A_722 = tpu.vector_load %arg5[%get3A_719, %get3A_720, %get3A_721] {strides = array<i32>} : memref<100x2x128xi32, #tpu.memory_space<vmem>>, vector<16xi32>,
      %and3A_723 = arith.constant 8064 : i32
      %and3A_724 = vector.broadcast %and3A_723 : i32 to vector<16xi32>
      %and3A_725 = arith.andi %get3A_722, %and3A_724 : vector<16xi32>
      %shift_left3A_726 = arith.constant 3 : i32
      %shift_left3A_727 = vector.broadcast %shift_left3A_726 : i32 to vector<16xi32>
      %shift_left3A_728 = arith.shli %and3A_725, %shift_left3A_727 : vector<16xi32>
      %and3A_729 = arith.constant 127 : i32
      %and3A_730 = vector.broadcast %and3A_729 : i32 to vector<16xi32>
      %and3A_731 = arith.andi %get3A_722, %and3A_730 : vector<16xi32>
      %add3A_732 = arith.addi %shift_left3A_728, %and3A_731 : vector<16xi32>
      %add3A_733 = arith.addi %add3A_732, %mul3A_38 : vector<16xi32>
      tpu.vector_store_idx %arg6[%add3A_733], %select_n3A_45 {add = true} : memref<65536xi32, #tpu.memory_space<vmem>>[vector<16xi32>], vector<16xi32>,
      %add3A_734 = arith.constant 2 : i32
      %add3A_735 = arith.addi %mul3A_645, %add3A_734 : i32
      %get3A_736 = arith.constant 1 : i32
      %get3A_737 = arith.index_cast %add3A_735 : i32 to index
      %get3A_738 = arith.index_cast %get3A_736 : i32 to index
      %get3A_739 = arith.index_cast %mul3A_363 : i32 to index
      %get3A_740 = tpu.vector_load %arg5[%get3A_737, %get3A_738, %get3A_739] {strides = array<i32>} : memref<100x2x128xi32, #tpu.memory_space<vmem>>, vector<16xi32>,
      %and3A_741 = arith.constant 8064 : i32
      %and3A_742 = vector.broadcast %and3A_741 : i32 to vector<16xi32>
      %and3A_743 = arith.andi %get3A_740, %and3A_742 : vector<16xi32>
      %shift_left3A_744 = arith.constant 3 : i32
      %shift_left3A_745 = vector.broadcast %shift_left3A_744 : i32 to vector<16xi32>
      %shift_left3A_746 = arith.shli %and3A_743, %shift_left3A_745 : vector<16xi32>
      %and3A_747 = arith.constant 127 : i32
      %and3A_748 = vector.broadcast %and3A_747 : i32 to vector<16xi32>
      %and3A_749 = arith.andi %get3A_740, %and3A_748 : vector<16xi32>
      %add3A_750 = arith.addi %shift_left3A_746, %and3A_749 : vector<16xi32>
      %add3A_751 = arith.addi %add3A_750, %mul3A_38 : vector<16xi32>
      tpu.vector_store_idx %arg6[%add3A_751], %select_n3A_45 {add = true} : memref<65536xi32, #tpu.memory_space<vmem>>[vector<16xi32>], vector<16xi32>,
      %add3A_752 = arith.constant 3 : i32
      %add3A_753 = arith.addi %mul3A_645, %add3A_752 : i32
      %get3A_754 = arith.constant 0 : i32
      %get3A_755 = arith.index_cast %add3A_753 : i32 to index
      %get3A_756 = arith.index_cast %get3A_754 : i32 to index
      %get3A_757 = arith.index_cast %mul3A_363 : i32 to index
      %get3A_758 = tpu.vector_load %arg5[%get3A_755, %get3A_756, %get3A_757] {strides = array<i32>} : memref<100x2x128xi32, #tpu.memory_space<vmem>>, vector<16xi32>,
      %and3A_759 = arith.constant 8064 : i32
      %and3A_760 = vector.broadcast %and3A_759 : i32 to vector<16xi32>
      %and3A_761 = arith.andi %get3A_758, %and3A_760 : vector<16xi32>
      %shift_left3A_762 = arith.constant 3 : i32
      %shift_left3A_763 = vector.broadcast %shift_left3A_762 : i32 to vector<16xi32>
      %shift_left3A_764 = arith.shli %and3A_761, %shift_left3A_763 : vector<16xi32>
      %and3A_765 = arith.constant 127 : i32
      %and3A_766 = vector.broadcast %and3A_765 : i32 to vector<16xi32>
      %and3A_767 = arith.andi %get3A_758, %and3A_766 : vector<16xi32>
      %add3A_768 = arith.addi %shift_left3A_764, %and3A_767 : vector<16xi32>
      %add3A_769 = arith.addi %add3A_768, %mul3A_38 : vector<16xi32>
      tpu.vector_store_idx %arg6[%add3A_769], %select_n3A_45 {add = true} : memref<65536xi32, #tpu.memory_space<vmem>>[vector<16xi32>], vector<16xi32>,
      %add3A_770 = arith.constant 3 : i32
      %add3A_771 = arith.addi %mul3A_645, %add3A_770 : i32
      %get3A_772 = arith.constant 1 : i32
      %get3A_773 = arith.index_cast %add3A_771 : i32 to index
      %get3A_774 = arith.index_cast %get3A_772 : i32 to index
      %get3A_775 = arith.index_cast %mul3A_363 : i32 to index
      %get3A_776 = tpu.vector_load %arg5[%get3A_773, %get3A_774, %get3A_775] {strides = array<i32>} : memref<100x2x128xi32, #tpu.memory_space<vmem>>, vector<16xi32>,
      %and3A_777 = arith.constant 8064 : i32
      %and3A_778 = vector.broadcast %and3A_777 : i32 to vector<16xi32>
      %and3A_779 = arith.andi %get3A_776, %and3A_778 : vector<16xi32>
      %shift_left3A_780 = arith.constant 3 : i32
      %shift_left3A_781 = vector.broadcast %shift_left3A_780 : i32 to vector<16xi32>
      %shift_left3A_782 = arith.shli %and3A_779, %shift_left3A_781 : vector<16xi32>
      %and3A_783 = arith.constant 127 : i32
      %and3A_784 = vector.broadcast %and3A_783 : i32 to vector<16xi32>
      %and3A_785 = arith.andi %get3A_776, %and3A_784 : vector<16xi32>
      %add3A_786 = arith.addi %shift_left3A_782, %and3A_785 : vector<16xi32>
      %add3A_787 = arith.addi %add3A_786, %mul3A_38 : vector<16xi32>
      tpu.vector_store_idx %arg6[%add3A_787], %select_n3A_45 {add = true} : memref<65536xi32, #tpu.memory_space<vmem>>[vector<16xi32>], vector<16xi32>,
    }
    %scan3A_470 = arith.constant 25 : i32
    %dma_wait3A_471 = arith.constant 400 : i32
    %dma_wait3A_472 = arith.constant 0 : i32
    %dma_wait3A_473 = arith.constant 0 : i32
    %dma_wait3A_474 = tpu.memref_slice %arg2[%dma_wait3A_471, %select_n3A, %dma_wait3A_472, %dma_wait3A_473] : memref<1100x8x2x128xi32, #tpu.memory_space<hbm>> -> memref<100x1x2x128xi32, #tpu.memory_space<hbm>>
    %dma_wait3A_475 = tpu.memref_squeeze %dma_wait3A_474 : memref<100x1x2x128xi32, #tpu.memory_space<hbm>> -> memref<100x2x128xi32, #tpu.memory_space<hbm>>
    %dma_wait3A_476 = arith.constant 400 : i32
    %dma_wait3A_477 = arith.constant 0 : i32
    %dma_wait3A_478 = arith.constant 0 : i32
    %dma_wait3A_479 = tpu.memref_slice %arg2[%dma_wait3A_476, %select_n3A, %dma_wait3A_477, %dma_wait3A_478] : memref<1100x8x2x128xi32, #tpu.memory_space<hbm>> -> memref<100x1x2x128xi32, #tpu.memory_space<hbm>>
    %dma_wait3A_480 = tpu.memref_squeeze %dma_wait3A_479 : memref<100x1x2x128xi32, #tpu.memory_space<hbm>> -> memref<100x2x128xi32, #tpu.memory_space<hbm>>
    tpu.wait_dma2 semaphore(%arg7 : memref<!tpu.dma_semaphore, #tpu.memory_space<semaphore_mem>>) src(%dma_wait3A_480 : memref<100x2x128xi32, #tpu.memory_space<hbm>>) dst(%arg4 : memref<100x2x128xi32, #tpu.memory_space<vmem>>)
    %dma_start3A_481 = arith.constant 500 : i32
    %dma_start3A_482 = arith.constant 0 : i32
    %dma_start3A_483 = arith.constant 0 : i32
    %dma_start3A_484 = tpu.memref_slice %arg2[%dma_start3A_481, %select_n3A, %dma_start3A_482, %dma_start3A_483] : memref<1100x8x2x128xi32, #tpu.memory_space<hbm>> -> memref<100x1x2x128xi32, #tpu.memory_space<hbm>>
    %dma_start3A_485 = tpu.memref_squeeze %dma_start3A_484 : memref<100x1x2x128xi32, #tpu.memory_space<hbm>> -> memref<100x2x128xi32, #tpu.memory_space<hbm>>
    %dma_start3A_486 = arith.constant 500 : i32
    %dma_start3A_487 = arith.constant 0 : i32
    %dma_start3A_488 = arith.constant 0 : i32
    %dma_start3A_489 = tpu.memref_slice %arg2[%dma_start3A_486, %select_n3A, %dma_start3A_487, %dma_start3A_488] : memref<1100x8x2x128xi32, #tpu.memory_space<hbm>> -> memref<100x1x2x128xi32, #tpu.memory_space<hbm>>
    %dma_start3A_490 = tpu.memref_squeeze %dma_start3A_489 : memref<100x1x2x128xi32, #tpu.memory_space<hbm>> -> memref<100x2x128xi32, #tpu.memory_space<hbm>>
    tpu.enqueue_dma source(%dma_start3A_490 : memref<100x2x128xi32, #tpu.memory_space<hbm>>) target(%arg5 : memref<100x2x128xi32, #tpu.memory_space<vmem>>) target_semaphore(%arg8 : memref<!tpu.dma_semaphore, #tpu.memory_space<semaphore_mem>>)
    %scan3A_491 = arith.constant 0 : i32
    %scan3A_492 = arith.constant 0 : i32
    %scan3A_493 = arith.constant 25 : i32
    %scan3A_494 = arith.addi %scan3A_492, %scan3A_493 : i32
    %scan3A_495 = arith.constant 1 : i32
    scf.for %scan3A_643 = %scan3A_492 to %scan3A_494 step %scan3A_495  : i32 {
      %mul3A_644 = arith.constant 4 : i32
      %mul3A_645 = arith.muli %scan3A_643, %mul3A_644 : i32
      %add3A_646 = arith.constant 0 : i32
      %add3A_647 = arith.addi %mul3A_645, %add3A_646 : i32
      %get3A = arith.constant 0 : i32
      %get3A_648 = arith.index_cast %add3A_647 : i32 to index
      %get3A_649 = arith.index_cast %get3A : i32 to index
      %get3A_650 = arith.index_cast %mul3A_363 : i32 to index
      %get3A_651 = tpu.vector_load %arg4[%get3A_648, %get3A_649, %get3A_650] {strides = array<i32>} : memref<100x2x128xi32, #tpu.memory_space<vmem>>, vector<16xi32>,
      %and3A_652 = arith.constant 8064 : i32
      %and3A_653 = vector.broadcast %and3A_652 : i32 to vector<16xi32>
      %and3A_654 = arith.andi %get3A_651, %and3A_653 : vector<16xi32>
      %shift_left3A = arith.constant 3 : i32
      %shift_left3A_655 = vector.broadcast %shift_left3A : i32 to vector<16xi32>
      %shift_left3A_656 = arith.shli %and3A_654, %shift_left3A_655 : vector<16xi32>
      %and3A_657 = arith.constant 127 : i32
      %and3A_658 = vector.broadcast %and3A_657 : i32 to vector<16xi32>
      %and3A_659 = arith.andi %get3A_651, %and3A_658 : vector<16xi32>
      %add3A_660 = arith.addi %shift_left3A_656, %and3A_659 : vector<16xi32>
      %add3A_661 = arith.addi %add3A_660, %mul3A_38 : vector<16xi32>
      tpu.vector_store_idx %arg6[%add3A_661], %select_n3A_45 {add = true} : memref<65536xi32, #tpu.memory_space<vmem>>[vector<16xi32>], vector<16xi32>,
      %add3A_662 = arith.constant 0 : i32
      %add3A_663 = arith.addi %mul3A_645, %add3A_662 : i32
      %get3A_664 = arith.constant 1 : i32
      %get3A_665 = arith.index_cast %add3A_663 : i32 to index
      %get3A_666 = arith.index_cast %get3A_664 : i32 to index
      %get3A_667 = arith.index_cast %mul3A_363 : i32 to index
      %get3A_668 = tpu.vector_load %arg4[%get3A_665, %get3A_666, %get3A_667] {strides = array<i32>} : memref<100x2x128xi32, #tpu.memory_space<vmem>>, vector<16xi32>,
      %and3A_669 = arith.constant 8064 : i32
      %and3A_670 = vector.broadcast %and3A_669 : i32 to vector<16xi32>
      %and3A_671 = arith.andi %get3A_668, %and3A_670 : vector<16xi32>
      %shift_left3A_672 = arith.constant 3 : i32
      %shift_left3A_673 = vector.broadcast %shift_left3A_672 : i32 to vector<16xi32>
      %shift_left3A_674 = arith.shli %and3A_671, %shift_left3A_673 : vector<16xi32>
      %and3A_675 = arith.constant 127 : i32
      %and3A_676 = vector.broadcast %and3A_675 : i32 to vector<16xi32>
      %and3A_677 = arith.andi %get3A_668, %and3A_676 : vector<16xi32>
      %add3A_678 = arith.addi %shift_left3A_674, %and3A_677 : vector<16xi32>
      %add3A_679 = arith.addi %add3A_678, %mul3A_38 : vector<16xi32>
      tpu.vector_store_idx %arg6[%add3A_679], %select_n3A_45 {add = true} : memref<65536xi32, #tpu.memory_space<vmem>>[vector<16xi32>], vector<16xi32>,
      %add3A_680 = arith.constant 1 : i32
      %add3A_681 = arith.addi %mul3A_645, %add3A_680 : i32
      %get3A_682 = arith.constant 0 : i32
      %get3A_683 = arith.index_cast %add3A_681 : i32 to index
      %get3A_684 = arith.index_cast %get3A_682 : i32 to index
      %get3A_685 = arith.index_cast %mul3A_363 : i32 to index
      %get3A_686 = tpu.vector_load %arg4[%get3A_683, %get3A_684, %get3A_685] {strides = array<i32>} : memref<100x2x128xi32, #tpu.memory_space<vmem>>, vector<16xi32>,
      %and3A_687 = arith.constant 8064 : i32
      %and3A_688 = vector.broadcast %and3A_687 : i32 to vector<16xi32>
      %and3A_689 = arith.andi %get3A_686, %and3A_688 : vector<16xi32>
      %shift_left3A_690 = arith.constant 3 : i32
      %shift_left3A_691 = vector.broadcast %shift_left3A_690 : i32 to vector<16xi32>
      %shift_left3A_692 = arith.shli %and3A_689, %shift_left3A_691 : vector<16xi32>
      %and3A_693 = arith.constant 127 : i32
      %and3A_694 = vector.broadcast %and3A_693 : i32 to vector<16xi32>
      %and3A_695 = arith.andi %get3A_686, %and3A_694 : vector<16xi32>
      %add3A_696 = arith.addi %shift_left3A_692, %and3A_695 : vector<16xi32>
      %add3A_697 = arith.addi %add3A_696, %mul3A_38 : vector<16xi32>
      tpu.vector_store_idx %arg6[%add3A_697], %select_n3A_45 {add = true} : memref<65536xi32, #tpu.memory_space<vmem>>[vector<16xi32>], vector<16xi32>,
      %add3A_698 = arith.constant 1 : i32
      %add3A_699 = arith.addi %mul3A_645, %add3A_698 : i32
      %get3A_700 = arith.constant 1 : i32
      %get3A_701 = arith.index_cast %add3A_699 : i32 to index
      %get3A_702 = arith.index_cast %get3A_700 : i32 to index
      %get3A_703 = arith.index_cast %mul3A_363 : i32 to index
      %get3A_704 = tpu.vector_load %arg4[%get3A_701, %get3A_702, %get3A_703] {strides = array<i32>} : memref<100x2x128xi32, #tpu.memory_space<vmem>>, vector<16xi32>,
      %and3A_705 = arith.constant 8064 : i32
      %and3A_706 = vector.broadcast %and3A_705 : i32 to vector<16xi32>
      %and3A_707 = arith.andi %get3A_704, %and3A_706 : vector<16xi32>
      %shift_left3A_708 = arith.constant 3 : i32
      %shift_left3A_709 = vector.broadcast %shift_left3A_708 : i32 to vector<16xi32>
      %shift_left3A_710 = arith.shli %and3A_707, %shift_left3A_709 : vector<16xi32>
      %and3A_711 = arith.constant 127 : i32
      %and3A_712 = vector.broadcast %and3A_711 : i32 to vector<16xi32>
      %and3A_713 = arith.andi %get3A_704, %and3A_712 : vector<16xi32>
      %add3A_714 = arith.addi %shift_left3A_710, %and3A_713 : vector<16xi32>
      %add3A_715 = arith.addi %add3A_714, %mul3A_38 : vector<16xi32>
      tpu.vector_store_idx %arg6[%add3A_715], %select_n3A_45 {add = true} : memref<65536xi32, #tpu.memory_space<vmem>>[vector<16xi32>], vector<16xi32>,
      %add3A_716 = arith.constant 2 : i32
      %add3A_717 = arith.addi %mul3A_645, %add3A_716 : i32
      %get3A_718 = arith.constant 0 : i32
      %get3A_719 = arith.index_cast %add3A_717 : i32 to index
      %get3A_720 = arith.index_cast %get3A_718 : i32 to index
      %get3A_721 = arith.index_cast %mul3A_363 : i32 to index
      %get3A_722 = tpu.vector_load %arg4[%get3A_719, %get3A_720, %get3A_721] {strides = array<i32>} : memref<100x2x128xi32, #tpu.memory_space<vmem>>, vector<16xi32>,
      %and3A_723 = arith.constant 8064 : i32
      %and3A_724 = vector.broadcast %and3A_723 : i32 to vector<16xi32>
      %and3A_725 = arith.andi %get3A_722, %and3A_724 : vector<16xi32>
      %shift_left3A_726 = arith.constant 3 : i32
      %shift_left3A_727 = vector.broadcast %shift_left3A_726 : i32 to vector<16xi32>
      %shift_left3A_728 = arith.shli %and3A_725, %shift_left3A_727 : vector<16xi32>
      %and3A_729 = arith.constant 127 : i32
      %and3A_730 = vector.broadcast %and3A_729 : i32 to vector<16xi32>
      %and3A_731 = arith.andi %get3A_722, %and3A_730 : vector<16xi32>
      %add3A_732 = arith.addi %shift_left3A_728, %and3A_731 : vector<16xi32>
      %add3A_733 = arith.addi %add3A_732, %mul3A_38 : vector<16xi32>
      tpu.vector_store_idx %arg6[%add3A_733], %select_n3A_45 {add = true} : memref<65536xi32, #tpu.memory_space<vmem>>[vector<16xi32>], vector<16xi32>,
      %add3A_734 = arith.constant 2 : i32
      %add3A_735 = arith.addi %mul3A_645, %add3A_734 : i32
      %get3A_736 = arith.constant 1 : i32
      %get3A_737 = arith.index_cast %add3A_735 : i32 to index
      %get3A_738 = arith.index_cast %get3A_736 : i32 to index
      %get3A_739 = arith.index_cast %mul3A_363 : i32 to index
      %get3A_740 = tpu.vector_load %arg4[%get3A_737, %get3A_738, %get3A_739] {strides = array<i32>} : memref<100x2x128xi32, #tpu.memory_space<vmem>>, vector<16xi32>,
      %and3A_741 = arith.constant 8064 : i32
      %and3A_742 = vector.broadcast %and3A_741 : i32 to vector<16xi32>
      %and3A_743 = arith.andi %get3A_740, %and3A_742 : vector<16xi32>
      %shift_left3A_744 = arith.constant 3 : i32
      %shift_left3A_745 = vector.broadcast %shift_left3A_744 : i32 to vector<16xi32>
      %shift_left3A_746 = arith.shli %and3A_743, %shift_left3A_745 : vector<16xi32>
      %and3A_747 = arith.constant 127 : i32
      %and3A_748 = vector.broadcast %and3A_747 : i32 to vector<16xi32>
      %and3A_749 = arith.andi %get3A_740, %and3A_748 : vector<16xi32>
      %add3A_750 = arith.addi %shift_left3A_746, %and3A_749 : vector<16xi32>
      %add3A_751 = arith.addi %add3A_750, %mul3A_38 : vector<16xi32>
      tpu.vector_store_idx %arg6[%add3A_751], %select_n3A_45 {add = true} : memref<65536xi32, #tpu.memory_space<vmem>>[vector<16xi32>], vector<16xi32>,
      %add3A_752 = arith.constant 3 : i32
      %add3A_753 = arith.addi %mul3A_645, %add3A_752 : i32
      %get3A_754 = arith.constant 0 : i32
      %get3A_755 = arith.index_cast %add3A_753 : i32 to index
      %get3A_756 = arith.index_cast %get3A_754 : i32 to index
      %get3A_757 = arith.index_cast %mul3A_363 : i32 to index
      %get3A_758 = tpu.vector_load %arg4[%get3A_755, %get3A_756, %get3A_757] {strides = array<i32>} : memref<100x2x128xi32, #tpu.memory_space<vmem>>, vector<16xi32>,
      %and3A_759 = arith.constant 8064 : i32
      %and3A_760 = vector.broadcast %and3A_759 : i32 to vector<16xi32>
      %and3A_761 = arith.andi %get3A_758, %and3A_760 : vector<16xi32>
      %shift_left3A_762 = arith.constant 3 : i32
      %shift_left3A_763 = vector.broadcast %shift_left3A_762 : i32 to vector<16xi32>
      %shift_left3A_764 = arith.shli %and3A_761, %shift_left3A_763 : vector<16xi32>
      %and3A_765 = arith.constant 127 : i32
      %and3A_766 = vector.broadcast %and3A_765 : i32 to vector<16xi32>
      %and3A_767 = arith.andi %get3A_758, %and3A_766 : vector<16xi32>
      %add3A_768 = arith.addi %shift_left3A_764, %and3A_767 : vector<16xi32>
      %add3A_769 = arith.addi %add3A_768, %mul3A_38 : vector<16xi32>
      tpu.vector_store_idx %arg6[%add3A_769], %select_n3A_45 {add = true} : memref<65536xi32, #tpu.memory_space<vmem>>[vector<16xi32>], vector<16xi32>,
      %add3A_770 = arith.constant 3 : i32
      %add3A_771 = arith.addi %mul3A_645, %add3A_770 : i32
      %get3A_772 = arith.constant 1 : i32
      %get3A_773 = arith.index_cast %add3A_771 : i32 to index
      %get3A_774 = arith.index_cast %get3A_772 : i32 to index
      %get3A_775 = arith.index_cast %mul3A_363 : i32 to index
      %get3A_776 = tpu.vector_load %arg4[%get3A_773, %get3A_774, %get3A_775] {strides = array<i32>} : memref<100x2x128xi32, #tpu.memory_space<vmem>>, vector<16xi32>,
      %and3A_777 = arith.constant 8064 : i32
      %and3A_778 = vector.broadcast %and3A_777 : i32 to vector<16xi32>
      %and3A_779 = arith.andi %get3A_776, %and3A_778 : vector<16xi32>
      %shift_left3A_780 = arith.constant 3 : i32
      %shift_left3A_781 = vector.broadcast %shift_left3A_780 : i32 to vector<16xi32>
      %shift_left3A_782 = arith.shli %and3A_779, %shift_left3A_781 : vector<16xi32>
      %and3A_783 = arith.constant 127 : i32
      %and3A_784 = vector.broadcast %and3A_783 : i32 to vector<16xi32>
      %and3A_785 = arith.andi %get3A_776, %and3A_784 : vector<16xi32>
      %add3A_786 = arith.addi %shift_left3A_782, %and3A_785 : vector<16xi32>
      %add3A_787 = arith.addi %add3A_786, %mul3A_38 : vector<16xi32>
      tpu.vector_store_idx %arg6[%add3A_787], %select_n3A_45 {add = true} : memref<65536xi32, #tpu.memory_space<vmem>>[vector<16xi32>], vector<16xi32>,
    }
    %scan3A_496 = arith.constant 25 : i32
    %dma_wait3A_497 = arith.constant 500 : i32
    %dma_wait3A_498 = arith.constant 0 : i32
    %dma_wait3A_499 = arith.constant 0 : i32
    %dma_wait3A_500 = tpu.memref_slice %arg2[%dma_wait3A_497, %select_n3A, %dma_wait3A_498, %dma_wait3A_499] : memref<1100x8x2x128xi32, #tpu.memory_space<hbm>> -> memref<100x1x2x128xi32, #tpu.memory_space<hbm>>
    %dma_wait3A_501 = tpu.memref_squeeze %dma_wait3A_500 : memref<100x1x2x128xi32, #tpu.memory_space<hbm>> -> memref<100x2x128xi32, #tpu.memory_space<hbm>>
    %dma_wait3A_502 = arith.constant 500 : i32
    %dma_wait3A_503 = arith.constant 0 : i32
    %dma_wait3A_504 = arith.constant 0 : i32
    %dma_wait3A_505 = tpu.memref_slice %arg2[%dma_wait3A_502, %select_n3A, %dma_wait3A_503, %dma_wait3A_504] : memref<1100x8x2x128xi32, #tpu.memory_space<hbm>> -> memref<100x1x2x128xi32, #tpu.memory_space<hbm>>
    %dma_wait3A_506 = tpu.memref_squeeze %dma_wait3A_505 : memref<100x1x2x128xi32, #tpu.memory_space<hbm>> -> memref<100x2x128xi32, #tpu.memory_space<hbm>>
    tpu.wait_dma2 semaphore(%arg8 : memref<!tpu.dma_semaphore, #tpu.memory_space<semaphore_mem>>) src(%dma_wait3A_506 : memref<100x2x128xi32, #tpu.memory_space<hbm>>) dst(%arg5 : memref<100x2x128xi32, #tpu.memory_space<vmem>>)
    %dma_start3A_507 = arith.constant 600 : i32
    %dma_start3A_508 = arith.constant 0 : i32
    %dma_start3A_509 = arith.constant 0 : i32
    %dma_start3A_510 = tpu.memref_slice %arg2[%dma_start3A_507, %select_n3A, %dma_start3A_508, %dma_start3A_509] : memref<1100x8x2x128xi32, #tpu.memory_space<hbm>> -> memref<100x1x2x128xi32, #tpu.memory_space<hbm>>
    %dma_start3A_511 = tpu.memref_squeeze %dma_start3A_510 : memref<100x1x2x128xi32, #tpu.memory_space<hbm>> -> memref<100x2x128xi32, #tpu.memory_space<hbm>>
    %dma_start3A_512 = arith.constant 600 : i32
    %dma_start3A_513 = arith.constant 0 : i32
    %dma_start3A_514 = arith.constant 0 : i32
    %dma_start3A_515 = tpu.memref_slice %arg2[%dma_start3A_512, %select_n3A, %dma_start3A_513, %dma_start3A_514] : memref<1100x8x2x128xi32, #tpu.memory_space<hbm>> -> memref<100x1x2x128xi32, #tpu.memory_space<hbm>>
    %dma_start3A_516 = tpu.memref_squeeze %dma_start3A_515 : memref<100x1x2x128xi32, #tpu.memory_space<hbm>> -> memref<100x2x128xi32, #tpu.memory_space<hbm>>
    tpu.enqueue_dma source(%dma_start3A_516 : memref<100x2x128xi32, #tpu.memory_space<hbm>>) target(%arg4 : memref<100x2x128xi32, #tpu.memory_space<vmem>>) target_semaphore(%arg7 : memref<!tpu.dma_semaphore, #tpu.memory_space<semaphore_mem>>)
    %scan3A_517 = arith.constant 0 : i32
    %scan3A_518 = arith.constant 0 : i32
    %scan3A_519 = arith.constant 25 : i32
    %scan3A_520 = arith.addi %scan3A_518, %scan3A_519 : i32
    %scan3A_521 = arith.constant 1 : i32
    scf.for %scan3A_643 = %scan3A_518 to %scan3A_520 step %scan3A_521  : i32 {
      %mul3A_644 = arith.constant 4 : i32
      %mul3A_645 = arith.muli %scan3A_643, %mul3A_644 : i32
      %add3A_646 = arith.constant 0 : i32
      %add3A_647 = arith.addi %mul3A_645, %add3A_646 : i32
      %get3A = arith.constant 0 : i32
      %get3A_648 = arith.index_cast %add3A_647 : i32 to index
      %get3A_649 = arith.index_cast %get3A : i32 to index
      %get3A_650 = arith.index_cast %mul3A_363 : i32 to index
      %get3A_651 = tpu.vector_load %arg5[%get3A_648, %get3A_649, %get3A_650] {strides = array<i32>} : memref<100x2x128xi32, #tpu.memory_space<vmem>>, vector<16xi32>,
      %and3A_652 = arith.constant 8064 : i32
      %and3A_653 = vector.broadcast %and3A_652 : i32 to vector<16xi32>
      %and3A_654 = arith.andi %get3A_651, %and3A_653 : vector<16xi32>
      %shift_left3A = arith.constant 3 : i32
      %shift_left3A_655 = vector.broadcast %shift_left3A : i32 to vector<16xi32>
      %shift_left3A_656 = arith.shli %and3A_654, %shift_left3A_655 : vector<16xi32>
      %and3A_657 = arith.constant 127 : i32
      %and3A_658 = vector.broadcast %and3A_657 : i32 to vector<16xi32>
      %and3A_659 = arith.andi %get3A_651, %and3A_658 : vector<16xi32>
      %add3A_660 = arith.addi %shift_left3A_656, %and3A_659 : vector<16xi32>
      %add3A_661 = arith.addi %add3A_660, %mul3A_38 : vector<16xi32>
      tpu.vector_store_idx %arg6[%add3A_661], %select_n3A_45 {add = true} : memref<65536xi32, #tpu.memory_space<vmem>>[vector<16xi32>], vector<16xi32>,
      %add3A_662 = arith.constant 0 : i32
      %add3A_663 = arith.addi %mul3A_645, %add3A_662 : i32
      %get3A_664 = arith.constant 1 : i32
      %get3A_665 = arith.index_cast %add3A_663 : i32 to index
      %get3A_666 = arith.index_cast %get3A_664 : i32 to index
      %get3A_667 = arith.index_cast %mul3A_363 : i32 to index
      %get3A_668 = tpu.vector_load %arg5[%get3A_665, %get3A_666, %get3A_667] {strides = array<i32>} : memref<100x2x128xi32, #tpu.memory_space<vmem>>, vector<16xi32>,
      %and3A_669 = arith.constant 8064 : i32
      %and3A_670 = vector.broadcast %and3A_669 : i32 to vector<16xi32>
      %and3A_671 = arith.andi %get3A_668, %and3A_670 : vector<16xi32>
      %shift_left3A_672 = arith.constant 3 : i32
      %shift_left3A_673 = vector.broadcast %shift_left3A_672 : i32 to vector<16xi32>
      %shift_left3A_674 = arith.shli %and3A_671, %shift_left3A_673 : vector<16xi32>
      %and3A_675 = arith.constant 127 : i32
      %and3A_676 = vector.broadcast %and3A_675 : i32 to vector<16xi32>
      %and3A_677 = arith.andi %get3A_668, %and3A_676 : vector<16xi32>
      %add3A_678 = arith.addi %shift_left3A_674, %and3A_677 : vector<16xi32>
      %add3A_679 = arith.addi %add3A_678, %mul3A_38 : vector<16xi32>
      tpu.vector_store_idx %arg6[%add3A_679], %select_n3A_45 {add = true} : memref<65536xi32, #tpu.memory_space<vmem>>[vector<16xi32>], vector<16xi32>,
      %add3A_680 = arith.constant 1 : i32
      %add3A_681 = arith.addi %mul3A_645, %add3A_680 : i32
      %get3A_682 = arith.constant 0 : i32
      %get3A_683 = arith.index_cast %add3A_681 : i32 to index
      %get3A_684 = arith.index_cast %get3A_682 : i32 to index
      %get3A_685 = arith.index_cast %mul3A_363 : i32 to index
      %get3A_686 = tpu.vector_load %arg5[%get3A_683, %get3A_684, %get3A_685] {strides = array<i32>} : memref<100x2x128xi32, #tpu.memory_space<vmem>>, vector<16xi32>,
      %and3A_687 = arith.constant 8064 : i32
      %and3A_688 = vector.broadcast %and3A_687 : i32 to vector<16xi32>
      %and3A_689 = arith.andi %get3A_686, %and3A_688 : vector<16xi32>
      %shift_left3A_690 = arith.constant 3 : i32
      %shift_left3A_691 = vector.broadcast %shift_left3A_690 : i32 to vector<16xi32>
      %shift_left3A_692 = arith.shli %and3A_689, %shift_left3A_691 : vector<16xi32>
      %and3A_693 = arith.constant 127 : i32
      %and3A_694 = vector.broadcast %and3A_693 : i32 to vector<16xi32>
      %and3A_695 = arith.andi %get3A_686, %and3A_694 : vector<16xi32>
      %add3A_696 = arith.addi %shift_left3A_692, %and3A_695 : vector<16xi32>
      %add3A_697 = arith.addi %add3A_696, %mul3A_38 : vector<16xi32>
      tpu.vector_store_idx %arg6[%add3A_697], %select_n3A_45 {add = true} : memref<65536xi32, #tpu.memory_space<vmem>>[vector<16xi32>], vector<16xi32>,
      %add3A_698 = arith.constant 1 : i32
      %add3A_699 = arith.addi %mul3A_645, %add3A_698 : i32
      %get3A_700 = arith.constant 1 : i32
      %get3A_701 = arith.index_cast %add3A_699 : i32 to index
      %get3A_702 = arith.index_cast %get3A_700 : i32 to index
      %get3A_703 = arith.index_cast %mul3A_363 : i32 to index
      %get3A_704 = tpu.vector_load %arg5[%get3A_701, %get3A_702, %get3A_703] {strides = array<i32>} : memref<100x2x128xi32, #tpu.memory_space<vmem>>, vector<16xi32>,
      %and3A_705 = arith.constant 8064 : i32
      %and3A_706 = vector.broadcast %and3A_705 : i32 to vector<16xi32>
      %and3A_707 = arith.andi %get3A_704, %and3A_706 : vector<16xi32>
      %shift_left3A_708 = arith.constant 3 : i32
      %shift_left3A_709 = vector.broadcast %shift_left3A_708 : i32 to vector<16xi32>
      %shift_left3A_710 = arith.shli %and3A_707, %shift_left3A_709 : vector<16xi32>
      %and3A_711 = arith.constant 127 : i32
      %and3A_712 = vector.broadcast %and3A_711 : i32 to vector<16xi32>
      %and3A_713 = arith.andi %get3A_704, %and3A_712 : vector<16xi32>
      %add3A_714 = arith.addi %shift_left3A_710, %and3A_713 : vector<16xi32>
      %add3A_715 = arith.addi %add3A_714, %mul3A_38 : vector<16xi32>
      tpu.vector_store_idx %arg6[%add3A_715], %select_n3A_45 {add = true} : memref<65536xi32, #tpu.memory_space<vmem>>[vector<16xi32>], vector<16xi32>,
      %add3A_716 = arith.constant 2 : i32
      %add3A_717 = arith.addi %mul3A_645, %add3A_716 : i32
      %get3A_718 = arith.constant 0 : i32
      %get3A_719 = arith.index_cast %add3A_717 : i32 to index
      %get3A_720 = arith.index_cast %get3A_718 : i32 to index
      %get3A_721 = arith.index_cast %mul3A_363 : i32 to index
      %get3A_722 = tpu.vector_load %arg5[%get3A_719, %get3A_720, %get3A_721] {strides = array<i32>} : memref<100x2x128xi32, #tpu.memory_space<vmem>>, vector<16xi32>,
      %and3A_723 = arith.constant 8064 : i32
      %and3A_724 = vector.broadcast %and3A_723 : i32 to vector<16xi32>
      %and3A_725 = arith.andi %get3A_722, %and3A_724 : vector<16xi32>
      %shift_left3A_726 = arith.constant 3 : i32
      %shift_left3A_727 = vector.broadcast %shift_left3A_726 : i32 to vector<16xi32>
      %shift_left3A_728 = arith.shli %and3A_725, %shift_left3A_727 : vector<16xi32>
      %and3A_729 = arith.constant 127 : i32
      %and3A_730 = vector.broadcast %and3A_729 : i32 to vector<16xi32>
      %and3A_731 = arith.andi %get3A_722, %and3A_730 : vector<16xi32>
      %add3A_732 = arith.addi %shift_left3A_728, %and3A_731 : vector<16xi32>
      %add3A_733 = arith.addi %add3A_732, %mul3A_38 : vector<16xi32>
      tpu.vector_store_idx %arg6[%add3A_733], %select_n3A_45 {add = true} : memref<65536xi32, #tpu.memory_space<vmem>>[vector<16xi32>], vector<16xi32>,
      %add3A_734 = arith.constant 2 : i32
      %add3A_735 = arith.addi %mul3A_645, %add3A_734 : i32
      %get3A_736 = arith.constant 1 : i32
      %get3A_737 = arith.index_cast %add3A_735 : i32 to index
      %get3A_738 = arith.index_cast %get3A_736 : i32 to index
      %get3A_739 = arith.index_cast %mul3A_363 : i32 to index
      %get3A_740 = tpu.vector_load %arg5[%get3A_737, %get3A_738, %get3A_739] {strides = array<i32>} : memref<100x2x128xi32, #tpu.memory_space<vmem>>, vector<16xi32>,
      %and3A_741 = arith.constant 8064 : i32
      %and3A_742 = vector.broadcast %and3A_741 : i32 to vector<16xi32>
      %and3A_743 = arith.andi %get3A_740, %and3A_742 : vector<16xi32>
      %shift_left3A_744 = arith.constant 3 : i32
      %shift_left3A_745 = vector.broadcast %shift_left3A_744 : i32 to vector<16xi32>
      %shift_left3A_746 = arith.shli %and3A_743, %shift_left3A_745 : vector<16xi32>
      %and3A_747 = arith.constant 127 : i32
      %and3A_748 = vector.broadcast %and3A_747 : i32 to vector<16xi32>
      %and3A_749 = arith.andi %get3A_740, %and3A_748 : vector<16xi32>
      %add3A_750 = arith.addi %shift_left3A_746, %and3A_749 : vector<16xi32>
      %add3A_751 = arith.addi %add3A_750, %mul3A_38 : vector<16xi32>
      tpu.vector_store_idx %arg6[%add3A_751], %select_n3A_45 {add = true} : memref<65536xi32, #tpu.memory_space<vmem>>[vector<16xi32>], vector<16xi32>,
      %add3A_752 = arith.constant 3 : i32
      %add3A_753 = arith.addi %mul3A_645, %add3A_752 : i32
      %get3A_754 = arith.constant 0 : i32
      %get3A_755 = arith.index_cast %add3A_753 : i32 to index
      %get3A_756 = arith.index_cast %get3A_754 : i32 to index
      %get3A_757 = arith.index_cast %mul3A_363 : i32 to index
      %get3A_758 = tpu.vector_load %arg5[%get3A_755, %get3A_756, %get3A_757] {strides = array<i32>} : memref<100x2x128xi32, #tpu.memory_space<vmem>>, vector<16xi32>,
      %and3A_759 = arith.constant 8064 : i32
      %and3A_760 = vector.broadcast %and3A_759 : i32 to vector<16xi32>
      %and3A_761 = arith.andi %get3A_758, %and3A_760 : vector<16xi32>
      %shift_left3A_762 = arith.constant 3 : i32
      %shift_left3A_763 = vector.broadcast %shift_left3A_762 : i32 to vector<16xi32>
      %shift_left3A_764 = arith.shli %and3A_761, %shift_left3A_763 : vector<16xi32>
      %and3A_765 = arith.constant 127 : i32
      %and3A_766 = vector.broadcast %and3A_765 : i32 to vector<16xi32>
      %and3A_767 = arith.andi %get3A_758, %and3A_766 : vector<16xi32>
      %add3A_768 = arith.addi %shift_left3A_764, %and3A_767 : vector<16xi32>
      %add3A_769 = arith.addi %add3A_768, %mul3A_38 : vector<16xi32>
      tpu.vector_store_idx %arg6[%add3A_769], %select_n3A_45 {add = true} : memref<65536xi32, #tpu.memory_space<vmem>>[vector<16xi32>], vector<16xi32>,
      %add3A_770 = arith.constant 3 : i32
      %add3A_771 = arith.addi %mul3A_645, %add3A_770 : i32
      %get3A_772 = arith.constant 1 : i32
      %get3A_773 = arith.index_cast %add3A_771 : i32 to index
      %get3A_774 = arith.index_cast %get3A_772 : i32 to index
      %get3A_775 = arith.index_cast %mul3A_363 : i32 to index
      %get3A_776 = tpu.vector_load %arg5[%get3A_773, %get3A_774, %get3A_775] {strides = array<i32>} : memref<100x2x128xi32, #tpu.memory_space<vmem>>, vector<16xi32>,
      %and3A_777 = arith.constant 8064 : i32
      %and3A_778 = vector.broadcast %and3A_777 : i32 to vector<16xi32>
      %and3A_779 = arith.andi %get3A_776, %and3A_778 : vector<16xi32>
      %shift_left3A_780 = arith.constant 3 : i32
      %shift_left3A_781 = vector.broadcast %shift_left3A_780 : i32 to vector<16xi32>
      %shift_left3A_782 = arith.shli %and3A_779, %shift_left3A_781 : vector<16xi32>
      %and3A_783 = arith.constant 127 : i32
      %and3A_784 = vector.broadcast %and3A_783 : i32 to vector<16xi32>
      %and3A_785 = arith.andi %get3A_776, %and3A_784 : vector<16xi32>
      %add3A_786 = arith.addi %shift_left3A_782, %and3A_785 : vector<16xi32>
      %add3A_787 = arith.addi %add3A_786, %mul3A_38 : vector<16xi32>
      tpu.vector_store_idx %arg6[%add3A_787], %select_n3A_45 {add = true} : memref<65536xi32, #tpu.memory_space<vmem>>[vector<16xi32>], vector<16xi32>,
    }
    %scan3A_522 = arith.constant 25 : i32
    %dma_wait3A_523 = arith.constant 600 : i32
    %dma_wait3A_524 = arith.constant 0 : i32
    %dma_wait3A_525 = arith.constant 0 : i32
    %dma_wait3A_526 = tpu.memref_slice %arg2[%dma_wait3A_523, %select_n3A, %dma_wait3A_524, %dma_wait3A_525] : memref<1100x8x2x128xi32, #tpu.memory_space<hbm>> -> memref<100x1x2x128xi32, #tpu.memory_space<hbm>>
    %dma_wait3A_527 = tpu.memref_squeeze %dma_wait3A_526 : memref<100x1x2x128xi32, #tpu.memory_space<hbm>> -> memref<100x2x128xi32, #tpu.memory_space<hbm>>
    %dma_wait3A_528 = arith.constant 600 : i32
    %dma_wait3A_529 = arith.constant 0 : i32
    %dma_wait3A_530 = arith.constant 0 : i32
    %dma_wait3A_531 = tpu.memref_slice %arg2[%dma_wait3A_528, %select_n3A, %dma_wait3A_529, %dma_wait3A_530] : memref<1100x8x2x128xi32, #tpu.memory_space<hbm>> -> memref<100x1x2x128xi32, #tpu.memory_space<hbm>>
    %dma_wait3A_532 = tpu.memref_squeeze %dma_wait3A_531 : memref<100x1x2x128xi32, #tpu.memory_space<hbm>> -> memref<100x2x128xi32, #tpu.memory_space<hbm>>
    tpu.wait_dma2 semaphore(%arg7 : memref<!tpu.dma_semaphore, #tpu.memory_space<semaphore_mem>>) src(%dma_wait3A_532 : memref<100x2x128xi32, #tpu.memory_space<hbm>>) dst(%arg4 : memref<100x2x128xi32, #tpu.memory_space<vmem>>)
    %dma_start3A_533 = arith.constant 700 : i32
    %dma_start3A_534 = arith.constant 0 : i32
    %dma_start3A_535 = arith.constant 0 : i32
    %dma_start3A_536 = tpu.memref_slice %arg2[%dma_start3A_533, %select_n3A, %dma_start3A_534, %dma_start3A_535] : memref<1100x8x2x128xi32, #tpu.memory_space<hbm>> -> memref<100x1x2x128xi32, #tpu.memory_space<hbm>>
    %dma_start3A_537 = tpu.memref_squeeze %dma_start3A_536 : memref<100x1x2x128xi32, #tpu.memory_space<hbm>> -> memref<100x2x128xi32, #tpu.memory_space<hbm>>
    %dma_start3A_538 = arith.constant 700 : i32
    %dma_start3A_539 = arith.constant 0 : i32
    %dma_start3A_540 = arith.constant 0 : i32
    %dma_start3A_541 = tpu.memref_slice %arg2[%dma_start3A_538, %select_n3A, %dma_start3A_539, %dma_start3A_540] : memref<1100x8x2x128xi32, #tpu.memory_space<hbm>> -> memref<100x1x2x128xi32, #tpu.memory_space<hbm>>
    %dma_start3A_542 = tpu.memref_squeeze %dma_start3A_541 : memref<100x1x2x128xi32, #tpu.memory_space<hbm>> -> memref<100x2x128xi32, #tpu.memory_space<hbm>>
    tpu.enqueue_dma source(%dma_start3A_542 : memref<100x2x128xi32, #tpu.memory_space<hbm>>) target(%arg5 : memref<100x2x128xi32, #tpu.memory_space<vmem>>) target_semaphore(%arg8 : memref<!tpu.dma_semaphore, #tpu.memory_space<semaphore_mem>>)
    %scan3A_543 = arith.constant 0 : i32
    %scan3A_544 = arith.constant 0 : i32
    %scan3A_545 = arith.constant 25 : i32
    %scan3A_546 = arith.addi %scan3A_544, %scan3A_545 : i32
    %scan3A_547 = arith.constant 1 : i32
    scf.for %scan3A_643 = %scan3A_544 to %scan3A_546 step %scan3A_547  : i32 {
      %mul3A_644 = arith.constant 4 : i32
      %mul3A_645 = arith.muli %scan3A_643, %mul3A_644 : i32
      %add3A_646 = arith.constant 0 : i32
      %add3A_647 = arith.addi %mul3A_645, %add3A_646 : i32
      %get3A = arith.constant 0 : i32
      %get3A_648 = arith.index_cast %add3A_647 : i32 to index
      %get3A_649 = arith.index_cast %get3A : i32 to index
      %get3A_650 = arith.index_cast %mul3A_363 : i32 to index
      %get3A_651 = tpu.vector_load %arg4[%get3A_648, %get3A_649, %get3A_650] {strides = array<i32>} : memref<100x2x128xi32, #tpu.memory_space<vmem>>, vector<16xi32>,
      %and3A_652 = arith.constant 8064 : i32
      %and3A_653 = vector.broadcast %and3A_652 : i32 to vector<16xi32>
      %and3A_654 = arith.andi %get3A_651, %and3A_653 : vector<16xi32>
      %shift_left3A = arith.constant 3 : i32
      %shift_left3A_655 = vector.broadcast %shift_left3A : i32 to vector<16xi32>
      %shift_left3A_656 = arith.shli %and3A_654, %shift_left3A_655 : vector<16xi32>
      %and3A_657 = arith.constant 127 : i32
      %and3A_658 = vector.broadcast %and3A_657 : i32 to vector<16xi32>
      %and3A_659 = arith.andi %get3A_651, %and3A_658 : vector<16xi32>
      %add3A_660 = arith.addi %shift_left3A_656, %and3A_659 : vector<16xi32>
      %add3A_661 = arith.addi %add3A_660, %mul3A_38 : vector<16xi32>
      tpu.vector_store_idx %arg6[%add3A_661], %select_n3A_45 {add = true} : memref<65536xi32, #tpu.memory_space<vmem>>[vector<16xi32>], vector<16xi32>,
      %add3A_662 = arith.constant 0 : i32
      %add3A_663 = arith.addi %mul3A_645, %add3A_662 : i32
      %get3A_664 = arith.constant 1 : i32
      %get3A_665 = arith.index_cast %add3A_663 : i32 to index
      %get3A_666 = arith.index_cast %get3A_664 : i32 to index
      %get3A_667 = arith.index_cast %mul3A_363 : i32 to index
      %get3A_668 = tpu.vector_load %arg4[%get3A_665, %get3A_666, %get3A_667] {strides = array<i32>} : memref<100x2x128xi32, #tpu.memory_space<vmem>>, vector<16xi32>,
      %and3A_669 = arith.constant 8064 : i32
      %and3A_670 = vector.broadcast %and3A_669 : i32 to vector<16xi32>
      %and3A_671 = arith.andi %get3A_668, %and3A_670 : vector<16xi32>
      %shift_left3A_672 = arith.constant 3 : i32
      %shift_left3A_673 = vector.broadcast %shift_left3A_672 : i32 to vector<16xi32>
      %shift_left3A_674 = arith.shli %and3A_671, %shift_left3A_673 : vector<16xi32>
      %and3A_675 = arith.constant 127 : i32
      %and3A_676 = vector.broadcast %and3A_675 : i32 to vector<16xi32>
      %and3A_677 = arith.andi %get3A_668, %and3A_676 : vector<16xi32>
      %add3A_678 = arith.addi %shift_left3A_674, %and3A_677 : vector<16xi32>
      %add3A_679 = arith.addi %add3A_678, %mul3A_38 : vector<16xi32>
      tpu.vector_store_idx %arg6[%add3A_679], %select_n3A_45 {add = true} : memref<65536xi32, #tpu.memory_space<vmem>>[vector<16xi32>], vector<16xi32>,
      %add3A_680 = arith.constant 1 : i32
      %add3A_681 = arith.addi %mul3A_645, %add3A_680 : i32
      %get3A_682 = arith.constant 0 : i32
      %get3A_683 = arith.index_cast %add3A_681 : i32 to index
      %get3A_684 = arith.index_cast %get3A_682 : i32 to index
      %get3A_685 = arith.index_cast %mul3A_363 : i32 to index
      %get3A_686 = tpu.vector_load %arg4[%get3A_683, %get3A_684, %get3A_685] {strides = array<i32>} : memref<100x2x128xi32, #tpu.memory_space<vmem>>, vector<16xi32>,
      %and3A_687 = arith.constant 8064 : i32
      %and3A_688 = vector.broadcast %and3A_687 : i32 to vector<16xi32>
      %and3A_689 = arith.andi %get3A_686, %and3A_688 : vector<16xi32>
      %shift_left3A_690 = arith.constant 3 : i32
      %shift_left3A_691 = vector.broadcast %shift_left3A_690 : i32 to vector<16xi32>
      %shift_left3A_692 = arith.shli %and3A_689, %shift_left3A_691 : vector<16xi32>
      %and3A_693 = arith.constant 127 : i32
      %and3A_694 = vector.broadcast %and3A_693 : i32 to vector<16xi32>
      %and3A_695 = arith.andi %get3A_686, %and3A_694 : vector<16xi32>
      %add3A_696 = arith.addi %shift_left3A_692, %and3A_695 : vector<16xi32>
      %add3A_697 = arith.addi %add3A_696, %mul3A_38 : vector<16xi32>
      tpu.vector_store_idx %arg6[%add3A_697], %select_n3A_45 {add = true} : memref<65536xi32, #tpu.memory_space<vmem>>[vector<16xi32>], vector<16xi32>,
      %add3A_698 = arith.constant 1 : i32
      %add3A_699 = arith.addi %mul3A_645, %add3A_698 : i32
      %get3A_700 = arith.constant 1 : i32
      %get3A_701 = arith.index_cast %add3A_699 : i32 to index
      %get3A_702 = arith.index_cast %get3A_700 : i32 to index
      %get3A_703 = arith.index_cast %mul3A_363 : i32 to index
      %get3A_704 = tpu.vector_load %arg4[%get3A_701, %get3A_702, %get3A_703] {strides = array<i32>} : memref<100x2x128xi32, #tpu.memory_space<vmem>>, vector<16xi32>,
      %and3A_705 = arith.constant 8064 : i32
      %and3A_706 = vector.broadcast %and3A_705 : i32 to vector<16xi32>
      %and3A_707 = arith.andi %get3A_704, %and3A_706 : vector<16xi32>
      %shift_left3A_708 = arith.constant 3 : i32
      %shift_left3A_709 = vector.broadcast %shift_left3A_708 : i32 to vector<16xi32>
      %shift_left3A_710 = arith.shli %and3A_707, %shift_left3A_709 : vector<16xi32>
      %and3A_711 = arith.constant 127 : i32
      %and3A_712 = vector.broadcast %and3A_711 : i32 to vector<16xi32>
      %and3A_713 = arith.andi %get3A_704, %and3A_712 : vector<16xi32>
      %add3A_714 = arith.addi %shift_left3A_710, %and3A_713 : vector<16xi32>
      %add3A_715 = arith.addi %add3A_714, %mul3A_38 : vector<16xi32>
      tpu.vector_store_idx %arg6[%add3A_715], %select_n3A_45 {add = true} : memref<65536xi32, #tpu.memory_space<vmem>>[vector<16xi32>], vector<16xi32>,
      %add3A_716 = arith.constant 2 : i32
      %add3A_717 = arith.addi %mul3A_645, %add3A_716 : i32
      %get3A_718 = arith.constant 0 : i32
      %get3A_719 = arith.index_cast %add3A_717 : i32 to index
      %get3A_720 = arith.index_cast %get3A_718 : i32 to index
      %get3A_721 = arith.index_cast %mul3A_363 : i32 to index
      %get3A_722 = tpu.vector_load %arg4[%get3A_719, %get3A_720, %get3A_721] {strides = array<i32>} : memref<100x2x128xi32, #tpu.memory_space<vmem>>, vector<16xi32>,
      %and3A_723 = arith.constant 8064 : i32
      %and3A_724 = vector.broadcast %and3A_723 : i32 to vector<16xi32>
      %and3A_725 = arith.andi %get3A_722, %and3A_724 : vector<16xi32>
      %shift_left3A_726 = arith.constant 3 : i32
      %shift_left3A_727 = vector.broadcast %shift_left3A_726 : i32 to vector<16xi32>
      %shift_left3A_728 = arith.shli %and3A_725, %shift_left3A_727 : vector<16xi32>
      %and3A_729 = arith.constant 127 : i32
      %and3A_730 = vector.broadcast %and3A_729 : i32 to vector<16xi32>
      %and3A_731 = arith.andi %get3A_722, %and3A_730 : vector<16xi32>
      %add3A_732 = arith.addi %shift_left3A_728, %and3A_731 : vector<16xi32>
      %add3A_733 = arith.addi %add3A_732, %mul3A_38 : vector<16xi32>
      tpu.vector_store_idx %arg6[%add3A_733], %select_n3A_45 {add = true} : memref<65536xi32, #tpu.memory_space<vmem>>[vector<16xi32>], vector<16xi32>,
      %add3A_734 = arith.constant 2 : i32
      %add3A_735 = arith.addi %mul3A_645, %add3A_734 : i32
      %get3A_736 = arith.constant 1 : i32
      %get3A_737 = arith.index_cast %add3A_735 : i32 to index
      %get3A_738 = arith.index_cast %get3A_736 : i32 to index
      %get3A_739 = arith.index_cast %mul3A_363 : i32 to index
      %get3A_740 = tpu.vector_load %arg4[%get3A_737, %get3A_738, %get3A_739] {strides = array<i32>} : memref<100x2x128xi32, #tpu.memory_space<vmem>>, vector<16xi32>,
      %and3A_741 = arith.constant 8064 : i32
      %and3A_742 = vector.broadcast %and3A_741 : i32 to vector<16xi32>
      %and3A_743 = arith.andi %get3A_740, %and3A_742 : vector<16xi32>
      %shift_left3A_744 = arith.constant 3 : i32
      %shift_left3A_745 = vector.broadcast %shift_left3A_744 : i32 to vector<16xi32>
      %shift_left3A_746 = arith.shli %and3A_743, %shift_left3A_745 : vector<16xi32>
      %and3A_747 = arith.constant 127 : i32
      %and3A_748 = vector.broadcast %and3A_747 : i32 to vector<16xi32>
      %and3A_749 = arith.andi %get3A_740, %and3A_748 : vector<16xi32>
      %add3A_750 = arith.addi %shift_left3A_746, %and3A_749 : vector<16xi32>
      %add3A_751 = arith.addi %add3A_750, %mul3A_38 : vector<16xi32>
      tpu.vector_store_idx %arg6[%add3A_751], %select_n3A_45 {add = true} : memref<65536xi32, #tpu.memory_space<vmem>>[vector<16xi32>], vector<16xi32>,
      %add3A_752 = arith.constant 3 : i32
      %add3A_753 = arith.addi %mul3A_645, %add3A_752 : i32
      %get3A_754 = arith.constant 0 : i32
      %get3A_755 = arith.index_cast %add3A_753 : i32 to index
      %get3A_756 = arith.index_cast %get3A_754 : i32 to index
      %get3A_757 = arith.index_cast %mul3A_363 : i32 to index
      %get3A_758 = tpu.vector_load %arg4[%get3A_755, %get3A_756, %get3A_757] {strides = array<i32>} : memref<100x2x128xi32, #tpu.memory_space<vmem>>, vector<16xi32>,
      %and3A_759 = arith.constant 8064 : i32
      %and3A_760 = vector.broadcast %and3A_759 : i32 to vector<16xi32>
      %and3A_761 = arith.andi %get3A_758, %and3A_760 : vector<16xi32>
      %shift_left3A_762 = arith.constant 3 : i32
      %shift_left3A_763 = vector.broadcast %shift_left3A_762 : i32 to vector<16xi32>
      %shift_left3A_764 = arith.shli %and3A_761, %shift_left3A_763 : vector<16xi32>
      %and3A_765 = arith.constant 127 : i32
      %and3A_766 = vector.broadcast %and3A_765 : i32 to vector<16xi32>
      %and3A_767 = arith.andi %get3A_758, %and3A_766 : vector<16xi32>
      %add3A_768 = arith.addi %shift_left3A_764, %and3A_767 : vector<16xi32>
      %add3A_769 = arith.addi %add3A_768, %mul3A_38 : vector<16xi32>
      tpu.vector_store_idx %arg6[%add3A_769], %select_n3A_45 {add = true} : memref<65536xi32, #tpu.memory_space<vmem>>[vector<16xi32>], vector<16xi32>,
      %add3A_770 = arith.constant 3 : i32
      %add3A_771 = arith.addi %mul3A_645, %add3A_770 : i32
      %get3A_772 = arith.constant 1 : i32
      %get3A_773 = arith.index_cast %add3A_771 : i32 to index
      %get3A_774 = arith.index_cast %get3A_772 : i32 to index
      %get3A_775 = arith.index_cast %mul3A_363 : i32 to index
      %get3A_776 = tpu.vector_load %arg4[%get3A_773, %get3A_774, %get3A_775] {strides = array<i32>} : memref<100x2x128xi32, #tpu.memory_space<vmem>>, vector<16xi32>,
      %and3A_777 = arith.constant 8064 : i32
      %and3A_778 = vector.broadcast %and3A_777 : i32 to vector<16xi32>
      %and3A_779 = arith.andi %get3A_776, %and3A_778 : vector<16xi32>
      %shift_left3A_780 = arith.constant 3 : i32
      %shift_left3A_781 = vector.broadcast %shift_left3A_780 : i32 to vector<16xi32>
      %shift_left3A_782 = arith.shli %and3A_779, %shift_left3A_781 : vector<16xi32>
      %and3A_783 = arith.constant 127 : i32
      %and3A_784 = vector.broadcast %and3A_783 : i32 to vector<16xi32>
      %and3A_785 = arith.andi %get3A_776, %and3A_784 : vector<16xi32>
      %add3A_786 = arith.addi %shift_left3A_782, %and3A_785 : vector<16xi32>
      %add3A_787 = arith.addi %add3A_786, %mul3A_38 : vector<16xi32>
      tpu.vector_store_idx %arg6[%add3A_787], %select_n3A_45 {add = true} : memref<65536xi32, #tpu.memory_space<vmem>>[vector<16xi32>], vector<16xi32>,
    }
    %scan3A_548 = arith.constant 25 : i32
    %dma_wait3A_549 = arith.constant 700 : i32
    %dma_wait3A_550 = arith.constant 0 : i32
    %dma_wait3A_551 = arith.constant 0 : i32
    %dma_wait3A_552 = tpu.memref_slice %arg2[%dma_wait3A_549, %select_n3A, %dma_wait3A_550, %dma_wait3A_551] : memref<1100x8x2x128xi32, #tpu.memory_space<hbm>> -> memref<100x1x2x128xi32, #tpu.memory_space<hbm>>
    %dma_wait3A_553 = tpu.memref_squeeze %dma_wait3A_552 : memref<100x1x2x128xi32, #tpu.memory_space<hbm>> -> memref<100x2x128xi32, #tpu.memory_space<hbm>>
    %dma_wait3A_554 = arith.constant 700 : i32
    %dma_wait3A_555 = arith.constant 0 : i32
    %dma_wait3A_556 = arith.constant 0 : i32
    %dma_wait3A_557 = tpu.memref_slice %arg2[%dma_wait3A_554, %select_n3A, %dma_wait3A_555, %dma_wait3A_556] : memref<1100x8x2x128xi32, #tpu.memory_space<hbm>> -> memref<100x1x2x128xi32, #tpu.memory_space<hbm>>
    %dma_wait3A_558 = tpu.memref_squeeze %dma_wait3A_557 : memref<100x1x2x128xi32, #tpu.memory_space<hbm>> -> memref<100x2x128xi32, #tpu.memory_space<hbm>>
    tpu.wait_dma2 semaphore(%arg8 : memref<!tpu.dma_semaphore, #tpu.memory_space<semaphore_mem>>) src(%dma_wait3A_558 : memref<100x2x128xi32, #tpu.memory_space<hbm>>) dst(%arg5 : memref<100x2x128xi32, #tpu.memory_space<vmem>>)
    %dma_start3A_559 = arith.constant 800 : i32
    %dma_start3A_560 = arith.constant 0 : i32
    %dma_start3A_561 = arith.constant 0 : i32
    %dma_start3A_562 = tpu.memref_slice %arg2[%dma_start3A_559, %select_n3A, %dma_start3A_560, %dma_start3A_561] : memref<1100x8x2x128xi32, #tpu.memory_space<hbm>> -> memref<100x1x2x128xi32, #tpu.memory_space<hbm>>
    %dma_start3A_563 = tpu.memref_squeeze %dma_start3A_562 : memref<100x1x2x128xi32, #tpu.memory_space<hbm>> -> memref<100x2x128xi32, #tpu.memory_space<hbm>>
    %dma_start3A_564 = arith.constant 800 : i32
    %dma_start3A_565 = arith.constant 0 : i32
    %dma_start3A_566 = arith.constant 0 : i32
    %dma_start3A_567 = tpu.memref_slice %arg2[%dma_start3A_564, %select_n3A, %dma_start3A_565, %dma_start3A_566] : memref<1100x8x2x128xi32, #tpu.memory_space<hbm>> -> memref<100x1x2x128xi32, #tpu.memory_space<hbm>>
    %dma_start3A_568 = tpu.memref_squeeze %dma_start3A_567 : memref<100x1x2x128xi32, #tpu.memory_space<hbm>> -> memref<100x2x128xi32, #tpu.memory_space<hbm>>
    tpu.enqueue_dma source(%dma_start3A_568 : memref<100x2x128xi32, #tpu.memory_space<hbm>>) target(%arg4 : memref<100x2x128xi32, #tpu.memory_space<vmem>>) target_semaphore(%arg7 : memref<!tpu.dma_semaphore, #tpu.memory_space<semaphore_mem>>)
    %scan3A_569 = arith.constant 0 : i32
    %scan3A_570 = arith.constant 0 : i32
    %scan3A_571 = arith.constant 25 : i32
    %scan3A_572 = arith.addi %scan3A_570, %scan3A_571 : i32
    %scan3A_573 = arith.constant 1 : i32
    scf.for %scan3A_643 = %scan3A_570 to %scan3A_572 step %scan3A_573  : i32 {
      %mul3A_644 = arith.constant 4 : i32
      %mul3A_645 = arith.muli %scan3A_643, %mul3A_644 : i32
      %add3A_646 = arith.constant 0 : i32
      %add3A_647 = arith.addi %mul3A_645, %add3A_646 : i32
      %get3A = arith.constant 0 : i32
      %get3A_648 = arith.index_cast %add3A_647 : i32 to index
      %get3A_649 = arith.index_cast %get3A : i32 to index
      %get3A_650 = arith.index_cast %mul3A_363 : i32 to index
      %get3A_651 = tpu.vector_load %arg5[%get3A_648, %get3A_649, %get3A_650] {strides = array<i32>} : memref<100x2x128xi32, #tpu.memory_space<vmem>>, vector<16xi32>,
      %and3A_652 = arith.constant 8064 : i32
      %and3A_653 = vector.broadcast %and3A_652 : i32 to vector<16xi32>
      %and3A_654 = arith.andi %get3A_651, %and3A_653 : vector<16xi32>
      %shift_left3A = arith.constant 3 : i32
      %shift_left3A_655 = vector.broadcast %shift_left3A : i32 to vector<16xi32>
      %shift_left3A_656 = arith.shli %and3A_654, %shift_left3A_655 : vector<16xi32>
      %and3A_657 = arith.constant 127 : i32
      %and3A_658 = vector.broadcast %and3A_657 : i32 to vector<16xi32>
      %and3A_659 = arith.andi %get3A_651, %and3A_658 : vector<16xi32>
      %add3A_660 = arith.addi %shift_left3A_656, %and3A_659 : vector<16xi32>
      %add3A_661 = arith.addi %add3A_660, %mul3A_38 : vector<16xi32>
      tpu.vector_store_idx %arg6[%add3A_661], %select_n3A_45 {add = true} : memref<65536xi32, #tpu.memory_space<vmem>>[vector<16xi32>], vector<16xi32>,
      %add3A_662 = arith.constant 0 : i32
      %add3A_663 = arith.addi %mul3A_645, %add3A_662 : i32
      %get3A_664 = arith.constant 1 : i32
      %get3A_665 = arith.index_cast %add3A_663 : i32 to index
      %get3A_666 = arith.index_cast %get3A_664 : i32 to index
      %get3A_667 = arith.index_cast %mul3A_363 : i32 to index
      %get3A_668 = tpu.vector_load %arg5[%get3A_665, %get3A_666, %get3A_667] {strides = array<i32>} : memref<100x2x128xi32, #tpu.memory_space<vmem>>, vector<16xi32>,
      %and3A_669 = arith.constant 8064 : i32
      %and3A_670 = vector.broadcast %and3A_669 : i32 to vector<16xi32>
      %and3A_671 = arith.andi %get3A_668, %and3A_670 : vector<16xi32>
      %shift_left3A_672 = arith.constant 3 : i32
      %shift_left3A_673 = vector.broadcast %shift_left3A_672 : i32 to vector<16xi32>
      %shift_left3A_674 = arith.shli %and3A_671, %shift_left3A_673 : vector<16xi32>
      %and3A_675 = arith.constant 127 : i32
      %and3A_676 = vector.broadcast %and3A_675 : i32 to vector<16xi32>
      %and3A_677 = arith.andi %get3A_668, %and3A_676 : vector<16xi32>
      %add3A_678 = arith.addi %shift_left3A_674, %and3A_677 : vector<16xi32>
      %add3A_679 = arith.addi %add3A_678, %mul3A_38 : vector<16xi32>
      tpu.vector_store_idx %arg6[%add3A_679], %select_n3A_45 {add = true} : memref<65536xi32, #tpu.memory_space<vmem>>[vector<16xi32>], vector<16xi32>,
      %add3A_680 = arith.constant 1 : i32
      %add3A_681 = arith.addi %mul3A_645, %add3A_680 : i32
      %get3A_682 = arith.constant 0 : i32
      %get3A_683 = arith.index_cast %add3A_681 : i32 to index
      %get3A_684 = arith.index_cast %get3A_682 : i32 to index
      %get3A_685 = arith.index_cast %mul3A_363 : i32 to index
      %get3A_686 = tpu.vector_load %arg5[%get3A_683, %get3A_684, %get3A_685] {strides = array<i32>} : memref<100x2x128xi32, #tpu.memory_space<vmem>>, vector<16xi32>,
      %and3A_687 = arith.constant 8064 : i32
      %and3A_688 = vector.broadcast %and3A_687 : i32 to vector<16xi32>
      %and3A_689 = arith.andi %get3A_686, %and3A_688 : vector<16xi32>
      %shift_left3A_690 = arith.constant 3 : i32
      %shift_left3A_691 = vector.broadcast %shift_left3A_690 : i32 to vector<16xi32>
      %shift_left3A_692 = arith.shli %and3A_689, %shift_left3A_691 : vector<16xi32>
      %and3A_693 = arith.constant 127 : i32
      %and3A_694 = vector.broadcast %and3A_693 : i32 to vector<16xi32>
      %and3A_695 = arith.andi %get3A_686, %and3A_694 : vector<16xi32>
      %add3A_696 = arith.addi %shift_left3A_692, %and3A_695 : vector<16xi32>
      %add3A_697 = arith.addi %add3A_696, %mul3A_38 : vector<16xi32>
      tpu.vector_store_idx %arg6[%add3A_697], %select_n3A_45 {add = true} : memref<65536xi32, #tpu.memory_space<vmem>>[vector<16xi32>], vector<16xi32>,
      %add3A_698 = arith.constant 1 : i32
      %add3A_699 = arith.addi %mul3A_645, %add3A_698 : i32
      %get3A_700 = arith.constant 1 : i32
      %get3A_701 = arith.index_cast %add3A_699 : i32 to index
      %get3A_702 = arith.index_cast %get3A_700 : i32 to index
      %get3A_703 = arith.index_cast %mul3A_363 : i32 to index
      %get3A_704 = tpu.vector_load %arg5[%get3A_701, %get3A_702, %get3A_703] {strides = array<i32>} : memref<100x2x128xi32, #tpu.memory_space<vmem>>, vector<16xi32>,
      %and3A_705 = arith.constant 8064 : i32
      %and3A_706 = vector.broadcast %and3A_705 : i32 to vector<16xi32>
      %and3A_707 = arith.andi %get3A_704, %and3A_706 : vector<16xi32>
      %shift_left3A_708 = arith.constant 3 : i32
      %shift_left3A_709 = vector.broadcast %shift_left3A_708 : i32 to vector<16xi32>
      %shift_left3A_710 = arith.shli %and3A_707, %shift_left3A_709 : vector<16xi32>
      %and3A_711 = arith.constant 127 : i32
      %and3A_712 = vector.broadcast %and3A_711 : i32 to vector<16xi32>
      %and3A_713 = arith.andi %get3A_704, %and3A_712 : vector<16xi32>
      %add3A_714 = arith.addi %shift_left3A_710, %and3A_713 : vector<16xi32>
      %add3A_715 = arith.addi %add3A_714, %mul3A_38 : vector<16xi32>
      tpu.vector_store_idx %arg6[%add3A_715], %select_n3A_45 {add = true} : memref<65536xi32, #tpu.memory_space<vmem>>[vector<16xi32>], vector<16xi32>,
      %add3A_716 = arith.constant 2 : i32
      %add3A_717 = arith.addi %mul3A_645, %add3A_716 : i32
      %get3A_718 = arith.constant 0 : i32
      %get3A_719 = arith.index_cast %add3A_717 : i32 to index
      %get3A_720 = arith.index_cast %get3A_718 : i32 to index
      %get3A_721 = arith.index_cast %mul3A_363 : i32 to index
      %get3A_722 = tpu.vector_load %arg5[%get3A_719, %get3A_720, %get3A_721] {strides = array<i32>} : memref<100x2x128xi32, #tpu.memory_space<vmem>>, vector<16xi32>,
      %and3A_723 = arith.constant 8064 : i32
      %and3A_724 = vector.broadcast %and3A_723 : i32 to vector<16xi32>
      %and3A_725 = arith.andi %get3A_722, %and3A_724 : vector<16xi32>
      %shift_left3A_726 = arith.constant 3 : i32
      %shift_left3A_727 = vector.broadcast %shift_left3A_726 : i32 to vector<16xi32>
      %shift_left3A_728 = arith.shli %and3A_725, %shift_left3A_727 : vector<16xi32>
      %and3A_729 = arith.constant 127 : i32
      %and3A_730 = vector.broadcast %and3A_729 : i32 to vector<16xi32>
      %and3A_731 = arith.andi %get3A_722, %and3A_730 : vector<16xi32>
      %add3A_732 = arith.addi %shift_left3A_728, %and3A_731 : vector<16xi32>
      %add3A_733 = arith.addi %add3A_732, %mul3A_38 : vector<16xi32>
      tpu.vector_store_idx %arg6[%add3A_733], %select_n3A_45 {add = true} : memref<65536xi32, #tpu.memory_space<vmem>>[vector<16xi32>], vector<16xi32>,
      %add3A_734 = arith.constant 2 : i32
      %add3A_735 = arith.addi %mul3A_645, %add3A_734 : i32
      %get3A_736 = arith.constant 1 : i32
      %get3A_737 = arith.index_cast %add3A_735 : i32 to index
      %get3A_738 = arith.index_cast %get3A_736 : i32 to index
      %get3A_739 = arith.index_cast %mul3A_363 : i32 to index
      %get3A_740 = tpu.vector_load %arg5[%get3A_737, %get3A_738, %get3A_739] {strides = array<i32>} : memref<100x2x128xi32, #tpu.memory_space<vmem>>, vector<16xi32>,
      %and3A_741 = arith.constant 8064 : i32
      %and3A_742 = vector.broadcast %and3A_741 : i32 to vector<16xi32>
      %and3A_743 = arith.andi %get3A_740, %and3A_742 : vector<16xi32>
      %shift_left3A_744 = arith.constant 3 : i32
      %shift_left3A_745 = vector.broadcast %shift_left3A_744 : i32 to vector<16xi32>
      %shift_left3A_746 = arith.shli %and3A_743, %shift_left3A_745 : vector<16xi32>
      %and3A_747 = arith.constant 127 : i32
      %and3A_748 = vector.broadcast %and3A_747 : i32 to vector<16xi32>
      %and3A_749 = arith.andi %get3A_740, %and3A_748 : vector<16xi32>
      %add3A_750 = arith.addi %shift_left3A_746, %and3A_749 : vector<16xi32>
      %add3A_751 = arith.addi %add3A_750, %mul3A_38 : vector<16xi32>
      tpu.vector_store_idx %arg6[%add3A_751], %select_n3A_45 {add = true} : memref<65536xi32, #tpu.memory_space<vmem>>[vector<16xi32>], vector<16xi32>,
      %add3A_752 = arith.constant 3 : i32
      %add3A_753 = arith.addi %mul3A_645, %add3A_752 : i32
      %get3A_754 = arith.constant 0 : i32
      %get3A_755 = arith.index_cast %add3A_753 : i32 to index
      %get3A_756 = arith.index_cast %get3A_754 : i32 to index
      %get3A_757 = arith.index_cast %mul3A_363 : i32 to index
      %get3A_758 = tpu.vector_load %arg5[%get3A_755, %get3A_756, %get3A_757] {strides = array<i32>} : memref<100x2x128xi32, #tpu.memory_space<vmem>>, vector<16xi32>,
      %and3A_759 = arith.constant 8064 : i32
      %and3A_760 = vector.broadcast %and3A_759 : i32 to vector<16xi32>
      %and3A_761 = arith.andi %get3A_758, %and3A_760 : vector<16xi32>
      %shift_left3A_762 = arith.constant 3 : i32
      %shift_left3A_763 = vector.broadcast %shift_left3A_762 : i32 to vector<16xi32>
      %shift_left3A_764 = arith.shli %and3A_761, %shift_left3A_763 : vector<16xi32>
      %and3A_765 = arith.constant 127 : i32
      %and3A_766 = vector.broadcast %and3A_765 : i32 to vector<16xi32>
      %and3A_767 = arith.andi %get3A_758, %and3A_766 : vector<16xi32>
      %add3A_768 = arith.addi %shift_left3A_764, %and3A_767 : vector<16xi32>
      %add3A_769 = arith.addi %add3A_768, %mul3A_38 : vector<16xi32>
      tpu.vector_store_idx %arg6[%add3A_769], %select_n3A_45 {add = true} : memref<65536xi32, #tpu.memory_space<vmem>>[vector<16xi32>], vector<16xi32>,
      %add3A_770 = arith.constant 3 : i32
      %add3A_771 = arith.addi %mul3A_645, %add3A_770 : i32
      %get3A_772 = arith.constant 1 : i32
      %get3A_773 = arith.index_cast %add3A_771 : i32 to index
      %get3A_774 = arith.index_cast %get3A_772 : i32 to index
      %get3A_775 = arith.index_cast %mul3A_363 : i32 to index
      %get3A_776 = tpu.vector_load %arg5[%get3A_773, %get3A_774, %get3A_775] {strides = array<i32>} : memref<100x2x128xi32, #tpu.memory_space<vmem>>, vector<16xi32>,
      %and3A_777 = arith.constant 8064 : i32
      %and3A_778 = vector.broadcast %and3A_777 : i32 to vector<16xi32>
      %and3A_779 = arith.andi %get3A_776, %and3A_778 : vector<16xi32>
      %shift_left3A_780 = arith.constant 3 : i32
      %shift_left3A_781 = vector.broadcast %shift_left3A_780 : i32 to vector<16xi32>
      %shift_left3A_782 = arith.shli %and3A_779, %shift_left3A_781 : vector<16xi32>
      %and3A_783 = arith.constant 127 : i32
      %and3A_784 = vector.broadcast %and3A_783 : i32 to vector<16xi32>
      %and3A_785 = arith.andi %get3A_776, %and3A_784 : vector<16xi32>
      %add3A_786 = arith.addi %shift_left3A_782, %and3A_785 : vector<16xi32>
      %add3A_787 = arith.addi %add3A_786, %mul3A_38 : vector<16xi32>
      tpu.vector_store_idx %arg6[%add3A_787], %select_n3A_45 {add = true} : memref<65536xi32, #tpu.memory_space<vmem>>[vector<16xi32>], vector<16xi32>,
    }
    %scan3A_574 = arith.constant 25 : i32
    %dma_wait3A_575 = arith.constant 800 : i32
    %dma_wait3A_576 = arith.constant 0 : i32
    %dma_wait3A_577 = arith.constant 0 : i32
    %dma_wait3A_578 = tpu.memref_slice %arg2[%dma_wait3A_575, %select_n3A, %dma_wait3A_576, %dma_wait3A_577] : memref<1100x8x2x128xi32, #tpu.memory_space<hbm>> -> memref<100x1x2x128xi32, #tpu.memory_space<hbm>>
    %dma_wait3A_579 = tpu.memref_squeeze %dma_wait3A_578 : memref<100x1x2x128xi32, #tpu.memory_space<hbm>> -> memref<100x2x128xi32, #tpu.memory_space<hbm>>
    %dma_wait3A_580 = arith.constant 800 : i32
    %dma_wait3A_581 = arith.constant 0 : i32
    %dma_wait3A_582 = arith.constant 0 : i32
    %dma_wait3A_583 = tpu.memref_slice %arg2[%dma_wait3A_580, %select_n3A, %dma_wait3A_581, %dma_wait3A_582] : memref<1100x8x2x128xi32, #tpu.memory_space<hbm>> -> memref<100x1x2x128xi32, #tpu.memory_space<hbm>>
    %dma_wait3A_584 = tpu.memref_squeeze %dma_wait3A_583 : memref<100x1x2x128xi32, #tpu.memory_space<hbm>> -> memref<100x2x128xi32, #tpu.memory_space<hbm>>
    tpu.wait_dma2 semaphore(%arg7 : memref<!tpu.dma_semaphore, #tpu.memory_space<semaphore_mem>>) src(%dma_wait3A_584 : memref<100x2x128xi32, #tpu.memory_space<hbm>>) dst(%arg4 : memref<100x2x128xi32, #tpu.memory_space<vmem>>)
    %dma_start3A_585 = arith.constant 900 : i32
    %dma_start3A_586 = arith.constant 0 : i32
    %dma_start3A_587 = arith.constant 0 : i32
    %dma_start3A_588 = tpu.memref_slice %arg2[%dma_start3A_585, %select_n3A, %dma_start3A_586, %dma_start3A_587] : memref<1100x8x2x128xi32, #tpu.memory_space<hbm>> -> memref<100x1x2x128xi32, #tpu.memory_space<hbm>>
    %dma_start3A_589 = tpu.memref_squeeze %dma_start3A_588 : memref<100x1x2x128xi32, #tpu.memory_space<hbm>> -> memref<100x2x128xi32, #tpu.memory_space<hbm>>
    %dma_start3A_590 = arith.constant 900 : i32
    %dma_start3A_591 = arith.constant 0 : i32
    %dma_start3A_592 = arith.constant 0 : i32
    %dma_start3A_593 = tpu.memref_slice %arg2[%dma_start3A_590, %select_n3A, %dma_start3A_591, %dma_start3A_592] : memref<1100x8x2x128xi32, #tpu.memory_space<hbm>> -> memref<100x1x2x128xi32, #tpu.memory_space<hbm>>
    %dma_start3A_594 = tpu.memref_squeeze %dma_start3A_593 : memref<100x1x2x128xi32, #tpu.memory_space<hbm>> -> memref<100x2x128xi32, #tpu.memory_space<hbm>>
    tpu.enqueue_dma source(%dma_start3A_594 : memref<100x2x128xi32, #tpu.memory_space<hbm>>) target(%arg5 : memref<100x2x128xi32, #tpu.memory_space<vmem>>) target_semaphore(%arg8 : memref<!tpu.dma_semaphore, #tpu.memory_space<semaphore_mem>>)
    %scan3A_595 = arith.constant 0 : i32
    %scan3A_596 = arith.constant 0 : i32
    %scan3A_597 = arith.constant 25 : i32
    %scan3A_598 = arith.addi %scan3A_596, %scan3A_597 : i32
    %scan3A_599 = arith.constant 1 : i32
    scf.for %scan3A_643 = %scan3A_596 to %scan3A_598 step %scan3A_599  : i32 {
      %mul3A_644 = arith.constant 4 : i32
      %mul3A_645 = arith.muli %scan3A_643, %mul3A_644 : i32
      %add3A_646 = arith.constant 0 : i32
      %add3A_647 = arith.addi %mul3A_645, %add3A_646 : i32
      %get3A = arith.constant 0 : i32
      %get3A_648 = arith.index_cast %add3A_647 : i32 to index
      %get3A_649 = arith.index_cast %get3A : i32 to index
      %get3A_650 = arith.index_cast %mul3A_363 : i32 to index
      %get3A_651 = tpu.vector_load %arg4[%get3A_648, %get3A_649, %get3A_650] {strides = array<i32>} : memref<100x2x128xi32, #tpu.memory_space<vmem>>, vector<16xi32>,
      %and3A_652 = arith.constant 8064 : i32
      %and3A_653 = vector.broadcast %and3A_652 : i32 to vector<16xi32>
      %and3A_654 = arith.andi %get3A_651, %and3A_653 : vector<16xi32>
      %shift_left3A = arith.constant 3 : i32
      %shift_left3A_655 = vector.broadcast %shift_left3A : i32 to vector<16xi32>
      %shift_left3A_656 = arith.shli %and3A_654, %shift_left3A_655 : vector<16xi32>
      %and3A_657 = arith.constant 127 : i32
      %and3A_658 = vector.broadcast %and3A_657 : i32 to vector<16xi32>
      %and3A_659 = arith.andi %get3A_651, %and3A_658 : vector<16xi32>
      %add3A_660 = arith.addi %shift_left3A_656, %and3A_659 : vector<16xi32>
      %add3A_661 = arith.addi %add3A_660, %mul3A_38 : vector<16xi32>
      tpu.vector_store_idx %arg6[%add3A_661], %select_n3A_45 {add = true} : memref<65536xi32, #tpu.memory_space<vmem>>[vector<16xi32>], vector<16xi32>,
      %add3A_662 = arith.constant 0 : i32
      %add3A_663 = arith.addi %mul3A_645, %add3A_662 : i32
      %get3A_664 = arith.constant 1 : i32
      %get3A_665 = arith.index_cast %add3A_663 : i32 to index
      %get3A_666 = arith.index_cast %get3A_664 : i32 to index
      %get3A_667 = arith.index_cast %mul3A_363 : i32 to index
      %get3A_668 = tpu.vector_load %arg4[%get3A_665, %get3A_666, %get3A_667] {strides = array<i32>} : memref<100x2x128xi32, #tpu.memory_space<vmem>>, vector<16xi32>,
      %and3A_669 = arith.constant 8064 : i32
      %and3A_670 = vector.broadcast %and3A_669 : i32 to vector<16xi32>
      %and3A_671 = arith.andi %get3A_668, %and3A_670 : vector<16xi32>
      %shift_left3A_672 = arith.constant 3 : i32
      %shift_left3A_673 = vector.broadcast %shift_left3A_672 : i32 to vector<16xi32>
      %shift_left3A_674 = arith.shli %and3A_671, %shift_left3A_673 : vector<16xi32>
      %and3A_675 = arith.constant 127 : i32
      %and3A_676 = vector.broadcast %and3A_675 : i32 to vector<16xi32>
      %and3A_677 = arith.andi %get3A_668, %and3A_676 : vector<16xi32>
      %add3A_678 = arith.addi %shift_left3A_674, %and3A_677 : vector<16xi32>
      %add3A_679 = arith.addi %add3A_678, %mul3A_38 : vector<16xi32>
      tpu.vector_store_idx %arg6[%add3A_679], %select_n3A_45 {add = true} : memref<65536xi32, #tpu.memory_space<vmem>>[vector<16xi32>], vector<16xi32>,
      %add3A_680 = arith.constant 1 : i32
      %add3A_681 = arith.addi %mul3A_645, %add3A_680 : i32
      %get3A_682 = arith.constant 0 : i32
      %get3A_683 = arith.index_cast %add3A_681 : i32 to index
      %get3A_684 = arith.index_cast %get3A_682 : i32 to index
      %get3A_685 = arith.index_cast %mul3A_363 : i32 to index
      %get3A_686 = tpu.vector_load %arg4[%get3A_683, %get3A_684, %get3A_685] {strides = array<i32>} : memref<100x2x128xi32, #tpu.memory_space<vmem>>, vector<16xi32>,
      %and3A_687 = arith.constant 8064 : i32
      %and3A_688 = vector.broadcast %and3A_687 : i32 to vector<16xi32>
      %and3A_689 = arith.andi %get3A_686, %and3A_688 : vector<16xi32>
      %shift_left3A_690 = arith.constant 3 : i32
      %shift_left3A_691 = vector.broadcast %shift_left3A_690 : i32 to vector<16xi32>
      %shift_left3A_692 = arith.shli %and3A_689, %shift_left3A_691 : vector<16xi32>
      %and3A_693 = arith.constant 127 : i32
      %and3A_694 = vector.broadcast %and3A_693 : i32 to vector<16xi32>
      %and3A_695 = arith.andi %get3A_686, %and3A_694 : vector<16xi32>
      %add3A_696 = arith.addi %shift_left3A_692, %and3A_695 : vector<16xi32>
      %add3A_697 = arith.addi %add3A_696, %mul3A_38 : vector<16xi32>
      tpu.vector_store_idx %arg6[%add3A_697], %select_n3A_45 {add = true} : memref<65536xi32, #tpu.memory_space<vmem>>[vector<16xi32>], vector<16xi32>,
      %add3A_698 = arith.constant 1 : i32
      %add3A_699 = arith.addi %mul3A_645, %add3A_698 : i32
      %get3A_700 = arith.constant 1 : i32
      %get3A_701 = arith.index_cast %add3A_699 : i32 to index
      %get3A_702 = arith.index_cast %get3A_700 : i32 to index
      %get3A_703 = arith.index_cast %mul3A_363 : i32 to index
      %get3A_704 = tpu.vector_load %arg4[%get3A_701, %get3A_702, %get3A_703] {strides = array<i32>} : memref<100x2x128xi32, #tpu.memory_space<vmem>>, vector<16xi32>,
      %and3A_705 = arith.constant 8064 : i32
      %and3A_706 = vector.broadcast %and3A_705 : i32 to vector<16xi32>
      %and3A_707 = arith.andi %get3A_704, %and3A_706 : vector<16xi32>
      %shift_left3A_708 = arith.constant 3 : i32
      %shift_left3A_709 = vector.broadcast %shift_left3A_708 : i32 to vector<16xi32>
      %shift_left3A_710 = arith.shli %and3A_707, %shift_left3A_709 : vector<16xi32>
      %and3A_711 = arith.constant 127 : i32
      %and3A_712 = vector.broadcast %and3A_711 : i32 to vector<16xi32>
      %and3A_713 = arith.andi %get3A_704, %and3A_712 : vector<16xi32>
      %add3A_714 = arith.addi %shift_left3A_710, %and3A_713 : vector<16xi32>
      %add3A_715 = arith.addi %add3A_714, %mul3A_38 : vector<16xi32>
      tpu.vector_store_idx %arg6[%add3A_715], %select_n3A_45 {add = true} : memref<65536xi32, #tpu.memory_space<vmem>>[vector<16xi32>], vector<16xi32>,
      %add3A_716 = arith.constant 2 : i32
      %add3A_717 = arith.addi %mul3A_645, %add3A_716 : i32
      %get3A_718 = arith.constant 0 : i32
      %get3A_719 = arith.index_cast %add3A_717 : i32 to index
      %get3A_720 = arith.index_cast %get3A_718 : i32 to index
      %get3A_721 = arith.index_cast %mul3A_363 : i32 to index
      %get3A_722 = tpu.vector_load %arg4[%get3A_719, %get3A_720, %get3A_721] {strides = array<i32>} : memref<100x2x128xi32, #tpu.memory_space<vmem>>, vector<16xi32>,
      %and3A_723 = arith.constant 8064 : i32
      %and3A_724 = vector.broadcast %and3A_723 : i32 to vector<16xi32>
      %and3A_725 = arith.andi %get3A_722, %and3A_724 : vector<16xi32>
      %shift_left3A_726 = arith.constant 3 : i32
      %shift_left3A_727 = vector.broadcast %shift_left3A_726 : i32 to vector<16xi32>
      %shift_left3A_728 = arith.shli %and3A_725, %shift_left3A_727 : vector<16xi32>
      %and3A_729 = arith.constant 127 : i32
      %and3A_730 = vector.broadcast %and3A_729 : i32 to vector<16xi32>
      %and3A_731 = arith.andi %get3A_722, %and3A_730 : vector<16xi32>
      %add3A_732 = arith.addi %shift_left3A_728, %and3A_731 : vector<16xi32>
      %add3A_733 = arith.addi %add3A_732, %mul3A_38 : vector<16xi32>
      tpu.vector_store_idx %arg6[%add3A_733], %select_n3A_45 {add = true} : memref<65536xi32, #tpu.memory_space<vmem>>[vector<16xi32>], vector<16xi32>,
      %add3A_734 = arith.constant 2 : i32
      %add3A_735 = arith.addi %mul3A_645, %add3A_734 : i32
      %get3A_736 = arith.constant 1 : i32
      %get3A_737 = arith.index_cast %add3A_735 : i32 to index
      %get3A_738 = arith.index_cast %get3A_736 : i32 to index
      %get3A_739 = arith.index_cast %mul3A_363 : i32 to index
      %get3A_740 = tpu.vector_load %arg4[%get3A_737, %get3A_738, %get3A_739] {strides = array<i32>} : memref<100x2x128xi32, #tpu.memory_space<vmem>>, vector<16xi32>,
      %and3A_741 = arith.constant 8064 : i32
      %and3A_742 = vector.broadcast %and3A_741 : i32 to vector<16xi32>
      %and3A_743 = arith.andi %get3A_740, %and3A_742 : vector<16xi32>
      %shift_left3A_744 = arith.constant 3 : i32
      %shift_left3A_745 = vector.broadcast %shift_left3A_744 : i32 to vector<16xi32>
      %shift_left3A_746 = arith.shli %and3A_743, %shift_left3A_745 : vector<16xi32>
      %and3A_747 = arith.constant 127 : i32
      %and3A_748 = vector.broadcast %and3A_747 : i32 to vector<16xi32>
      %and3A_749 = arith.andi %get3A_740, %and3A_748 : vector<16xi32>
      %add3A_750 = arith.addi %shift_left3A_746, %and3A_749 : vector<16xi32>
      %add3A_751 = arith.addi %add3A_750, %mul3A_38 : vector<16xi32>
      tpu.vector_store_idx %arg6[%add3A_751], %select_n3A_45 {add = true} : memref<65536xi32, #tpu.memory_space<vmem>>[vector<16xi32>], vector<16xi32>,
      %add3A_752 = arith.constant 3 : i32
      %add3A_753 = arith.addi %mul3A_645, %add3A_752 : i32
      %get3A_754 = arith.constant 0 : i32
      %get3A_755 = arith.index_cast %add3A_753 : i32 to index
      %get3A_756 = arith.index_cast %get3A_754 : i32 to index
      %get3A_757 = arith.index_cast %mul3A_363 : i32 to index
      %get3A_758 = tpu.vector_load %arg4[%get3A_755, %get3A_756, %get3A_757] {strides = array<i32>} : memref<100x2x128xi32, #tpu.memory_space<vmem>>, vector<16xi32>,
      %and3A_759 = arith.constant 8064 : i32
      %and3A_760 = vector.broadcast %and3A_759 : i32 to vector<16xi32>
      %and3A_761 = arith.andi %get3A_758, %and3A_760 : vector<16xi32>
      %shift_left3A_762 = arith.constant 3 : i32
      %shift_left3A_763 = vector.broadcast %shift_left3A_762 : i32 to vector<16xi32>
      %shift_left3A_764 = arith.shli %and3A_761, %shift_left3A_763 : vector<16xi32>
      %and3A_765 = arith.constant 127 : i32
      %and3A_766 = vector.broadcast %and3A_765 : i32 to vector<16xi32>
      %and3A_767 = arith.andi %get3A_758, %and3A_766 : vector<16xi32>
      %add3A_768 = arith.addi %shift_left3A_764, %and3A_767 : vector<16xi32>
      %add3A_769 = arith.addi %add3A_768, %mul3A_38 : vector<16xi32>
      tpu.vector_store_idx %arg6[%add3A_769], %select_n3A_45 {add = true} : memref<65536xi32, #tpu.memory_space<vmem>>[vector<16xi32>], vector<16xi32>,
      %add3A_770 = arith.constant 3 : i32
      %add3A_771 = arith.addi %mul3A_645, %add3A_770 : i32
      %get3A_772 = arith.constant 1 : i32
      %get3A_773 = arith.index_cast %add3A_771 : i32 to index
      %get3A_774 = arith.index_cast %get3A_772 : i32 to index
      %get3A_775 = arith.index_cast %mul3A_363 : i32 to index
      %get3A_776 = tpu.vector_load %arg4[%get3A_773, %get3A_774, %get3A_775] {strides = array<i32>} : memref<100x2x128xi32, #tpu.memory_space<vmem>>, vector<16xi32>,
      %and3A_777 = arith.constant 8064 : i32
      %and3A_778 = vector.broadcast %and3A_777 : i32 to vector<16xi32>
      %and3A_779 = arith.andi %get3A_776, %and3A_778 : vector<16xi32>
      %shift_left3A_780 = arith.constant 3 : i32
      %shift_left3A_781 = vector.broadcast %shift_left3A_780 : i32 to vector<16xi32>
      %shift_left3A_782 = arith.shli %and3A_779, %shift_left3A_781 : vector<16xi32>
      %and3A_783 = arith.constant 127 : i32
      %and3A_784 = vector.broadcast %and3A_783 : i32 to vector<16xi32>
      %and3A_785 = arith.andi %get3A_776, %and3A_784 : vector<16xi32>
      %add3A_786 = arith.addi %shift_left3A_782, %and3A_785 : vector<16xi32>
      %add3A_787 = arith.addi %add3A_786, %mul3A_38 : vector<16xi32>
      tpu.vector_store_idx %arg6[%add3A_787], %select_n3A_45 {add = true} : memref<65536xi32, #tpu.memory_space<vmem>>[vector<16xi32>], vector<16xi32>,
    }
    %scan3A_600 = arith.constant 25 : i32
    %dma_wait3A_601 = arith.constant 900 : i32
    %dma_wait3A_602 = arith.constant 0 : i32
    %dma_wait3A_603 = arith.constant 0 : i32
    %dma_wait3A_604 = tpu.memref_slice %arg2[%dma_wait3A_601, %select_n3A, %dma_wait3A_602, %dma_wait3A_603] : memref<1100x8x2x128xi32, #tpu.memory_space<hbm>> -> memref<100x1x2x128xi32, #tpu.memory_space<hbm>>
    %dma_wait3A_605 = tpu.memref_squeeze %dma_wait3A_604 : memref<100x1x2x128xi32, #tpu.memory_space<hbm>> -> memref<100x2x128xi32, #tpu.memory_space<hbm>>
    %dma_wait3A_606 = arith.constant 900 : i32
    %dma_wait3A_607 = arith.constant 0 : i32
    %dma_wait3A_608 = arith.constant 0 : i32
    %dma_wait3A_609 = tpu.memref_slice %arg2[%dma_wait3A_606, %select_n3A, %dma_wait3A_607, %dma_wait3A_608] : memref<1100x8x2x128xi32, #tpu.memory_space<hbm>> -> memref<100x1x2x128xi32, #tpu.memory_space<hbm>>
    %dma_wait3A_610 = tpu.memref_squeeze %dma_wait3A_609 : memref<100x1x2x128xi32, #tpu.memory_space<hbm>> -> memref<100x2x128xi32, #tpu.memory_space<hbm>>
    tpu.wait_dma2 semaphore(%arg8 : memref<!tpu.dma_semaphore, #tpu.memory_space<semaphore_mem>>) src(%dma_wait3A_610 : memref<100x2x128xi32, #tpu.memory_space<hbm>>) dst(%arg5 : memref<100x2x128xi32, #tpu.memory_space<vmem>>)
    %dma_start3A_611 = arith.constant 1000 : i32
    %dma_start3A_612 = arith.constant 0 : i32
    %dma_start3A_613 = arith.constant 0 : i32
    %dma_start3A_614 = tpu.memref_slice %arg2[%dma_start3A_611, %select_n3A, %dma_start3A_612, %dma_start3A_613] : memref<1100x8x2x128xi32, #tpu.memory_space<hbm>> -> memref<100x1x2x128xi32, #tpu.memory_space<hbm>>
    %dma_start3A_615 = tpu.memref_squeeze %dma_start3A_614 : memref<100x1x2x128xi32, #tpu.memory_space<hbm>> -> memref<100x2x128xi32, #tpu.memory_space<hbm>>
    %dma_start3A_616 = arith.constant 1000 : i32
    %dma_start3A_617 = arith.constant 0 : i32
    %dma_start3A_618 = arith.constant 0 : i32
    %dma_start3A_619 = tpu.memref_slice %arg2[%dma_start3A_616, %select_n3A, %dma_start3A_617, %dma_start3A_618] : memref<1100x8x2x128xi32, #tpu.memory_space<hbm>> -> memref<100x1x2x128xi32, #tpu.memory_space<hbm>>
    %dma_start3A_620 = tpu.memref_squeeze %dma_start3A_619 : memref<100x1x2x128xi32, #tpu.memory_space<hbm>> -> memref<100x2x128xi32, #tpu.memory_space<hbm>>
    tpu.enqueue_dma source(%dma_start3A_620 : memref<100x2x128xi32, #tpu.memory_space<hbm>>) target(%arg4 : memref<100x2x128xi32, #tpu.memory_space<vmem>>) target_semaphore(%arg7 : memref<!tpu.dma_semaphore, #tpu.memory_space<semaphore_mem>>)
    %scan3A_621 = arith.constant 0 : i32
    %scan3A_622 = arith.constant 0 : i32
    %scan3A_623 = arith.constant 25 : i32
    %scan3A_624 = arith.addi %scan3A_622, %scan3A_623 : i32
    %scan3A_625 = arith.constant 1 : i32
    scf.for %scan3A_643 = %scan3A_622 to %scan3A_624 step %scan3A_625  : i32 {
      %mul3A_644 = arith.constant 4 : i32
      %mul3A_645 = arith.muli %scan3A_643, %mul3A_644 : i32
      %add3A_646 = arith.constant 0 : i32
      %add3A_647 = arith.addi %mul3A_645, %add3A_646 : i32
      %get3A = arith.constant 0 : i32
      %get3A_648 = arith.index_cast %add3A_647 : i32 to index
      %get3A_649 = arith.index_cast %get3A : i32 to index
      %get3A_650 = arith.index_cast %mul3A_363 : i32 to index
      %get3A_651 = tpu.vector_load %arg5[%get3A_648, %get3A_649, %get3A_650] {strides = array<i32>} : memref<100x2x128xi32, #tpu.memory_space<vmem>>, vector<16xi32>,
      %and3A_652 = arith.constant 8064 : i32
      %and3A_653 = vector.broadcast %and3A_652 : i32 to vector<16xi32>
      %and3A_654 = arith.andi %get3A_651, %and3A_653 : vector<16xi32>
      %shift_left3A = arith.constant 3 : i32
      %shift_left3A_655 = vector.broadcast %shift_left3A : i32 to vector<16xi32>
      %shift_left3A_656 = arith.shli %and3A_654, %shift_left3A_655 : vector<16xi32>
      %and3A_657 = arith.constant 127 : i32
      %and3A_658 = vector.broadcast %and3A_657 : i32 to vector<16xi32>
      %and3A_659 = arith.andi %get3A_651, %and3A_658 : vector<16xi32>
      %add3A_660 = arith.addi %shift_left3A_656, %and3A_659 : vector<16xi32>
      %add3A_661 = arith.addi %add3A_660, %mul3A_38 : vector<16xi32>
      tpu.vector_store_idx %arg6[%add3A_661], %select_n3A_45 {add = true} : memref<65536xi32, #tpu.memory_space<vmem>>[vector<16xi32>], vector<16xi32>,
      %add3A_662 = arith.constant 0 : i32
      %add3A_663 = arith.addi %mul3A_645, %add3A_662 : i32
      %get3A_664 = arith.constant 1 : i32
      %get3A_665 = arith.index_cast %add3A_663 : i32 to index
      %get3A_666 = arith.index_cast %get3A_664 : i32 to index
      %get3A_667 = arith.index_cast %mul3A_363 : i32 to index
      %get3A_668 = tpu.vector_load %arg5[%get3A_665, %get3A_666, %get3A_667] {strides = array<i32>} : memref<100x2x128xi32, #tpu.memory_space<vmem>>, vector<16xi32>,
      %and3A_669 = arith.constant 8064 : i32
      %and3A_670 = vector.broadcast %and3A_669 : i32 to vector<16xi32>
      %and3A_671 = arith.andi %get3A_668, %and3A_670 : vector<16xi32>
      %shift_left3A_672 = arith.constant 3 : i32
      %shift_left3A_673 = vector.broadcast %shift_left3A_672 : i32 to vector<16xi32>
      %shift_left3A_674 = arith.shli %and3A_671, %shift_left3A_673 : vector<16xi32>
      %and3A_675 = arith.constant 127 : i32
      %and3A_676 = vector.broadcast %and3A_675 : i32 to vector<16xi32>
      %and3A_677 = arith.andi %get3A_668, %and3A_676 : vector<16xi32>
      %add3A_678 = arith.addi %shift_left3A_674, %and3A_677 : vector<16xi32>
      %add3A_679 = arith.addi %add3A_678, %mul3A_38 : vector<16xi32>
      tpu.vector_store_idx %arg6[%add3A_679], %select_n3A_45 {add = true} : memref<65536xi32, #tpu.memory_space<vmem>>[vector<16xi32>], vector<16xi32>,
      %add3A_680 = arith.constant 1 : i32
      %add3A_681 = arith.addi %mul3A_645, %add3A_680 : i32
      %get3A_682 = arith.constant 0 : i32
      %get3A_683 = arith.index_cast %add3A_681 : i32 to index
      %get3A_684 = arith.index_cast %get3A_682 : i32 to index
      %get3A_685 = arith.index_cast %mul3A_363 : i32 to index
      %get3A_686 = tpu.vector_load %arg5[%get3A_683, %get3A_684, %get3A_685] {strides = array<i32>} : memref<100x2x128xi32, #tpu.memory_space<vmem>>, vector<16xi32>,
      %and3A_687 = arith.constant 8064 : i32
      %and3A_688 = vector.broadcast %and3A_687 : i32 to vector<16xi32>
      %and3A_689 = arith.andi %get3A_686, %and3A_688 : vector<16xi32>
      %shift_left3A_690 = arith.constant 3 : i32
      %shift_left3A_691 = vector.broadcast %shift_left3A_690 : i32 to vector<16xi32>
      %shift_left3A_692 = arith.shli %and3A_689, %shift_left3A_691 : vector<16xi32>
      %and3A_693 = arith.constant 127 : i32
      %and3A_694 = vector.broadcast %and3A_693 : i32 to vector<16xi32>
      %and3A_695 = arith.andi %get3A_686, %and3A_694 : vector<16xi32>
      %add3A_696 = arith.addi %shift_left3A_692, %and3A_695 : vector<16xi32>
      %add3A_697 = arith.addi %add3A_696, %mul3A_38 : vector<16xi32>
      tpu.vector_store_idx %arg6[%add3A_697], %select_n3A_45 {add = true} : memref<65536xi32, #tpu.memory_space<vmem>>[vector<16xi32>], vector<16xi32>,
      %add3A_698 = arith.constant 1 : i32
      %add3A_699 = arith.addi %mul3A_645, %add3A_698 : i32
      %get3A_700 = arith.constant 1 : i32
      %get3A_701 = arith.index_cast %add3A_699 : i32 to index
      %get3A_702 = arith.index_cast %get3A_700 : i32 to index
      %get3A_703 = arith.index_cast %mul3A_363 : i32 to index
      %get3A_704 = tpu.vector_load %arg5[%get3A_701, %get3A_702, %get3A_703] {strides = array<i32>} : memref<100x2x128xi32, #tpu.memory_space<vmem>>, vector<16xi32>,
      %and3A_705 = arith.constant 8064 : i32
      %and3A_706 = vector.broadcast %and3A_705 : i32 to vector<16xi32>
      %and3A_707 = arith.andi %get3A_704, %and3A_706 : vector<16xi32>
      %shift_left3A_708 = arith.constant 3 : i32
      %shift_left3A_709 = vector.broadcast %shift_left3A_708 : i32 to vector<16xi32>
      %shift_left3A_710 = arith.shli %and3A_707, %shift_left3A_709 : vector<16xi32>
      %and3A_711 = arith.constant 127 : i32
      %and3A_712 = vector.broadcast %and3A_711 : i32 to vector<16xi32>
      %and3A_713 = arith.andi %get3A_704, %and3A_712 : vector<16xi32>
      %add3A_714 = arith.addi %shift_left3A_710, %and3A_713 : vector<16xi32>
      %add3A_715 = arith.addi %add3A_714, %mul3A_38 : vector<16xi32>
      tpu.vector_store_idx %arg6[%add3A_715], %select_n3A_45 {add = true} : memref<65536xi32, #tpu.memory_space<vmem>>[vector<16xi32>], vector<16xi32>,
      %add3A_716 = arith.constant 2 : i32
      %add3A_717 = arith.addi %mul3A_645, %add3A_716 : i32
      %get3A_718 = arith.constant 0 : i32
      %get3A_719 = arith.index_cast %add3A_717 : i32 to index
      %get3A_720 = arith.index_cast %get3A_718 : i32 to index
      %get3A_721 = arith.index_cast %mul3A_363 : i32 to index
      %get3A_722 = tpu.vector_load %arg5[%get3A_719, %get3A_720, %get3A_721] {strides = array<i32>} : memref<100x2x128xi32, #tpu.memory_space<vmem>>, vector<16xi32>,
      %and3A_723 = arith.constant 8064 : i32
      %and3A_724 = vector.broadcast %and3A_723 : i32 to vector<16xi32>
      %and3A_725 = arith.andi %get3A_722, %and3A_724 : vector<16xi32>
      %shift_left3A_726 = arith.constant 3 : i32
      %shift_left3A_727 = vector.broadcast %shift_left3A_726 : i32 to vector<16xi32>
      %shift_left3A_728 = arith.shli %and3A_725, %shift_left3A_727 : vector<16xi32>
      %and3A_729 = arith.constant 127 : i32
      %and3A_730 = vector.broadcast %and3A_729 : i32 to vector<16xi32>
      %and3A_731 = arith.andi %get3A_722, %and3A_730 : vector<16xi32>
      %add3A_732 = arith.addi %shift_left3A_728, %and3A_731 : vector<16xi32>
      %add3A_733 = arith.addi %add3A_732, %mul3A_38 : vector<16xi32>
      tpu.vector_store_idx %arg6[%add3A_733], %select_n3A_45 {add = true} : memref<65536xi32, #tpu.memory_space<vmem>>[vector<16xi32>], vector<16xi32>,
      %add3A_734 = arith.constant 2 : i32
      %add3A_735 = arith.addi %mul3A_645, %add3A_734 : i32
      %get3A_736 = arith.constant 1 : i32
      %get3A_737 = arith.index_cast %add3A_735 : i32 to index
      %get3A_738 = arith.index_cast %get3A_736 : i32 to index
      %get3A_739 = arith.index_cast %mul3A_363 : i32 to index
      %get3A_740 = tpu.vector_load %arg5[%get3A_737, %get3A_738, %get3A_739] {strides = array<i32>} : memref<100x2x128xi32, #tpu.memory_space<vmem>>, vector<16xi32>,
      %and3A_741 = arith.constant 8064 : i32
      %and3A_742 = vector.broadcast %and3A_741 : i32 to vector<16xi32>
      %and3A_743 = arith.andi %get3A_740, %and3A_742 : vector<16xi32>
      %shift_left3A_744 = arith.constant 3 : i32
      %shift_left3A_745 = vector.broadcast %shift_left3A_744 : i32 to vector<16xi32>
      %shift_left3A_746 = arith.shli %and3A_743, %shift_left3A_745 : vector<16xi32>
      %and3A_747 = arith.constant 127 : i32
      %and3A_748 = vector.broadcast %and3A_747 : i32 to vector<16xi32>
      %and3A_749 = arith.andi %get3A_740, %and3A_748 : vector<16xi32>
      %add3A_750 = arith.addi %shift_left3A_746, %and3A_749 : vector<16xi32>
      %add3A_751 = arith.addi %add3A_750, %mul3A_38 : vector<16xi32>
      tpu.vector_store_idx %arg6[%add3A_751], %select_n3A_45 {add = true} : memref<65536xi32, #tpu.memory_space<vmem>>[vector<16xi32>], vector<16xi32>,
      %add3A_752 = arith.constant 3 : i32
      %add3A_753 = arith.addi %mul3A_645, %add3A_752 : i32
      %get3A_754 = arith.constant 0 : i32
      %get3A_755 = arith.index_cast %add3A_753 : i32 to index
      %get3A_756 = arith.index_cast %get3A_754 : i32 to index
      %get3A_757 = arith.index_cast %mul3A_363 : i32 to index
      %get3A_758 = tpu.vector_load %arg5[%get3A_755, %get3A_756, %get3A_757] {strides = array<i32>} : memref<100x2x128xi32, #tpu.memory_space<vmem>>, vector<16xi32>,
      %and3A_759 = arith.constant 8064 : i32
      %and3A_760 = vector.broadcast %and3A_759 : i32 to vector<16xi32>
      %and3A_761 = arith.andi %get3A_758, %and3A_760 : vector<16xi32>
      %shift_left3A_762 = arith.constant 3 : i32
      %shift_left3A_763 = vector.broadcast %shift_left3A_762 : i32 to vector<16xi32>
      %shift_left3A_764 = arith.shli %and3A_761, %shift_left3A_763 : vector<16xi32>
      %and3A_765 = arith.constant 127 : i32
      %and3A_766 = vector.broadcast %and3A_765 : i32 to vector<16xi32>
      %and3A_767 = arith.andi %get3A_758, %and3A_766 : vector<16xi32>
      %add3A_768 = arith.addi %shift_left3A_764, %and3A_767 : vector<16xi32>
      %add3A_769 = arith.addi %add3A_768, %mul3A_38 : vector<16xi32>
      tpu.vector_store_idx %arg6[%add3A_769], %select_n3A_45 {add = true} : memref<65536xi32, #tpu.memory_space<vmem>>[vector<16xi32>], vector<16xi32>,
      %add3A_770 = arith.constant 3 : i32
      %add3A_771 = arith.addi %mul3A_645, %add3A_770 : i32
      %get3A_772 = arith.constant 1 : i32
      %get3A_773 = arith.index_cast %add3A_771 : i32 to index
      %get3A_774 = arith.index_cast %get3A_772 : i32 to index
      %get3A_775 = arith.index_cast %mul3A_363 : i32 to index
      %get3A_776 = tpu.vector_load %arg5[%get3A_773, %get3A_774, %get3A_775] {strides = array<i32>} : memref<100x2x128xi32, #tpu.memory_space<vmem>>, vector<16xi32>,
      %and3A_777 = arith.constant 8064 : i32
      %and3A_778 = vector.broadcast %and3A_777 : i32 to vector<16xi32>
      %and3A_779 = arith.andi %get3A_776, %and3A_778 : vector<16xi32>
      %shift_left3A_780 = arith.constant 3 : i32
      %shift_left3A_781 = vector.broadcast %shift_left3A_780 : i32 to vector<16xi32>
      %shift_left3A_782 = arith.shli %and3A_779, %shift_left3A_781 : vector<16xi32>
      %and3A_783 = arith.constant 127 : i32
      %and3A_784 = vector.broadcast %and3A_783 : i32 to vector<16xi32>
      %and3A_785 = arith.andi %get3A_776, %and3A_784 : vector<16xi32>
      %add3A_786 = arith.addi %shift_left3A_782, %and3A_785 : vector<16xi32>
      %add3A_787 = arith.addi %add3A_786, %mul3A_38 : vector<16xi32>
      tpu.vector_store_idx %arg6[%add3A_787], %select_n3A_45 {add = true} : memref<65536xi32, #tpu.memory_space<vmem>>[vector<16xi32>], vector<16xi32>,
    }
    %scan3A_626 = arith.constant 25 : i32
    %dma_wait3A_627 = arith.constant 1000 : i32
    %dma_wait3A_628 = arith.constant 0 : i32
    %dma_wait3A_629 = arith.constant 0 : i32
    %dma_wait3A_630 = tpu.memref_slice %arg2[%dma_wait3A_627, %select_n3A, %dma_wait3A_628, %dma_wait3A_629] : memref<1100x8x2x128xi32, #tpu.memory_space<hbm>> -> memref<100x1x2x128xi32, #tpu.memory_space<hbm>>
    %dma_wait3A_631 = tpu.memref_squeeze %dma_wait3A_630 : memref<100x1x2x128xi32, #tpu.memory_space<hbm>> -> memref<100x2x128xi32, #tpu.memory_space<hbm>>
    %dma_wait3A_632 = arith.constant 1000 : i32
    %dma_wait3A_633 = arith.constant 0 : i32
    %dma_wait3A_634 = arith.constant 0 : i32
    %dma_wait3A_635 = tpu.memref_slice %arg2[%dma_wait3A_632, %select_n3A, %dma_wait3A_633, %dma_wait3A_634] : memref<1100x8x2x128xi32, #tpu.memory_space<hbm>> -> memref<100x1x2x128xi32, #tpu.memory_space<hbm>>
    %dma_wait3A_636 = tpu.memref_squeeze %dma_wait3A_635 : memref<100x1x2x128xi32, #tpu.memory_space<hbm>> -> memref<100x2x128xi32, #tpu.memory_space<hbm>>
    tpu.wait_dma2 semaphore(%arg7 : memref<!tpu.dma_semaphore, #tpu.memory_space<semaphore_mem>>) src(%dma_wait3A_636 : memref<100x2x128xi32, #tpu.memory_space<hbm>>) dst(%arg4 : memref<100x2x128xi32, #tpu.memory_space<vmem>>)
    %scan3A_637 = arith.constant 0 : i32
    %scan3A_638 = arith.constant 0 : i32
    %scan3A_639 = arith.constant 25 : i32
    %scan3A_640 = arith.addi %scan3A_638, %scan3A_639 : i32
    %scan3A_641 = arith.constant 1 : i32
    scf.for %scan3A_643 = %scan3A_638 to %scan3A_640 step %scan3A_641  : i32 {
      %mul3A_644 = arith.constant 4 : i32
      %mul3A_645 = arith.muli %scan3A_643, %mul3A_644 : i32
      %add3A_646 = arith.constant 0 : i32
      %add3A_647 = arith.addi %mul3A_645, %add3A_646 : i32
      %get3A = arith.constant 0 : i32
      %get3A_648 = arith.index_cast %add3A_647 : i32 to index
      %get3A_649 = arith.index_cast %get3A : i32 to index
      %get3A_650 = arith.index_cast %mul3A_363 : i32 to index
      %get3A_651 = tpu.vector_load %arg4[%get3A_648, %get3A_649, %get3A_650] {strides = array<i32>} : memref<100x2x128xi32, #tpu.memory_space<vmem>>, vector<16xi32>,
      %and3A_652 = arith.constant 8064 : i32
      %and3A_653 = vector.broadcast %and3A_652 : i32 to vector<16xi32>
      %and3A_654 = arith.andi %get3A_651, %and3A_653 : vector<16xi32>
      %shift_left3A = arith.constant 3 : i32
      %shift_left3A_655 = vector.broadcast %shift_left3A : i32 to vector<16xi32>
      %shift_left3A_656 = arith.shli %and3A_654, %shift_left3A_655 : vector<16xi32>
      %and3A_657 = arith.constant 127 : i32
      %and3A_658 = vector.broadcast %and3A_657 : i32 to vector<16xi32>
      %and3A_659 = arith.andi %get3A_651, %and3A_658 : vector<16xi32>
      %add3A_660 = arith.addi %shift_left3A_656, %and3A_659 : vector<16xi32>
      %add3A_661 = arith.addi %add3A_660, %mul3A_38 : vector<16xi32>
      tpu.vector_store_idx %arg6[%add3A_661], %select_n3A_45 {add = true} : memref<65536xi32, #tpu.memory_space<vmem>>[vector<16xi32>], vector<16xi32>,
      %add3A_662 = arith.constant 0 : i32
      %add3A_663 = arith.addi %mul3A_645, %add3A_662 : i32
      %get3A_664 = arith.constant 1 : i32
      %get3A_665 = arith.index_cast %add3A_663 : i32 to index
      %get3A_666 = arith.index_cast %get3A_664 : i32 to index
      %get3A_667 = arith.index_cast %mul3A_363 : i32 to index
      %get3A_668 = tpu.vector_load %arg4[%get3A_665, %get3A_666, %get3A_667] {strides = array<i32>} : memref<100x2x128xi32, #tpu.memory_space<vmem>>, vector<16xi32>,
      %and3A_669 = arith.constant 8064 : i32
      %and3A_670 = vector.broadcast %and3A_669 : i32 to vector<16xi32>
      %and3A_671 = arith.andi %get3A_668, %and3A_670 : vector<16xi32>
      %shift_left3A_672 = arith.constant 3 : i32
      %shift_left3A_673 = vector.broadcast %shift_left3A_672 : i32 to vector<16xi32>
      %shift_left3A_674 = arith.shli %and3A_671, %shift_left3A_673 : vector<16xi32>
      %and3A_675 = arith.constant 127 : i32
      %and3A_676 = vector.broadcast %and3A_675 : i32 to vector<16xi32>
      %and3A_677 = arith.andi %get3A_668, %and3A_676 : vector<16xi32>
      %add3A_678 = arith.addi %shift_left3A_674, %and3A_677 : vector<16xi32>
      %add3A_679 = arith.addi %add3A_678, %mul3A_38 : vector<16xi32>
      tpu.vector_store_idx %arg6[%add3A_679], %select_n3A_45 {add = true} : memref<65536xi32, #tpu.memory_space<vmem>>[vector<16xi32>], vector<16xi32>,
      %add3A_680 = arith.constant 1 : i32
      %add3A_681 = arith.addi %mul3A_645, %add3A_680 : i32
      %get3A_682 = arith.constant 0 : i32
      %get3A_683 = arith.index_cast %add3A_681 : i32 to index
      %get3A_684 = arith.index_cast %get3A_682 : i32 to index
      %get3A_685 = arith.index_cast %mul3A_363 : i32 to index
      %get3A_686 = tpu.vector_load %arg4[%get3A_683, %get3A_684, %get3A_685] {strides = array<i32>} : memref<100x2x128xi32, #tpu.memory_space<vmem>>, vector<16xi32>,
      %and3A_687 = arith.constant 8064 : i32
      %and3A_688 = vector.broadcast %and3A_687 : i32 to vector<16xi32>
      %and3A_689 = arith.andi %get3A_686, %and3A_688 : vector<16xi32>
      %shift_left3A_690 = arith.constant 3 : i32
      %shift_left3A_691 = vector.broadcast %shift_left3A_690 : i32 to vector<16xi32>
      %shift_left3A_692 = arith.shli %and3A_689, %shift_left3A_691 : vector<16xi32>
      %and3A_693 = arith.constant 127 : i32
      %and3A_694 = vector.broadcast %and3A_693 : i32 to vector<16xi32>
      %and3A_695 = arith.andi %get3A_686, %and3A_694 : vector<16xi32>
      %add3A_696 = arith.addi %shift_left3A_692, %and3A_695 : vector<16xi32>
      %add3A_697 = arith.addi %add3A_696, %mul3A_38 : vector<16xi32>
      tpu.vector_store_idx %arg6[%add3A_697], %select_n3A_45 {add = true} : memref<65536xi32, #tpu.memory_space<vmem>>[vector<16xi32>], vector<16xi32>,
      %add3A_698 = arith.constant 1 : i32
      %add3A_699 = arith.addi %mul3A_645, %add3A_698 : i32
      %get3A_700 = arith.constant 1 : i32
      %get3A_701 = arith.index_cast %add3A_699 : i32 to index
      %get3A_702 = arith.index_cast %get3A_700 : i32 to index
      %get3A_703 = arith.index_cast %mul3A_363 : i32 to index
      %get3A_704 = tpu.vector_load %arg4[%get3A_701, %get3A_702, %get3A_703] {strides = array<i32>} : memref<100x2x128xi32, #tpu.memory_space<vmem>>, vector<16xi32>,
      %and3A_705 = arith.constant 8064 : i32
      %and3A_706 = vector.broadcast %and3A_705 : i32 to vector<16xi32>
      %and3A_707 = arith.andi %get3A_704, %and3A_706 : vector<16xi32>
      %shift_left3A_708 = arith.constant 3 : i32
      %shift_left3A_709 = vector.broadcast %shift_left3A_708 : i32 to vector<16xi32>
      %shift_left3A_710 = arith.shli %and3A_707, %shift_left3A_709 : vector<16xi32>
      %and3A_711 = arith.constant 127 : i32
      %and3A_712 = vector.broadcast %and3A_711 : i32 to vector<16xi32>
      %and3A_713 = arith.andi %get3A_704, %and3A_712 : vector<16xi32>
      %add3A_714 = arith.addi %shift_left3A_710, %and3A_713 : vector<16xi32>
      %add3A_715 = arith.addi %add3A_714, %mul3A_38 : vector<16xi32>
      tpu.vector_store_idx %arg6[%add3A_715], %select_n3A_45 {add = true} : memref<65536xi32, #tpu.memory_space<vmem>>[vector<16xi32>], vector<16xi32>,
      %add3A_716 = arith.constant 2 : i32
      %add3A_717 = arith.addi %mul3A_645, %add3A_716 : i32
      %get3A_718 = arith.constant 0 : i32
      %get3A_719 = arith.index_cast %add3A_717 : i32 to index
      %get3A_720 = arith.index_cast %get3A_718 : i32 to index
      %get3A_721 = arith.index_cast %mul3A_363 : i32 to index
      %get3A_722 = tpu.vector_load %arg4[%get3A_719, %get3A_720, %get3A_721] {strides = array<i32>} : memref<100x2x128xi32, #tpu.memory_space<vmem>>, vector<16xi32>,
      %and3A_723 = arith.constant 8064 : i32
      %and3A_724 = vector.broadcast %and3A_723 : i32 to vector<16xi32>
      %and3A_725 = arith.andi %get3A_722, %and3A_724 : vector<16xi32>
      %shift_left3A_726 = arith.constant 3 : i32
      %shift_left3A_727 = vector.broadcast %shift_left3A_726 : i32 to vector<16xi32>
      %shift_left3A_728 = arith.shli %and3A_725, %shift_left3A_727 : vector<16xi32>
      %and3A_729 = arith.constant 127 : i32
      %and3A_730 = vector.broadcast %and3A_729 : i32 to vector<16xi32>
      %and3A_731 = arith.andi %get3A_722, %and3A_730 : vector<16xi32>
      %add3A_732 = arith.addi %shift_left3A_728, %and3A_731 : vector<16xi32>
      %add3A_733 = arith.addi %add3A_732, %mul3A_38 : vector<16xi32>
      tpu.vector_store_idx %arg6[%add3A_733], %select_n3A_45 {add = true} : memref<65536xi32, #tpu.memory_space<vmem>>[vector<16xi32>], vector<16xi32>,
      %add3A_734 = arith.constant 2 : i32
      %add3A_735 = arith.addi %mul3A_645, %add3A_734 : i32
      %get3A_736 = arith.constant 1 : i32
      %get3A_737 = arith.index_cast %add3A_735 : i32 to index
      %get3A_738 = arith.index_cast %get3A_736 : i32 to index
      %get3A_739 = arith.index_cast %mul3A_363 : i32 to index
      %get3A_740 = tpu.vector_load %arg4[%get3A_737, %get3A_738, %get3A_739] {strides = array<i32>} : memref<100x2x128xi32, #tpu.memory_space<vmem>>, vector<16xi32>,
      %and3A_741 = arith.constant 8064 : i32
      %and3A_742 = vector.broadcast %and3A_741 : i32 to vector<16xi32>
      %and3A_743 = arith.andi %get3A_740, %and3A_742 : vector<16xi32>
      %shift_left3A_744 = arith.constant 3 : i32
      %shift_left3A_745 = vector.broadcast %shift_left3A_744 : i32 to vector<16xi32>
      %shift_left3A_746 = arith.shli %and3A_743, %shift_left3A_745 : vector<16xi32>
      %and3A_747 = arith.constant 127 : i32
      %and3A_748 = vector.broadcast %and3A_747 : i32 to vector<16xi32>
      %and3A_749 = arith.andi %get3A_740, %and3A_748 : vector<16xi32>
      %add3A_750 = arith.addi %shift_left3A_746, %and3A_749 : vector<16xi32>
      %add3A_751 = arith.addi %add3A_750, %mul3A_38 : vector<16xi32>
      tpu.vector_store_idx %arg6[%add3A_751], %select_n3A_45 {add = true} : memref<65536xi32, #tpu.memory_space<vmem>>[vector<16xi32>], vector<16xi32>,
      %add3A_752 = arith.constant 3 : i32
      %add3A_753 = arith.addi %mul3A_645, %add3A_752 : i32
      %get3A_754 = arith.constant 0 : i32
      %get3A_755 = arith.index_cast %add3A_753 : i32 to index
      %get3A_756 = arith.index_cast %get3A_754 : i32 to index
      %get3A_757 = arith.index_cast %mul3A_363 : i32 to index
      %get3A_758 = tpu.vector_load %arg4[%get3A_755, %get3A_756, %get3A_757] {strides = array<i32>} : memref<100x2x128xi32, #tpu.memory_space<vmem>>, vector<16xi32>,
      %and3A_759 = arith.constant 8064 : i32
      %and3A_760 = vector.broadcast %and3A_759 : i32 to vector<16xi32>
      %and3A_761 = arith.andi %get3A_758, %and3A_760 : vector<16xi32>
      %shift_left3A_762 = arith.constant 3 : i32
      %shift_left3A_763 = vector.broadcast %shift_left3A_762 : i32 to vector<16xi32>
      %shift_left3A_764 = arith.shli %and3A_761, %shift_left3A_763 : vector<16xi32>
      %and3A_765 = arith.constant 127 : i32
      %and3A_766 = vector.broadcast %and3A_765 : i32 to vector<16xi32>
      %and3A_767 = arith.andi %get3A_758, %and3A_766 : vector<16xi32>
      %add3A_768 = arith.addi %shift_left3A_764, %and3A_767 : vector<16xi32>
      %add3A_769 = arith.addi %add3A_768, %mul3A_38 : vector<16xi32>
      tpu.vector_store_idx %arg6[%add3A_769], %select_n3A_45 {add = true} : memref<65536xi32, #tpu.memory_space<vmem>>[vector<16xi32>], vector<16xi32>,
      %add3A_770 = arith.constant 3 : i32
      %add3A_771 = arith.addi %mul3A_645, %add3A_770 : i32
      %get3A_772 = arith.constant 1 : i32
      %get3A_773 = arith.index_cast %add3A_771 : i32 to index
      %get3A_774 = arith.index_cast %get3A_772 : i32 to index
      %get3A_775 = arith.index_cast %mul3A_363 : i32 to index
      %get3A_776 = tpu.vector_load %arg4[%get3A_773, %get3A_774, %get3A_775] {strides = array<i32>} : memref<100x2x128xi32, #tpu.memory_space<vmem>>, vector<16xi32>,
      %and3A_777 = arith.constant 8064 : i32
      %and3A_778 = vector.broadcast %and3A_777 : i32 to vector<16xi32>
      %and3A_779 = arith.andi %get3A_776, %and3A_778 : vector<16xi32>
      %shift_left3A_780 = arith.constant 3 : i32
      %shift_left3A_781 = vector.broadcast %shift_left3A_780 : i32 to vector<16xi32>
      %shift_left3A_782 = arith.shli %and3A_779, %shift_left3A_781 : vector<16xi32>
      %and3A_783 = arith.constant 127 : i32
      %and3A_784 = vector.broadcast %and3A_783 : i32 to vector<16xi32>
      %and3A_785 = arith.andi %get3A_776, %and3A_784 : vector<16xi32>
      %add3A_786 = arith.addi %shift_left3A_782, %and3A_785 : vector<16xi32>
      %add3A_787 = arith.addi %add3A_786, %mul3A_38 : vector<16xi32>
      tpu.vector_store_idx %arg6[%add3A_787], %select_n3A_45 {add = true} : memref<65536xi32, #tpu.memory_space<vmem>>[vector<16xi32>], vector<16xi32>,
    }
    %scan3A_642 = arith.constant 25 : i32
    "tpu.region"() ({
      %run_scoped3A = tpu.sem_alloc : memref<!tpu.dma_semaphore, #tpu.memory_space<semaphore_mem>>
      %dma_start3A_643 = arith.constant 0 : i32
      %dma_start3A_644 = tpu.memref_slice %arg3[%add3A_366, %dma_start3A_643] : memref<64x65536xi32, #tpu.memory_space<hbm>> -> memref<1x65536xi32, #tpu.memory_space<hbm>>
      %dma_start3A_645 = tpu.memref_squeeze %dma_start3A_644 : memref<1x65536xi32, #tpu.memory_space<hbm>> -> memref<65536xi32, #tpu.memory_space<hbm>>
      %dma_start3A_646 = arith.constant 0 : i32
      %dma_start3A_647 = tpu.memref_slice %arg3[%add3A_366, %dma_start3A_646] : memref<64x65536xi32, #tpu.memory_space<hbm>> -> memref<1x65536xi32, #tpu.memory_space<hbm>>
      %dma_start3A_648 = tpu.memref_squeeze %dma_start3A_647 : memref<1x65536xi32, #tpu.memory_space<hbm>> -> memref<65536xi32, #tpu.memory_space<hbm>>
      tpu.enqueue_dma source(%arg6 : memref<65536xi32, #tpu.memory_space<vmem>>) target(%dma_start3A_648 : memref<65536xi32, #tpu.memory_space<hbm>>) target_semaphore(%run_scoped3A : memref<!tpu.dma_semaphore, #tpu.memory_space<semaphore_mem>>)
      %dma_wait3A_649 = arith.constant 0 : i32
      %dma_wait3A_650 = tpu.memref_slice %arg3[%add3A_366, %dma_wait3A_649] : memref<64x65536xi32, #tpu.memory_space<hbm>> -> memref<1x65536xi32, #tpu.memory_space<hbm>>
      %dma_wait3A_651 = tpu.memref_squeeze %dma_wait3A_650 : memref<1x65536xi32, #tpu.memory_space<hbm>> -> memref<65536xi32, #tpu.memory_space<hbm>>
      %dma_wait3A_652 = arith.constant 0 : i32
      %dma_wait3A_653 = tpu.memref_slice %arg3[%add3A_366, %dma_wait3A_652] : memref<64x65536xi32, #tpu.memory_space<hbm>> -> memref<1x65536xi32, #tpu.memory_space<hbm>>
      %dma_wait3A_654 = tpu.memref_squeeze %dma_wait3A_653 : memref<1x65536xi32, #tpu.memory_space<hbm>> -> memref<65536xi32, #tpu.memory_space<hbm>>
      tpu.wait_dma2 semaphore(%run_scoped3A : memref<!tpu.dma_semaphore, #tpu.memory_space<semaphore_mem>>) src(%arg6 : memref<65536xi32, #tpu.memory_space<vmem>>) dst(%dma_wait3A_654 : memref<65536xi32, #tpu.memory_space<hbm>>)
      tpu.yield
    }) : () -> ()
    return
  }
}

module attributes {stable_mosaic.version = 14 : i64} {
  func.func @_tc_mlp_body(%arg0: i32, %arg1: memref<64x8192xi32, #tpu.memory_space<vmem>>, %arg2: memref<8192x16xbf16, #tpu.memory_space<vmem>>, %arg3: memref<16x16xf32, #tpu.memory_space<vmem>>, %arg4: memref<1x16xf32, #tpu.memory_space<vmem>>, %arg5: memref<16x128xf32, #tpu.memory_space<vmem>>, %arg6: memref<1x128xf32, #tpu.memory_space<vmem>>, %arg7: memref<128x60xf32, #tpu.memory_space<vmem>>, %arg8: memref<1x60xf32, #tpu.memory_space<vmem>>, %arg9: memref<128x60xf32, #tpu.memory_space<vmem>>) attributes {dimension_semantics = [#tpu.dimension_semantics<arbitrary>], iteration_bounds = array<i64: 8>, scalar_prefetch = 0 : i64, scratch_operands = 0 : i64, tpu.core_type = #tpu.core_type<tc>, window_params = [{transform_indices = @transform_0, window_bounds = array<i64: 64, 8192>}, {pipeline_mode = #tpu.pipeline_mode<synchronous>, transform_indices = @transform_1, window_bounds = array<i64: 8192, 16>}, {pipeline_mode = #tpu.pipeline_mode<synchronous>, transform_indices = @transform_2, window_bounds = array<i64: 16, 16>}, {pipeline_mode = #tpu.pipeline_mode<synchronous>, transform_indices = @transform_3, window_bounds = array<i64: 1, 16>}, {pipeline_mode = #tpu.pipeline_mode<synchronous>, transform_indices = @transform_4, window_bounds = array<i64: 16, 128>}, {pipeline_mode = #tpu.pipeline_mode<synchronous>, transform_indices = @transform_5, window_bounds = array<i64: 1, 128>}, {pipeline_mode = #tpu.pipeline_mode<synchronous>, transform_indices = @transform_6, window_bounds = array<i64: 128, 60>}, {pipeline_mode = #tpu.pipeline_mode<synchronous>, transform_indices = @transform_7, window_bounds = array<i64: 1, 60>}, {transform_indices = @transform_8, window_bounds = array<i64: 128, 60>}]} {
    %get3A = arith.constant 0 : index
    %get3A_0 = arith.constant 0 : index
    %get3A_1 = vector.load %arg1[%get3A, %get3A_0] : memref<64x8192xi32, #tpu.memory_space<vmem>>, vector<64x8192xi32>
    %and3A = arith.constant 65535 : i32
    %and3A_2 = vector.broadcast %and3A : i32 to vector<64x8192xi32>
    %and3A_3 = arith.andi %get3A_1, %and3A_2 : vector<64x8192xi32>
    %convert_element_type3A = arith.sitofp %and3A_3 : vector<64x8192xi32> to vector<64x8192xbf16>
    %shift_right_arithmetic3A = arith.constant 16 : i32
    %shift_right_arithmetic3A_4 = vector.broadcast %shift_right_arithmetic3A : i32 to vector<64x8192xi32>
    %shift_right_arithmetic3A_5 = arith.shrsi %get3A_1, %shift_right_arithmetic3A_4 : vector<64x8192xi32>
    %convert_element_type3A_6 = arith.sitofp %shift_right_arithmetic3A_5 : vector<64x8192xi32> to vector<64x8192xbf16>
    %get3A_7 = arith.constant 0 : index
    %get3A_8 = arith.constant 0 : index
    %get3A_9 = vector.load %arg2[%get3A_7, %get3A_8] : memref<8192x16xbf16, #tpu.memory_space<vmem>>, vector<8192x16xbf16>
    %dot_general3A = arith.constant dense<0.000000e+00> : vector<64x16xf32>
    %dot_general3A_10 = tpu.matmul %convert_element_type3A, %get3A_9, %dot_general3A {dimension_numbers = #tpu.dot_dimension_numbers<[1], [0], [0], [1], [0, 0, 1, 1], [], []>, transpose_lhs_hint = false} : vector<64x8192xbf16>, vector<8192x16xbf16>, vector<64x16xf32> -> vector<64x16xf32>
    %dot_general3A_11 = arith.constant dense<0.000000e+00> : vector<64x16xf32>
    %dot_general3A_12 = tpu.matmul %convert_element_type3A_6, %get3A_9, %dot_general3A_11 {dimension_numbers = #tpu.dot_dimension_numbers<[1], [0], [0], [1], [0, 0, 1, 1], [], []>, transpose_lhs_hint = false} : vector<64x8192xbf16>, vector<8192x16xbf16>, vector<64x16xf32> -> vector<64x16xf32>
    %reshape3A = vector.shape_cast %dot_general3A_10 : vector<64x16xf32> to vector<8x8x16xf32>
    %reshape3A_13 = vector.shape_cast %dot_general3A_12 : vector<64x16xf32> to vector<8x8x16xf32>
    %concatenate3A = tpu.concatenate %reshape3A, %reshape3A_13 in 1 : vector<8x8x16xf32>, vector<8x8x16xf32> -> vector<8x16x16xf32>
    %reshape3A_14 = vector.shape_cast %concatenate3A : vector<8x16x16xf32> to vector<128x16xf32>
    %mul3A = arith.constant 4.54545458E-4 : f32
    %mul3A_15 = vector.broadcast %mul3A : f32 to vector<128x16xf32>
    %mul3A_16 = arith.mulf %reshape3A_14, %mul3A_15 : vector<128x16xf32>
    %get3A_17 = arith.constant 0 : index
    %get3A_18 = arith.constant 0 : index
    %get3A_19 = vector.load %arg3[%get3A_17, %get3A_18] : memref<16x16xf32, #tpu.memory_space<vmem>>, vector<16x16xf32>
    %dot_general3A_20 = arith.constant dense<0.000000e+00> : vector<128x16xf32>
    %dot_general3A_21 = tpu.matmul %mul3A_16, %get3A_19, %dot_general3A_20 {dimension_numbers = #tpu.dot_dimension_numbers<[1], [0], [0], [1], [0, 0, 1, 1], [], []>, transpose_lhs_hint = false} : vector<128x16xf32>, vector<16x16xf32>, vector<128x16xf32> -> vector<128x16xf32>
    %get3A_22 = arith.constant 0 : index
    %get3A_23 = arith.constant 0 : index
    %get3A_24 = vector.load %arg4[%get3A_22, %get3A_23] : memref<1x16xf32, #tpu.memory_space<vmem>>, vector<1x16xf32>
    %add3A = vector.broadcast %get3A_24 : vector<1x16xf32> to vector<128x16xf32>
    %add3A_25 = arith.addf %dot_general3A_21, %add3A : vector<128x16xf32>
    %get3A_26 = arith.constant 0 : index
    %get3A_27 = arith.constant 0 : index
    %get3A_28 = vector.load %arg5[%get3A_26, %get3A_27] : memref<16x128xf32, #tpu.memory_space<vmem>>, vector<16x128xf32>
    %dot_general3A_29 = arith.constant dense<0.000000e+00> : vector<128x128xf32>
    %dot_general3A_30 = tpu.matmul %add3A_25, %get3A_28, %dot_general3A_29 {dimension_numbers = #tpu.dot_dimension_numbers<[1], [0], [0], [1], [0, 0, 1, 1], [], []>, transpose_lhs_hint = false} : vector<128x16xf32>, vector<16x128xf32>, vector<128x128xf32> -> vector<128x128xf32>
    %get3A_31 = arith.constant 0 : index
    %get3A_32 = arith.constant 0 : index
    %get3A_33 = vector.load %arg6[%get3A_31, %get3A_32] : memref<1x128xf32, #tpu.memory_space<vmem>>, vector<1x128xf32>
    %add3A_34 = vector.broadcast %get3A_33 : vector<1x128xf32> to vector<128x128xf32>
    %add3A_35 = arith.addf %dot_general3A_30, %add3A_34 : vector<128x128xf32>
    %max3A = arith.constant 0.000000e+00 : f32
    %max3A_36 = vector.broadcast %max3A : f32 to vector<128x128xf32>
    %max3A_37 = arith.maximumf %add3A_35, %max3A_36 : vector<128x128xf32>
    %get3A_38 = arith.constant 0 : index
    %get3A_39 = arith.constant 0 : index
    %get3A_40 = vector.load %arg7[%get3A_38, %get3A_39] : memref<128x60xf32, #tpu.memory_space<vmem>>, vector<128x60xf32>
    %dot_general3A_41 = arith.constant dense<0.000000e+00> : vector<128x60xf32>
    %dot_general3A_42 = tpu.matmul %max3A_37, %get3A_40, %dot_general3A_41 {dimension_numbers = #tpu.dot_dimension_numbers<[1], [0], [0], [1], [0, 0, 1, 1], [], []>, transpose_lhs_hint = false} : vector<128x128xf32>, vector<128x60xf32>, vector<128x60xf32> -> vector<128x60xf32>
    %get3A_43 = arith.constant 0 : index
    %get3A_44 = arith.constant 0 : index
    %get3A_45 = vector.load %arg8[%get3A_43, %get3A_44] : memref<1x60xf32, #tpu.memory_space<vmem>>, vector<1x60xf32>
    %add3A_46 = vector.broadcast %get3A_45 : vector<1x60xf32> to vector<128x60xf32>
    %add3A_47 = arith.addf %dot_general3A_42, %add3A_46 : vector<128x60xf32>
    %swap3A = arith.constant 0 : index
    %swap3A_48 = arith.constant 0 : index
    %swap3A_49 = vector.load %arg9[%swap3A, %swap3A_48] : memref<128x60xf32, #tpu.memory_space<vmem>>, vector<128x60xf32>
    tpu.vector_store %arg9[%swap3A, %swap3A_48], %add3A_47 {strides = array<i32>} : memref<128x60xf32, #tpu.memory_space<vmem>>, vector<128x60xf32>,
    return
  }
  func.func @transform_0(%arg0: i32) -> (i32, i32) {
    %c0_i32 = arith.constant 0 : i32
    %c0_i32_0 = arith.constant 0 : i32
    return %arg0, %c0_i32 : i32, i32
  }
  func.func @transform_1(%arg0: i32) -> (i32, i32) {
    %c0_i32 = arith.constant 0 : i32
    %c0_i32_0 = arith.constant 0 : i32
    %c0_i32_1 = arith.constant 0 : i32
    return %c0_i32, %c0_i32_0 : i32, i32
  }
  func.func @transform_2(%arg0: i32) -> (i32, i32) {
    %c0_i32 = arith.constant 0 : i32
    %c0_i32_0 = arith.constant 0 : i32
    %c0_i32_1 = arith.constant 0 : i32
    return %c0_i32, %c0_i32_0 : i32, i32
  }
  func.func @transform_3(%arg0: i32) -> (i32, i32) {
    %c0_i32 = arith.constant 0 : i32
    %c0_i32_0 = arith.constant 0 : i32
    %c0_i32_1 = arith.constant 0 : i32
    return %c0_i32, %c0_i32_0 : i32, i32
  }
  func.func @transform_4(%arg0: i32) -> (i32, i32) {
    %c0_i32 = arith.constant 0 : i32
    %c0_i32_0 = arith.constant 0 : i32
    %c0_i32_1 = arith.constant 0 : i32
    return %c0_i32, %c0_i32_0 : i32, i32
  }
  func.func @transform_5(%arg0: i32) -> (i32, i32) {
    %c0_i32 = arith.constant 0 : i32
    %c0_i32_0 = arith.constant 0 : i32
    %c0_i32_1 = arith.constant 0 : i32
    return %c0_i32, %c0_i32_0 : i32, i32
  }
  func.func @transform_6(%arg0: i32) -> (i32, i32) {
    %c0_i32 = arith.constant 0 : i32
    %c0_i32_0 = arith.constant 0 : i32
    %c0_i32_1 = arith.constant 0 : i32
    return %c0_i32, %c0_i32_0 : i32, i32
  }
  func.func @transform_7(%arg0: i32) -> (i32, i32) {
    %c0_i32 = arith.constant 0 : i32
    %c0_i32_0 = arith.constant 0 : i32
    %c0_i32_1 = arith.constant 0 : i32
    return %c0_i32, %c0_i32_0 : i32, i32
  }
  func.func @transform_8(%arg0: i32) -> (i32, i32) {
    %c0_i32 = arith.constant 0 : i32
    %c0_i32_0 = arith.constant 0 : i32
    return %arg0, %c0_i32 : i32, i32
  }
}

</mosaic_0001>

<sc_bundles>
// kernel: kernel.4.cloned.1.call-start
scs
__scs_entry_jumppad:
0x0: {  	(pc) =	sbr.rel $0x88, $3  }
0x1: {  	(tag) =	ssettag $0x0;
	lr =	simm.s32 $0x1  }
0x2: {  	[smem:$0x3F99] =	sst lr;
	_ =	strace $0xD0000000  }
0x3: {  	_ = 	snop  }
0x4: {  	_ = 	snop  }
0x5: {  	_ = 	snop  }
0x6: {  	_ = 	snop  }
0x7: {  	_ = 	snop  }
__scs_overlays_trampoline_lowered:
0x8: {  	[smem:$0x3FA8] =	sst s0  }
0x9: {  	[smem:$0x3FA9] =	sst s1  }
0xa: {  	[smem:$0x3FAA] =	sst s2  }
0xb: {  	[smem:$0x3FAB] =	sst s3  }
0xc: {  	[smem:$0x3FAC] =	sst s4  }
0xd: {  	[smem:$0x3FAD] =	sst s5  }
0xe: {  	[smem:$0x3FAE] =	sst s6  }
0xf: {  	[smem:$0x3FAF] =	sst s7  }
0x10: {  	[smem:$0x3FB0] =	sst s8  }
0x11: {  	[smem:$0x3FB1] =	sst s9;
	s0 =	simm.s32 @!p0 $0x0  }
0x12: {  	s1 =	sld [smem:$0x3F97];
	s0 =	simm.s32 @p0 $0x1  }
0x13: {  	[smem:$0x3FB2] =	sst s0;
	s0 =	simm.s32 @!p1 $0x0  }
0x14: {  	s2 =	sld [smem:$0x3F96];
	s0 =	simm.s32 @p1 $0x1  }
0x15: {  	[smem:$0x3FB3] =	sst s0;
	s0 =	simm.s32 @!p2 $0x0  }
0x16: {  	s3 =	sld [smem:$0x3FDB];
	s0 =	simm.s32 @p2 $0x1  }
0x17: {  	s4 =	simm.s32 $0x1BF5;
	[smem:$0x3FB5] =	sst s0  }
0x18: {  	s0 =	sld [smem:$0x3F98];
	_ =	swait.ge [sflag:s4], $0x0  }
0x19: {  	s7 =	sld [smem:$0x3F99]  }
0x1a: {  	s8 =	sadd.s32 $0xFFFFE003, lr  }
0x1b: {  	s9 =	sadd.s32 $0xFFFFFEF7, lr;
	s5 =	simm.s32 $0xFFFFFFFF;
	p2 =	slt.u32 s8, $0xFFFFF086  }
0x1c: {  	p1 =	slt.u32 s9, $0xF7A;
	s5 =	simm.s32 @!p2 $0x0  }
0x1d: {  	s5 =	simm.s32 @p1 $0x1;
	p0 =	seq.s32 s7, s2  }
0x1e: {  	s7 =	smul.u32 @!p0 $0xF7A, s2;
	p2 =	seq.s32 @!p0 s5, $0x0  }
0x1f: {  	s9 =	smul.u32 $0xF7A, s1;
	s8 =	simm.s32 @!p0 $0x1BF5;
	p2 =	por !p2, p0  }
0x20: {  	[sflag:s8] =	ssyncset.s32 @!p0 $0xFFFFF086;
	s6 =	sadd.s32 @!p0 s3, s7;
	s7 =	simm.s32 @!p0 $0x108  }
0x21: {  	s3 =	sadd.s32 s3, s9;
	s6 =	sadd.s32 @!p0 $0x88, s6;
	s7 =	simm.s32 @p2 $0x1082  }
0x22: {  	[simem:s7], [sflag:s8] =	dma.local @!p0 [hbm:s6], $0xF7A  }
0x23: {  	s9 =	sor.u32 $0xD0000000, s2;
	s6 =	simm.s32 $0x108;
	_ =	swait.ge @!p0 [sflag:s8], $0x0  }
0x24: {  	s3 =	sadd.s32 $0x88, s3;
	s6 =	simm.s32 @!p1 $0x1082;
	[sflag:s4] =	ssyncset.s32 $0xFFFFF086  }
0x25: {  	[simem:s6], [sflag:s4] =	dma.local [hbm:s3], $0xF7A  }
0x26: {  	[smem:$0x3F99] =	sst s1;
	(tag) =	ssettag s2;
	_ =	strace s9  }
0x27: {  	s1 =	sld [smem:$0x3FA9]  }
0x28: {  	s2 =	sld [smem:$0x3FAA]  }
0x29: {  	s4 =	sld [smem:$0x3FAC]  }
0x2a: {  	p0 =	seq.s32 s5, $0x0;
	s5 =	sld [smem:$0x3FAD]  }
0x2b: {  	s6 =	sld [smem:$0x3FAE]  }
0x2c: {  	s7 =	sld [smem:$0x3FAF]  }
0x2d: {  	s3 =	simm.s32 $0x108;
	s8 =	sld [smem:$0x3FB0]  }
0x2e: {  	s3 =	simm.s32 @!p0 $0x1082;
	s9 =	sld [smem:$0x3FB1]  }
0x2f: {  	lr =	sadd.s32 s0, s3;
	s0 =	sld [smem:$0x3FA8]  }
0x30: {  	s3 =	sld [smem:$0x3FAB]  }
0x31: {  	[smem:$0x3FB4] =	sst s10  }
0x32: {  	s10 =	sld [smem:$0x3FB2];
	_ =	sdelay $0x3  }
0x33: {  	p0 =	seq.s32 s10, $0x1;
	s10 =	sld [smem:$0x3FB4];
	_ =	sdelay $0x3  }
0x34: {  	[smem:$0x3FB4] =	sst s10  }
0x35: {  	s10 =	sld [smem:$0x3FB3];
	_ =	sdelay $0x3  }
0x36: {  	p1 =	seq.s32 s10, $0x1;
	s10 =	sld [smem:$0x3FB4];
	_ =	sdelay $0x3  }
0x37: {  	[smem:$0x3FB4] =	sst s10  }
0x38: {  	s10 =	sld [smem:$0x3FB5]  }
0x39: {  	_ = 	snop;
	(pc) =	sbr.ind lr, $3  }
0x3a: {  	_ = 	snop  }
0x3b: {  	_ = 	snop  }
0x3c: {  	p2 =	seq.s32 s10, $0x1;
	s10 =	sld [smem:$0x3FB4]  }
0x3d: {  	_ =	shalt  }
0x3e: {  	_ =	shalt  }
0x3f: {  	_ =	shalt  }
0x40: {  	_ =	shalt  }
0x41: {  	_ =	shalt  }
0x42: {  	_ =	shalt  }
0x43: {  	_ =	shalt  }
0x44: {  	_ =	shalt  }
0x45: {  	_ =	shalt  }
0x46: {  	_ =	shalt  }
0x47: {  	_ =	shalt  }
0x48: {  	_ =	shalt  }
0x49: {  	_ =	shalt  }
0x4a: {  	_ =	shalt  }
0x4b: {  	_ =	shalt  }
0x4c: {  	_ =	shalt  }
0x4d: {  	_ =	shalt  }
0x4e: {  	_ =	shalt  }
0x4f: {  	_ =	shalt  }
0x50: {  	_ =	shalt  }
0x51: {  	_ =	shalt  }
0x52: {  	_ =	shalt  }
0x53: {  	_ =	shalt  }
0x54: {  	_ =	shalt  }
0x55: {  	_ =	shalt  }
0x56: {  	_ =	shalt  }
0x57: {  	_ =	shalt  }
0x58: {  	_ =	shalt  }
0x59: {  	_ =	shalt  }
0x5a: {  	_ =	shalt  }
0x5b: {  	_ =	shalt  }
0x5c: {  	_ =	shalt  }
0x5d: {  	_ =	shalt  }
0x5e: {  	_ =	shalt  }
0x5f: {  	_ =	shalt  }
0x60: {  	_ =	shalt  }
0x61: {  	_ =	shalt  }
0x62: {  	_ =	shalt  }
0x63: {  	_ =	shalt  }
0x64: {  	_ =	shalt  }
0x65: {  	_ =	shalt  }
0x66: {  	_ =	shalt  }
0x67: {  	_ =	shalt  }
0x68: {  	_ =	shalt  }
0x69: {  	_ =	shalt  }
0x6a: {  	_ =	shalt  }
0x6b: {  	_ =	shalt  }
0x6c: {  	_ =	shalt  }
0x6d: {  	_ =	shalt  }
0x6e: {  	_ =	shalt  }
0x6f: {  	_ =	shalt  }
0x70: {  	_ =	shalt  }
0x71: {  	_ =	shalt  }
0x72: {  	_ =	shalt  }
0x73: {  	_ =	shalt  }
0x74: {  	_ =	shalt  }
0x75: {  	_ =	shalt  }
0x76: {  	_ =	shalt  }
0x77: {  	_ =	shalt  }
0x78: {  	_ =	shalt  }
0x79: {  	_ =	shalt  }
0x7a: {  	_ =	shalt  }
0x7b: {  	_ =	shalt  }
0x7c: {  	_ =	shalt  }
0x7d: {  	_ =	shalt  }
0x7e: {  	_ =	shalt  }
0x7f: {  	_ =	shalt  }
0x80: {  	_ =	shalt  }
0x81: {  	_ =	shalt  }
0x82: {  	_ =	shalt  }
0x83: {  	_ =	shalt  }
0x84: {  	_ =	shalt  }
0x85: {  	_ =	shalt  }
0x86: {  	_ =	shalt  }
0x87: {  	_ =	shalt  }
.Lfunc_end0:
.L_simem_size_0:
called_computation_lowered:
.L_overlay_start_0:
0x88: {  	s2 =	sld [smem:$0x3FD9]  }
0x89: {  	s3 =	sld [smem:$0x3FFE];
	_ =	sdelay $0x1  }
0x8a: {  	s1 =	srdreg.scid  }
0x8b: {  	s0 =	sand.u32 $0x1, s1  }
0x8c: {  	s17 =	sshll.u32 s0, $0xA;
	s2 =	sadd.s32 s3, s2  }
0x8d: {  	s2 =	sadd.s32 s2, s17  }
0x8e: {  	[smem:$0x3FC0] =	sst s2  }
0x8f: {  	_ = 	snop  }
0x90: {  	s2 =	sld [smem:$0x3FC9];
	(tm) =	ssettm $0x1  }
0x91: {  	s18 =	sld [smem:$0x3FFB];
	_ =	sdelay $0x3  }
0x92: {  	_ =	strace s18  }
0x93: {  	s3 =	sld [smem:$0x3FFC];
	_ =	sdelay $0x3  }
0x94: {  	_ =	strace s3  }
0x95: {  	s3 =	sld [smem:$0x3FFD];
	_ =	sdelay $0x3  }
0x96: {  	_ =	strace s3  }
0x97: {  	_ =	strace $0x8FFFFFFF  }
0x98: {  	s19 =	sld [smem:$0x3FDB];
	_ =	sdelay $0x1  }
0x99: {  	s4 =	simm.s32 $_scs_section_size  }
0x9a: {  	s5 =	simm.s32 $_size__tile_overlayer_lowered;
	s6 =	simm.s32 $_tile_overlayer_lowered  }
0x9b: {  	s22 =	simm.s32 $0x1BFF;
	s21 =	sshll.u32 s6, $0x1;
	s3 =	sadd.s32 s4, s19  }
0x9c: {  	s7 =	simm.s32 $0x0;
	s20 =	sshll.u32 s5, $0x1;
	s5 =	sadd.s32 s21, s3  }
0x9d: {  	[timem:s7], [sflag:s22] =	dma.local [hbm:s5], s20  }
0x9e: {  	_ =	swait.ge [sflag:s22], s20  }
0x9f: {  	s4 =	ssub.s32 $0x0, s20;
	[sflag:s22] =	ssyncset.done $0x0  }
0xa0: {  	[sflag:s22] =	ssyncadd.s32 s4;
	_ =	sdelay $0x1  }
0xa1: {  	s23 =	simm.s32 $0x1B8B  }
0xa2: {  	_ =	swait.ge [sflag:s23], $0x1  }
0xa3: {  	[sflag:s23] =	ssyncset.done $0x0  }
0xa4: {  	s25 =	simm.s32 $0x1B8E;
	s24 =	sld [smem:$0x3FFE];
	[sflag:s23] =	ssyncadd.s32 $0xFFFFFFFF  }
0xa5: {  	s26 =	simm.s32 $execute0_lowered;
	[smem:$0x3FD2] =	sst s25  }
0xa6: {  	s5 =	sshll.u32 s26, $0x1;
	_ =	strace $0x80000046;
	[dreg:$0x1] =	wrdreg $0xFFFFFFFF  }
0xa7: {  	s28 =	simm.s32 $_size_execute0_lowered;
	s3 =	sadd.s32 s3, s5;
	[dreg:$0x0] =	wrdreg $0x0  }
0xa8: {  	s5 =	sshll.u32 s28, $0x1;
	[dreg:$0x2] =	wrdreg s3  }
0xa9: {  	[dreg:$0x3] =	wrdreg s5  }
0xaa: {  	[dreg:$0x4] =	wrdreg $0xC0  }
0xab: {  	_ =	task [dreg:s7], $0x5FFFF  }
0xac: {  	[dreg:$0x1] =	wrdreg $0xFFFFFFFF  }
0xad: {  	[dreg:$0x0] =	wrdreg $0x60  }
0xae: {  	[dreg:$0x2] =	wrdreg s2  }
0xaf: {  	[dreg:$0x3] =	wrdreg s24  }
0xb0: {  	[dreg:$0x4] =	wrdreg $0x9  }
0xb1: {  	_ =	task.clear_ibuf [dreg:s7], $0x5FFFF;
	_ =	strace $0x90000046  }
0xb2: {  	s29 =	simm.s32 $0x9;
	_ =	strace $0x80000048  }
0xb3: {  	_ =	swait.ge [sflag:s29], $0x1  }
0xb4: {  	[sflag:s29] =	ssyncadd.s32 $0xFFFFFFFF  }
0xb5: {  	_ =	strace $0x90000048  }
0xb6: {  	_ =	sfence  }
0xb7: {  	s30 =	sld [smem:$0x0];
	_ =	sdelay $0x2  }
0xb8: {  	s31 =	sshll.u32 s1, $0xD;
	s1 =	sshrl.u32 s1, $0x2  }
0xb9: {  	s3 =	sand.u32 $0x4000, s31;
	s1 =	sadd.s32 s1, s30  }
0xba: {  	s0 =	sor.u32 s3, s0;
	s1 =	sshll.u32 s1, $0x11  }
0xbb: {  	s0 =	sor.u32 s1, s0  }
0xbc: {  	s0 =	sadd.s32 $0x8F2B, s0  }
0xbd: {  	[sflag:s0] =	ssyncadd.remote.s32 $0x1  }
0xbe: {  	_ =	sfence.sel $0xFFFF  }
0xbf: {  	[dreg:$0x0] =	wrdreg $0xFFFFFFFF;
	(pc) =	sbr.abs _section_cstart, $3  }
0xc0: {  	[dreg:$0x1] =	wrdreg $0xFFFFFFFF  }
0xc1: {  	_ =	task.clear_ibuf [dreg:s7], $0x2FFFF;
	_ =	strace $0x9FFFFFFF  }
0xc2: {  	(tm) =	ssettm $0x7FFFFFFF  }
0xc3: {  	_ =	shalt  }
tec
execute0_lowered:
.L_overlay_start_1:
0x0: {  	(tag) =	ssettag $0x1  }
0x1: {  	s3 =	rddreg [dreg:$0x0]  }
0x2: {  	s4 =	rddreg [dreg:$0x1]  }
0x3: {  	s0 =	rddreg [dreg:$0x2];
	s1 =	stileid.u32  }
0x4: {  	s2 =	simm.s32 $0x0;
	s5 =	srdreg.scid;
	s19 =	simm.s32 $0x1  }
0x5: {  	s20 =	simm.s32 $0x6400;
	s6 =	sshll.u32 s1, $0x1;
	[smem:$0x7FF] =	sst s2  }
0x6: {  	s13 =	sand.u32 $0x1, s5;
	s30 =	sshrl.u32 s1, $0x1;
	s14 =	sand.u32 $0x1, s1  }
0x7: {  	s29 =	sand.u32 $0x2, s6;
	_ =	strace $0x80000047;
	s7 =	sshll.u32 s30, $0x10  }
0x8: {  	s8 =	ssub.s32 $0x2, s13;
	s6 =	sshll.u32 s30, $0x5;
	s17 =	sshll.u32 s14, $0x8  }
0x9: {  	s18 =	sshll.u32 s13, $0x7;
	s5 =	sor.u32 s13, s29;
	s31 =	sshrl.u32 s8, $0x1  }
0xa: {  	s3 =	sadd.s32 s3, s6;
	s17 =	sor.u32 s18, s17;
	s18 =	simm.s32 $0x800  }
0xb: {  	s5 =	sshll.u32 s5, $0xE;
	s16 =	ssub.s32 s8, s31;
	s6 =	sadd.s32 $0x12C00, s3  }
0xc: {  	s8 =	sadd.s32 $0x1F400, s3;
	s9 =	sadd.s32 $0x25800, s3;
	s10 =	sadd.s32 $0x2BC00, s3  }
0xd: {  	s11 =	sadd.s32 $0x32000, s3;
	s21 =	sshrl.u32 s17, $0x2;
	s17 =	sor.u32 $0x840, s17  }
0xe: {  	v1 =	vlaneseq.u32;
	s12 =	sadd.s32 $0x38400, s3;
	s13 =	sadd.s32 $0x3E800, s3;
	s23 =	sshrl.u32 s17, $0x2  }
0xf: {  	v0 =	vshrl.u32 v1, $0x3;
	s5 =	sor.u32 s7, s5;
	s22 =	sor.u32 $0x6400, s21;
	v3 =	vmov s21;
	s24 =	sor.u32 $0x6400, s23  }
0x10: {  	s7 =	sadd.s32 $0x19000, s3;
	s16 =	smax.u32 s16, $0x1;
	s17 =	simm.s32 $0x100;
	v4 =	vmov s22;
	v5 =	vmov s23;
	v6 =	vmov s24  }
0x11: {  	v2 =	vmul.u32 $0xFFFF, v0;
	s21 =	simm.s32 $0xC800;
	s15 =	sadd.s32 s5, s4;
	s4 =	sadd.s32 $0x6400, s3  }
0x12: {  	v1 =	vand.u32 $0x7, v1;
	s5 =	sadd.s32 $0xC800, s3;
	s22 =	simm.s32 $0x2;
	s23 =	simm.s32 $0x3  }
0x13: {  	v0 =	vimm.s32 $0x0;
	v1 =	vmul.u32 $0x80, v1;
	v2 =	vadd.s32 $0x1, v2;
	s14 =	sadd.s32 $0x1400, s15;
	s15 =	sadd.s32 $0x3400, s15;
	s24 =	simm.s32 $0x0  }
.LBB2_1:
0x14: {  	[tilespmem:s2], [sflag:$0x1] =	stream.strided.gather [hbm4b:s3+s17], $0x6400, s18, s17, $0x38;
	[tilespmem:$0x1C800] =	vst v63  }
0x15: {  	s25 =	simm.s32 $0x0;
	s26 =	simm.s32 $0x200  }
.LBB2_2:
0x16: {  	p0 =	sne.s32 s26, $0x3FE00;
	[tilespmem:s25+$0xC870] =	vst v0  }
0x17: {  	[tilespmem:s25+$0xC800] =	vst v0  }
0x18: {  	[tilespmem:s25+$0xC810] =	vst v0  }
.Ltmp0:
0x19: {  	[tilespmem:s25+$0xC820] =	vst v0;
	(pc) =	sbr.rel @p0 .LBB2_2-.Ltmp0, $4  }
0x1a: {  	[tilespmem:s25+$0xC830] =	vst v0  }
0x1b: {  	[tilespmem:s25+$0xC840] =	vst v0  }
0x1c: {  	[tilespmem:s25+$0xC850] =	vst v0  }
0x1d: {  	[tilespmem:s25+$0xC860] =	vst v0;
	s25 =	sshra.s32 s26, $0x2;
	s26 =	sadd.s32 $0x200, s26  }
0x1e: {  	[tilespmem:s25+$0xC870] =	vst v0  }
0x1f: {  	[tilespmem:s25+$0xC800] =	vst v0  }
0x20: {  	[tilespmem:s25+$0xC810] =	vst v0  }
0x21: {  	[tilespmem:s25+$0xC820] =	vst v0  }
0x22: {  	[tilespmem:s25+$0xC830] =	vst v0  }
0x23: {  	[tilespmem:s25+$0xC840] =	vst v0  }
0x24: {  	[tilespmem:s25+$0xC850] =	vst v0  }
0x25: {  	[tilespmem:s25+$0xC860] =	vst v0  }
0x26: {  	_ =	swait.ge [sflag:s19], $0x6400  }
0x27: {  	[sflag:s19] =	ssyncset.done $0x0  }
0x28: {  	s25 =	simm.s32 $0x0;
	[sflag:s19] =	ssyncadd.s32 $0xFFFF9C00  }
0x29: {  	[tilespmem:s20], [sflag:$0x2] =	stream.strided.gather [hbm4b:s4+s17], $0x6400, s18, s17, $0x38;
	[tilespmem:$0x1C800] =	vst v63  }
.LBB2_4:
0x2a: {  	s26 =	sshra.s32 s25, $0x2  }
0x2b: {  	v7 =	vld.idx.msk [tilespmem:v3+s26+$0x0 ss:$0x1], $0xffff;
	_ =	sdelay $0x4  }
0x2c: {  	v8 =	vshll.u32 v7, $0x3  }
0x2d: {  	v7 =	vand.u32 $0x7F, v7;
	v8 =	vand.u32 $0xFC00, v8  }
0x2e: {  	v7 =	vor.u32 v8, v7  }
0x2f: {  	v7 =	vor.u32 v1, v7;
	_ =	sdelay $0x4  }
0x30: {  	[tilespmem:v7+s21+$0x0] =	vst.idx.add.s32.msk $0xffff, v2  }
0x31: {  	v7 =	vld.idx.msk [tilespmem:v3+s26+$0x80 ss:$0x1], $0xffff;
	_ =	sdelay $0x4  }
0x32: {  	v8 =	vshll.u32 v7, $0x3  }
0x33: {  	v7 =	vand.u32 $0x7F, v7;
	v8 =	vand.u32 $0xFC00, v8  }
0x34: {  	v7 =	vor.u32 v8, v7  }
0x35: {  	v7 =	vor.u32 v1, v7;
	_ =	sdelay $0x4  }
0x36: {  	[tilespmem:v7+s21+$0x0] =	vst.idx.add.s32.msk $0xffff, v2  }
0x37: {  	v7 =	vld.idx.msk [tilespmem:v3+s26+$0x100 ss:$0x1], $0xffff;
	_ =	sdelay $0x4  }
0x38: {  	v8 =	vshll.u32 v7, $0x3  }
0x39: {  	v7 =	vand.u32 $0x7F, v7;
	v8 =	vand.u32 $0xFC00, v8  }
0x3a: {  	v7 =	vor.u32 v8, v7  }
0x3b: {  	v7 =	vor.u32 v1, v7;
	_ =	sdelay $0x4  }
0x3c: {  	[tilespmem:v7+s21+$0x0] =	vst.idx.add.s32.msk $0xffff, v2  }
0x3d: {  	v7 =	vld.idx.msk [tilespmem:v3+s26+$0x180 ss:$0x1], $0xffff;
	_ =	sdelay $0x4  }
0x3e: {  	v8 =	vshll.u32 v7, $0x3  }
0x3f: {  	v7 =	vand.u32 $0x7F, v7;
	v8 =	vand.u32 $0xFC00, v8  }
0x40: {  	v7 =	vor.u32 v8, v7  }
0x41: {  	v7 =	vor.u32 v1, v7;
	_ =	sdelay $0x4  }
0x42: {  	[tilespmem:v7+s21+$0x0] =	vst.idx.add.s32.msk $0xffff, v2  }
0x43: {  	v7 =	vld.idx.msk [tilespmem:v3+s26+$0x200 ss:$0x1], $0xffff;
	_ =	sdelay $0x4  }
0x44: {  	v8 =	vshll.u32 v7, $0x3  }
0x45: {  	v7 =	vand.u32 $0x7F, v7;
	v8 =	vand.u32 $0xFC00, v8  }
0x46: {  	v7 =	vor.u32 v8, v7  }
0x47: {  	v7 =	vor.u32 v1, v7;
	_ =	sdelay $0x4  }
0x48: {  	[tilespmem:v7+s21+$0x0] =	vst.idx.add.s32.msk $0xffff, v2  }
0x49: {  	v7 =	vld.idx.msk [tilespmem:v3+s26+$0x280 ss:$0x1], $0xffff;
	_ =	sdelay $0x4  }
0x4a: {  	v8 =	vshll.u32 v7, $0x3  }
0x4b: {  	v7 =	vand.u32 $0x7F, v7;
	v8 =	vand.u32 $0xFC00, v8  }
0x4c: {  	v7 =	vor.u32 v8, v7  }
0x4d: {  	v7 =	vor.u32 v1, v7;
	_ =	sdelay $0x4  }
0x4e: {  	[tilespmem:v7+s21+$0x0] =	vst.idx.add.s32.msk $0xffff, v2  }
0x4f: {  	v7 =	vld.idx.msk [tilespmem:v3+s26+$0x300 ss:$0x1], $0xffff;
	_ =	sdelay $0x4  }
0x50: {  	v8 =	vshll.u32 v7, $0x3  }
0x51: {  	v7 =	vand.u32 $0x7F, v7;
	v8 =	vand.u32 $0xFC00, v8  }
0x52: {  	v7 =	vor.u32 v8, v7  }
0x53: {  	v7 =	vor.u32 v1, v7;
	_ =	sdelay $0x4  }
0x54: {  	[tilespmem:v7+s21+$0x0] =	vst.idx.add.s32.msk $0xffff, v2  }
0x55: {  	v7 =	vld.idx.msk [tilespmem:v3+s26+$0x380 ss:$0x1], $0xffff;
	_ =	sdelay $0x4  }
0x56: {  	v8 =	vshll.u32 v7, $0x3  }
0x57: {  	v7 =	vand.u32 $0x7F, v7;
	v8 =	vand.u32 $0xFC00, v8  }
0x58: {  	v7 =	vor.u32 v8, v7  }
0x59: {  	p0 =	sne.s32 s25, $0x18000;
	v7 =	vor.u32 v1, v7  }
.Ltmp1:
0x5a: {  	_ = 	snop;
	(pc) =	sbr.rel @p0 .LBB2_4-.Ltmp1, $2  }
0x5b: {  	_ =	sdelay $0x2  }
0x5c: {  	s25 =	sadd.s32 $0x1000, s25;
	[tilespmem:v7+s21+$0x0] =	vst.idx.add.s32.msk $0xffff, v2  }
0x5d: {  	_ =	swait.ge [sflag:s22], $0x6400  }
0x5e: {  	[sflag:s22] =	ssyncset.done $0x0  }
0x5f: {  	s25 =	simm.s32 $0x0;
	[sflag:s22] =	ssyncadd.s32 $0xFFFF9C00  }
0x60: {  	[tilespmem:s25], [sflag:$0x1] =	stream.strided.gather [hbm4b:s5+s17], $0x6400, s18, s17, $0x38;
	[tilespmem:$0x1C800] =	vst v63  }
.LBB2_6:
0x61: {  	s26 =	sshra.s32 s25, $0x2  }
0x62: {  	v7 =	vld.idx.msk [tilespmem:v4+s26+$0x0 ss:$0x1], $0xffff;
	_ =	sdelay $0x4  }
0x63: {  	v8 =	vshll.u32 v7, $0x3  }
0x64: {  	v7 =	vand.u32 $0x7F, v7;
	v8 =	vand.u32 $0xFC00, v8  }
0x65: {  	v7 =	vor.u32 v8, v7  }
0x66: {  	v7 =	vor.u32 v1, v7;
	_ =	sdelay $0x4  }
0x67: {  	[tilespmem:v7+s21+$0x0] =	vst.idx.add.s32.msk $0xffff, v2  }
0x68: {  	v7 =	vld.idx.msk [tilespmem:v4+s26+$0x80 ss:$0x1], $0xffff;
	_ =	sdelay $0x4  }
0x69: {  	v8 =	vshll.u32 v7, $0x3  }
0x6a: {  	v7 =	vand.u32 $0x7F, v7;
	v8 =	vand.u32 $0xFC00, v8  }
0x6b: {  	v7 =	vor.u32 v8, v7  }
0x6c: {  	v7 =	vor.u32 v1, v7;
	_ =	sdelay $0x4  }
0x6d: {  	[tilespmem:v7+s21+$0x0] =	vst.idx.add.s32.msk $0xffff, v2  }
0x6e: {  	v7 =	vld.idx.msk [tilespmem:v4+s26+$0x100 ss:$0x1], $0xffff;
	_ =	sdelay $0x4  }
0x6f: {  	v8 =	vshll.u32 v7, $0x3  }
0x70: {  	v7 =	vand.u32 $0x7F, v7;
	v8 =	vand.u32 $0xFC00, v8  }
0x71: {  	v7 =	vor.u32 v8, v7  }
0x72: {  	v7 =	vor.u32 v1, v7;
	_ =	sdelay $0x4  }
0x73: {  	[tilespmem:v7+s21+$0x0] =	vst.idx.add.s32.msk $0xffff, v2  }
0x74: {  	v7 =	vld.idx.msk [tilespmem:v4+s26+$0x180 ss:$0x1], $0xffff;
	_ =	sdelay $0x4  }
0x75: {  	v8 =	vshll.u32 v7, $0x3  }
0x76: {  	v7 =	vand.u32 $0x7F, v7;
	v8 =	vand.u32 $0xFC00, v8  }
0x77: {  	v7 =	vor.u32 v8, v7  }
0x78: {  	v7 =	vor.u32 v1, v7;
	_ =	sdelay $0x4  }
0x79: {  	[tilespmem:v7+s21+$0x0] =	vst.idx.add.s32.msk $0xffff, v2  }
0x7a: {  	v7 =	vld.idx.msk [tilespmem:v4+s26+$0x200 ss:$0x1], $0xffff;
	_ =	sdelay $0x4  }
0x7b: {  	v8 =	vshll.u32 v7, $0x3  }
0x7c: {  	v7 =	vand.u32 $0x7F, v7;
	v8 =	vand.u32 $0xFC00, v8  }
0x7d: {  	v7 =	vor.u32 v8, v7  }
0x7e: {  	v7 =	vor.u32 v1, v7;
	_ =	sdelay $0x4  }
0x7f: {  	[tilespmem:v7+s21+$0x0] =	vst.idx.add.s32.msk $0xffff, v2  }
0x80: {  	v7 =	vld.idx.msk [tilespmem:v4+s26+$0x280 ss:$0x1], $0xffff;
	_ =	sdelay $0x4  }
0x81: {  	v8 =	vshll.u32 v7, $0x3  }
0x82: {  	v7 =	vand.u32 $0x7F, v7;
	v8 =	vand.u32 $0xFC00, v8  }
0x83: {  	v7 =	vor.u32 v8, v7  }
0x84: {  	v7 =	vor.u32 v1, v7;
	_ =	sdelay $0x4  }
0x85: {  	[tilespmem:v7+s21+$0x0] =	vst.idx.add.s32.msk $0xffff, v2  }
0x86: {  	v7 =	vld.idx.msk [tilespmem:v4+s26+$0x300 ss:$0x1], $0xffff;
	_ =	sdelay $0x4  }
0x87: {  	v8 =	vshll.u32 v7, $0x3  }
0x88: {  	v7 =	vand.u32 $0x7F, v7;
	v8 =	vand.u32 $0xFC00, v8  }
0x89: {  	v7 =	vor.u32 v8, v7  }
0x8a: {  	v7 =	vor.u32 v1, v7;
	_ =	sdelay $0x4  }
0x8b: {  	[tilespmem:v7+s21+$0x0] =	vst.idx.add.s32.msk $0xffff, v2  }
0x8c: {  	v7 =	vld.idx.msk [tilespmem:v4+s26+$0x380 ss:$0x1], $0xffff;
	_ =	sdelay $0x4  }
0x8d: {  	v8 =	vshll.u32 v7, $0x3  }
0x8e: {  	v7 =	vand.u32 $0x7F, v7;
	v8 =	vand.u32 $0xFC00, v8  }
0x8f: {  	v7 =	vor.u32 v8, v7  }
0x90: {  	p0 =	sne.s32 s25, $0x18000;
	v7 =	vor.u32 v1, v7  }
.Ltmp2:
0x91: {  	_ = 	snop;
	(pc) =	sbr.rel @p0 .LBB2_6-.Ltmp2, $2  }
0x92: {  	_ =	sdelay $0x2  }
0x93: {  	s25 =	sadd.s32 $0x1000, s25;
	[tilespmem:v7+s21+$0x0] =	vst.idx.add.s32.msk $0xffff, v2  }
0x94: {  	_ =	swait.ge [sflag:s19], $0x6400  }
0x95: {  	[sflag:s19] =	ssyncset.done $0x0  }
0x96: {  	s25 =	simm.s32 $0x0;
	[sflag:s19] =	ssyncadd.s32 $0xFFFF9C00  }
0x97: {  	[tilespmem:s20], [sflag:$0x2] =	stream.strided.gather [hbm4b:s6+s17], $0x6400, s18, s17, $0x38;
	[tilespmem:$0x1C800] =	vst v63  }
.LBB2_8:
0x98: {  	s26 =	sshra.s32 s25, $0x2  }
0x99: {  	v7 =	vld.idx.msk [tilespmem:v3+s26+$0x0 ss:$0x1], $0xffff;
	_ =	sdelay $0x4  }
0x9a: {  	v8 =	vshll.u32 v7, $0x3  }
0x9b: {  	v7 =	vand.u32 $0x7F, v7;
	v8 =	vand.u32 $0xFC00, v8  }
0x9c: {  	v7 =	vor.u32 v8, v7  }
0x9d: {  	v7 =	vor.u32 v1, v7;
	_ =	sdelay $0x4  }
0x9e: {  	[tilespmem:v7+s21+$0x0] =	vst.idx.add.s32.msk $0xffff, v2  }
0x9f: {  	v7 =	vld.idx.msk [tilespmem:v3+s26+$0x80 ss:$0x1], $0xffff;
	_ =	sdelay $0x4  }
0xa0: {  	v8 =	vshll.u32 v7, $0x3  }
0xa1: {  	v7 =	vand.u32 $0x7F, v7;
	v8 =	vand.u32 $0xFC00, v8  }
0xa2: {  	v7 =	vor.u32 v8, v7  }
0xa3: {  	v7 =	vor.u32 v1, v7;
	_ =	sdelay $0x4  }
0xa4: {  	[tilespmem:v7+s21+$0x0] =	vst.idx.add.s32.msk $0xffff, v2  }
0xa5: {  	v7 =	vld.idx.msk [tilespmem:v3+s26+$0x100 ss:$0x1], $0xffff;
	_ =	sdelay $0x4  }
0xa6: {  	v8 =	vshll.u32 v7, $0x3  }
0xa7: {  	v7 =	vand.u32 $0x7F, v7;
	v8 =	vand.u32 $0xFC00, v8  }
0xa8: {  	v7 =	vor.u32 v8, v7  }
0xa9: {  	v7 =	vor.u32 v1, v7;
	_ =	sdelay $0x4  }
0xaa: {  	[tilespmem:v7+s21+$0x0] =	vst.idx.add.s32.msk $0xffff, v2  }
0xab: {  	v7 =	vld.idx.msk [tilespmem:v3+s26+$0x180 ss:$0x1], $0xffff;
	_ =	sdelay $0x4  }
0xac: {  	v8 =	vshll.u32 v7, $0x3  }
0xad: {  	v7 =	vand.u32 $0x7F, v7;
	v8 =	vand.u32 $0xFC00, v8  }
0xae: {  	v7 =	vor.u32 v8, v7  }
0xaf: {  	v7 =	vor.u32 v1, v7;
	_ =	sdelay $0x4  }
0xb0: {  	[tilespmem:v7+s21+$0x0] =	vst.idx.add.s32.msk $0xffff, v2  }
0xb1: {  	v7 =	vld.idx.msk [tilespmem:v3+s26+$0x200 ss:$0x1], $0xffff;
	_ =	sdelay $0x4  }
0xb2: {  	v8 =	vshll.u32 v7, $0x3  }
0xb3: {  	v7 =	vand.u32 $0x7F, v7;
	v8 =	vand.u32 $0xFC00, v8  }
0xb4: {  	v7 =	vor.u32 v8, v7  }
0xb5: {  	v7 =	vor.u32 v1, v7;
	_ =	sdelay $0x4  }
0xb6: {  	[tilespmem:v7+s21+$0x0] =	vst.idx.add.s32.msk $0xffff, v2  }
0xb7: {  	v7 =	vld.idx.msk [tilespmem:v3+s26+$0x280 ss:$0x1], $0xffff;
	_ =	sdelay $0x4  }
0xb8: {  	v8 =	vshll.u32 v7, $0x3  }
0xb9: {  	v7 =	vand.u32 $0x7F, v7;
	v8 =	vand.u32 $0xFC00, v8  }
0xba: {  	v7 =	vor.u32 v8, v7  }
0xbb: {  	v7 =	vor.u32 v1, v7;
	_ =	sdelay $0x4  }
0xbc: {  	[tilespmem:v7+s21+$0x0] =	vst.idx.add.s32.msk $0xffff, v2  }
0xbd: {  	v7 =	vld.idx.msk [tilespmem:v3+s26+$0x300 ss:$0x1], $0xffff;
	_ =	sdelay $0x4  }
0xbe: {  	v8 =	vshll.u32 v7, $0x3  }
0xbf: {  	v7 =	vand.u32 $0x7F, v7;
	v8 =	vand.u32 $0xFC00, v8  }
0xc0: {  	v7 =	vor.u32 v8, v7  }
0xc1: {  	v7 =	vor.u32 v1, v7;
	_ =	sdelay $0x4  }
0xc2: {  	[tilespmem:v7+s21+$0x0] =	vst.idx.add.s32.msk $0xffff, v2  }
0xc3: {  	v7 =	vld.idx.msk [tilespmem:v3+s26+$0x380 ss:$0x1], $0xffff;
	_ =	sdelay $0x4  }
0xc4: {  	v8 =	vshll.u32 v7, $0x3  }
0xc5: {  	v7 =	vand.u32 $0x7F, v7;
	v8 =	vand.u32 $0xFC00, v8  }
0xc6: {  	v7 =	vor.u32 v8, v7  }
0xc7: {  	p0 =	sne.s32 s25, $0x18000;
	v7 =	vor.u32 v1, v7  }
.Ltmp3:
0xc8: {  	_ = 	snop;
	(pc) =	sbr.rel @p0 .LBB2_8-.Ltmp3, $2  }
0xc9: {  	_ =	sdelay $0x2  }
0xca: {  	s25 =	sadd.s32 $0x1000, s25;
	[tilespmem:v7+s21+$0x0] =	vst.idx.add.s32.msk $0xffff, v2  }
0xcb: {  	_ =	swait.ge [sflag:s22], $0x6400  }
0xcc: {  	[sflag:s22] =	ssyncset.done $0x0  }
0xcd: {  	s25 =	simm.s32 $0x0;
	[sflag:s22] =	ssyncadd.s32 $0xFFFF9C00  }
0xce: {  	[tilespmem:s25], [sflag:$0x1] =	stream.strided.gather [hbm4b:s7+s17], $0x6400, s18, s17, $0x38;
	[tilespmem:$0x1C800] =	vst v63  }
.LBB2_10:
0xcf: {  	s26 =	sshra.s32 s25, $0x2  }
0xd0: {  	v7 =	vld.idx.msk [tilespmem:v4+s26+$0x0 ss:$0x1], $0xffff;
	_ =	sdelay $0x4  }
0xd1: {  	v8 =	vshll.u32 v7, $0x3  }
0xd2: {  	v7 =	vand.u32 $0x7F, v7;
	v8 =	vand.u32 $0xFC00, v8  }
0xd3: {  	v7 =	vor.u32 v8, v7  }
0xd4: {  	v7 =	vor.u32 v1, v7;
	_ =	sdelay $0x4  }
0xd5: {  	[tilespmem:v7+s21+$0x0] =	vst.idx.add.s32.msk $0xffff, v2  }
0xd6: {  	v7 =	vld.idx.msk [tilespmem:v4+s26+$0x80 ss:$0x1], $0xffff;
	_ =	sdelay $0x4  }
0xd7: {  	v8 =	vshll.u32 v7, $0x3  }
0xd8: {  	v7 =	vand.u32 $0x7F, v7;
	v8 =	vand.u32 $0xFC00, v8  }
0xd9: {  	v7 =	vor.u32 v8, v7  }
0xda: {  	v7 =	vor.u32 v1, v7;
	_ =	sdelay $0x4  }
0xdb: {  	[tilespmem:v7+s21+$0x0] =	vst.idx.add.s32.msk $0xffff, v2  }
0xdc: {  	v7 =	vld.idx.msk [tilespmem:v4+s26+$0x100 ss:$0x1], $0xffff;
	_ =	sdelay $0x4  }
0xdd: {  	v8 =	vshll.u32 v7, $0x3  }
0xde: {  	v7 =	vand.u32 $0x7F, v7;
	v8 =	vand.u32 $0xFC00, v8  }
0xdf: {  	v7 =	vor.u32 v8, v7  }
0xe0: {  	v7 =	vor.u32 v1, v7;
	_ =	sdelay $0x4  }
0xe1: {  	[tilespmem:v7+s21+$0x0] =	vst.idx.add.s32.msk $0xffff, v2  }
0xe2: {  	v7 =	vld.idx.msk [tilespmem:v4+s26+$0x180 ss:$0x1], $0xffff;
	_ =	sdelay $0x4  }
0xe3: {  	v8 =	vshll.u32 v7, $0x3  }
0xe4: {  	v7 =	vand.u32 $0x7F, v7;
	v8 =	vand.u32 $0xFC00, v8  }
0xe5: {  	v7 =	vor.u32 v8, v7  }
0xe6: {  	v7 =	vor.u32 v1, v7;
	_ =	sdelay $0x4  }
0xe7: {  	[tilespmem:v7+s21+$0x0] =	vst.idx.add.s32.msk $0xffff, v2  }
0xe8: {  	v7 =	vld.idx.msk [tilespmem:v4+s26+$0x200 ss:$0x1], $0xffff;
	_ =	sdelay $0x4  }
0xe9: {  	v8 =	vshll.u32 v7, $0x3  }
0xea: {  	v7 =	vand.u32 $0x7F, v7;
	v8 =	vand.u32 $0xFC00, v8  }
0xeb: {  	v7 =	vor.u32 v8, v7  }
0xec: {  	v7 =	vor.u32 v1, v7;
	_ =	sdelay $0x4  }
0xed: {  	[tilespmem:v7+s21+$0x0] =	vst.idx.add.s32.msk $0xffff, v2  }
0xee: {  	v7 =	vld.idx.msk [tilespmem:v4+s26+$0x280 ss:$0x1], $0xffff;
	_ =	sdelay $0x4  }
0xef: {  	v8 =	vshll.u32 v7, $0x3  }
0xf0: {  	v7 =	vand.u32 $0x7F, v7;
	v8 =	vand.u32 $0xFC00, v8  }
0xf1: {  	v7 =	vor.u32 v8, v7  }
0xf2: {  	v7 =	vor.u32 v1, v7;
	_ =	sdelay $0x4  }
0xf3: {  	[tilespmem:v7+s21+$0x0] =	vst.idx.add.s32.msk $0xffff, v2  }
0xf4: {  	v7 =	vld.idx.msk [tilespmem:v4+s26+$0x300 ss:$0x1], $0xffff;
	_ =	sdelay $0x4  }
0xf5: {  	v8 =	vshll.u32 v7, $0x3  }
0xf6: {  	v7 =	vand.u32 $0x7F, v7;
	v8 =	vand.u32 $0xFC00, v8  }
0xf7: {  	v7 =	vor.u32 v8, v7  }
0xf8: {  	v7 =	vor.u32 v1, v7;
	_ =	sdelay $0x4  }
0xf9: {  	[tilespmem:v7+s21+$0x0] =	vst.idx.add.s32.msk $0xffff, v2  }
0xfa: {  	v7 =	vld.idx.msk [tilespmem:v4+s26+$0x380 ss:$0x1], $0xffff;
	_ =	sdelay $0x4  }
0xfb: {  	v8 =	vshll.u32 v7, $0x3  }
0xfc: {  	v7 =	vand.u32 $0x7F, v7;
	v8 =	vand.u32 $0xFC00, v8  }
0xfd: {  	v7 =	vor.u32 v8, v7  }
0xfe: {  	p0 =	sne.s32 s25, $0x18000;
	v7 =	vor.u32 v1, v7  }
.Ltmp4:
0xff: {  	_ = 	snop;
	(pc) =	sbr.rel @p0 .LBB2_10-.Ltmp4, $2  }
0x100: {  	_ =	sdelay $0x2  }
0x101: {  	s25 =	sadd.s32 $0x1000, s25;
	[tilespmem:v7+s21+$0x0] =	vst.idx.add.s32.msk $0xffff, v2  }
0x102: {  	_ =	swait.ge [sflag:s19], $0x6400  }
0x103: {  	[sflag:s19] =	ssyncset.done $0x0  }
0x104: {  	s25 =	simm.s32 $0x0;
	[sflag:s19] =	ssyncadd.s32 $0xFFFF9C00  }
0x105: {  	[tilespmem:s20], [sflag:$0x2] =	stream.strided.gather [hbm4b:s8+s17], $0x6400, s18, s17, $0x38;
	[tilespmem:$0x1C800] =	vst v63  }
.LBB2_12:
0x106: {  	s26 =	sshra.s32 s25, $0x2  }
0x107: {  	v7 =	vld.idx.msk [tilespmem:v3+s26+$0x0 ss:$0x1], $0xffff;
	_ =	sdelay $0x4  }
0x108: {  	v8 =	vshll.u32 v7, $0x3  }
0x109: {  	v7 =	vand.u32 $0x7F, v7;
	v8 =	vand.u32 $0xFC00, v8  }
0x10a: {  	v7 =	vor.u32 v8, v7  }
0x10b: {  	v7 =	vor.u32 v1, v7;
	_ =	sdelay $0x4  }
0x10c: {  	[tilespmem:v7+s21+$0x0] =	vst.idx.add.s32.msk $0xffff, v2  }
0x10d: {  	v7 =	vld.idx.msk [tilespmem:v3+s26+$0x80 ss:$0x1], $0xffff;
	_ =	sdelay $0x4  }
0x10e: {  	v8 =	vshll.u32 v7, $0x3  }
0x10f: {  	v7 =	vand.u32 $0x7F, v7;
	v8 =	vand.u32 $0xFC00, v8  }
0x110: {  	v7 =	vor.u32 v8, v7  }
0x111: {  	v7 =	vor.u32 v1, v7;
	_ =	sdelay $0x4  }
0x112: {  	[tilespmem:v7+s21+$0x0] =	vst.idx.add.s32.msk $0xffff, v2  }
0x113: {  	v7 =	vld.idx.msk [tilespmem:v3+s26+$0x100 ss:$0x1], $0xffff;
	_ =	sdelay $0x4  }
0x114: {  	v8 =	vshll.u32 v7, $0x3  }
0x115: {  	v7 =	vand.u32 $0x7F, v7;
	v8 =	vand.u32 $0xFC00, v8  }
0x116: {  	v7 =	vor.u32 v8, v7  }
0x117: {  	v7 =	vor.u32 v1, v7;
	_ =	sdelay $0x4  }
0x118: {  	[tilespmem:v7+s21+$0x0] =	vst.idx.add.s32.msk $0xffff, v2  }
0x119: {  	v7 =	vld.idx.msk [tilespmem:v3+s26+$0x180 ss:$0x1], $0xffff;
	_ =	sdelay $0x4  }
0x11a: {  	v8 =	vshll.u32 v7, $0x3  }
0x11b: {  	v7 =	vand.u32 $0x7F, v7;
	v8 =	vand.u32 $0xFC00, v8  }
0x11c: {  	v7 =	vor.u32 v8, v7  }
0x11d: {  	v7 =	vor.u32 v1, v7;
	_ =	sdelay $0x4  }
0x11e: {  	[tilespmem:v7+s21+$0x0] =	vst.idx.add.s32.msk $0xffff, v2  }
0x11f: {  	v7 =	vld.idx.msk [tilespmem:v3+s26+$0x200 ss:$0x1], $0xffff;
	_ =	sdelay $0x4  }
0x120: {  	v8 =	vshll.u32 v7, $0x3  }
0x121: {  	v7 =	vand.u32 $0x7F, v7;
	v8 =	vand.u32 $0xFC00, v8  }
0x122: {  	v7 =	vor.u32 v8, v7  }
0x123: {  	v7 =	vor.u32 v1, v7;
	_ =	sdelay $0x4  }
0x124: {  	[tilespmem:v7+s21+$0x0] =	vst.idx.add.s32.msk $0xffff, v2  }
0x125: {  	v7 =	vld.idx.msk [tilespmem:v3+s26+$0x280 ss:$0x1], $0xffff;
	_ =	sdelay $0x4  }
0x126: {  	v8 =	vshll.u32 v7, $0x3  }
0x127: {  	v7 =	vand.u32 $0x7F, v7;
	v8 =	vand.u32 $0xFC00, v8  }
0x128: {  	v7 =	vor.u32 v8, v7  }
0x129: {  	v7 =	vor.u32 v1, v7;
	_ =	sdelay $0x4  }
0x12a: {  	[tilespmem:v7+s21+$0x0] =	vst.idx.add.s32.msk $0xffff, v2  }
0x12b: {  	v7 =	vld.idx.msk [tilespmem:v3+s26+$0x300 ss:$0x1], $0xffff;
	_ =	sdelay $0x4  }
0x12c: {  	v8 =	vshll.u32 v7, $0x3  }
0x12d: {  	v7 =	vand.u32 $0x7F, v7;
	v8 =	vand.u32 $0xFC00, v8  }
0x12e: {  	v7 =	vor.u32 v8, v7  }
0x12f: {  	v7 =	vor.u32 v1, v7;
	_ =	sdelay $0x4  }
0x130: {  	[tilespmem:v7+s21+$0x0] =	vst.idx.add.s32.msk $0xffff, v2  }
0x131: {  	v7 =	vld.idx.msk [tilespmem:v3+s26+$0x380 ss:$0x1], $0xffff;
	_ =	sdelay $0x4  }
0x132: {  	v8 =	vshll.u32 v7, $0x3  }
0x133: {  	v7 =	vand.u32 $0x7F, v7;
	v8 =	vand.u32 $0xFC00, v8  }
0x134: {  	v7 =	vor.u32 v8, v7  }
0x135: {  	p0 =	sne.s32 s25, $0x18000;
	v7 =	vor.u32 v1, v7  }
.Ltmp5:
0x136: {  	_ = 	snop;
	(pc) =	sbr.rel @p0 .LBB2_12-.Ltmp5, $2  }
0x137: {  	_ =	sdelay $0x2  }
0x138: {  	s25 =	sadd.s32 $0x1000, s25;
	[tilespmem:v7+s21+$0x0] =	vst.idx.add.s32.msk $0xffff, v2  }
0x139: {  	_ =	swait.ge [sflag:s22], $0x6400  }
0x13a: {  	[sflag:s22] =	ssyncset.done $0x0  }
0x13b: {  	s25 =	simm.s32 $0x0;
	[sflag:s22] =	ssyncadd.s32 $0xFFFF9C00  }
0x13c: {  	[tilespmem:s25], [sflag:$0x1] =	stream.strided.gather [hbm4b:s9+s17], $0x6400, s18, s17, $0x38;
	[tilespmem:$0x1C800] =	vst v63  }
.LBB2_14:
0x13d: {  	s26 =	sshra.s32 s25, $0x2  }
0x13e: {  	v7 =	vld.idx.msk [tilespmem:v4+s26+$0x0 ss:$0x1], $0xffff;
	_ =	sdelay $0x4  }
0x13f: {  	v8 =	vshll.u32 v7, $0x3  }
0x140: {  	v7 =	vand.u32 $0x7F, v7;
	v8 =	vand.u32 $0xFC00, v8  }
0x141: {  	v7 =	vor.u32 v8, v7  }
0x142: {  	v7 =	vor.u32 v1, v7;
	_ =	sdelay $0x4  }
0x143: {  	[tilespmem:v7+s21+$0x0] =	vst.idx.add.s32.msk $0xffff, v2  }
0x144: {  	v7 =	vld.idx.msk [tilespmem:v4+s26+$0x80 ss:$0x1], $0xffff;
	_ =	sdelay $0x4  }
0x145: {  	v8 =	vshll.u32 v7, $0x3  }
0x146: {  	v7 =	vand.u32 $0x7F, v7;
	v8 =	vand.u32 $0xFC00, v8  }
0x147: {  	v7 =	vor.u32 v8, v7  }
0x148: {  	v7 =	vor.u32 v1, v7;
	_ =	sdelay $0x4  }
0x149: {  	[tilespmem:v7+s21+$0x0] =	vst.idx.add.s32.msk $0xffff, v2  }
0x14a: {  	v7 =	vld.idx.msk [tilespmem:v4+s26+$0x100 ss:$0x1], $0xffff;
	_ =	sdelay $0x4  }
0x14b: {  	v8 =	vshll.u32 v7, $0x3  }
0x14c: {  	v7 =	vand.u32 $0x7F, v7;
	v8 =	vand.u32 $0xFC00, v8  }
0x14d: {  	v7 =	vor.u32 v8, v7  }
0x14e: {  	v7 =	vor.u32 v1, v7;
	_ =	sdelay $0x4  }
0x14f: {  	[tilespmem:v7+s21+$0x0] =	vst.idx.add.s32.msk $0xffff, v2  }
0x150: {  	v7 =	vld.idx.msk [tilespmem:v4+s26+$0x180 ss:$0x1], $0xffff;
	_ =	sdelay $0x4  }
0x151: {  	v8 =	vshll.u32 v7, $0x3  }
0x152: {  	v7 =	vand.u32 $0x7F, v7;
	v8 =	vand.u32 $0xFC00, v8  }
0x153: {  	v7 =	vor.u32 v8, v7  }
0x154: {  	v7 =	vor.u32 v1, v7;
	_ =	sdelay $0x4  }
0x155: {  	[tilespmem:v7+s21+$0x0] =	vst.idx.add.s32.msk $0xffff, v2  }
0x156: {  	v7 =	vld.idx.msk [tilespmem:v4+s26+$0x200 ss:$0x1], $0xffff;
	_ =	sdelay $0x4  }
0x157: {  	v8 =	vshll.u32 v7, $0x3  }
0x158: {  	v7 =	vand.u32 $0x7F, v7;
	v8 =	vand.u32 $0xFC00, v8  }
0x159: {  	v7 =	vor.u32 v8, v7  }
0x15a: {  	v7 =	vor.u32 v1, v7;
	_ =	sdelay $0x4  }
0x15b: {  	[tilespmem:v7+s21+$0x0] =	vst.idx.add.s32.msk $0xffff, v2  }
0x15c: {  	v7 =	vld.idx.msk [tilespmem:v4+s26+$0x280 ss:$0x1], $0xffff;
	_ =	sdelay $0x4  }
0x15d: {  	v8 =	vshll.u32 v7, $0x3  }
0x15e: {  	v7 =	vand.u32 $0x7F, v7;
	v8 =	vand.u32 $0xFC00, v8  }
0x15f: {  	v7 =	vor.u32 v8, v7  }
0x160: {  	v7 =	vor.u32 v1, v7;
	_ =	sdelay $0x4  }
0x161: {  	[tilespmem:v7+s21+$0x0] =	vst.idx.add.s32.msk $0xffff, v2  }
0x162: {  	v7 =	vld.idx.msk [tilespmem:v4+s26+$0x300 ss:$0x1], $0xffff;
	_ =	sdelay $0x4  }
0x163: {  	v8 =	vshll.u32 v7, $0x3  }
0x164: {  	v7 =	vand.u32 $0x7F, v7;
	v8 =	vand.u32 $0xFC00, v8  }
0x165: {  	v7 =	vor.u32 v8, v7  }
0x166: {  	v7 =	vor.u32 v1, v7;
	_ =	sdelay $0x4  }
0x167: {  	[tilespmem:v7+s21+$0x0] =	vst.idx.add.s32.msk $0xffff, v2  }
0x168: {  	v7 =	vld.idx.msk [tilespmem:v4+s26+$0x380 ss:$0x1], $0xffff;
	_ =	sdelay $0x4  }
0x169: {  	v8 =	vshll.u32 v7, $0x3  }
0x16a: {  	v7 =	vand.u32 $0x7F, v7;
	v8 =	vand.u32 $0xFC00, v8  }
0x16b: {  	v7 =	vor.u32 v8, v7  }
0x16c: {  	p0 =	sne.s32 s25, $0x18000;
	v7 =	vor.u32 v1, v7  }
.Ltmp6:
0x16d: {  	_ = 	snop;
	(pc) =	sbr.rel @p0 .LBB2_14-.Ltmp6, $2  }
0x16e: {  	_ =	sdelay $0x2  }
0x16f: {  	s25 =	sadd.s32 $0x1000, s25;
	[tilespmem:v7+s21+$0x0] =	vst.idx.add.s32.msk $0xffff, v2  }
0x170: {  	_ =	swait.ge [sflag:s19], $0x6400  }
0x171: {  	[sflag:s19] =	ssyncset.done $0x0  }
0x172: {  	s25 =	simm.s32 $0x0;
	[sflag:s19] =	ssyncadd.s32 $0xFFFF9C00  }
0x173: {  	[tilespmem:s20], [sflag:$0x2] =	stream.strided.gather [hbm4b:s10+s17], $0x6400, s18, s17, $0x38;
	[tilespmem:$0x1C800] =	vst v63  }
.LBB2_16:
0x174: {  	s26 =	sshra.s32 s25, $0x2  }
0x175: {  	v7 =	vld.idx.msk [tilespmem:v3+s26+$0x0 ss:$0x1], $0xffff;
	_ =	sdelay $0x4  }
0x176: {  	v8 =	vshll.u32 v7, $0x3  }
0x177: {  	v7 =	vand.u32 $0x7F, v7;
	v8 =	vand.u32 $0xFC00, v8  }
0x178: {  	v7 =	vor.u32 v8, v7  }
0x179: {  	v7 =	vor.u32 v1, v7;
	_ =	sdelay $0x4  }
0x17a: {  	[tilespmem:v7+s21+$0x0] =	vst.idx.add.s32.msk $0xffff, v2  }
0x17b: {  	v7 =	vld.idx.msk [tilespmem:v3+s26+$0x80 ss:$0x1], $0xffff;
	_ =	sdelay $0x4  }
0x17c: {  	v8 =	vshll.u32 v7, $0x3  }
0x17d: {  	v7 =	vand.u32 $0x7F, v7;
	v8 =	vand.u32 $0xFC00, v8  }
0x17e: {  	v7 =	vor.u32 v8, v7  }
0x17f: {  	v7 =	vor.u32 v1, v7;
	_ =	sdelay $0x4  }
0x180: {  	[tilespmem:v7+s21+$0x0] =	vst.idx.add.s32.msk $0xffff, v2  }
0x181: {  	v7 =	vld.idx.msk [tilespmem:v3+s26+$0x100 ss:$0x1], $0xffff;
	_ =	sdelay $0x4  }
0x182: {  	v8 =	vshll.u32 v7, $0x3  }
0x183: {  	v7 =	vand.u32 $0x7F, v7;
	v8 =	vand.u32 $0xFC00, v8  }
0x184: {  	v7 =	vor.u32 v8, v7  }
0x185: {  	v7 =	vor.u32 v1, v7;
	_ =	sdelay $0x4  }
0x186: {  	[tilespmem:v7+s21+$0x0] =	vst.idx.add.s32.msk $0xffff, v2  }
0x187: {  	v7 =	vld.idx.msk [tilespmem:v3+s26+$0x180 ss:$0x1], $0xffff;
	_ =	sdelay $0x4  }
0x188: {  	v8 =	vshll.u32 v7, $0x3  }
0x189: {  	v7 =	vand.u32 $0x7F, v7;
	v8 =	vand.u32 $0xFC00, v8  }
0x18a: {  	v7 =	vor.u32 v8, v7  }
0x18b: {  	v7 =	vor.u32 v1, v7;
	_ =	sdelay $0x4  }
0x18c: {  	[tilespmem:v7+s21+$0x0] =	vst.idx.add.s32.msk $0xffff, v2  }
0x18d: {  	v7 =	vld.idx.msk [tilespmem:v3+s26+$0x200 ss:$0x1], $0xffff;
	_ =	sdelay $0x4  }
0x18e: {  	v8 =	vshll.u32 v7, $0x3  }
0x18f: {  	v7 =	vand.u32 $0x7F, v7;
	v8 =	vand.u32 $0xFC00, v8  }
0x190: {  	v7 =	vor.u32 v8, v7  }
0x191: {  	v7 =	vor.u32 v1, v7;
	_ =	sdelay $0x4  }
0x192: {  	[tilespmem:v7+s21+$0x0] =	vst.idx.add.s32.msk $0xffff, v2  }
0x193: {  	v7 =	vld.idx.msk [tilespmem:v3+s26+$0x280 ss:$0x1], $0xffff;
	_ =	sdelay $0x4  }
0x194: {  	v8 =	vshll.u32 v7, $0x3  }
0x195: {  	v7 =	vand.u32 $0x7F, v7;
	v8 =	vand.u32 $0xFC00, v8  }
0x196: {  	v7 =	vor.u32 v8, v7  }
0x197: {  	v7 =	vor.u32 v1, v7;
	_ =	sdelay $0x4  }
0x198: {  	[tilespmem:v7+s21+$0x0] =	vst.idx.add.s32.msk $0xffff, v2  }
0x199: {  	v7 =	vld.idx.msk [tilespmem:v3+s26+$0x300 ss:$0x1], $0xffff;
	_ =	sdelay $0x4  }
0x19a: {  	v8 =	vshll.u32 v7, $0x3  }
0x19b: {  	v7 =	vand.u32 $0x7F, v7;
	v8 =	vand.u32 $0xFC00, v8  }
0x19c: {  	v7 =	vor.u32 v8, v7  }
0x19d: {  	v7 =	vor.u32 v1, v7;
	_ =	sdelay $0x4  }
0x19e: {  	[tilespmem:v7+s21+$0x0] =	vst.idx.add.s32.msk $0xffff, v2  }
0x19f: {  	v7 =	vld.idx.msk [tilespmem:v3+s26+$0x380 ss:$0x1], $0xffff;
	_ =	sdelay $0x4  }
0x1a0: {  	v8 =	vshll.u32 v7, $0x3  }
0x1a1: {  	v7 =	vand.u32 $0x7F, v7;
	v8 =	vand.u32 $0xFC00, v8  }
0x1a2: {  	v7 =	vor.u32 v8, v7  }
0x1a3: {  	p0 =	sne.s32 s25, $0x18000;
	v7 =	vor.u32 v1, v7  }
.Ltmp7:
0x1a4: {  	_ = 	snop;
	(pc) =	sbr.rel @p0 .LBB2_16-.Ltmp7, $2  }
0x1a5: {  	_ =	sdelay $0x2  }
0x1a6: {  	s25 =	sadd.s32 $0x1000, s25;
	[tilespmem:v7+s21+$0x0] =	vst.idx.add.s32.msk $0xffff, v2  }
0x1a7: {  	_ =	swait.ge [sflag:s22], $0x6400  }
0x1a8: {  	[sflag:s22] =	ssyncset.done $0x0  }
0x1a9: {  	s25 =	simm.s32 $0x0;
	[sflag:s22] =	ssyncadd.s32 $0xFFFF9C00  }
0x1aa: {  	[tilespmem:s25], [sflag:$0x1] =	stream.strided.gather [hbm4b:s11+s17], $0x6400, s18, s17, $0x38;
	[tilespmem:$0x1C800] =	vst v63  }
.LBB2_18:
0x1ab: {  	s26 =	sshra.s32 s25, $0x2  }
0x1ac: {  	v7 =	vld.idx.msk [tilespmem:v4+s26+$0x0 ss:$0x1], $0xffff;
	_ =	sdelay $0x4  }
0x1ad: {  	v8 =	vshll.u32 v7, $0x3  }
0x1ae: {  	v7 =	vand.u32 $0x7F, v7;
	v8 =	vand.u32 $0xFC00, v8  }
0x1af: {  	v7 =	vor.u32 v8, v7  }
0x1b0: {  	v7 =	vor.u32 v1, v7;
	_ =	sdelay $0x4  }
0x1b1: {  	[tilespmem:v7+s21+$0x0] =	vst.idx.add.s32.msk $0xffff, v2  }
0x1b2: {  	v7 =	vld.idx.msk [tilespmem:v4+s26+$0x80 ss:$0x1], $0xffff;
	_ =	sdelay $0x4  }
0x1b3: {  	v8 =	vshll.u32 v7, $0x3  }
0x1b4: {  	v7 =	vand.u32 $0x7F, v7;
	v8 =	vand.u32 $0xFC00, v8  }
0x1b5: {  	v7 =	vor.u32 v8, v7  }
0x1b6: {  	v7 =	vor.u32 v1, v7;
	_ =	sdelay $0x4  }
0x1b7: {  	[tilespmem:v7+s21+$0x0] =	vst.idx.add.s32.msk $0xffff, v2  }
0x1b8: {  	v7 =	vld.idx.msk [tilespmem:v4+s26+$0x100 ss:$0x1], $0xffff;
	_ =	sdelay $0x4  }
0x1b9: {  	v8 =	vshll.u32 v7, $0x3  }
0x1ba: {  	v7 =	vand.u32 $0x7F, v7;
	v8 =	vand.u32 $0xFC00, v8  }
0x1bb: {  	v7 =	vor.u32 v8, v7  }
0x1bc: {  	v7 =	vor.u32 v1, v7;
	_ =	sdelay $0x4  }
0x1bd: {  	[tilespmem:v7+s21+$0x0] =	vst.idx.add.s32.msk $0xffff, v2  }
0x1be: {  	v7 =	vld.idx.msk [tilespmem:v4+s26+$0x180 ss:$0x1], $0xffff;
	_ =	sdelay $0x4  }
0x1bf: {  	v8 =	vshll.u32 v7, $0x3  }
0x1c0: {  	v7 =	vand.u32 $0x7F, v7;
	v8 =	vand.u32 $0xFC00, v8  }
0x1c1: {  	v7 =	vor.u32 v8, v7  }
0x1c2: {  	v7 =	vor.u32 v1, v7;
	_ =	sdelay $0x4  }
0x1c3: {  	[tilespmem:v7+s21+$0x0] =	vst.idx.add.s32.msk $0xffff, v2  }
0x1c4: {  	v7 =	vld.idx.msk [tilespmem:v4+s26+$0x200 ss:$0x1], $0xffff;
	_ =	sdelay $0x4  }
0x1c5: {  	v8 =	vshll.u32 v7, $0x3  }
0x1c6: {  	v7 =	vand.u32 $0x7F, v7;
	v8 =	vand.u32 $0xFC00, v8  }
0x1c7: {  	v7 =	vor.u32 v8, v7  }
0x1c8: {  	v7 =	vor.u32 v1, v7;
	_ =	sdelay $0x4  }
0x1c9: {  	[tilespmem:v7+s21+$0x0] =	vst.idx.add.s32.msk $0xffff, v2  }
0x1ca: {  	v7 =	vld.idx.msk [tilespmem:v4+s26+$0x280 ss:$0x1], $0xffff;
	_ =	sdelay $0x4  }
0x1cb: {  	v8 =	vshll.u32 v7, $0x3  }
0x1cc: {  	v7 =	vand.u32 $0x7F, v7;
	v8 =	vand.u32 $0xFC00, v8  }
0x1cd: {  	v7 =	vor.u32 v8, v7  }
0x1ce: {  	v7 =	vor.u32 v1, v7;
	_ =	sdelay $0x4  }
0x1cf: {  	[tilespmem:v7+s21+$0x0] =	vst.idx.add.s32.msk $0xffff, v2  }
0x1d0: {  	v7 =	vld.idx.msk [tilespmem:v4+s26+$0x300 ss:$0x1], $0xffff;
	_ =	sdelay $0x4  }
0x1d1: {  	v8 =	vshll.u32 v7, $0x3  }
0x1d2: {  	v7 =	vand.u32 $0x7F, v7;
	v8 =	vand.u32 $0xFC00, v8  }
0x1d3: {  	v7 =	vor.u32 v8, v7  }
0x1d4: {  	v7 =	vor.u32 v1, v7;
	_ =	sdelay $0x4  }
0x1d5: {  	[tilespmem:v7+s21+$0x0] =	vst.idx.add.s32.msk $0xffff, v2  }
0x1d6: {  	v7 =	vld.idx.msk [tilespmem:v4+s26+$0x380 ss:$0x1], $0xffff;
	_ =	sdelay $0x4  }
0x1d7: {  	v8 =	vshll.u32 v7, $0x3  }
0x1d8: {  	v7 =	vand.u32 $0x7F, v7;
	v8 =	vand.u32 $0xFC00, v8  }
0x1d9: {  	v7 =	vor.u32 v8, v7  }
0x1da: {  	p0 =	sne.s32 s25, $0x18000;
	v7 =	vor.u32 v1, v7  }
.Ltmp8:
0x1db: {  	_ = 	snop;
	(pc) =	sbr.rel @p0 .LBB2_18-.Ltmp8, $2  }
0x1dc: {  	_ =	sdelay $0x2  }
0x1dd: {  	s25 =	sadd.s32 $0x1000, s25;
	[tilespmem:v7+s21+$0x0] =	vst.idx.add.s32.msk $0xffff, v2  }
0x1de: {  	_ =	swait.ge [sflag:s19], $0x6400  }
0x1df: {  	[sflag:s19] =	ssyncset.done $0x0  }
0x1e0: {  	s25 =	simm.s32 $0x0;
	[sflag:s19] =	ssyncadd.s32 $0xFFFF9C00  }
0x1e1: {  	[tilespmem:s20], [sflag:$0x2] =	stream.strided.gather [hbm4b:s12+s17], $0x6400, s18, s17, $0x38;
	[tilespmem:$0x1C800] =	vst v63  }
.LBB2_20:
0x1e2: {  	s26 =	sshra.s32 s25, $0x2  }
0x1e3: {  	v7 =	vld.idx.msk [tilespmem:v3+s26+$0x0 ss:$0x1], $0xffff;
	_ =	sdelay $0x4  }
0x1e4: {  	v8 =	vshll.u32 v7, $0x3  }
0x1e5: {  	v7 =	vand.u32 $0x7F, v7;
	v8 =	vand.u32 $0xFC00, v8  }
0x1e6: {  	v7 =	vor.u32 v8, v7  }
0x1e7: {  	v7 =	vor.u32 v1, v7;
	_ =	sdelay $0x4  }
0x1e8: {  	[tilespmem:v7+s21+$0x0] =	vst.idx.add.s32.msk $0xffff, v2  }
0x1e9: {  	v7 =	vld.idx.msk [tilespmem:v3+s26+$0x80 ss:$0x1], $0xffff;
	_ =	sdelay $0x4  }
0x1ea: {  	v8 =	vshll.u32 v7, $0x3  }
0x1eb: {  	v7 =	vand.u32 $0x7F, v7;
	v8 =	vand.u32 $0xFC00, v8  }
0x1ec: {  	v7 =	vor.u32 v8, v7  }
0x1ed: {  	v7 =	vor.u32 v1, v7;
	_ =	sdelay $0x4  }
0x1ee: {  	[tilespmem:v7+s21+$0x0] =	vst.idx.add.s32.msk $0xffff, v2  }
0x1ef: {  	v7 =	vld.idx.msk [tilespmem:v3+s26+$0x100 ss:$0x1], $0xffff;
	_ =	sdelay $0x4  }
0x1f0: {  	v8 =	vshll.u32 v7, $0x3  }
0x1f1: {  	v7 =	vand.u32 $0x7F, v7;
	v8 =	vand.u32 $0xFC00, v8  }
0x1f2: {  	v7 =	vor.u32 v8, v7  }
0x1f3: {  	v7 =	vor.u32 v1, v7;
	_ =	sdelay $0x4  }
0x1f4: {  	[tilespmem:v7+s21+$0x0] =	vst.idx.add.s32.msk $0xffff, v2  }
0x1f5: {  	v7 =	vld.idx.msk [tilespmem:v3+s26+$0x180 ss:$0x1], $0xffff;
	_ =	sdelay $0x4  }
0x1f6: {  	v8 =	vshll.u32 v7, $0x3  }
0x1f7: {  	v7 =	vand.u32 $0x7F, v7;
	v8 =	vand.u32 $0xFC00, v8  }
0x1f8: {  	v7 =	vor.u32 v8, v7  }
0x1f9: {  	v7 =	vor.u32 v1, v7;
	_ =	sdelay $0x4  }
0x1fa: {  	[tilespmem:v7+s21+$0x0] =	vst.idx.add.s32.msk $0xffff, v2  }
0x1fb: {  	v7 =	vld.idx.msk [tilespmem:v3+s26+$0x200 ss:$0x1], $0xffff;
	_ =	sdelay $0x4  }
0x1fc: {  	v8 =	vshll.u32 v7, $0x3  }
0x1fd: {  	v7 =	vand.u32 $0x7F, v7;
	v8 =	vand.u32 $0xFC00, v8  }
0x1fe: {  	v7 =	vor.u32 v8, v7  }
0x1ff: {  	v7 =	vor.u32 v1, v7;
	_ =	sdelay $0x4  }
0x200: {  	[tilespmem:v7+s21+$0x0] =	vst.idx.add.s32.msk $0xffff, v2  }
0x201: {  	v7 =	vld.idx.msk [tilespmem:v3+s26+$0x280 ss:$0x1], $0xffff;
	_ =	sdelay $0x4  }
0x202: {  	v8 =	vshll.u32 v7, $0x3  }
0x203: {  	v7 =	vand.u32 $0x7F, v7;
	v8 =	vand.u32 $0xFC00, v8  }
0x204: {  	v7 =	vor.u32 v8, v7  }
0x205: {  	v7 =	vor.u32 v1, v7;
	_ =	sdelay $0x4  }
0x206: {  	[tilespmem:v7+s21+$0x0] =	vst.idx.add.s32.msk $0xffff, v2  }
0x207: {  	v7 =	vld.idx.msk [tilespmem:v3+s26+$0x300 ss:$0x1], $0xffff;
	_ =	sdelay $0x4  }
0x208: {  	v8 =	vshll.u32 v7, $0x3  }
0x209: {  	v7 =	vand.u32 $0x7F, v7;
	v8 =	vand.u32 $0xFC00, v8  }
0x20a: {  	v7 =	vor.u32 v8, v7  }
0x20b: {  	v7 =	vor.u32 v1, v7;
	_ =	sdelay $0x4  }
0x20c: {  	[tilespmem:v7+s21+$0x0] =	vst.idx.add.s32.msk $0xffff, v2  }
0x20d: {  	v7 =	vld.idx.msk [tilespmem:v3+s26+$0x380 ss:$0x1], $0xffff;
	_ =	sdelay $0x4  }
0x20e: {  	v8 =	vshll.u32 v7, $0x3  }
0x20f: {  	v7 =	vand.u32 $0x7F, v7;
	v8 =	vand.u32 $0xFC00, v8  }
0x210: {  	v7 =	vor.u32 v8, v7  }
0x211: {  	p0 =	sne.s32 s25, $0x18000;
	v7 =	vor.u32 v1, v7  }
.Ltmp9:
0x212: {  	_ = 	snop;
	(pc) =	sbr.rel @p0 .LBB2_20-.Ltmp9, $2  }
0x213: {  	_ =	sdelay $0x2  }
0x214: {  	s25 =	sadd.s32 $0x1000, s25;
	[tilespmem:v7+s21+$0x0] =	vst.idx.add.s32.msk $0xffff, v2  }
0x215: {  	_ =	swait.ge [sflag:s22], $0x6400  }
0x216: {  	[sflag:s22] =	ssyncset.done $0x0  }
0x217: {  	s25 =	simm.s32 $0x0;
	[sflag:s22] =	ssyncadd.s32 $0xFFFF9C00  }
0x218: {  	[tilespmem:s25], [sflag:$0x1] =	stream.strided.gather [hbm4b:s13+s17], $0x6400, s18, s17, $0x38;
	[tilespmem:$0x1C800] =	vst v63  }
.LBB2_22:
0x219: {  	s26 =	sshra.s32 s25, $0x2  }
0x21a: {  	v7 =	vld.idx.msk [tilespmem:v4+s26+$0x0 ss:$0x1], $0xffff;
	_ =	sdelay $0x4  }
0x21b: {  	v8 =	vshll.u32 v7, $0x3  }
0x21c: {  	v7 =	vand.u32 $0x7F, v7;
	v8 =	vand.u32 $0xFC00, v8  }
0x21d: {  	v7 =	vor.u32 v8, v7  }
0x21e: {  	v7 =	vor.u32 v1, v7;
	_ =	sdelay $0x4  }
0x21f: {  	[tilespmem:v7+s21+$0x0] =	vst.idx.add.s32.msk $0xffff, v2  }
0x220: {  	v7 =	vld.idx.msk [tilespmem:v4+s26+$0x80 ss:$0x1], $0xffff;
	_ =	sdelay $0x4  }
0x221: {  	v8 =	vshll.u32 v7, $0x3  }
0x222: {  	v7 =	vand.u32 $0x7F, v7;
	v8 =	vand.u32 $0xFC00, v8  }
0x223: {  	v7 =	vor.u32 v8, v7  }
0x224: {  	v7 =	vor.u32 v1, v7;
	_ =	sdelay $0x4  }
0x225: {  	[tilespmem:v7+s21+$0x0] =	vst.idx.add.s32.msk $0xffff, v2  }
0x226: {  	v7 =	vld.idx.msk [tilespmem:v4+s26+$0x100 ss:$0x1], $0xffff;
	_ =	sdelay $0x4  }
0x227: {  	v8 =	vshll.u32 v7, $0x3  }
0x228: {  	v7 =	vand.u32 $0x7F, v7;
	v8 =	vand.u32 $0xFC00, v8  }
0x229: {  	v7 =	vor.u32 v8, v7  }
0x22a: {  	v7 =	vor.u32 v1, v7;
	_ =	sdelay $0x4  }
0x22b: {  	[tilespmem:v7+s21+$0x0] =	vst.idx.add.s32.msk $0xffff, v2  }
0x22c: {  	v7 =	vld.idx.msk [tilespmem:v4+s26+$0x180 ss:$0x1], $0xffff;
	_ =	sdelay $0x4  }
0x22d: {  	v8 =	vshll.u32 v7, $0x3  }
0x22e: {  	v7 =	vand.u32 $0x7F, v7;
	v8 =	vand.u32 $0xFC00, v8  }
0x22f: {  	v7 =	vor.u32 v8, v7  }
0x230: {  	v7 =	vor.u32 v1, v7;
	_ =	sdelay $0x4  }
0x231: {  	[tilespmem:v7+s21+$0x0] =	vst.idx.add.s32.msk $0xffff, v2  }
0x232: {  	v7 =	vld.idx.msk [tilespmem:v4+s26+$0x200 ss:$0x1], $0xffff;
	_ =	sdelay $0x4  }
0x233: {  	v8 =	vshll.u32 v7, $0x3  }
0x234: {  	v7 =	vand.u32 $0x7F, v7;
	v8 =	vand.u32 $0xFC00, v8  }
0x235: {  	v7 =	vor.u32 v8, v7  }
0x236: {  	v7 =	vor.u32 v1, v7;
	_ =	sdelay $0x4  }
0x237: {  	[tilespmem:v7+s21+$0x0] =	vst.idx.add.s32.msk $0xffff, v2  }
0x238: {  	v7 =	vld.idx.msk [tilespmem:v4+s26+$0x280 ss:$0x1], $0xffff;
	_ =	sdelay $0x4  }
0x239: {  	v8 =	vshll.u32 v7, $0x3  }
0x23a: {  	v7 =	vand.u32 $0x7F, v7;
	v8 =	vand.u32 $0xFC00, v8  }
0x23b: {  	v7 =	vor.u32 v8, v7  }
0x23c: {  	v7 =	vor.u32 v1, v7;
	_ =	sdelay $0x4  }
0x23d: {  	[tilespmem:v7+s21+$0x0] =	vst.idx.add.s32.msk $0xffff, v2  }
0x23e: {  	v7 =	vld.idx.msk [tilespmem:v4+s26+$0x300 ss:$0x1], $0xffff;
	_ =	sdelay $0x4  }
0x23f: {  	v8 =	vshll.u32 v7, $0x3  }
0x240: {  	v7 =	vand.u32 $0x7F, v7;
	v8 =	vand.u32 $0xFC00, v8  }
0x241: {  	v7 =	vor.u32 v8, v7  }
0x242: {  	v7 =	vor.u32 v1, v7;
	_ =	sdelay $0x4  }
0x243: {  	[tilespmem:v7+s21+$0x0] =	vst.idx.add.s32.msk $0xffff, v2  }
0x244: {  	v7 =	vld.idx.msk [tilespmem:v4+s26+$0x380 ss:$0x1], $0xffff;
	_ =	sdelay $0x4  }
0x245: {  	v8 =	vshll.u32 v7, $0x3  }
0x246: {  	v7 =	vand.u32 $0x7F, v7;
	v8 =	vand.u32 $0xFC00, v8  }
0x247: {  	v7 =	vor.u32 v8, v7  }
0x248: {  	p0 =	sne.s32 s25, $0x18000;
	v7 =	vor.u32 v1, v7  }
.Ltmp10:
0x249: {  	_ = 	snop;
	(pc) =	sbr.rel @p0 .LBB2_22-.Ltmp10, $2  }
0x24a: {  	_ =	sdelay $0x2  }
0x24b: {  	s25 =	sadd.s32 $0x1000, s25;
	[tilespmem:v7+s21+$0x0] =	vst.idx.add.s32.msk $0xffff, v2  }
0x24c: {  	_ =	swait.ge [sflag:s19], $0x6400  }
0x24d: {  	[sflag:s19] =	ssyncset.done $0x0  }
0x24e: {  	s25 =	simm.s32 $0x0;
	[sflag:s19] =	ssyncadd.s32 $0xFFFF9C00  }
.LBB2_24:
0x24f: {  	s26 =	sshra.s32 s25, $0x2  }
0x250: {  	v7 =	vld.idx.msk [tilespmem:v3+s26+$0x0 ss:$0x1], $0xffff;
	_ =	sdelay $0x4  }
0x251: {  	v8 =	vshll.u32 v7, $0x3  }
0x252: {  	v7 =	vand.u32 $0x7F, v7;
	v8 =	vand.u32 $0xFC00, v8  }
0x253: {  	v7 =	vor.u32 v8, v7  }
0x254: {  	v7 =	vor.u32 v1, v7;
	_ =	sdelay $0x4  }
0x255: {  	[tilespmem:v7+s21+$0x0] =	vst.idx.add.s32.msk $0xffff, v2  }
0x256: {  	v7 =	vld.idx.msk [tilespmem:v3+s26+$0x80 ss:$0x1], $0xffff;
	_ =	sdelay $0x4  }
0x257: {  	v8 =	vshll.u32 v7, $0x3  }
0x258: {  	v7 =	vand.u32 $0x7F, v7;
	v8 =	vand.u32 $0xFC00, v8  }
0x259: {  	v7 =	vor.u32 v8, v7  }
0x25a: {  	v7 =	vor.u32 v1, v7;
	_ =	sdelay $0x4  }
0x25b: {  	[tilespmem:v7+s21+$0x0] =	vst.idx.add.s32.msk $0xffff, v2  }
0x25c: {  	v7 =	vld.idx.msk [tilespmem:v3+s26+$0x100 ss:$0x1], $0xffff;
	_ =	sdelay $0x4  }
0x25d: {  	v8 =	vshll.u32 v7, $0x3  }
0x25e: {  	v7 =	vand.u32 $0x7F, v7;
	v8 =	vand.u32 $0xFC00, v8  }
0x25f: {  	v7 =	vor.u32 v8, v7  }
0x260: {  	v7 =	vor.u32 v1, v7;
	_ =	sdelay $0x4  }
0x261: {  	[tilespmem:v7+s21+$0x0] =	vst.idx.add.s32.msk $0xffff, v2  }
0x262: {  	v7 =	vld.idx.msk [tilespmem:v3+s26+$0x180 ss:$0x1], $0xffff;
	_ =	sdelay $0x4  }
0x263: {  	v8 =	vshll.u32 v7, $0x3  }
0x264: {  	v7 =	vand.u32 $0x7F, v7;
	v8 =	vand.u32 $0xFC00, v8  }
0x265: {  	v7 =	vor.u32 v8, v7  }
0x266: {  	v7 =	vor.u32 v1, v7;
	_ =	sdelay $0x4  }
0x267: {  	[tilespmem:v7+s21+$0x0] =	vst.idx.add.s32.msk $0xffff, v2  }
0x268: {  	v7 =	vld.idx.msk [tilespmem:v3+s26+$0x200 ss:$0x1], $0xffff;
	_ =	sdelay $0x4  }
0x269: {  	v8 =	vshll.u32 v7, $0x3  }
0x26a: {  	v7 =	vand.u32 $0x7F, v7;
	v8 =	vand.u32 $0xFC00, v8  }
0x26b: {  	v7 =	vor.u32 v8, v7  }
0x26c: {  	v7 =	vor.u32 v1, v7;
	_ =	sdelay $0x4  }
0x26d: {  	[tilespmem:v7+s21+$0x0] =	vst.idx.add.s32.msk $0xffff, v2  }
0x26e: {  	v7 =	vld.idx.msk [tilespmem:v3+s26+$0x280 ss:$0x1], $0xffff;
	_ =	sdelay $0x4  }
0x26f: {  	v8 =	vshll.u32 v7, $0x3  }
0x270: {  	v7 =	vand.u32 $0x7F, v7;
	v8 =	vand.u32 $0xFC00, v8  }
0x271: {  	v7 =	vor.u32 v8, v7  }
0x272: {  	v7 =	vor.u32 v1, v7;
	_ =	sdelay $0x4  }
0x273: {  	[tilespmem:v7+s21+$0x0] =	vst.idx.add.s32.msk $0xffff, v2  }
0x274: {  	v7 =	vld.idx.msk [tilespmem:v3+s26+$0x300 ss:$0x1], $0xffff;
	_ =	sdelay $0x4  }
0x275: {  	v8 =	vshll.u32 v7, $0x3  }
0x276: {  	v7 =	vand.u32 $0x7F, v7;
	v8 =	vand.u32 $0xFC00, v8  }
0x277: {  	v7 =	vor.u32 v8, v7  }
0x278: {  	v7 =	vor.u32 v1, v7;
	_ =	sdelay $0x4  }
0x279: {  	[tilespmem:v7+s21+$0x0] =	vst.idx.add.s32.msk $0xffff, v2  }
0x27a: {  	v7 =	vld.idx.msk [tilespmem:v3+s26+$0x380 ss:$0x1], $0xffff;
	_ =	sdelay $0x4  }
0x27b: {  	v8 =	vshll.u32 v7, $0x3  }
0x27c: {  	v7 =	vand.u32 $0x7F, v7;
	v8 =	vand.u32 $0xFC00, v8  }
0x27d: {  	v7 =	vor.u32 v8, v7  }
0x27e: {  	p0 =	sne.s32 s25, $0x18000;
	v7 =	vor.u32 v1, v7  }
.Ltmp11:
0x27f: {  	_ = 	snop;
	(pc) =	sbr.rel @p0 .LBB2_24-.Ltmp11, $2  }
0x280: {  	_ =	sdelay $0x2  }
0x281: {  	s25 =	sadd.s32 $0x1000, s25;
	[tilespmem:v7+s21+$0x0] =	vst.idx.add.s32.msk $0xffff, v2  }
0x282: {  	s25 =	simm.s32 $0x0  }
0x283: {  	[tilespmem:s25], [sflag:$0x1] =	stream.strided.gather [hbm4b:s3+s17], $0x6400, s18, s17, $0x38;
	[tilespmem:$0x1C800] =	vst v63  }
0x284: {  	_ = 	snop  }
0x285: {  	[hbm4b:s14+s25] =	stream.linear.scatter [tilespmem:s21], [sflag:$0x3], $0x10000, $0x38;
	[tilespmem:$0x1C800] =	vst v63  }
0x286: {  	_ =	swait.ge [sflag:s23], $0x10000  }
0x287: {  	[sflag:s23] =	ssyncset.done $0x0  }
0x288: {  	s26 =	simm.s32 $0x200;
	s25 =	simm.s32 $0x0;
	[sflag:s23] =	ssyncadd.s32 $0xFFFF0000  }
.LBB2_26:
0x289: {  	p0 =	sne.s32 s26, $0x3FE00;
	[tilespmem:s25+$0xC870] =	vst v0  }
0x28a: {  	[tilespmem:s25+$0xC800] =	vst v0  }
0x28b: {  	[tilespmem:s25+$0xC810] =	vst v0  }
.Ltmp12:
0x28c: {  	[tilespmem:s25+$0xC820] =	vst v0;
	(pc) =	sbr.rel @p0 .LBB2_26-.Ltmp12, $4  }
0x28d: {  	[tilespmem:s25+$0xC830] =	vst v0  }
0x28e: {  	[tilespmem:s25+$0xC840] =	vst v0  }
0x28f: {  	[tilespmem:s25+$0xC850] =	vst v0  }
0x290: {  	[tilespmem:s25+$0xC860] =	vst v0;
	s25 =	sshra.s32 s26, $0x2;
	s26 =	sadd.s32 $0x200, s26  }
0x291: {  	[tilespmem:s25+$0xC870] =	vst v0  }
0x292: {  	[tilespmem:s25+$0xC800] =	vst v0  }
0x293: {  	[tilespmem:s25+$0xC810] =	vst v0  }
0x294: {  	[tilespmem:s25+$0xC820] =	vst v0  }
0x295: {  	[tilespmem:s25+$0xC830] =	vst v0  }
0x296: {  	[tilespmem:s25+$0xC840] =	vst v0  }
0x297: {  	[tilespmem:s25+$0xC850] =	vst v0  }
0x298: {  	[tilespmem:s25+$0xC860] =	vst v0  }
0x299: {  	_ =	swait.ge [sflag:s19], $0x6400  }
0x29a: {  	[sflag:s19] =	ssyncset.done $0x0  }
0x29b: {  	s25 =	simm.s32 $0x0;
	[sflag:s19] =	ssyncadd.s32 $0xFFFF9C00  }
0x29c: {  	[tilespmem:s20], [sflag:$0x2] =	stream.strided.gather [hbm4b:s4+s17], $0x6400, s18, s17, $0x38;
	[tilespmem:$0x1C800] =	vst v63  }
.LBB2_28:
0x29d: {  	s26 =	sshra.s32 s25, $0x2  }
0x29e: {  	v7 =	vld.idx.msk [tilespmem:v5+s26+$0xFFFFFE00 ss:$0x1], $0xffff;
	_ =	sdelay $0x4  }
0x29f: {  	v8 =	vshll.u32 v7, $0x3  }
0x2a0: {  	v7 =	vand.u32 $0x7F, v7;
	v8 =	vand.u32 $0xFC00, v8  }
0x2a1: {  	v7 =	vor.u32 v8, v7  }
0x2a2: {  	v7 =	vor.u32 v1, v7;
	_ =	sdelay $0x4  }
0x2a3: {  	[tilespmem:v7+s21+$0x0] =	vst.idx.add.s32.msk $0xffff, v2  }
0x2a4: {  	v7 =	vld.idx.msk [tilespmem:v5+s26+$0xFFFFFE80 ss:$0x1], $0xffff;
	_ =	sdelay $0x4  }
0x2a5: {  	v8 =	vshll.u32 v7, $0x3  }
0x2a6: {  	v7 =	vand.u32 $0x7F, v7;
	v8 =	vand.u32 $0xFC00, v8  }
0x2a7: {  	v7 =	vor.u32 v8, v7  }
0x2a8: {  	v7 =	vor.u32 v1, v7;
	_ =	sdelay $0x4  }
0x2a9: {  	[tilespmem:v7+s21+$0x0] =	vst.idx.add.s32.msk $0xffff, v2  }
0x2aa: {  	v7 =	vld.idx.msk [tilespmem:v5+s26+$0xFFFFFF00 ss:$0x1], $0xffff;
	_ =	sdelay $0x4  }
0x2ab: {  	v8 =	vshll.u32 v7, $0x3  }
0x2ac: {  	v7 =	vand.u32 $0x7F, v7;
	v8 =	vand.u32 $0xFC00, v8  }
0x2ad: {  	v7 =	vor.u32 v8, v7  }
0x2ae: {  	v7 =	vor.u32 v1, v7;
	_ =	sdelay $0x4  }
0x2af: {  	[tilespmem:v7+s21+$0x0] =	vst.idx.add.s32.msk $0xffff, v2  }
0x2b0: {  	v7 =	vld.idx.msk [tilespmem:v5+s26+$0xFFFFFF80 ss:$0x1], $0xffff;
	_ =	sdelay $0x4  }
0x2b1: {  	v8 =	vshll.u32 v7, $0x3  }
0x2b2: {  	v7 =	vand.u32 $0x7F, v7;
	v8 =	vand.u32 $0xFC00, v8  }
0x2b3: {  	v7 =	vor.u32 v8, v7  }
0x2b4: {  	v7 =	vor.u32 v1, v7;
	_ =	sdelay $0x4  }
0x2b5: {  	[tilespmem:v7+s21+$0x0] =	vst.idx.add.s32.msk $0xffff, v2  }
0x2b6: {  	v7 =	vld.idx.msk [tilespmem:v5+s26+$0x0 ss:$0x1], $0xffff;
	_ =	sdelay $0x4  }
0x2b7: {  	v8 =	vshll.u32 v7, $0x3  }
0x2b8: {  	v7 =	vand.u32 $0x7F, v7;
	v8 =	vand.u32 $0xFC00, v8  }
0x2b9: {  	v7 =	vor.u32 v8, v7  }
0x2ba: {  	v7 =	vor.u32 v1, v7;
	_ =	sdelay $0x4  }
0x2bb: {  	[tilespmem:v7+s21+$0x0] =	vst.idx.add.s32.msk $0xffff, v2  }
0x2bc: {  	v7 =	vld.idx.msk [tilespmem:v5+s26+$0x80 ss:$0x1], $0xffff;
	_ =	sdelay $0x4  }
0x2bd: {  	v8 =	vshll.u32 v7, $0x3  }
0x2be: {  	v7 =	vand.u32 $0x7F, v7;
	v8 =	vand.u32 $0xFC00, v8  }
0x2bf: {  	v7 =	vor.u32 v8, v7  }
0x2c0: {  	v7 =	vor.u32 v1, v7;
	_ =	sdelay $0x4  }
0x2c1: {  	[tilespmem:v7+s21+$0x0] =	vst.idx.add.s32.msk $0xffff, v2  }
0x2c2: {  	v7 =	vld.idx.msk [tilespmem:v5+s26+$0x100 ss:$0x1], $0xffff;
	_ =	sdelay $0x4  }
0x2c3: {  	v8 =	vshll.u32 v7, $0x3  }
0x2c4: {  	v7 =	vand.u32 $0x7F, v7;
	v8 =	vand.u32 $0xFC00, v8  }
0x2c5: {  	v7 =	vor.u32 v8, v7  }
0x2c6: {  	v7 =	vor.u32 v1, v7;
	_ =	sdelay $0x4  }
0x2c7: {  	[tilespmem:v7+s21+$0x0] =	vst.idx.add.s32.msk $0xffff, v2  }
0x2c8: {  	v7 =	vld.idx.msk [tilespmem:v5+s26+$0x180 ss:$0x1], $0xffff;
	_ =	sdelay $0x4  }
0x2c9: {  	v8 =	vshll.u32 v7, $0x3  }
0x2ca: {  	v7 =	vand.u32 $0x7F, v7;
	v8 =	vand.u32 $0xFC00, v8  }
0x2cb: {  	v7 =	vor.u32 v8, v7  }
0x2cc: {  	p0 =	sne.s32 s25, $0x18000;
	v7 =	vor.u32 v1, v7  }
.Ltmp13:
0x2cd: {  	_ = 	snop;
	(pc) =	sbr.rel @p0 .LBB2_28-.Ltmp13, $2  }
0x2ce: {  	_ =	sdelay $0x2  }
0x2cf: {  	s25 =	sadd.s32 $0x1000, s25;
	[tilespmem:v7+s21+$0x0] =	vst.idx.add.s32.msk $0xffff, v2  }
0x2d0: {  	_ =	swait.ge [sflag:s22], $0x6400  }
0x2d1: {  	[sflag:s22] =	ssyncset.done $0x0  }
0x2d2: {  	s25 =	simm.s32 $0x0;
	[sflag:s22] =	ssyncadd.s32 $0xFFFF9C00  }
0x2d3: {  	[tilespmem:s25], [sflag:$0x1] =	stream.strided.gather [hbm4b:s5+s17], $0x6400, s18, s17, $0x38;
	[tilespmem:$0x1C800] =	vst v63  }
.LBB2_30:
0x2d4: {  	s26 =	sshra.s32 s25, $0x2  }
0x2d5: {  	v7 =	vld.idx.msk [tilespmem:v6+s26+$0xFFFFFE00 ss:$0x1], $0xffff;
	_ =	sdelay $0x4  }
0x2d6: {  	v8 =	vshll.u32 v7, $0x3  }
0x2d7: {  	v7 =	vand.u32 $0x7F, v7;
	v8 =	vand.u32 $0xFC00, v8  }
0x2d8: {  	v7 =	vor.u32 v8, v7  }
0x2d9: {  	v7 =	vor.u32 v1, v7;
	_ =	sdelay $0x4  }
0x2da: {  	[tilespmem:v7+s21+$0x0] =	vst.idx.add.s32.msk $0xffff, v2  }
0x2db: {  	v7 =	vld.idx.msk [tilespmem:v6+s26+$0xFFFFFE80 ss:$0x1], $0xffff;
	_ =	sdelay $0x4  }
0x2dc: {  	v8 =	vshll.u32 v7, $0x3  }
0x2dd: {  	v7 =	vand.u32 $0x7F, v7;
	v8 =	vand.u32 $0xFC00, v8  }
0x2de: {  	v7 =	vor.u32 v8, v7  }
0x2df: {  	v7 =	vor.u32 v1, v7;
	_ =	sdelay $0x4  }
0x2e0: {  	[tilespmem:v7+s21+$0x0] =	vst.idx.add.s32.msk $0xffff, v2  }
0x2e1: {  	v7 =	vld.idx.msk [tilespmem:v6+s26+$0xFFFFFF00 ss:$0x1], $0xffff;
	_ =	sdelay $0x4  }
0x2e2: {  	v8 =	vshll.u32 v7, $0x3  }
0x2e3: {  	v7 =	vand.u32 $0x7F, v7;
	v8 =	vand.u32 $0xFC00, v8  }
0x2e4: {  	v7 =	vor.u32 v8, v7  }
0x2e5: {  	v7 =	vor.u32 v1, v7;
	_ =	sdelay $0x4  }
0x2e6: {  	[tilespmem:v7+s21+$0x0] =	vst.idx.add.s32.msk $0xffff, v2  }
0x2e7: {  	v7 =	vld.idx.msk [tilespmem:v6+s26+$0xFFFFFF80 ss:$0x1], $0xffff;
	_ =	sdelay $0x4  }
0x2e8: {  	v8 =	vshll.u32 v7, $0x3  }
0x2e9: {  	v7 =	vand.u32 $0x7F, v7;
	v8 =	vand.u32 $0xFC00, v8  }
0x2ea: {  	v7 =	vor.u32 v8, v7  }
0x2eb: {  	v7 =	vor.u32 v1, v7;
	_ =	sdelay $0x4  }
0x2ec: {  	[tilespmem:v7+s21+$0x0] =	vst.idx.add.s32.msk $0xffff, v2  }
0x2ed: {  	v7 =	vld.idx.msk [tilespmem:v6+s26+$0x0 ss:$0x1], $0xffff;
	_ =	sdelay $0x4  }
0x2ee: {  	v8 =	vshll.u32 v7, $0x3  }
0x2ef: {  	v7 =	vand.u32 $0x7F, v7;
	v8 =	vand.u32 $0xFC00, v8  }
0x2f0: {  	v7 =	vor.u32 v8, v7  }
0x2f1: {  	v7 =	vor.u32 v1, v7;
	_ =	sdelay $0x4  }
0x2f2: {  	[tilespmem:v7+s21+$0x0] =	vst.idx.add.s32.msk $0xffff, v2  }
0x2f3: {  	v7 =	vld.idx.msk [tilespmem:v6+s26+$0x80 ss:$0x1], $0xffff;
	_ =	sdelay $0x4  }
0x2f4: {  	v8 =	vshll.u32 v7, $0x3  }
0x2f5: {  	v7 =	vand.u32 $0x7F, v7;
	v8 =	vand.u32 $0xFC00, v8  }
0x2f6: {  	v7 =	vor.u32 v8, v7  }
0x2f7: {  	v7 =	vor.u32 v1, v7;
	_ =	sdelay $0x4  }
0x2f8: {  	[tilespmem:v7+s21+$0x0] =	vst.idx.add.s32.msk $0xffff, v2  }
0x2f9: {  	v7 =	vld.idx.msk [tilespmem:v6+s26+$0x100 ss:$0x1], $0xffff;
	_ =	sdelay $0x4  }
0x2fa: {  	v8 =	vshll.u32 v7, $0x3  }
0x2fb: {  	v7 =	vand.u32 $0x7F, v7;
	v8 =	vand.u32 $0xFC00, v8  }
0x2fc: {  	v7 =	vor.u32 v8, v7  }
0x2fd: {  	v7 =	vor.u32 v1, v7;
	_ =	sdelay $0x4  }
0x2fe: {  	[tilespmem:v7+s21+$0x0] =	vst.idx.add.s32.msk $0xffff, v2  }
0x2ff: {  	v7 =	vld.idx.msk [tilespmem:v6+s26+$0x180 ss:$0x1], $0xffff;
	_ =	sdelay $0x4  }
0x300: {  	v8 =	vshll.u32 v7, $0x3  }
0x301: {  	v7 =	vand.u32 $0x7F, v7;
	v8 =	vand.u32 $0xFC00, v8  }
0x302: {  	v7 =	vor.u32 v8, v7  }
0x303: {  	p0 =	sne.s32 s25, $0x18000;
	v7 =	vor.u32 v1, v7  }
.Ltmp14:
0x304: {  	_ = 	snop;
	(pc) =	sbr.rel @p0 .LBB2_30-.Ltmp14, $2  }
0x305: {  	_ =	sdelay $0x2  }
0x306: {  	s25 =	sadd.s32 $0x1000, s25;
	[tilespmem:v7+s21+$0x0] =	vst.idx.add.s32.msk $0xffff, v2  }
0x307: {  	_ =	swait.ge [sflag:s19], $0x6400  }
0x308: {  	[sflag:s19] =	ssyncset.done $0x0  }
0x309: {  	s25 =	simm.s32 $0x0;
	[sflag:s19] =	ssyncadd.s32 $0xFFFF9C00  }
0x30a: {  	[tilespmem:s20], [sflag:$0x2] =	stream.strided.gather [hbm4b:s6+s17], $0x6400, s18, s17, $0x38;
	[tilespmem:$0x1C800] =	vst v63  }
.LBB2_32:
0x30b: {  	s26 =	sshra.s32 s25, $0x2  }
0x30c: {  	v7 =	vld.idx.msk [tilespmem:v5+s26+$0xFFFFFE00 ss:$0x1], $0xffff;
	_ =	sdelay $0x4  }
0x30d: {  	v8 =	vshll.u32 v7, $0x3  }
0x30e: {  	v7 =	vand.u32 $0x7F, v7;
	v8 =	vand.u32 $0xFC00, v8  }
0x30f: {  	v7 =	vor.u32 v8, v7  }
0x310: {  	v7 =	vor.u32 v1, v7;
	_ =	sdelay $0x4  }
0x311: {  	[tilespmem:v7+s21+$0x0] =	vst.idx.add.s32.msk $0xffff, v2  }
0x312: {  	v7 =	vld.idx.msk [tilespmem:v5+s26+$0xFFFFFE80 ss:$0x1], $0xffff;
	_ =	sdelay $0x4  }
0x313: {  	v8 =	vshll.u32 v7, $0x3  }
0x314: {  	v7 =	vand.u32 $0x7F, v7;
	v8 =	vand.u32 $0xFC00, v8  }
0x315: {  	v7 =	vor.u32 v8, v7  }
0x316: {  	v7 =	vor.u32 v1, v7;
	_ =	sdelay $0x4  }
0x317: {  	[tilespmem:v7+s21+$0x0] =	vst.idx.add.s32.msk $0xffff, v2  }
0x318: {  	v7 =	vld.idx.msk [tilespmem:v5+s26+$0xFFFFFF00 ss:$0x1], $0xffff;
	_ =	sdelay $0x4  }
0x319: {  	v8 =	vshll.u32 v7, $0x3  }
0x31a: {  	v7 =	vand.u32 $0x7F, v7;
	v8 =	vand.u32 $0xFC00, v8  }
0x31b: {  	v7 =	vor.u32 v8, v7  }
0x31c: {  	v7 =	vor.u32 v1, v7;
	_ =	sdelay $0x4  }
0x31d: {  	[tilespmem:v7+s21+$0x0] =	vst.idx.add.s32.msk $0xffff, v2  }
0x31e: {  	v7 =	vld.idx.msk [tilespmem:v5+s26+$0xFFFFFF80 ss:$0x1], $0xffff;
	_ =	sdelay $0x4  }
0x31f: {  	v8 =	vshll.u32 v7, $0x3  }
0x320: {  	v7 =	vand.u32 $0x7F, v7;
	v8 =	vand.u32 $0xFC00, v8  }
0x321: {  	v7 =	vor.u32 v8, v7  }
0x322: {  	v7 =	vor.u32 v1, v7;
	_ =	sdelay $0x4  }
0x323: {  	[tilespmem:v7+s21+$0x0] =	vst.idx.add.s32.msk $0xffff, v2  }
0x324: {  	v7 =	vld.idx.msk [tilespmem:v5+s26+$0x0 ss:$0x1], $0xffff;
	_ =	sdelay $0x4  }
0x325: {  	v8 =	vshll.u32 v7, $0x3  }
0x326: {  	v7 =	vand.u32 $0x7F, v7;
	v8 =	vand.u32 $0xFC00, v8  }
0x327: {  	v7 =	vor.u32 v8, v7  }
0x328: {  	v7 =	vor.u32 v1, v7;
	_ =	sdelay $0x4  }
0x329: {  	[tilespmem:v7+s21+$0x0] =	vst.idx.add.s32.msk $0xffff, v2  }
0x32a: {  	v7 =	vld.idx.msk [tilespmem:v5+s26+$0x80 ss:$0x1], $0xffff;
	_ =	sdelay $0x4  }
0x32b: {  	v8 =	vshll.u32 v7, $0x3  }
0x32c: {  	v7 =	vand.u32 $0x7F, v7;
	v8 =	vand.u32 $0xFC00, v8  }
0x32d: {  	v7 =	vor.u32 v8, v7  }
0x32e: {  	v7 =	vor.u32 v1, v7;
	_ =	sdelay $0x4  }
0x32f: {  	[tilespmem:v7+s21+$0x0] =	vst.idx.add.s32.msk $0xffff, v2  }
0x330: {  	v7 =	vld.idx.msk [tilespmem:v5+s26+$0x100 ss:$0x1], $0xffff;
	_ =	sdelay $0x4  }
0x331: {  	v8 =	vshll.u32 v7, $0x3  }
0x332: {  	v7 =	vand.u32 $0x7F, v7;
	v8 =	vand.u32 $0xFC00, v8  }
0x333: {  	v7 =	vor.u32 v8, v7  }
0x334: {  	v7 =	vor.u32 v1, v7;
	_ =	sdelay $0x4  }
0x335: {  	[tilespmem:v7+s21+$0x0] =	vst.idx.add.s32.msk $0xffff, v2  }
0x336: {  	v7 =	vld.idx.msk [tilespmem:v5+s26+$0x180 ss:$0x1], $0xffff;
	_ =	sdelay $0x4  }
0x337: {  	v8 =	vshll.u32 v7, $0x3  }
0x338: {  	v7 =	vand.u32 $0x7F, v7;
	v8 =	vand.u32 $0xFC00, v8  }
0x339: {  	v7 =	vor.u32 v8, v7  }
0x33a: {  	p0 =	sne.s32 s25, $0x18000;
	v7 =	vor.u32 v1, v7  }
.Ltmp15:
0x33b: {  	_ = 	snop;
	(pc) =	sbr.rel @p0 .LBB2_32-.Ltmp15, $2  }
0x33c: {  	_ =	sdelay $0x2  }
0x33d: {  	s25 =	sadd.s32 $0x1000, s25;
	[tilespmem:v7+s21+$0x0] =	vst.idx.add.s32.msk $0xffff, v2  }
0x33e: {  	_ =	swait.ge [sflag:s22], $0x6400  }
0x33f: {  	[sflag:s22] =	ssyncset.done $0x0  }
0x340: {  	s25 =	simm.s32 $0x0;
	[sflag:s22] =	ssyncadd.s32 $0xFFFF9C00  }
0x341: {  	[tilespmem:s25], [sflag:$0x1] =	stream.strided.gather [hbm4b:s7+s17], $0x6400, s18, s17, $0x38;
	[tilespmem:$0x1C800] =	vst v63  }
.LBB2_34:
0x342: {  	s26 =	sshra.s32 s25, $0x2  }
0x343: {  	v7 =	vld.idx.msk [tilespmem:v6+s26+$0xFFFFFE00 ss:$0x1], $0xffff;
	_ =	sdelay $0x4  }
0x344: {  	v8 =	vshll.u32 v7, $0x3  }
0x345: {  	v7 =	vand.u32 $0x7F, v7;
	v8 =	vand.u32 $0xFC00, v8  }
0x346: {  	v7 =	vor.u32 v8, v7  }
0x347: {  	v7 =	vor.u32 v1, v7;
	_ =	sdelay $0x4  }
0x348: {  	[tilespmem:v7+s21+$0x0] =	vst.idx.add.s32.msk $0xffff, v2  }
0x349: {  	v7 =	vld.idx.msk [tilespmem:v6+s26+$0xFFFFFE80 ss:$0x1], $0xffff;
	_ =	sdelay $0x4  }
0x34a: {  	v8 =	vshll.u32 v7, $0x3  }
0x34b: {  	v7 =	vand.u32 $0x7F, v7;
	v8 =	vand.u32 $0xFC00, v8  }
0x34c: {  	v7 =	vor.u32 v8, v7  }
0x34d: {  	v7 =	vor.u32 v1, v7;
	_ =	sdelay $0x4  }
0x34e: {  	[tilespmem:v7+s21+$0x0] =	vst.idx.add.s32.msk $0xffff, v2  }
0x34f: {  	v7 =	vld.idx.msk [tilespmem:v6+s26+$0xFFFFFF00 ss:$0x1], $0xffff;
	_ =	sdelay $0x4  }
0x350: {  	v8 =	vshll.u32 v7, $0x3  }
0x351: {  	v7 =	vand.u32 $0x7F, v7;
	v8 =	vand.u32 $0xFC00, v8  }
0x352: {  	v7 =	vor.u32 v8, v7  }
0x353: {  	v7 =	vor.u32 v1, v7;
	_ =	sdelay $0x4  }
0x354: {  	[tilespmem:v7+s21+$0x0] =	vst.idx.add.s32.msk $0xffff, v2  }
0x355: {  	v7 =	vld.idx.msk [tilespmem:v6+s26+$0xFFFFFF80 ss:$0x1], $0xffff;
	_ =	sdelay $0x4  }
0x356: {  	v8 =	vshll.u32 v7, $0x3  }
0x357: {  	v7 =	vand.u32 $0x7F, v7;
	v8 =	vand.u32 $0xFC00, v8  }
0x358: {  	v7 =	vor.u32 v8, v7  }
0x359: {  	v7 =	vor.u32 v1, v7;
	_ =	sdelay $0x4  }
0x35a: {  	[tilespmem:v7+s21+$0x0] =	vst.idx.add.s32.msk $0xffff, v2  }
0x35b: {  	v7 =	vld.idx.msk [tilespmem:v6+s26+$0x0 ss:$0x1], $0xffff;
	_ =	sdelay $0x4  }
0x35c: {  	v8 =	vshll.u32 v7, $0x3  }
0x35d: {  	v7 =	vand.u32 $0x7F, v7;
	v8 =	vand.u32 $0xFC00, v8  }
0x35e: {  	v7 =	vor.u32 v8, v7  }
0x35f: {  	v7 =	vor.u32 v1, v7;
	_ =	sdelay $0x4  }
0x360: {  	[tilespmem:v7+s21+$0x0] =	vst.idx.add.s32.msk $0xffff, v2  }
0x361: {  	v7 =	vld.idx.msk [tilespmem:v6+s26+$0x80 ss:$0x1], $0xffff;
	_ =	sdelay $0x4  }
0x362: {  	v8 =	vshll.u32 v7, $0x3  }
0x363: {  	v7 =	vand.u32 $0x7F, v7;
	v8 =	vand.u32 $0xFC00, v8  }
0x364: {  	v7 =	vor.u32 v8, v7  }
0x365: {  	v7 =	vor.u32 v1, v7;
	_ =	sdelay $0x4  }
0x366: {  	[tilespmem:v7+s21+$0x0] =	vst.idx.add.s32.msk $0xffff, v2  }
0x367: {  	v7 =	vld.idx.msk [tilespmem:v6+s26+$0x100 ss:$0x1], $0xffff;
	_ =	sdelay $0x4  }
0x368: {  	v8 =	vshll.u32 v7, $0x3  }
0x369: {  	v7 =	vand.u32 $0x7F, v7;
	v8 =	vand.u32 $0xFC00, v8  }
0x36a: {  	v7 =	vor.u32 v8, v7  }
0x36b: {  	v7 =	vor.u32 v1, v7;
	_ =	sdelay $0x4  }
0x36c: {  	[tilespmem:v7+s21+$0x0] =	vst.idx.add.s32.msk $0xffff, v2  }
0x36d: {  	v7 =	vld.idx.msk [tilespmem:v6+s26+$0x180 ss:$0x1], $0xffff;
	_ =	sdelay $0x4  }
0x36e: {  	v8 =	vshll.u32 v7, $0x3  }
0x36f: {  	v7 =	vand.u32 $0x7F, v7;
	v8 =	vand.u32 $0xFC00, v8  }
0x370: {  	v7 =	vor.u32 v8, v7  }
0x371: {  	p0 =	sne.s32 s25, $0x18000;
	v7 =	vor.u32 v1, v7  }
.Ltmp16:
0x372: {  	_ = 	snop;
	(pc) =	sbr.rel @p0 .LBB2_34-.Ltmp16, $2  }
0x373: {  	_ =	sdelay $0x2  }
0x374: {  	s25 =	sadd.s32 $0x1000, s25;
	[tilespmem:v7+s21+$0x0] =	vst.idx.add.s32.msk $0xffff, v2  }
0x375: {  	_ =	swait.ge [sflag:s19], $0x6400  }
0x376: {  	[sflag:s19] =	ssyncset.done $0x0  }
0x377: {  	s25 =	simm.s32 $0x0;
	[sflag:s19] =	ssyncadd.s32 $0xFFFF9C00  }
0x378: {  	[tilespmem:s20], [sflag:$0x2] =	stream.strided.gather [hbm4b:s8+s17], $0x6400, s18, s17, $0x38;
	[tilespmem:$0x1C800] =	vst v63  }
.LBB2_36:
0x379: {  	s26 =	sshra.s32 s25, $0x2  }
0x37a: {  	v7 =	vld.idx.msk [tilespmem:v5+s26+$0xFFFFFE00 ss:$0x1], $0xffff;
	_ =	sdelay $0x4  }
0x37b: {  	v8 =	vshll.u32 v7, $0x3  }
0x37c: {  	v7 =	vand.u32 $0x7F, v7;
	v8 =	vand.u32 $0xFC00, v8  }
0x37d: {  	v7 =	vor.u32 v8, v7  }
0x37e: {  	v7 =	vor.u32 v1, v7;
	_ =	sdelay $0x4  }
0x37f: {  	[tilespmem:v7+s21+$0x0] =	vst.idx.add.s32.msk $0xffff, v2  }
0x380: {  	v7 =	vld.idx.msk [tilespmem:v5+s26+$0xFFFFFE80 ss:$0x1], $0xffff;
	_ =	sdelay $0x4  }
0x381: {  	v8 =	vshll.u32 v7, $0x3  }
0x382: {  	v7 =	vand.u32 $0x7F, v7;
	v8 =	vand.u32 $0xFC00, v8  }
0x383: {  	v7 =	vor.u32 v8, v7  }
0x384: {  	v7 =	vor.u32 v1, v7;
	_ =	sdelay $0x4  }
0x385: {  	[tilespmem:v7+s21+$0x0] =	vst.idx.add.s32.msk $0xffff, v2  }
0x386: {  	v7 =	vld.idx.msk [tilespmem:v5+s26+$0xFFFFFF00 ss:$0x1], $0xffff;
	_ =	sdelay $0x4  }
0x387: {  	v8 =	vshll.u32 v7, $0x3  }
0x388: {  	v7 =	vand.u32 $0x7F, v7;
	v8 =	vand.u32 $0xFC00, v8  }
0x389: {  	v7 =	vor.u32 v8, v7  }
0x38a: {  	v7 =	vor.u32 v1, v7;
	_ =	sdelay $0x4  }
0x38b: {  	[tilespmem:v7+s21+$0x0] =	vst.idx.add.s32.msk $0xffff, v2  }
0x38c: {  	v7 =	vld.idx.msk [tilespmem:v5+s26+$0xFFFFFF80 ss:$0x1], $0xffff;
	_ =	sdelay $0x4  }
0x38d: {  	v8 =	vshll.u32 v7, $0x3  }
0x38e: {  	v7 =	vand.u32 $0x7F, v7;
	v8 =	vand.u32 $0xFC00, v8  }
0x38f: {  	v7 =	vor.u32 v8, v7  }
0x390: {  	v7 =	vor.u32 v1, v7;
	_ =	sdelay $0x4  }
0x391: {  	[tilespmem:v7+s21+$0x0] =	vst.idx.add.s32.msk $0xffff, v2  }
0x392: {  	v7 =	vld.idx.msk [tilespmem:v5+s26+$0x0 ss:$0x1], $0xffff;
	_ =	sdelay $0x4  }
0x393: {  	v8 =	vshll.u32 v7, $0x3  }
0x394: {  	v7 =	vand.u32 $0x7F, v7;
	v8 =	vand.u32 $0xFC00, v8  }
0x395: {  	v7 =	vor.u32 v8, v7  }
0x396: {  	v7 =	vor.u32 v1, v7;
	_ =	sdelay $0x4  }
0x397: {  	[tilespmem:v7+s21+$0x0] =	vst.idx.add.s32.msk $0xffff, v2  }
0x398: {  	v7 =	vld.idx.msk [tilespmem:v5+s26+$0x80 ss:$0x1], $0xffff;
	_ =	sdelay $0x4  }
0x399: {  	v8 =	vshll.u32 v7, $0x3  }
0x39a: {  	v7 =	vand.u32 $0x7F, v7;
	v8 =	vand.u32 $0xFC00, v8  }
0x39b: {  	v7 =	vor.u32 v8, v7  }
0x39c: {  	v7 =	vor.u32 v1, v7;
	_ =	sdelay $0x4  }
0x39d: {  	[tilespmem:v7+s21+$0x0] =	vst.idx.add.s32.msk $0xffff, v2  }
0x39e: {  	v7 =	vld.idx.msk [tilespmem:v5+s26+$0x100 ss:$0x1], $0xffff;
	_ =	sdelay $0x4  }
0x39f: {  	v8 =	vshll.u32 v7, $0x3  }
0x3a0: {  	v7 =	vand.u32 $0x7F, v7;
	v8 =	vand.u32 $0xFC00, v8  }
0x3a1: {  	v7 =	vor.u32 v8, v7  }
0x3a2: {  	v7 =	vor.u32 v1, v7;
	_ =	sdelay $0x4  }
0x3a3: {  	[tilespmem:v7+s21+$0x0] =	vst.idx.add.s32.msk $0xffff, v2  }
0x3a4: {  	v7 =	vld.idx.msk [tilespmem:v5+s26+$0x180 ss:$0x1], $0xffff;
	_ =	sdelay $0x4  }
0x3a5: {  	v8 =	vshll.u32 v7, $0x3  }
0x3a6: {  	v7 =	vand.u32 $0x7F, v7;
	v8 =	vand.u32 $0xFC00, v8  }
0x3a7: {  	v7 =	vor.u32 v8, v7  }
0x3a8: {  	p0 =	sne.s32 s25, $0x18000;
	v7 =	vor.u32 v1, v7  }
.Ltmp17:
0x3a9: {  	_ = 	snop;
	(pc) =	sbr.rel @p0 .LBB2_36-.Ltmp17, $2  }
0x3aa: {  	_ =	sdelay $0x2  }
0x3ab: {  	s25 =	sadd.s32 $0x1000, s25;
	[tilespmem:v7+s21+$0x0] =	vst.idx.add.s32.msk $0xffff, v2  }
0x3ac: {  	_ =	swait.ge [sflag:s22], $0x6400  }
0x3ad: {  	[sflag:s22] =	ssyncset.done $0x0  }
0x3ae: {  	s25 =	simm.s32 $0x0;
	[sflag:s22] =	ssyncadd.s32 $0xFFFF9C00  }
0x3af: {  	[tilespmem:s25], [sflag:$0x1] =	stream.strided.gather [hbm4b:s9+s17], $0x6400, s18, s17, $0x38;
	[tilespmem:$0x1C800] =	vst v63  }
.LBB2_38:
0x3b0: {  	s26 =	sshra.s32 s25, $0x2  }
0x3b1: {  	v7 =	vld.idx.msk [tilespmem:v6+s26+$0xFFFFFE00 ss:$0x1], $0xffff;
	_ =	sdelay $0x4  }
0x3b2: {  	v8 =	vshll.u32 v7, $0x3  }
0x3b3: {  	v7 =	vand.u32 $0x7F, v7;
	v8 =	vand.u32 $0xFC00, v8  }
0x3b4: {  	v7 =	vor.u32 v8, v7  }
0x3b5: {  	v7 =	vor.u32 v1, v7;
	_ =	sdelay $0x4  }
0x3b6: {  	[tilespmem:v7+s21+$0x0] =	vst.idx.add.s32.msk $0xffff, v2  }
0x3b7: {  	v7 =	vld.idx.msk [tilespmem:v6+s26+$0xFFFFFE80 ss:$0x1], $0xffff;
	_ =	sdelay $0x4  }
0x3b8: {  	v8 =	vshll.u32 v7, $0x3  }
0x3b9: {  	v7 =	vand.u32 $0x7F, v7;
	v8 =	vand.u32 $0xFC00, v8  }
0x3ba: {  	v7 =	vor.u32 v8, v7  }
0x3bb: {  	v7 =	vor.u32 v1, v7;
	_ =	sdelay $0x4  }
0x3bc: {  	[tilespmem:v7+s21+$0x0] =	vst.idx.add.s32.msk $0xffff, v2  }
0x3bd: {  	v7 =	vld.idx.msk [tilespmem:v6+s26+$0xFFFFFF00 ss:$0x1], $0xffff;
	_ =	sdelay $0x4  }
0x3be: {  	v8 =	vshll.u32 v7, $0x3  }
0x3bf: {  	v7 =	vand.u32 $0x7F, v7;
	v8 =	vand.u32 $0xFC00, v8  }
0x3c0: {  	v7 =	vor.u32 v8, v7  }
0x3c1: {  	v7 =	vor.u32 v1, v7;
	_ =	sdelay $0x4  }
0x3c2: {  	[tilespmem:v7+s21+$0x0] =	vst.idx.add.s32.msk $0xffff, v2  }
0x3c3: {  	v7 =	vld.idx.msk [tilespmem:v6+s26+$0xFFFFFF80 ss:$0x1], $0xffff;
	_ =	sdelay $0x4  }
0x3c4: {  	v8 =	vshll.u32 v7, $0x3  }
0x3c5: {  	v7 =	vand.u32 $0x7F, v7;
	v8 =	vand.u32 $0xFC00, v8  }
0x3c6: {  	v7 =	vor.u32 v8, v7  }
0x3c7: {  	v7 =	vor.u32 v1, v7;
	_ =	sdelay $0x4  }
0x3c8: {  	[tilespmem:v7+s21+$0x0] =	vst.idx.add.s32.msk $0xffff, v2  }
0x3c9: {  	v7 =	vld.idx.msk [tilespmem:v6+s26+$0x0 ss:$0x1], $0xffff;
	_ =	sdelay $0x4  }
0x3ca: {  	v8 =	vshll.u32 v7, $0x3  }
0x3cb: {  	v7 =	vand.u32 $0x7F, v7;
	v8 =	vand.u32 $0xFC00, v8  }
0x3cc: {  	v7 =	vor.u32 v8, v7  }
0x3cd: {  	v7 =	vor.u32 v1, v7;
	_ =	sdelay $0x4  }
0x3ce: {  	[tilespmem:v7+s21+$0x0] =	vst.idx.add.s32.msk $0xffff, v2  }
0x3cf: {  	v7 =	vld.idx.msk [tilespmem:v6+s26+$0x80 ss:$0x1], $0xffff;
	_ =	sdelay $0x4  }
0x3d0: {  	v8 =	vshll.u32 v7, $0x3  }
0x3d1: {  	v7 =	vand.u32 $0x7F, v7;
	v8 =	vand.u32 $0xFC00, v8  }
0x3d2: {  	v7 =	vor.u32 v8, v7  }
0x3d3: {  	v7 =	vor.u32 v1, v7;
	_ =	sdelay $0x4  }
0x3d4: {  	[tilespmem:v7+s21+$0x0] =	vst.idx.add.s32.msk $0xffff, v2  }
0x3d5: {  	v7 =	vld.idx.msk [tilespmem:v6+s26+$0x100 ss:$0x1], $0xffff;
	_ =	sdelay $0x4  }
0x3d6: {  	v8 =	vshll.u32 v7, $0x3  }
0x3d7: {  	v7 =	vand.u32 $0x7F, v7;
	v8 =	vand.u32 $0xFC00, v8  }
0x3d8: {  	v7 =	vor.u32 v8, v7  }
0x3d9: {  	v7 =	vor.u32 v1, v7;
	_ =	sdelay $0x4  }
0x3da: {  	[tilespmem:v7+s21+$0x0] =	vst.idx.add.s32.msk $0xffff, v2  }
0x3db: {  	v7 =	vld.idx.msk [tilespmem:v6+s26+$0x180 ss:$0x1], $0xffff;
	_ =	sdelay $0x4  }
0x3dc: {  	v8 =	vshll.u32 v7, $0x3  }
0x3dd: {  	v7 =	vand.u32 $0x7F, v7;
	v8 =	vand.u32 $0xFC00, v8  }
0x3de: {  	v7 =	vor.u32 v8, v7  }
0x3df: {  	p0 =	sne.s32 s25, $0x18000;
	v7 =	vor.u32 v1, v7  }
.Ltmp18:
0x3e0: {  	_ = 	snop;
	(pc) =	sbr.rel @p0 .LBB2_38-.Ltmp18, $2  }
0x3e1: {  	_ =	sdelay $0x2  }
0x3e2: {  	s25 =	sadd.s32 $0x1000, s25;
	[tilespmem:v7+s21+$0x0] =	vst.idx.add.s32.msk $0xffff, v2  }
0x3e3: {  	_ =	swait.ge [sflag:s19], $0x6400  }
0x3e4: {  	[sflag:s19] =	ssyncset.done $0x0  }
0x3e5: {  	s25 =	simm.s32 $0x0;
	[sflag:s19] =	ssyncadd.s32 $0xFFFF9C00  }
0x3e6: {  	[tilespmem:s20], [sflag:$0x2] =	stream.strided.gather [hbm4b:s10+s17], $0x6400, s18, s17, $0x38;
	[tilespmem:$0x1C800] =	vst v63  }
.LBB2_40:
0x3e7: {  	s26 =	sshra.s32 s25, $0x2  }
0x3e8: {  	v7 =	vld.idx.msk [tilespmem:v5+s26+$0xFFFFFE00 ss:$0x1], $0xffff;
	_ =	sdelay $0x4  }
0x3e9: {  	v8 =	vshll.u32 v7, $0x3  }
0x3ea: {  	v7 =	vand.u32 $0x7F, v7;
	v8 =	vand.u32 $0xFC00, v8  }
0x3eb: {  	v7 =	vor.u32 v8, v7  }
0x3ec: {  	v7 =	vor.u32 v1, v7;
	_ =	sdelay $0x4  }
0x3ed: {  	[tilespmem:v7+s21+$0x0] =	vst.idx.add.s32.msk $0xffff, v2  }
0x3ee: {  	v7 =	vld.idx.msk [tilespmem:v5+s26+$0xFFFFFE80 ss:$0x1], $0xffff;
	_ =	sdelay $0x4  }
0x3ef: {  	v8 =	vshll.u32 v7, $0x3  }
0x3f0: {  	v7 =	vand.u32 $0x7F, v7;
	v8 =	vand.u32 $0xFC00, v8  }
0x3f1: {  	v7 =	vor.u32 v8, v7  }
0x3f2: {  	v7 =	vor.u32 v1, v7;
	_ =	sdelay $0x4  }
0x3f3: {  	[tilespmem:v7+s21+$0x0] =	vst.idx.add.s32.msk $0xffff, v2  }
0x3f4: {  	v7 =	vld.idx.msk [tilespmem:v5+s26+$0xFFFFFF00 ss:$0x1], $0xffff;
	_ =	sdelay $0x4  }
0x3f5: {  	v8 =	vshll.u32 v7, $0x3  }
0x3f6: {  	v7 =	vand.u32 $0x7F, v7;
	v8 =	vand.u32 $0xFC00, v8  }
0x3f7: {  	v7 =	vor.u32 v8, v7  }
0x3f8: {  	v7 =	vor.u32 v1, v7;
	_ =	sdelay $0x4  }
0x3f9: {  	[tilespmem:v7+s21+$0x0] =	vst.idx.add.s32.msk $0xffff, v2  }
0x3fa: {  	v7 =	vld.idx.msk [tilespmem:v5+s26+$0xFFFFFF80 ss:$0x1], $0xffff;
	_ =	sdelay $0x4  }
0x3fb: {  	v8 =	vshll.u32 v7, $0x3  }
0x3fc: {  	v7 =	vand.u32 $0x7F, v7;
	v8 =	vand.u32 $0xFC00, v8  }
0x3fd: {  	v7 =	vor.u32 v8, v7  }
0x3fe: {  	v7 =	vor.u32 v1, v7;
	_ =	sdelay $0x4  }
0x3ff: {  	[tilespmem:v7+s21+$0x0] =	vst.idx.add.s32.msk $0xffff, v2  }
0x400: {  	v7 =	vld.idx.msk [tilespmem:v5+s26+$0x0 ss:$0x1], $0xffff;
	_ =	sdelay $0x4  }
0x401: {  	v8 =	vshll.u32 v7, $0x3  }
0x402: {  	v7 =	vand.u32 $0x7F, v7;
	v8 =	vand.u32 $0xFC00, v8  }
0x403: {  	v7 =	vor.u32 v8, v7  }
0x404: {  	v7 =	vor.u32 v1, v7;
	_ =	sdelay $0x4  }
0x405: {  	[tilespmem:v7+s21+$0x0] =	vst.idx.add.s32.msk $0xffff, v2  }
0x406: {  	v7 =	vld.idx.msk [tilespmem:v5+s26+$0x80 ss:$0x1], $0xffff;
	_ =	sdelay $0x4  }
0x407: {  	v8 =	vshll.u32 v7, $0x3  }
0x408: {  	v7 =	vand.u32 $0x7F, v7;
	v8 =	vand.u32 $0xFC00, v8  }
0x409: {  	v7 =	vor.u32 v8, v7  }
0x40a: {  	v7 =	vor.u32 v1, v7;
	_ =	sdelay $0x4  }
0x40b: {  	[tilespmem:v7+s21+$0x0] =	vst.idx.add.s32.msk $0xffff, v2  }
0x40c: {  	v7 =	vld.idx.msk [tilespmem:v5+s26+$0x100 ss:$0x1], $0xffff;
	_ =	sdelay $0x4  }
0x40d: {  	v8 =	vshll.u32 v7, $0x3  }
0x40e: {  	v7 =	vand.u32 $0x7F, v7;
	v8 =	vand.u32 $0xFC00, v8  }
0x40f: {  	v7 =	vor.u32 v8, v7  }
0x410: {  	v7 =	vor.u32 v1, v7;
	_ =	sdelay $0x4  }
0x411: {  	[tilespmem:v7+s21+$0x0] =	vst.idx.add.s32.msk $0xffff, v2  }
0x412: {  	v7 =	vld.idx.msk [tilespmem:v5+s26+$0x180 ss:$0x1], $0xffff;
	_ =	sdelay $0x4  }
0x413: {  	v8 =	vshll.u32 v7, $0x3  }
0x414: {  	v7 =	vand.u32 $0x7F, v7;
	v8 =	vand.u32 $0xFC00, v8  }
0x415: {  	v7 =	vor.u32 v8, v7  }
0x416: {  	p0 =	sne.s32 s25, $0x18000;
	v7 =	vor.u32 v1, v7  }
.Ltmp19:
0x417: {  	_ = 	snop;
	(pc) =	sbr.rel @p0 .LBB2_40-.Ltmp19, $2  }
0x418: {  	_ =	sdelay $0x2  }
0x419: {  	s25 =	sadd.s32 $0x1000, s25;
	[tilespmem:v7+s21+$0x0] =	vst.idx.add.s32.msk $0xffff, v2  }
0x41a: {  	_ =	swait.ge [sflag:s22], $0x6400  }
0x41b: {  	[sflag:s22] =	ssyncset.done $0x0  }
0x41c: {  	s25 =	simm.s32 $0x0;
	[sflag:s22] =	ssyncadd.s32 $0xFFFF9C00  }
0x41d: {  	[tilespmem:s25], [sflag:$0x1] =	stream.strided.gather [hbm4b:s11+s17], $0x6400, s18, s17, $0x38;
	[tilespmem:$0x1C800] =	vst v63  }
.LBB2_42:
0x41e: {  	s26 =	sshra.s32 s25, $0x2  }
0x41f: {  	v7 =	vld.idx.msk [tilespmem:v6+s26+$0xFFFFFE00 ss:$0x1], $0xffff;
	_ =	sdelay $0x4  }
0x420: {  	v8 =	vshll.u32 v7, $0x3  }
0x421: {  	v7 =	vand.u32 $0x7F, v7;
	v8 =	vand.u32 $0xFC00, v8  }
0x422: {  	v7 =	vor.u32 v8, v7  }
0x423: {  	v7 =	vor.u32 v1, v7;
	_ =	sdelay $0x4  }
0x424: {  	[tilespmem:v7+s21+$0x0] =	vst.idx.add.s32.msk $0xffff, v2  }
0x425: {  	v7 =	vld.idx.msk [tilespmem:v6+s26+$0xFFFFFE80 ss:$0x1], $0xffff;
	_ =	sdelay $0x4  }
0x426: {  	v8 =	vshll.u32 v7, $0x3  }
0x427: {  	v7 =	vand.u32 $0x7F, v7;
	v8 =	vand.u32 $0xFC00, v8  }
0x428: {  	v7 =	vor.u32 v8, v7  }
0x429: {  	v7 =	vor.u32 v1, v7;
	_ =	sdelay $0x4  }
0x42a: {  	[tilespmem:v7+s21+$0x0] =	vst.idx.add.s32.msk $0xffff, v2  }
0x42b: {  	v7 =	vld.idx.msk [tilespmem:v6+s26+$0xFFFFFF00 ss:$0x1], $0xffff;
	_ =	sdelay $0x4  }
0x42c: {  	v8 =	vshll.u32 v7, $0x3  }
0x42d: {  	v7 =	vand.u32 $0x7F, v7;
	v8 =	vand.u32 $0xFC00, v8  }
0x42e: {  	v7 =	vor.u32 v8, v7  }
0x42f: {  	v7 =	vor.u32 v1, v7;
	_ =	sdelay $0x4  }
0x430: {  	[tilespmem:v7+s21+$0x0] =	vst.idx.add.s32.msk $0xffff, v2  }
0x431: {  	v7 =	vld.idx.msk [tilespmem:v6+s26+$0xFFFFFF80 ss:$0x1], $0xffff;
	_ =	sdelay $0x4  }
0x432: {  	v8 =	vshll.u32 v7, $0x3  }
0x433: {  	v7 =	vand.u32 $0x7F, v7;
	v8 =	vand.u32 $0xFC00, v8  }
0x434: {  	v7 =	vor.u32 v8, v7  }
0x435: {  	v7 =	vor.u32 v1, v7;
	_ =	sdelay $0x4  }
0x436: {  	[tilespmem:v7+s21+$0x0] =	vst.idx.add.s32.msk $0xffff, v2  }
0x437: {  	v7 =	vld.idx.msk [tilespmem:v6+s26+$0x0 ss:$0x1], $0xffff;
	_ =	sdelay $0x4  }
0x438: {  	v8 =	vshll.u32 v7, $0x3  }
0x439: {  	v7 =	vand.u32 $0x7F, v7;
	v8 =	vand.u32 $0xFC00, v8  }
0x43a: {  	v7 =	vor.u32 v8, v7  }
0x43b: {  	v7 =	vor.u32 v1, v7;
	_ =	sdelay $0x4  }
0x43c: {  	[tilespmem:v7+s21+$0x0] =	vst.idx.add.s32.msk $0xffff, v2  }
0x43d: {  	v7 =	vld.idx.msk [tilespmem:v6+s26+$0x80 ss:$0x1], $0xffff;
	_ =	sdelay $0x4  }
0x43e: {  	v8 =	vshll.u32 v7, $0x3  }
0x43f: {  	v7 =	vand.u32 $0x7F, v7;
	v8 =	vand.u32 $0xFC00, v8  }
0x440: {  	v7 =	vor.u32 v8, v7  }
0x441: {  	v7 =	vor.u32 v1, v7;
	_ =	sdelay $0x4  }
0x442: {  	[tilespmem:v7+s21+$0x0] =	vst.idx.add.s32.msk $0xffff, v2  }
0x443: {  	v7 =	vld.idx.msk [tilespmem:v6+s26+$0x100 ss:$0x1], $0xffff;
	_ =	sdelay $0x4  }
0x444: {  	v8 =	vshll.u32 v7, $0x3  }
0x445: {  	v7 =	vand.u32 $0x7F, v7;
	v8 =	vand.u32 $0xFC00, v8  }
0x446: {  	v7 =	vor.u32 v8, v7  }
0x447: {  	v7 =	vor.u32 v1, v7;
	_ =	sdelay $0x4  }
0x448: {  	[tilespmem:v7+s21+$0x0] =	vst.idx.add.s32.msk $0xffff, v2  }
0x449: {  	v7 =	vld.idx.msk [tilespmem:v6+s26+$0x180 ss:$0x1], $0xffff;
	_ =	sdelay $0x4  }
0x44a: {  	v8 =	vshll.u32 v7, $0x3  }
0x44b: {  	v7 =	vand.u32 $0x7F, v7;
	v8 =	vand.u32 $0xFC00, v8  }
0x44c: {  	v7 =	vor.u32 v8, v7  }
0x44d: {  	p0 =	sne.s32 s25, $0x18000;
	v7 =	vor.u32 v1, v7  }
.Ltmp20:
0x44e: {  	_ = 	snop;
	(pc) =	sbr.rel @p0 .LBB2_42-.Ltmp20, $2  }
0x44f: {  	_ =	sdelay $0x2  }
0x450: {  	s25 =	sadd.s32 $0x1000, s25;
	[tilespmem:v7+s21+$0x0] =	vst.idx.add.s32.msk $0xffff, v2  }
0x451: {  	_ =	swait.ge [sflag:s19], $0x6400  }
0x452: {  	[sflag:s19] =	ssyncset.done $0x0  }
0x453: {  	s25 =	simm.s32 $0x0;
	[sflag:s19] =	ssyncadd.s32 $0xFFFF9C00  }
0x454: {  	[tilespmem:s20], [sflag:$0x2] =	stream.strided.gather [hbm4b:s12+s17], $0x6400, s18, s17, $0x38;
	[tilespmem:$0x1C800] =	vst v63  }
.LBB2_44:
0x455: {  	s26 =	sshra.s32 s25, $0x2  }
0x456: {  	v7 =	vld.idx.msk [tilespmem:v5+s26+$0xFFFFFE00 ss:$0x1], $0xffff;
	_ =	sdelay $0x4  }
0x457: {  	v8 =	vshll.u32 v7, $0x3  }
0x458: {  	v7 =	vand.u32 $0x7F, v7;
	v8 =	vand.u32 $0xFC00, v8  }
0x459: {  	v7 =	vor.u32 v8, v7  }
0x45a: {  	v7 =	vor.u32 v1, v7;
	_ =	sdelay $0x4  }
0x45b: {  	[tilespmem:v7+s21+$0x0] =	vst.idx.add.s32.msk $0xffff, v2  }
0x45c: {  	v7 =	vld.idx.msk [tilespmem:v5+s26+$0xFFFFFE80 ss:$0x1], $0xffff;
	_ =	sdelay $0x4  }
0x45d: {  	v8 =	vshll.u32 v7, $0x3  }
0x45e: {  	v7 =	vand.u32 $0x7F, v7;
	v8 =	vand.u32 $0xFC00, v8  }
0x45f: {  	v7 =	vor.u32 v8, v7  }
0x460: {  	v7 =	vor.u32 v1, v7;
	_ =	sdelay $0x4  }
0x461: {  	[tilespmem:v7+s21+$0x0] =	vst.idx.add.s32.msk $0xffff, v2  }
0x462: {  	v7 =	vld.idx.msk [tilespmem:v5+s26+$0xFFFFFF00 ss:$0x1], $0xffff;
	_ =	sdelay $0x4  }
0x463: {  	v8 =	vshll.u32 v7, $0x3  }
0x464: {  	v7 =	vand.u32 $0x7F, v7;
	v8 =	vand.u32 $0xFC00, v8  }
0x465: {  	v7 =	vor.u32 v8, v7  }
0x466: {  	v7 =	vor.u32 v1, v7;
	_ =	sdelay $0x4  }
0x467: {  	[tilespmem:v7+s21+$0x0] =	vst.idx.add.s32.msk $0xffff, v2  }
0x468: {  	v7 =	vld.idx.msk [tilespmem:v5+s26+$0xFFFFFF80 ss:$0x1], $0xffff;
	_ =	sdelay $0x4  }
0x469: {  	v8 =	vshll.u32 v7, $0x3  }
0x46a: {  	v7 =	vand.u32 $0x7F, v7;
	v8 =	vand.u32 $0xFC00, v8  }
0x46b: {  	v7 =	vor.u32 v8, v7  }
0x46c: {  	v7 =	vor.u32 v1, v7;
	_ =	sdelay $0x4  }
0x46d: {  	[tilespmem:v7+s21+$0x0] =	vst.idx.add.s32.msk $0xffff, v2  }
0x46e: {  	v7 =	vld.idx.msk [tilespmem:v5+s26+$0x0 ss:$0x1], $0xffff;
	_ =	sdelay $0x4  }
0x46f: {  	v8 =	vshll.u32 v7, $0x3  }
0x470: {  	v7 =	vand.u32 $0x7F, v7;
	v8 =	vand.u32 $0xFC00, v8  }
0x471: {  	v7 =	vor.u32 v8, v7  }
0x472: {  	v7 =	vor.u32 v1, v7;
	_ =	sdelay $0x4  }
0x473: {  	[tilespmem:v7+s21+$0x0] =	vst.idx.add.s32.msk $0xffff, v2  }
0x474: {  	v7 =	vld.idx.msk [tilespmem:v5+s26+$0x80 ss:$0x1], $0xffff;
	_ =	sdelay $0x4  }
0x475: {  	v8 =	vshll.u32 v7, $0x3  }
0x476: {  	v7 =	vand.u32 $0x7F, v7;
	v8 =	vand.u32 $0xFC00, v8  }
0x477: {  	v7 =	vor.u32 v8, v7  }
0x478: {  	v7 =	vor.u32 v1, v7;
	_ =	sdelay $0x4  }
0x479: {  	[tilespmem:v7+s21+$0x0] =	vst.idx.add.s32.msk $0xffff, v2  }
0x47a: {  	v7 =	vld.idx.msk [tilespmem:v5+s26+$0x100 ss:$0x1], $0xffff;
	_ =	sdelay $0x4  }
0x47b: {  	v8 =	vshll.u32 v7, $0x3  }
0x47c: {  	v7 =	vand.u32 $0x7F, v7;
	v8 =	vand.u32 $0xFC00, v8  }
0x47d: {  	v7 =	vor.u32 v8, v7  }
0x47e: {  	v7 =	vor.u32 v1, v7;
	_ =	sdelay $0x4  }
0x47f: {  	[tilespmem:v7+s21+$0x0] =	vst.idx.add.s32.msk $0xffff, v2  }
0x480: {  	v7 =	vld.idx.msk [tilespmem:v5+s26+$0x180 ss:$0x1], $0xffff;
	_ =	sdelay $0x4  }
0x481: {  	v8 =	vshll.u32 v7, $0x3  }
0x482: {  	v7 =	vand.u32 $0x7F, v7;
	v8 =	vand.u32 $0xFC00, v8  }
0x483: {  	v7 =	vor.u32 v8, v7  }
0x484: {  	p0 =	sne.s32 s25, $0x18000;
	v7 =	vor.u32 v1, v7  }
.Ltmp21:
0x485: {  	_ = 	snop;
	(pc) =	sbr.rel @p0 .LBB2_44-.Ltmp21, $2  }
0x486: {  	_ =	sdelay $0x2  }
0x487: {  	s25 =	sadd.s32 $0x1000, s25;
	[tilespmem:v7+s21+$0x0] =	vst.idx.add.s32.msk $0xffff, v2  }
0x488: {  	_ =	swait.ge [sflag:s22], $0x6400  }
0x489: {  	[sflag:s22] =	ssyncset.done $0x0  }
0x48a: {  	s25 =	simm.s32 $0x0;
	[sflag:s22] =	ssyncadd.s32 $0xFFFF9C00  }
0x48b: {  	[tilespmem:s25], [sflag:$0x1] =	stream.strided.gather [hbm4b:s13+s17], $0x6400, s18, s17, $0x38;
	[tilespmem:$0x1C800] =	vst v63  }
.LBB2_46:
0x48c: {  	s26 =	sshra.s32 s25, $0x2  }
0x48d: {  	v7 =	vld.idx.msk [tilespmem:v6+s26+$0xFFFFFE00 ss:$0x1], $0xffff;
	_ =	sdelay $0x4  }
0x48e: {  	v8 =	vshll.u32 v7, $0x3  }
0x48f: {  	v7 =	vand.u32 $0x7F, v7;
	v8 =	vand.u32 $0xFC00, v8  }
0x490: {  	v7 =	vor.u32 v8, v7  }
0x491: {  	v7 =	vor.u32 v1, v7;
	_ =	sdelay $0x4  }
0x492: {  	[tilespmem:v7+s21+$0x0] =	vst.idx.add.s32.msk $0xffff, v2  }
0x493: {  	v7 =	vld.idx.msk [tilespmem:v6+s26+$0xFFFFFE80 ss:$0x1], $0xffff;
	_ =	sdelay $0x4  }
0x494: {  	v8 =	vshll.u32 v7, $0x3  }
0x495: {  	v7 =	vand.u32 $0x7F, v7;
	v8 =	vand.u32 $0xFC00, v8  }
0x496: {  	v7 =	vor.u32 v8, v7  }
0x497: {  	v7 =	vor.u32 v1, v7;
	_ =	sdelay $0x4  }
0x498: {  	[tilespmem:v7+s21+$0x0] =	vst.idx.add.s32.msk $0xffff, v2  }
0x499: {  	v7 =	vld.idx.msk [tilespmem:v6+s26+$0xFFFFFF00 ss:$0x1], $0xffff;
	_ =	sdelay $0x4  }
0x49a: {  	v8 =	vshll.u32 v7, $0x3  }
0x49b: {  	v7 =	vand.u32 $0x7F, v7;
	v8 =	vand.u32 $0xFC00, v8  }
0x49c: {  	v7 =	vor.u32 v8, v7  }
0x49d: {  	v7 =	vor.u32 v1, v7;
	_ =	sdelay $0x4  }
0x49e: {  	[tilespmem:v7+s21+$0x0] =	vst.idx.add.s32.msk $0xffff, v2  }
0x49f: {  	v7 =	vld.idx.msk [tilespmem:v6+s26+$0xFFFFFF80 ss:$0x1], $0xffff;
	_ =	sdelay $0x4  }
0x4a0: {  	v8 =	vshll.u32 v7, $0x3  }
0x4a1: {  	v7 =	vand.u32 $0x7F, v7;
	v8 =	vand.u32 $0xFC00, v8  }
0x4a2: {  	v7 =	vor.u32 v8, v7  }
0x4a3: {  	v7 =	vor.u32 v1, v7;
	_ =	sdelay $0x4  }
0x4a4: {  	[tilespmem:v7+s21+$0x0] =	vst.idx.add.s32.msk $0xffff, v2  }
0x4a5: {  	v7 =	vld.idx.msk [tilespmem:v6+s26+$0x0 ss:$0x1], $0xffff;
	_ =	sdelay $0x4  }
0x4a6: {  	v8 =	vshll.u32 v7, $0x3  }
0x4a7: {  	v7 =	vand.u32 $0x7F, v7;
	v8 =	vand.u32 $0xFC00, v8  }
0x4a8: {  	v7 =	vor.u32 v8, v7  }
0x4a9: {  	v7 =	vor.u32 v1, v7;
	_ =	sdelay $0x4  }
0x4aa: {  	[tilespmem:v7+s21+$0x0] =	vst.idx.add.s32.msk $0xffff, v2  }
0x4ab: {  	v7 =	vld.idx.msk [tilespmem:v6+s26+$0x80 ss:$0x1], $0xffff;
	_ =	sdelay $0x4  }
0x4ac: {  	v8 =	vshll.u32 v7, $0x3  }
0x4ad: {  	v7 =	vand.u32 $0x7F, v7;
	v8 =	vand.u32 $0xFC00, v8  }
0x4ae: {  	v7 =	vor.u32 v8, v7  }
0x4af: {  	v7 =	vor.u32 v1, v7;
	_ =	sdelay $0x4  }
0x4b0: {  	[tilespmem:v7+s21+$0x0] =	vst.idx.add.s32.msk $0xffff, v2  }
0x4b1: {  	v7 =	vld.idx.msk [tilespmem:v6+s26+$0x100 ss:$0x1], $0xffff;
	_ =	sdelay $0x4  }
0x4b2: {  	v8 =	vshll.u32 v7, $0x3  }
0x4b3: {  	v7 =	vand.u32 $0x7F, v7;
	v8 =	vand.u32 $0xFC00, v8  }
0x4b4: {  	v7 =	vor.u32 v8, v7  }
0x4b5: {  	v7 =	vor.u32 v1, v7;
	_ =	sdelay $0x4  }
0x4b6: {  	[tilespmem:v7+s21+$0x0] =	vst.idx.add.s32.msk $0xffff, v2  }
0x4b7: {  	v7 =	vld.idx.msk [tilespmem:v6+s26+$0x180 ss:$0x1], $0xffff;
	_ =	sdelay $0x4  }
0x4b8: {  	v8 =	vshll.u32 v7, $0x3  }
0x4b9: {  	v7 =	vand.u32 $0x7F, v7;
	v8 =	vand.u32 $0xFC00, v8  }
0x4ba: {  	v7 =	vor.u32 v8, v7  }
0x4bb: {  	p0 =	sne.s32 s25, $0x18000;
	v7 =	vor.u32 v1, v7  }
.Ltmp22:
0x4bc: {  	_ = 	snop;
	(pc) =	sbr.rel @p0 .LBB2_46-.Ltmp22, $2  }
0x4bd: {  	_ =	sdelay $0x2  }
0x4be: {  	s25 =	sadd.s32 $0x1000, s25;
	[tilespmem:v7+s21+$0x0] =	vst.idx.add.s32.msk $0xffff, v2  }
0x4bf: {  	_ =	swait.ge [sflag:s19], $0x6400  }
0x4c0: {  	[sflag:s19] =	ssyncset.done $0x0  }
0x4c1: {  	s25 =	simm.s32 $0x0;
	[sflag:s19] =	ssyncadd.s32 $0xFFFF9C00  }
.LBB2_48:
0x4c2: {  	s26 =	sshra.s32 s25, $0x2  }
0x4c3: {  	v7 =	vld.idx.msk [tilespmem:v5+s26+$0xFFFFFE00 ss:$0x1], $0xffff;
	_ =	sdelay $0x4  }
0x4c4: {  	v8 =	vshll.u32 v7, $0x3  }
0x4c5: {  	v7 =	vand.u32 $0x7F, v7;
	v8 =	vand.u32 $0xFC00, v8  }
0x4c6: {  	v7 =	vor.u32 v8, v7  }
0x4c7: {  	v7 =	vor.u32 v1, v7;
	_ =	sdelay $0x4  }
0x4c8: {  	[tilespmem:v7+s21+$0x0] =	vst.idx.add.s32.msk $0xffff, v2  }
0x4c9: {  	v7 =	vld.idx.msk [tilespmem:v5+s26+$0xFFFFFE80 ss:$0x1], $0xffff;
	_ =	sdelay $0x4  }
0x4ca: {  	v8 =	vshll.u32 v7, $0x3  }
0x4cb: {  	v7 =	vand.u32 $0x7F, v7;
	v8 =	vand.u32 $0xFC00, v8  }
0x4cc: {  	v7 =	vor.u32 v8, v7  }
0x4cd: {  	v7 =	vor.u32 v1, v7;
	_ =	sdelay $0x4  }
0x4ce: {  	[tilespmem:v7+s21+$0x0] =	vst.idx.add.s32.msk $0xffff, v2  }
0x4cf: {  	v7 =	vld.idx.msk [tilespmem:v5+s26+$0xFFFFFF00 ss:$0x1], $0xffff;
	_ =	sdelay $0x4  }
0x4d0: {  	v8 =	vshll.u32 v7, $0x3  }
0x4d1: {  	v7 =	vand.u32 $0x7F, v7;
	v8 =	vand.u32 $0xFC00, v8  }
0x4d2: {  	v7 =	vor.u32 v8, v7  }
0x4d3: {  	v7 =	vor.u32 v1, v7;
	_ =	sdelay $0x4  }
0x4d4: {  	[tilespmem:v7+s21+$0x0] =	vst.idx.add.s32.msk $0xffff, v2  }
0x4d5: {  	v7 =	vld.idx.msk [tilespmem:v5+s26+$0xFFFFFF80 ss:$0x1], $0xffff;
	_ =	sdelay $0x4  }
0x4d6: {  	v8 =	vshll.u32 v7, $0x3  }
0x4d7: {  	v7 =	vand.u32 $0x7F, v7;
	v8 =	vand.u32 $0xFC00, v8  }
0x4d8: {  	v7 =	vor.u32 v8, v7  }
0x4d9: {  	v7 =	vor.u32 v1, v7;
	_ =	sdelay $0x4  }
0x4da: {  	[tilespmem:v7+s21+$0x0] =	vst.idx.add.s32.msk $0xffff, v2  }
0x4db: {  	v7 =	vld.idx.msk [tilespmem:v5+s26+$0x0 ss:$0x1], $0xffff;
	_ =	sdelay $0x4  }
0x4dc: {  	v8 =	vshll.u32 v7, $0x3  }
0x4dd: {  	v7 =	vand.u32 $0x7F, v7;
	v8 =	vand.u32 $0xFC00, v8  }
0x4de: {  	v7 =	vor.u32 v8, v7  }
0x4df: {  	v7 =	vor.u32 v1, v7;
	_ =	sdelay $0x4  }
0x4e0: {  	[tilespmem:v7+s21+$0x0] =	vst.idx.add.s32.msk $0xffff, v2  }
0x4e1: {  	v7 =	vld.idx.msk [tilespmem:v5+s26+$0x80 ss:$0x1], $0xffff;
	_ =	sdelay $0x4  }
0x4e2: {  	v8 =	vshll.u32 v7, $0x3  }
0x4e3: {  	v7 =	vand.u32 $0x7F, v7;
	v8 =	vand.u32 $0xFC00, v8  }
0x4e4: {  	v7 =	vor.u32 v8, v7  }
0x4e5: {  	v7 =	vor.u32 v1, v7;
	_ =	sdelay $0x4  }
0x4e6: {  	[tilespmem:v7+s21+$0x0] =	vst.idx.add.s32.msk $0xffff, v2  }
0x4e7: {  	v7 =	vld.idx.msk [tilespmem:v5+s26+$0x100 ss:$0x1], $0xffff;
	_ =	sdelay $0x4  }
0x4e8: {  	v8 =	vshll.u32 v7, $0x3  }
0x4e9: {  	v7 =	vand.u32 $0x7F, v7;
	v8 =	vand.u32 $0xFC00, v8  }
0x4ea: {  	v7 =	vor.u32 v8, v7  }
0x4eb: {  	v7 =	vor.u32 v1, v7;
	_ =	sdelay $0x4  }
0x4ec: {  	[tilespmem:v7+s21+$0x0] =	vst.idx.add.s32.msk $0xffff, v2  }
0x4ed: {  	v7 =	vld.idx.msk [tilespmem:v5+s26+$0x180 ss:$0x1], $0xffff;
	_ =	sdelay $0x4  }
0x4ee: {  	v8 =	vshll.u32 v7, $0x3  }
0x4ef: {  	v7 =	vand.u32 $0x7F, v7;
	v8 =	vand.u32 $0xFC00, v8  }
0x4f0: {  	v7 =	vor.u32 v8, v7  }
0x4f1: {  	p0 =	sne.s32 s25, $0x18000;
	v7 =	vor.u32 v1, v7  }
.Ltmp23:
0x4f2: {  	_ = 	snop;
	(pc) =	sbr.rel @p0 .LBB2_48-.Ltmp23, $2  }
0x4f3: {  	_ =	sdelay $0x2  }
0x4f4: {  	s25 =	sadd.s32 $0x1000, s25;
	[tilespmem:v7+s21+$0x0] =	vst.idx.add.s32.msk $0xffff, v2  }
0x4f5: {  	s24 =	sadd.s32 $0x1, s24  }
0x4f6: {  	p0 =	sne.s32 s24, s16  }
.Ltmp24:
0x4f7: {  	_ = 	snop;
	(pc) =	sbr.rel @p0 .LBB2_1-.Ltmp24, $4  }
0x4f8: {  	[hbm4b:s15+s2] =	stream.linear.scatter [tilespmem:s21], [sflag:$0x3], $0x10000, $0x38;
	[tilespmem:$0x1C800] =	vst v63  }
0x4f9: {  	_ =	swait.ge [sflag:s23], $0x10000  }
0x4fa: {  	[sflag:s23] =	ssyncset.done $0x0  }
0x4fb: {  	[sflag:s23] =	ssyncadd.s32 $0xFFFF0000  }
0x4fc: {  	_ =	sfence.sel $0x180000  }
0x4fd: {  	[bflag:$0x0] =	sbarrier.arrive $0xFFFF  }
0x4fe: {  	p0 =	sne.s32 s1, $0x0;
	_ =	strace $0x90000047  }
0x4ff: {  	s0 =	sadd.s32 @!p0 $0x100000, s0;
	[bflag:$0x2] =	sbarrier.arrive $0xFFFF  }
0x500: {  	[sflag:s0] =	ssyncadd.tile.s32 @!p0 $0x1;
	_ =	shalt  }
.Lfunc_end2:
_tile_overlayer_lowered:
.L_overlay_start_2:
0x501: {  	(tag) =	ssettag $0x2  }
0x502: {  	s0 =	rddreg [dreg:$0x0];
	s2 =	stileid.u32  }
0x503: {  	s1 =	rddreg [dreg:$0x1];
	p0 =	sne.s32 s2, $0x0  }
0x504: {  	s3 =	rddreg [dreg:$0x2];
	[bflag:$0x3] =	sbarrier.arrive $0xFFFF;
	s2 =	simm.s32 @!p0 $0x1C03  }
0x505: {  	[timem:s3], [sflag:s2] =	dma.local @!p0 [hbm:s0], s1  }
0x506: {  	s0 =	simm.s32 @!p0 $0x3  }
0x507: {  	_ =	swait.ge @!p0 [sflag:s0], s1  }
0x508: {  	s1 =	ssub.s32 @!p0 $0x0, s1;
	[sflag:s0] =	ssyncset.done @!p0 $0x0  }
0x509: {  	[sflag:s0] =	ssyncadd.s32 @!p0 s1  }
0x50a: {  	[bflag:$0x3] =	sbarrier.arrive $0xFFFF  }
0x50b: {  	_ =	shalt  }

</sc_bundles>
